<compile_context>
chip_gen: v7x
topology: tpu7x:2x2x1
jax: 0.10.2.dev20260603
libtpu: 0.0.44.dev20260713+nightly
codegen_flags: <defaults>
</compile_context>

<pallas_src>
import functools

import jax
import jax.numpy as jnp
import numpy as np
from jax import lax
from jax.experimental import pallas as pl
from jax.experimental.pallas import tpu as pltpu
from jax.experimental.pallas import tpu_sc as plsc

V = 1_000_000
D = 64
B = 4096 * 200
NC, NS, L = 2, 16, 16
NW = NC * NS
BW = B // NW
K = 512
NP = BW // (2 * K)
KI = K // 128

_XOR8 = int(np.int32(np.uint32(0x88888888).view(np.int32)))


def _sc_body(x_hbm, w_hbm, sp_hbm, out_hbm,
             ixc_v, ixn_v, ix16_v, ix2_v,
             wA_v, wB_v, sA_v, sB_v, oA_v, oB_v,
             semA, semB, semOA, semOB):
    wid = lax.axis_index("s") * NC + lax.axis_index("c")
    base = wid * BW

    lane = lax.iota(jnp.int32, L)
    k7 = lane & 7
    shl = 28 - ((k7 >> 1) << 2) - ((k7 & 1) << 4)
    wsel = lane >> 3
    widx = [wsel + 2 * v for v in range(4)]

    def dgather(vec, idx):
        dnums = lax.GatherDimensionNumbers(
            offset_dims=(), collapsed_slice_dims=(0,), start_index_map=(0,))
        return lax.gather(vec, idx[:, None], dnums, slice_sizes=(1,),
                          mode=lax.GatherScatterMode.PROMISE_IN_BOUNDS)

    def stage_pair(p):
        off = pl.multiple_of(jnp.minimum(base + p * 2 * K, B - 2 * K), 8)
        pltpu.sync_copy(x_hbm.at[pl.ds(off, 2 * K)], ixn_v)

        def ib(i, _):
            iv = ixn_v[pl.ds(i * L, L)]
            ix2_v[pl.ds(i * L, L)] = iv >> 1
            ix16_v[pl.ds(i * L, L)] = iv >> 4
            return 0
        lax.fori_loop(0, 2 * K // L, ib, 0)

    def _w_copies(c_half, w_v, sem):
        return [(w_hbm.at[ix2_v.at[pl.ds(c_half * K + j * 128, 128)]],
                 w_v.at[pl.ds(j * 128, 128)], sem) for j in range(KI)]

    def _s_copies(c_half, s_v, sem):
        return [(sp_hbm.at[ix16_v.at[pl.ds(c_half * K + j * 128, 128)]],
                 s_v.at[pl.ds(j * 128, 128)], sem) for j in range(KI)]

    def fire_gathers(c_half, w_v, s_v, sem):
        for src, dst, sm in _w_copies(c_half, w_v, sem) + \
                _s_copies(c_half, s_v, sem):
            pltpu.async_copy(src, dst, sm)

    def wait_gathers(c_half, w_v, s_v, sem):
        for src, dst, sm in _w_copies(c_half, w_v, sem) + \
                _s_copies(c_half, s_v, sem):
            pltpu.make_async_copy(src, dst, sm).wait()

    def out_slice(c):
        return out_hbm.at[pl.ds(pl.multiple_of((base + c * K) * D, 8), K * D)]

    def compute(c_half, w_v, s_v, o_v):
        def blk(t, _):
            iv = ixc_v[pl.ds(c_half * K + t * L, L)]
            mv = iv & 15
            p8 = (iv & 1) << 3
            for i in range(L):
                r = t * L + i
                w16 = w_v[r] ^ jnp.int32(_XOR8)
                sc = dgather(s_v[r], jnp.full((L,), mv[i], jnp.int32))
                pb = p8[i]
                for v in range(4):
                    q = lax.shift_right_arithmetic(
                        lax.shift_left(dgather(w16, widx[v] + pb), shl), 28)
                    o_v[pl.ds(r * D + v * L, L)] = q.astype(jnp.float32) * sc
            return 0
        lax.fori_loop(0, K // L, blk, 0)

    stage_pair(0)
    fire_gathers(0, wA_v, sA_v, semA)
    fire_gathers(1, wB_v, sB_v, semB)
    pltpu.async_copy(oA_v, out_slice(0), semOA)
    pltpu.async_copy(oB_v, out_slice(1), semOB)

    def body(t, _):
        a = 2 * t
        wait_gathers(0, wA_v, sA_v, semA)
        wait_gathers(1, wB_v, sB_v, semB)

        def cpb(i, _):
            ixc_v[pl.ds(i * L, L)] = ixn_v[pl.ds(i * L, L)]
            return 0
        lax.fori_loop(0, 2 * K // L, cpb, 0)
        stage_pair(t + 1)

        pltpu.make_async_copy(oA_v, out_slice(a), semOA).wait()
        compute(0, wA_v, sA_v, oA_v)
        pltpu.async_copy(oA_v, out_slice(a), semOA)
        fire_gathers(0, wA_v, sA_v, semA)

        pltpu.make_async_copy(oB_v, out_slice(a), semOB).wait()
        compute(1, wB_v, sB_v, oB_v)
        pltpu.async_copy(oB_v, out_slice(a + 1), semOB)
        fire_gathers(1, wB_v, sB_v, semB)
        return 0

    lax.fori_loop(0, NP, body, 0)

    wait_gathers(0, wA_v, sA_v, semA)
    wait_gathers(1, wB_v, sB_v, semB)
    pltpu.make_async_copy(oA_v, out_slice(0), semOA).wait()
    pltpu.make_async_copy(oB_v, out_slice(0), semOB).wait()


@jax.jit
def _lookup(xf, wp, sp):
    mesh = plsc.VectorSubcoreMesh(core_axis_name="c", subcore_axis_name="s")
    run = functools.partial(
        pl.kernel,
        mesh=mesh,
        compiler_params=pltpu.CompilerParams(use_tc_tiling_on_sc=False),
        out_type=jax.ShapeDtypeStruct((B * D,), jnp.float32),
        scratch_types=[
            pltpu.VMEM((2 * K,), jnp.int32),
            pltpu.VMEM((2 * K,), jnp.int32),
            pltpu.VMEM((2 * K,), jnp.int32),
            pltpu.VMEM((2 * K,), jnp.int32),
            pltpu.VMEM((K, L), jnp.int32),
            pltpu.VMEM((K, L), jnp.int32),
            pltpu.VMEM((K, L), jnp.float32),
            pltpu.VMEM((K, L), jnp.float32),
            pltpu.VMEM((K * D,), jnp.float32),
            pltpu.VMEM((K * D,), jnp.float32),
            pltpu.SemaphoreType.DMA,
            pltpu.SemaphoreType.DMA,
            pltpu.SemaphoreType.DMA,
            pltpu.SemaphoreType.DMA,
        ],
    )(_sc_body)
    return run(xf, wp, sp)


def kernel(x, weight, scales):
    xf = x.reshape(B)
    wp = weight.reshape(V // 2, 2 * 8)
    sp = scales.astype(jnp.float32).reshape(V // L, L)
    out = _lookup(xf, wp, sp)
    return out.reshape(4096, 200, 64)

# --- scband reference (transcript-rebuilt; emitter-appended) ---
"""Pipeline reference for scband-w4-o16-embedding-40243843564270 (READ-ONLY COPY).

The authoritative reference and input builder live on the scoring server;
editing this copy changes nothing except your own understanding.
"""

import jax, jax.numpy as jnp
import numpy as np

V = 1000000
D = 64
PACK = 8  # 32 bits / 4 bits
ZERO_POINT = 8
# interleave used at pack time was [0,2,4,6,1,3,5,7]; its inverse for unpacking:
INV_INTERLEAVE = jnp.array([0, 4, 1, 5, 2, 6, 3, 7], dtype=jnp.int32)


def setup_inputs(seed: int = 0) -> dict:
    key = jax.random.key(seed)
    k1, k2, k3 = jax.random.split(key, 3)
    x = jax.random.randint(k1, (4096, 200), 0, V, dtype=jnp.int32)
    # packed 4-bit weights: random int32 words, 8 nibbles per word, D//PACK words per row
    weight = jax.random.randint(k2, (V, D // PACK), jnp.iinfo(jnp.int32).min, jnp.iinfo(jnp.int32).max, dtype=jnp.int32)
    scales = (jax.random.uniform(k3, (V,), dtype=jnp.float32) * 0.05 + 0.001).astype(jnp.float16)
    return {"x": x, "weight": weight, "scales": scales}


def _dequant(packed, scales_f32):
    # packed: [..., n_words] int32 ; scales_f32: [...] float32
    shifts = (jnp.arange(PACK, dtype=jnp.int32) * 4)
    nib = (packed[..., None] >> shifts) & 15          # [..., n_words, 8] nibble i of word j = interleaved elem 8j+i
    q = jnp.take(nib, INV_INTERLEAVE, axis=-1)        # undo the interleave within each group of 8
    q = q.reshape(q.shape[:-2] + (q.shape[-2] * PACK,))  # [..., D]
    return (q.astype(jnp.float32) - float(ZERO_POINT)) * scales_f32[..., None]


def reference(x, weight, scales):
    # w4a16_embedding_lookup: gather packed rows + per-row scale, dequantize
    pw = jnp.take(weight, x, axis=0)                  # [B, L, D//PACK] int32
    ps = jnp.take(scales.astype(jnp.float32), x, axis=0)  # [B, L] float32
    out = _dequant(pw, ps)                            # [B, L, D] float32
    return out

if __name__ == "__main__":
    import jax
    _d = setup_inputs()
    print(jax.jit(kernel)(*tuple(_d.values())))

</pallas_src>

<mosaic_0001>
#map = affine_map<(d0, d1) -> (0)>
#map1 = affine_map<(d0, d1) -> (0, 0)>
module attributes {stable_mosaic.version = 14 : i64} {
  func.func @_sc_body(%arg0: i32, %arg1: i32, %arg2: memref<819200xi32, #tpu.memory_space<hbm>>, %arg3: memref<500000x16xi32, #tpu.memory_space<hbm>>, %arg4: memref<62500x16xf32, #tpu.memory_space<hbm>>, %arg5: memref<52428800xf32, #tpu.memory_space<hbm>>, %arg6: memref<1024xi32, #tpu.memory_space<vmem>>, %arg7: memref<1024xi32, #tpu.memory_space<vmem>>, %arg8: memref<1024xi32, #tpu.memory_space<vmem>>, %arg9: memref<1024xi32, #tpu.memory_space<vmem>>, %arg10: memref<512x16xi32, #tpu.memory_space<vmem>>, %arg11: memref<512x16xi32, #tpu.memory_space<vmem>>, %arg12: memref<512x16xf32, #tpu.memory_space<vmem>>, %arg13: memref<512x16xf32, #tpu.memory_space<vmem>>, %arg14: memref<32768xf32, #tpu.memory_space<vmem>>, %arg15: memref<32768xf32, #tpu.memory_space<vmem>>, %arg16: memref<!tpu.dma_semaphore, #tpu.memory_space<semaphore_mem>>, %arg17: memref<!tpu.dma_semaphore, #tpu.memory_space<semaphore_mem>>, %arg18: memref<!tpu.dma_semaphore, #tpu.memory_space<semaphore_mem>>, %arg19: memref<!tpu.dma_semaphore, #tpu.memory_space<semaphore_mem>>) attributes {dimension_semantics = [#tpu.dimension_semantics<core_parallel>, #tpu.dimension_semantics<subcore_parallel>], iteration_bounds = array<i64: 2, 16>, scalar_prefetch = 0 : i64, scratch_operands = 14 : i64, tpu.core_type = #tpu.core_type<sc_vector_subcore>, window_params = [{transform_indices = #map}, {transform_indices = #map1}, {transform_indices = #map1}, {transform_indices = #map}]} {
    %mul3A = arith.constant 2 : i32
    %mul3A_0 = arith.muli %arg1, %mul3A : i32
    %add3A = arith.addi %mul3A_0, %arg0 : i32
    %mul3A_1 = arith.constant 25600 : i32
    %mul3A_2 = arith.muli %add3A, %mul3A_1 : i32
    %iota3A = tpu.iota {dimensions = array<i32: 0>} : vector<16xi32>
    %and3A = arith.constant 7 : i32
    %and3A_3 = vector.broadcast %and3A : i32 to vector<16xi32>
    %and3A_4 = arith.andi %iota3A, %and3A_3 : vector<16xi32>
    %shift_right_arithmetic3A = arith.constant 1 : i32
    %shift_right_arithmetic3A_5 = vector.broadcast %shift_right_arithmetic3A : i32 to vector<16xi32>
    %shift_right_arithmetic3A_6 = arith.shrsi %and3A_4, %shift_right_arithmetic3A_5 : vector<16xi32>
    %shift_left3A = arith.constant 2 : i32
    %shift_left3A_7 = vector.broadcast %shift_left3A : i32 to vector<16xi32>
    %shift_left3A_8 = arith.shli %shift_right_arithmetic3A_6, %shift_left3A_7 : vector<16xi32>
    %sub3A = arith.constant 28 : i32
    %sub3A_9 = vector.broadcast %sub3A : i32 to vector<16xi32>
    %sub3A_10 = arith.subi %sub3A_9, %shift_left3A_8 : vector<16xi32>
    %and3A_11 = arith.constant 1 : i32
    %and3A_12 = vector.broadcast %and3A_11 : i32 to vector<16xi32>
    %and3A_13 = arith.andi %and3A_4, %and3A_12 : vector<16xi32>
    %shift_left3A_14 = arith.constant 4 : i32
    %shift_left3A_15 = vector.broadcast %shift_left3A_14 : i32 to vector<16xi32>
    %shift_left3A_16 = arith.shli %and3A_13, %shift_left3A_15 : vector<16xi32>
    %sub3A_17 = arith.subi %sub3A_10, %shift_left3A_16 : vector<16xi32>
    %shift_right_arithmetic3A_18 = arith.constant 3 : i32
    %shift_right_arithmetic3A_19 = vector.broadcast %shift_right_arithmetic3A_18 : i32 to vector<16xi32>
    %shift_right_arithmetic3A_20 = arith.shrsi %iota3A, %shift_right_arithmetic3A_19 : vector<16xi32>
    %add3A_21 = arith.constant 0 : i32
    %add3A_22 = vector.broadcast %add3A_21 : i32 to vector<16xi32>
    %add3A_23 = arith.addi %shift_right_arithmetic3A_20, %add3A_22 : vector<16xi32>
    %add3A_24 = arith.constant 2 : i32
    %add3A_25 = vector.broadcast %add3A_24 : i32 to vector<16xi32>
    %add3A_26 = arith.addi %shift_right_arithmetic3A_20, %add3A_25 : vector<16xi32>
    %add3A_27 = arith.constant 4 : i32
    %add3A_28 = vector.broadcast %add3A_27 : i32 to vector<16xi32>
    %add3A_29 = arith.addi %shift_right_arithmetic3A_20, %add3A_28 : vector<16xi32>
    %add3A_30 = arith.constant 6 : i32
    %add3A_31 = vector.broadcast %add3A_30 : i32 to vector<16xi32>
    %add3A_32 = arith.addi %shift_right_arithmetic3A_20, %add3A_31 : vector<16xi32>
    %add3A_33 = arith.constant 0 : i32
    %add3A_34 = arith.addi %mul3A_2, %add3A_33 : i32
    %min3A = arith.constant 818176 : i32
    %min3A_35 = arith.minsi %add3A_34, %min3A : i32
    %multiple_of3A = tpu.assume_multiple %min3A_35, 8 : i32
    "tpu.region"() ({
      %run_scoped3A = tpu.sem_alloc : memref<!tpu.dma_semaphore, #tpu.memory_space<semaphore_mem>>
      %dma_start3A_331 = tpu.memref_slice %arg2[%multiple_of3A] : memref<819200xi32, #tpu.memory_space<hbm>> -> memref<1024xi32, #tpu.memory_space<hbm>>
      %dma_start3A_332 = tpu.memref_slice %arg2[%multiple_of3A] : memref<819200xi32, #tpu.memory_space<hbm>> -> memref<1024xi32, #tpu.memory_space<hbm>>
      tpu.enqueue_dma source(%dma_start3A_332 : memref<1024xi32, #tpu.memory_space<hbm>>) target(%arg7 : memref<1024xi32, #tpu.memory_space<vmem>>) target_semaphore(%run_scoped3A : memref<!tpu.dma_semaphore, #tpu.memory_space<semaphore_mem>>)
      %dma_wait3A_333 = tpu.memref_slice %arg2[%multiple_of3A] : memref<819200xi32, #tpu.memory_space<hbm>> -> memref<1024xi32, #tpu.memory_space<hbm>>
      %dma_wait3A_334 = tpu.memref_slice %arg2[%multiple_of3A] : memref<819200xi32, #tpu.memory_space<hbm>> -> memref<1024xi32, #tpu.memory_space<hbm>>
      tpu.wait_dma2 semaphore(%run_scoped3A : memref<!tpu.dma_semaphore, #tpu.memory_space<semaphore_mem>>) src(%dma_wait3A_334 : memref<1024xi32, #tpu.memory_space<hbm>>) dst(%arg7 : memref<1024xi32, #tpu.memory_space<vmem>>)
      tpu.yield
    }) : () -> ()
    %scan3A = arith.constant 0 : i32
    %scan3A_36 = arith.constant 0 : i32
    %scan3A_37 = arith.constant 64 : i32
    %scan3A_38 = arith.addi %scan3A_36, %scan3A_37 : i32
    %scan3A_39 = arith.constant 1 : i32
    %scan3A_40 = scf.for %scan3A_331 = %scan3A_36 to %scan3A_38 step %scan3A_39 iter_args(%scan3A_332 = %scan3A) -> (i32)  : i32 {
      %mul3A_333 = arith.constant 16 : i32
      %mul3A_334 = arith.muli %scan3A_331, %mul3A_333 : i32
      %get3A = arith.index_cast %mul3A_334 : i32 to index
      %get3A_335 = tpu.vector_load %arg7[%get3A] {strides = array<i32>} : memref<1024xi32, #tpu.memory_space<vmem>>, vector<16xi32>,
      %get3A_336 = vector.shape_cast %get3A_335 : vector<16xi32> to vector<16xi32>
      %shift_right_arithmetic3A_337 = arith.constant 1 : i32
      %shift_right_arithmetic3A_338 = vector.broadcast %shift_right_arithmetic3A_337 : i32 to vector<16xi32>
      %shift_right_arithmetic3A_339 = arith.shrsi %get3A_336, %shift_right_arithmetic3A_338 : vector<16xi32>
      %mul3A_340 = arith.constant 16 : i32
      %mul3A_341 = arith.muli %scan3A_331, %mul3A_340 : i32
      %swap3A = arith.index_cast %mul3A_341 : i32 to index
      %swap3A_342 = tpu.vector_load %arg9[%swap3A] {strides = array<i32>} : memref<1024xi32, #tpu.memory_space<vmem>>, vector<16xi32>,
      %swap3A_343 = vector.shape_cast %swap3A_342 : vector<16xi32> to vector<16xi32>
      %swap3A_344 = vector.shape_cast %shift_right_arithmetic3A_339 : vector<16xi32> to vector<16xi32>
      tpu.vector_store %arg9[%swap3A], %swap3A_344 {strides = array<i32>} : memref<1024xi32, #tpu.memory_space<vmem>>, vector<16xi32>,
      %shift_right_arithmetic3A_345 = arith.constant 4 : i32
      %shift_right_arithmetic3A_346 = vector.broadcast %shift_right_arithmetic3A_345 : i32 to vector<16xi32>
      %shift_right_arithmetic3A_347 = arith.shrsi %get3A_336, %shift_right_arithmetic3A_346 : vector<16xi32>
      %mul3A_348 = arith.constant 16 : i32
      %mul3A_349 = arith.muli %scan3A_331, %mul3A_348 : i32
      %swap3A_350 = arith.index_cast %mul3A_349 : i32 to index
      %swap3A_351 = tpu.vector_load %arg8[%swap3A_350] {strides = array<i32>} : memref<1024xi32, #tpu.memory_space<vmem>>, vector<16xi32>,
      %swap3A_352 = vector.shape_cast %swap3A_351 : vector<16xi32> to vector<16xi32>
      %swap3A_353 = vector.shape_cast %shift_right_arithmetic3A_347 : vector<16xi32> to vector<16xi32>
      tpu.vector_store %arg8[%swap3A_350], %swap3A_353 {strides = array<i32>} : memref<1024xi32, #tpu.memory_space<vmem>>, vector<16xi32>,
      %scan3A_354 = arith.constant 0 : i32
      scf.yield %scan3A_354 : i32
    }
    %scan3A_41 = arith.constant 64 : i32
    %dma_start3A = arith.constant 0 : i32
    %dma_start3A_42 = arith.constant 0 : i32
    %dma_start3A_43 = tpu.memref_slice %arg10[%dma_start3A, %dma_start3A_42] : memref<512x16xi32, #tpu.memory_space<vmem>> -> memref<128x16xi32, #tpu.memory_space<vmem>>
    %dma_start3A_44 = arith.constant 0 : i32
    %dma_start3A_45 = tpu.memref_slice %arg9[%dma_start3A_44] : memref<1024xi32, #tpu.memory_space<vmem>> -> memref<128xi32, #tpu.memory_space<vmem>>
    %dma_start3A_46 = arith.constant 0 : i32
    %dma_start3A_47 = arith.constant 0 : i32
    %dma_start3A_48 = tpu.memref_slice %arg3[%dma_start3A_46, %dma_start3A_47] : memref<500000x16xi32, #tpu.memory_space<hbm>> -> memref<500000x16xi32, #tpu.memory_space<hbm>>
    tpu.enqueue_indirect_dma source(%dma_start3A_48 : memref<500000x16xi32, #tpu.memory_space<hbm>>) target(%dma_start3A_43 : memref<128x16xi32, #tpu.memory_space<vmem>>) offsets(%dma_start3A_45 : memref<128xi32, #tpu.memory_space<vmem>>) semaphore(%arg16 : memref<!tpu.dma_semaphore, #tpu.memory_space<semaphore_mem>>)
    %dma_start3A_49 = arith.constant 128 : i32
    %dma_start3A_50 = arith.constant 0 : i32
    %dma_start3A_51 = tpu.memref_slice %arg10[%dma_start3A_49, %dma_start3A_50] : memref<512x16xi32, #tpu.memory_space<vmem>> -> memref<128x16xi32, #tpu.memory_space<vmem>>
    %dma_start3A_52 = arith.constant 128 : i32
    %dma_start3A_53 = tpu.memref_slice %arg9[%dma_start3A_52] : memref<1024xi32, #tpu.memory_space<vmem>> -> memref<128xi32, #tpu.memory_space<vmem>>
    %dma_start3A_54 = arith.constant 0 : i32
    %dma_start3A_55 = arith.constant 0 : i32
    %dma_start3A_56 = tpu.memref_slice %arg3[%dma_start3A_54, %dma_start3A_55] : memref<500000x16xi32, #tpu.memory_space<hbm>> -> memref<500000x16xi32, #tpu.memory_space<hbm>>
    tpu.enqueue_indirect_dma source(%dma_start3A_56 : memref<500000x16xi32, #tpu.memory_space<hbm>>) target(%dma_start3A_51 : memref<128x16xi32, #tpu.memory_space<vmem>>) offsets(%dma_start3A_53 : memref<128xi32, #tpu.memory_space<vmem>>) semaphore(%arg16 : memref<!tpu.dma_semaphore, #tpu.memory_space<semaphore_mem>>)
    %dma_start3A_57 = arith.constant 256 : i32
    %dma_start3A_58 = arith.constant 0 : i32
    %dma_start3A_59 = tpu.memref_slice %arg10[%dma_start3A_57, %dma_start3A_58] : memref<512x16xi32, #tpu.memory_space<vmem>> -> memref<128x16xi32, #tpu.memory_space<vmem>>
    %dma_start3A_60 = arith.constant 256 : i32
    %dma_start3A_61 = tpu.memref_slice %arg9[%dma_start3A_60] : memref<1024xi32, #tpu.memory_space<vmem>> -> memref<128xi32, #tpu.memory_space<vmem>>
    %dma_start3A_62 = arith.constant 0 : i32
    %dma_start3A_63 = arith.constant 0 : i32
    %dma_start3A_64 = tpu.memref_slice %arg3[%dma_start3A_62, %dma_start3A_63] : memref<500000x16xi32, #tpu.memory_space<hbm>> -> memref<500000x16xi32, #tpu.memory_space<hbm>>
    tpu.enqueue_indirect_dma source(%dma_start3A_64 : memref<500000x16xi32, #tpu.memory_space<hbm>>) target(%dma_start3A_59 : memref<128x16xi32, #tpu.memory_space<vmem>>) offsets(%dma_start3A_61 : memref<128xi32, #tpu.memory_space<vmem>>) semaphore(%arg16 : memref<!tpu.dma_semaphore, #tpu.memory_space<semaphore_mem>>)
    %dma_start3A_65 = arith.constant 384 : i32
    %dma_start3A_66 = arith.constant 0 : i32
    %dma_start3A_67 = tpu.memref_slice %arg10[%dma_start3A_65, %dma_start3A_66] : memref<512x16xi32, #tpu.memory_space<vmem>> -> memref<128x16xi32, #tpu.memory_space<vmem>>
    %dma_start3A_68 = arith.constant 384 : i32
    %dma_start3A_69 = tpu.memref_slice %arg9[%dma_start3A_68] : memref<1024xi32, #tpu.memory_space<vmem>> -> memref<128xi32, #tpu.memory_space<vmem>>
    %dma_start3A_70 = arith.constant 0 : i32
    %dma_start3A_71 = arith.constant 0 : i32
    %dma_start3A_72 = tpu.memref_slice %arg3[%dma_start3A_70, %dma_start3A_71] : memref<500000x16xi32, #tpu.memory_space<hbm>> -> memref<500000x16xi32, #tpu.memory_space<hbm>>
    tpu.enqueue_indirect_dma source(%dma_start3A_72 : memref<500000x16xi32, #tpu.memory_space<hbm>>) target(%dma_start3A_67 : memref<128x16xi32, #tpu.memory_space<vmem>>) offsets(%dma_start3A_69 : memref<128xi32, #tpu.memory_space<vmem>>) semaphore(%arg16 : memref<!tpu.dma_semaphore, #tpu.memory_space<semaphore_mem>>)
    %dma_start3A_73 = arith.constant 0 : i32
    %dma_start3A_74 = arith.constant 0 : i32
    %dma_start3A_75 = tpu.memref_slice %arg12[%dma_start3A_73, %dma_start3A_74] : memref<512x16xf32, #tpu.memory_space<vmem>> -> memref<128x16xf32, #tpu.memory_space<vmem>>
    %dma_start3A_76 = arith.constant 0 : i32
    %dma_start3A_77 = tpu.memref_slice %arg8[%dma_start3A_76] : memref<1024xi32, #tpu.memory_space<vmem>> -> memref<128xi32, #tpu.memory_space<vmem>>
    %dma_start3A_78 = arith.constant 0 : i32
    %dma_start3A_79 = arith.constant 0 : i32
    %dma_start3A_80 = tpu.memref_slice %arg4[%dma_start3A_78, %dma_start3A_79] : memref<62500x16xf32, #tpu.memory_space<hbm>> -> memref<62500x16xf32, #tpu.memory_space<hbm>>
    tpu.enqueue_indirect_dma source(%dma_start3A_80 : memref<62500x16xf32, #tpu.memory_space<hbm>>) target(%dma_start3A_75 : memref<128x16xf32, #tpu.memory_space<vmem>>) offsets(%dma_start3A_77 : memref<128xi32, #tpu.memory_space<vmem>>) semaphore(%arg16 : memref<!tpu.dma_semaphore, #tpu.memory_space<semaphore_mem>>)
    %dma_start3A_81 = arith.constant 128 : i32
    %dma_start3A_82 = arith.constant 0 : i32
    %dma_start3A_83 = tpu.memref_slice %arg12[%dma_start3A_81, %dma_start3A_82] : memref<512x16xf32, #tpu.memory_space<vmem>> -> memref<128x16xf32, #tpu.memory_space<vmem>>
    %dma_start3A_84 = arith.constant 128 : i32
    %dma_start3A_85 = tpu.memref_slice %arg8[%dma_start3A_84] : memref<1024xi32, #tpu.memory_space<vmem>> -> memref<128xi32, #tpu.memory_space<vmem>>
    %dma_start3A_86 = arith.constant 0 : i32
    %dma_start3A_87 = arith.constant 0 : i32
    %dma_start3A_88 = tpu.memref_slice %arg4[%dma_start3A_86, %dma_start3A_87] : memref<62500x16xf32, #tpu.memory_space<hbm>> -> memref<62500x16xf32, #tpu.memory_space<hbm>>
    tpu.enqueue_indirect_dma source(%dma_start3A_88 : memref<62500x16xf32, #tpu.memory_space<hbm>>) target(%dma_start3A_83 : memref<128x16xf32, #tpu.memory_space<vmem>>) offsets(%dma_start3A_85 : memref<128xi32, #tpu.memory_space<vmem>>) semaphore(%arg16 : memref<!tpu.dma_semaphore, #tpu.memory_space<semaphore_mem>>)
    %dma_start3A_89 = arith.constant 256 : i32
    %dma_start3A_90 = arith.constant 0 : i32
    %dma_start3A_91 = tpu.memref_slice %arg12[%dma_start3A_89, %dma_start3A_90] : memref<512x16xf32, #tpu.memory_space<vmem>> -> memref<128x16xf32, #tpu.memory_space<vmem>>
    %dma_start3A_92 = arith.constant 256 : i32
    %dma_start3A_93 = tpu.memref_slice %arg8[%dma_start3A_92] : memref<1024xi32, #tpu.memory_space<vmem>> -> memref<128xi32, #tpu.memory_space<vmem>>
    %dma_start3A_94 = arith.constant 0 : i32
    %dma_start3A_95 = arith.constant 0 : i32
    %dma_start3A_96 = tpu.memref_slice %arg4[%dma_start3A_94, %dma_start3A_95] : memref<62500x16xf32, #tpu.memory_space<hbm>> -> memref<62500x16xf32, #tpu.memory_space<hbm>>
    tpu.enqueue_indirect_dma source(%dma_start3A_96 : memref<62500x16xf32, #tpu.memory_space<hbm>>) target(%dma_start3A_91 : memref<128x16xf32, #tpu.memory_space<vmem>>) offsets(%dma_start3A_93 : memref<128xi32, #tpu.memory_space<vmem>>) semaphore(%arg16 : memref<!tpu.dma_semaphore, #tpu.memory_space<semaphore_mem>>)
    %dma_start3A_97 = arith.constant 384 : i32
    %dma_start3A_98 = arith.constant 0 : i32
    %dma_start3A_99 = tpu.memref_slice %arg12[%dma_start3A_97, %dma_start3A_98] : memref<512x16xf32, #tpu.memory_space<vmem>> -> memref<128x16xf32, #tpu.memory_space<vmem>>
    %dma_start3A_100 = arith.constant 384 : i32
    %dma_start3A_101 = tpu.memref_slice %arg8[%dma_start3A_100] : memref<1024xi32, #tpu.memory_space<vmem>> -> memref<128xi32, #tpu.memory_space<vmem>>
    %dma_start3A_102 = arith.constant 0 : i32
    %dma_start3A_103 = arith.constant 0 : i32
    %dma_start3A_104 = tpu.memref_slice %arg4[%dma_start3A_102, %dma_start3A_103] : memref<62500x16xf32, #tpu.memory_space<hbm>> -> memref<62500x16xf32, #tpu.memory_space<hbm>>
    tpu.enqueue_indirect_dma source(%dma_start3A_104 : memref<62500x16xf32, #tpu.memory_space<hbm>>) target(%dma_start3A_99 : memref<128x16xf32, #tpu.memory_space<vmem>>) offsets(%dma_start3A_101 : memref<128xi32, #tpu.memory_space<vmem>>) semaphore(%arg16 : memref<!tpu.dma_semaphore, #tpu.memory_space<semaphore_mem>>)
    %dma_start3A_105 = arith.constant 0 : i32
    %dma_start3A_106 = arith.constant 0 : i32
    %dma_start3A_107 = tpu.memref_slice %arg11[%dma_start3A_105, %dma_start3A_106] : memref<512x16xi32, #tpu.memory_space<vmem>> -> memref<128x16xi32, #tpu.memory_space<vmem>>
    %dma_start3A_108 = arith.constant 512 : i32
    %dma_start3A_109 = tpu.memref_slice %arg9[%dma_start3A_108] : memref<1024xi32, #tpu.memory_space<vmem>> -> memref<128xi32, #tpu.memory_space<vmem>>
    %dma_start3A_110 = arith.constant 0 : i32
    %dma_start3A_111 = arith.constant 0 : i32
    %dma_start3A_112 = tpu.memref_slice %arg3[%dma_start3A_110, %dma_start3A_111] : memref<500000x16xi32, #tpu.memory_space<hbm>> -> memref<500000x16xi32, #tpu.memory_space<hbm>>
    tpu.enqueue_indirect_dma source(%dma_start3A_112 : memref<500000x16xi32, #tpu.memory_space<hbm>>) target(%dma_start3A_107 : memref<128x16xi32, #tpu.memory_space<vmem>>) offsets(%dma_start3A_109 : memref<128xi32, #tpu.memory_space<vmem>>) semaphore(%arg17 : memref<!tpu.dma_semaphore, #tpu.memory_space<semaphore_mem>>)
    %dma_start3A_113 = arith.constant 128 : i32
    %dma_start3A_114 = arith.constant 0 : i32
    %dma_start3A_115 = tpu.memref_slice %arg11[%dma_start3A_113, %dma_start3A_114] : memref<512x16xi32, #tpu.memory_space<vmem>> -> memref<128x16xi32, #tpu.memory_space<vmem>>
    %dma_start3A_116 = arith.constant 640 : i32
    %dma_start3A_117 = tpu.memref_slice %arg9[%dma_start3A_116] : memref<1024xi32, #tpu.memory_space<vmem>> -> memref<128xi32, #tpu.memory_space<vmem>>
    %dma_start3A_118 = arith.constant 0 : i32
    %dma_start3A_119 = arith.constant 0 : i32
    %dma_start3A_120 = tpu.memref_slice %arg3[%dma_start3A_118, %dma_start3A_119] : memref<500000x16xi32, #tpu.memory_space<hbm>> -> memref<500000x16xi32, #tpu.memory_space<hbm>>
    tpu.enqueue_indirect_dma source(%dma_start3A_120 : memref<500000x16xi32, #tpu.memory_space<hbm>>) target(%dma_start3A_115 : memref<128x16xi32, #tpu.memory_space<vmem>>) offsets(%dma_start3A_117 : memref<128xi32, #tpu.memory_space<vmem>>) semaphore(%arg17 : memref<!tpu.dma_semaphore, #tpu.memory_space<semaphore_mem>>)
    %dma_start3A_121 = arith.constant 256 : i32
    %dma_start3A_122 = arith.constant 0 : i32
    %dma_start3A_123 = tpu.memref_slice %arg11[%dma_start3A_121, %dma_start3A_122] : memref<512x16xi32, #tpu.memory_space<vmem>> -> memref<128x16xi32, #tpu.memory_space<vmem>>
    %dma_start3A_124 = arith.constant 768 : i32
    %dma_start3A_125 = tpu.memref_slice %arg9[%dma_start3A_124] : memref<1024xi32, #tpu.memory_space<vmem>> -> memref<128xi32, #tpu.memory_space<vmem>>
    %dma_start3A_126 = arith.constant 0 : i32
    %dma_start3A_127 = arith.constant 0 : i32
    %dma_start3A_128 = tpu.memref_slice %arg3[%dma_start3A_126, %dma_start3A_127] : memref<500000x16xi32, #tpu.memory_space<hbm>> -> memref<500000x16xi32, #tpu.memory_space<hbm>>
    tpu.enqueue_indirect_dma source(%dma_start3A_128 : memref<500000x16xi32, #tpu.memory_space<hbm>>) target(%dma_start3A_123 : memref<128x16xi32, #tpu.memory_space<vmem>>) offsets(%dma_start3A_125 : memref<128xi32, #tpu.memory_space<vmem>>) semaphore(%arg17 : memref<!tpu.dma_semaphore, #tpu.memory_space<semaphore_mem>>)
    %dma_start3A_129 = arith.constant 384 : i32
    %dma_start3A_130 = arith.constant 0 : i32
    %dma_start3A_131 = tpu.memref_slice %arg11[%dma_start3A_129, %dma_start3A_130] : memref<512x16xi32, #tpu.memory_space<vmem>> -> memref<128x16xi32, #tpu.memory_space<vmem>>
    %dma_start3A_132 = arith.constant 896 : i32
    %dma_start3A_133 = tpu.memref_slice %arg9[%dma_start3A_132] : memref<1024xi32, #tpu.memory_space<vmem>> -> memref<128xi32, #tpu.memory_space<vmem>>
    %dma_start3A_134 = arith.constant 0 : i32
    %dma_start3A_135 = arith.constant 0 : i32
    %dma_start3A_136 = tpu.memref_slice %arg3[%dma_start3A_134, %dma_start3A_135] : memref<500000x16xi32, #tpu.memory_space<hbm>> -> memref<500000x16xi32, #tpu.memory_space<hbm>>
    tpu.enqueue_indirect_dma source(%dma_start3A_136 : memref<500000x16xi32, #tpu.memory_space<hbm>>) target(%dma_start3A_131 : memref<128x16xi32, #tpu.memory_space<vmem>>) offsets(%dma_start3A_133 : memref<128xi32, #tpu.memory_space<vmem>>) semaphore(%arg17 : memref<!tpu.dma_semaphore, #tpu.memory_space<semaphore_mem>>)
    %dma_start3A_137 = arith.constant 0 : i32
    %dma_start3A_138 = arith.constant 0 : i32
    %dma_start3A_139 = tpu.memref_slice %arg13[%dma_start3A_137, %dma_start3A_138] : memref<512x16xf32, #tpu.memory_space<vmem>> -> memref<128x16xf32, #tpu.memory_space<vmem>>
    %dma_start3A_140 = arith.constant 512 : i32
    %dma_start3A_141 = tpu.memref_slice %arg8[%dma_start3A_140] : memref<1024xi32, #tpu.memory_space<vmem>> -> memref<128xi32, #tpu.memory_space<vmem>>
    %dma_start3A_142 = arith.constant 0 : i32
    %dma_start3A_143 = arith.constant 0 : i32
    %dma_start3A_144 = tpu.memref_slice %arg4[%dma_start3A_142, %dma_start3A_143] : memref<62500x16xf32, #tpu.memory_space<hbm>> -> memref<62500x16xf32, #tpu.memory_space<hbm>>
    tpu.enqueue_indirect_dma source(%dma_start3A_144 : memref<62500x16xf32, #tpu.memory_space<hbm>>) target(%dma_start3A_139 : memref<128x16xf32, #tpu.memory_space<vmem>>) offsets(%dma_start3A_141 : memref<128xi32, #tpu.memory_space<vmem>>) semaphore(%arg17 : memref<!tpu.dma_semaphore, #tpu.memory_space<semaphore_mem>>)
    %dma_start3A_145 = arith.constant 128 : i32
    %dma_start3A_146 = arith.constant 0 : i32
    %dma_start3A_147 = tpu.memref_slice %arg13[%dma_start3A_145, %dma_start3A_146] : memref<512x16xf32, #tpu.memory_space<vmem>> -> memref<128x16xf32, #tpu.memory_space<vmem>>
    %dma_start3A_148 = arith.constant 640 : i32
    %dma_start3A_149 = tpu.memref_slice %arg8[%dma_start3A_148] : memref<1024xi32, #tpu.memory_space<vmem>> -> memref<128xi32, #tpu.memory_space<vmem>>
    %dma_start3A_150 = arith.constant 0 : i32
    %dma_start3A_151 = arith.constant 0 : i32
    %dma_start3A_152 = tpu.memref_slice %arg4[%dma_start3A_150, %dma_start3A_151] : memref<62500x16xf32, #tpu.memory_space<hbm>> -> memref<62500x16xf32, #tpu.memory_space<hbm>>
    tpu.enqueue_indirect_dma source(%dma_start3A_152 : memref<62500x16xf32, #tpu.memory_space<hbm>>) target(%dma_start3A_147 : memref<128x16xf32, #tpu.memory_space<vmem>>) offsets(%dma_start3A_149 : memref<128xi32, #tpu.memory_space<vmem>>) semaphore(%arg17 : memref<!tpu.dma_semaphore, #tpu.memory_space<semaphore_mem>>)
    %dma_start3A_153 = arith.constant 256 : i32
    %dma_start3A_154 = arith.constant 0 : i32
    %dma_start3A_155 = tpu.memref_slice %arg13[%dma_start3A_153, %dma_start3A_154] : memref<512x16xf32, #tpu.memory_space<vmem>> -> memref<128x16xf32, #tpu.memory_space<vmem>>
    %dma_start3A_156 = arith.constant 768 : i32
    %dma_start3A_157 = tpu.memref_slice %arg8[%dma_start3A_156] : memref<1024xi32, #tpu.memory_space<vmem>> -> memref<128xi32, #tpu.memory_space<vmem>>
    %dma_start3A_158 = arith.constant 0 : i32
    %dma_start3A_159 = arith.constant 0 : i32
    %dma_start3A_160 = tpu.memref_slice %arg4[%dma_start3A_158, %dma_start3A_159] : memref<62500x16xf32, #tpu.memory_space<hbm>> -> memref<62500x16xf32, #tpu.memory_space<hbm>>
    tpu.enqueue_indirect_dma source(%dma_start3A_160 : memref<62500x16xf32, #tpu.memory_space<hbm>>) target(%dma_start3A_155 : memref<128x16xf32, #tpu.memory_space<vmem>>) offsets(%dma_start3A_157 : memref<128xi32, #tpu.memory_space<vmem>>) semaphore(%arg17 : memref<!tpu.dma_semaphore, #tpu.memory_space<semaphore_mem>>)
    %dma_start3A_161 = arith.constant 384 : i32
    %dma_start3A_162 = arith.constant 0 : i32
    %dma_start3A_163 = tpu.memref_slice %arg13[%dma_start3A_161, %dma_start3A_162] : memref<512x16xf32, #tpu.memory_space<vmem>> -> memref<128x16xf32, #tpu.memory_space<vmem>>
    %dma_start3A_164 = arith.constant 896 : i32
    %dma_start3A_165 = tpu.memref_slice %arg8[%dma_start3A_164] : memref<1024xi32, #tpu.memory_space<vmem>> -> memref<128xi32, #tpu.memory_space<vmem>>
    %dma_start3A_166 = arith.constant 0 : i32
    %dma_start3A_167 = arith.constant 0 : i32
    %dma_start3A_168 = tpu.memref_slice %arg4[%dma_start3A_166, %dma_start3A_167] : memref<62500x16xf32, #tpu.memory_space<hbm>> -> memref<62500x16xf32, #tpu.memory_space<hbm>>
    tpu.enqueue_indirect_dma source(%dma_start3A_168 : memref<62500x16xf32, #tpu.memory_space<hbm>>) target(%dma_start3A_163 : memref<128x16xf32, #tpu.memory_space<vmem>>) offsets(%dma_start3A_165 : memref<128xi32, #tpu.memory_space<vmem>>) semaphore(%arg17 : memref<!tpu.dma_semaphore, #tpu.memory_space<semaphore_mem>>)
    %add3A_169 = arith.constant 0 : i32
    %add3A_170 = arith.addi %mul3A_2, %add3A_169 : i32
    %mul3A_171 = arith.constant 64 : i32
    %mul3A_172 = arith.muli %add3A_170, %mul3A_171 : i32
    %multiple_of3A_173 = tpu.assume_multiple %mul3A_172, 8 : i32
    %dma_start3A_174 = tpu.memref_slice %arg5[%multiple_of3A_173] : memref<52428800xf32, #tpu.memory_space<hbm>> -> memref<32768xf32, #tpu.memory_space<hbm>>
    %dma_start3A_175 = tpu.memref_slice %arg5[%multiple_of3A_173] : memref<52428800xf32, #tpu.memory_space<hbm>> -> memref<32768xf32, #tpu.memory_space<hbm>>
    tpu.enqueue_dma source(%arg14 : memref<32768xf32, #tpu.memory_space<vmem>>) target(%dma_start3A_175 : memref<32768xf32, #tpu.memory_space<hbm>>) target_semaphore(%arg18 : memref<!tpu.dma_semaphore, #tpu.memory_space<semaphore_mem>>)
    %add3A_176 = arith.constant 512 : i32
    %add3A_177 = arith.addi %mul3A_2, %add3A_176 : i32
    %mul3A_178 = arith.constant 64 : i32
    %mul3A_179 = arith.muli %add3A_177, %mul3A_178 : i32
    %multiple_of3A_180 = tpu.assume_multiple %mul3A_179, 8 : i32
    %dma_start3A_181 = tpu.memref_slice %arg5[%multiple_of3A_180] : memref<52428800xf32, #tpu.memory_space<hbm>> -> memref<32768xf32, #tpu.memory_space<hbm>>
    %dma_start3A_182 = tpu.memref_slice %arg5[%multiple_of3A_180] : memref<52428800xf32, #tpu.memory_space<hbm>> -> memref<32768xf32, #tpu.memory_space<hbm>>
    tpu.enqueue_dma source(%arg15 : memref<32768xf32, #tpu.memory_space<vmem>>) target(%dma_start3A_182 : memref<32768xf32, #tpu.memory_space<hbm>>) target_semaphore(%arg19 : memref<!tpu.dma_semaphore, #tpu.memory_space<semaphore_mem>>)
    %scan3A_183 = arith.constant 0 : i32
    %scan3A_184 = arith.constant 0 : i32
    %scan3A_185 = arith.constant 25 : i32
    %scan3A_186 = arith.addi %scan3A_184, %scan3A_185 : i32
    %scan3A_187 = arith.constant 1 : i32
    %scan3A_188 = scf.for %scan3A_331 = %scan3A_184 to %scan3A_186 step %scan3A_187 iter_args(%scan3A_332 = %scan3A_183) -> (i32)  : i32 {
      %mul3A_333 = arith.constant 2 : i32
      %mul3A_334 = arith.muli %mul3A_333, %scan3A_331 : i32
      %dma_wait3A_335 = arith.constant 0 : i32
      %dma_wait3A_336 = arith.constant 0 : i32
      %dma_wait3A_337 = tpu.memref_slice %arg10[%dma_wait3A_335, %dma_wait3A_336] : memref<512x16xi32, #tpu.memory_space<vmem>> -> memref<128x16xi32, #tpu.memory_space<vmem>>
      %dma_wait3A_338 = arith.constant 0 : i32
      %dma_wait3A_339 = tpu.memref_slice %arg9[%dma_wait3A_338] : memref<1024xi32, #tpu.memory_space<vmem>> -> memref<128xi32, #tpu.memory_space<vmem>>
      %dma_wait3A_340 = arith.constant 0 : i32
      %dma_wait3A_341 = arith.constant 0 : i32
      %dma_wait3A_342 = tpu.memref_slice %arg3[%dma_wait3A_340, %dma_wait3A_341] : memref<500000x16xi32, #tpu.memory_space<hbm>> -> memref<500000x16xi32, #tpu.memory_space<hbm>>
      tpu.wait_indirect_dma semaphore(%arg16 : memref<!tpu.dma_semaphore, #tpu.memory_space<semaphore_mem>>) src(%dma_wait3A_342 : memref<500000x16xi32, #tpu.memory_space<hbm>>) dst(%dma_wait3A_337 : memref<128x16xi32, #tpu.memory_space<vmem>>)
      %dma_wait3A_343 = arith.constant 128 : i32
      %dma_wait3A_344 = arith.constant 0 : i32
      %dma_wait3A_345 = tpu.memref_slice %arg10[%dma_wait3A_343, %dma_wait3A_344] : memref<512x16xi32, #tpu.memory_space<vmem>> -> memref<128x16xi32, #tpu.memory_space<vmem>>
      %dma_wait3A_346 = arith.constant 128 : i32
      %dma_wait3A_347 = tpu.memref_slice %arg9[%dma_wait3A_346] : memref<1024xi32, #tpu.memory_space<vmem>> -> memref<128xi32, #tpu.memory_space<vmem>>
      %dma_wait3A_348 = arith.constant 0 : i32
      %dma_wait3A_349 = arith.constant 0 : i32
      %dma_wait3A_350 = tpu.memref_slice %arg3[%dma_wait3A_348, %dma_wait3A_349] : memref<500000x16xi32, #tpu.memory_space<hbm>> -> memref<500000x16xi32, #tpu.memory_space<hbm>>
      tpu.wait_indirect_dma semaphore(%arg16 : memref<!tpu.dma_semaphore, #tpu.memory_space<semaphore_mem>>) src(%dma_wait3A_350 : memref<500000x16xi32, #tpu.memory_space<hbm>>) dst(%dma_wait3A_345 : memref<128x16xi32, #tpu.memory_space<vmem>>)
      %dma_wait3A_351 = arith.constant 256 : i32
      %dma_wait3A_352 = arith.constant 0 : i32
      %dma_wait3A_353 = tpu.memref_slice %arg10[%dma_wait3A_351, %dma_wait3A_352] : memref<512x16xi32, #tpu.memory_space<vmem>> -> memref<128x16xi32, #tpu.memory_space<vmem>>
      %dma_wait3A_354 = arith.constant 256 : i32
      %dma_wait3A_355 = tpu.memref_slice %arg9[%dma_wait3A_354] : memref<1024xi32, #tpu.memory_space<vmem>> -> memref<128xi32, #tpu.memory_space<vmem>>
      %dma_wait3A_356 = arith.constant 0 : i32
      %dma_wait3A_357 = arith.constant 0 : i32
      %dma_wait3A_358 = tpu.memref_slice %arg3[%dma_wait3A_356, %dma_wait3A_357] : memref<500000x16xi32, #tpu.memory_space<hbm>> -> memref<500000x16xi32, #tpu.memory_space<hbm>>
      tpu.wait_indirect_dma semaphore(%arg16 : memref<!tpu.dma_semaphore, #tpu.memory_space<semaphore_mem>>) src(%dma_wait3A_358 : memref<500000x16xi32, #tpu.memory_space<hbm>>) dst(%dma_wait3A_353 : memref<128x16xi32, #tpu.memory_space<vmem>>)
      %dma_wait3A_359 = arith.constant 384 : i32
      %dma_wait3A_360 = arith.constant 0 : i32
      %dma_wait3A_361 = tpu.memref_slice %arg10[%dma_wait3A_359, %dma_wait3A_360] : memref<512x16xi32, #tpu.memory_space<vmem>> -> memref<128x16xi32, #tpu.memory_space<vmem>>
      %dma_wait3A_362 = arith.constant 384 : i32
      %dma_wait3A_363 = tpu.memref_slice %arg9[%dma_wait3A_362] : memref<1024xi32, #tpu.memory_space<vmem>> -> memref<128xi32, #tpu.memory_space<vmem>>
      %dma_wait3A_364 = arith.constant 0 : i32
      %dma_wait3A_365 = arith.constant 0 : i32
      %dma_wait3A_366 = tpu.memref_slice %arg3[%dma_wait3A_364, %dma_wait3A_365] : memref<500000x16xi32, #tpu.memory_space<hbm>> -> memref<500000x16xi32, #tpu.memory_space<hbm>>
      tpu.wait_indirect_dma semaphore(%arg16 : memref<!tpu.dma_semaphore, #tpu.memory_space<semaphore_mem>>) src(%dma_wait3A_366 : memref<500000x16xi32, #tpu.memory_space<hbm>>) dst(%dma_wait3A_361 : memref<128x16xi32, #tpu.memory_space<vmem>>)
      %dma_wait3A_367 = arith.constant 0 : i32
      %dma_wait3A_368 = arith.constant 0 : i32
      %dma_wait3A_369 = tpu.memref_slice %arg12[%dma_wait3A_367, %dma_wait3A_368] : memref<512x16xf32, #tpu.memory_space<vmem>> -> memref<128x16xf32, #tpu.memory_space<vmem>>
      %dma_wait3A_370 = arith.constant 0 : i32
      %dma_wait3A_371 = tpu.memref_slice %arg8[%dma_wait3A_370] : memref<1024xi32, #tpu.memory_space<vmem>> -> memref<128xi32, #tpu.memory_space<vmem>>
      %dma_wait3A_372 = arith.constant 0 : i32
      %dma_wait3A_373 = arith.constant 0 : i32
      %dma_wait3A_374 = tpu.memref_slice %arg4[%dma_wait3A_372, %dma_wait3A_373] : memref<62500x16xf32, #tpu.memory_space<hbm>> -> memref<62500x16xf32, #tpu.memory_space<hbm>>
      tpu.wait_indirect_dma semaphore(%arg16 : memref<!tpu.dma_semaphore, #tpu.memory_space<semaphore_mem>>) src(%dma_wait3A_374 : memref<62500x16xf32, #tpu.memory_space<hbm>>) dst(%dma_wait3A_369 : memref<128x16xf32, #tpu.memory_space<vmem>>)
      %dma_wait3A_375 = arith.constant 128 : i32
      %dma_wait3A_376 = arith.constant 0 : i32
      %dma_wait3A_377 = tpu.memref_slice %arg12[%dma_wait3A_375, %dma_wait3A_376] : memref<512x16xf32, #tpu.memory_space<vmem>> -> memref<128x16xf32, #tpu.memory_space<vmem>>
      %dma_wait3A_378 = arith.constant 128 : i32
      %dma_wait3A_379 = tpu.memref_slice %arg8[%dma_wait3A_378] : memref<1024xi32, #tpu.memory_space<vmem>> -> memref<128xi32, #tpu.memory_space<vmem>>
      %dma_wait3A_380 = arith.constant 0 : i32
      %dma_wait3A_381 = arith.constant 0 : i32
      %dma_wait3A_382 = tpu.memref_slice %arg4[%dma_wait3A_380, %dma_wait3A_381] : memref<62500x16xf32, #tpu.memory_space<hbm>> -> memref<62500x16xf32, #tpu.memory_space<hbm>>
      tpu.wait_indirect_dma semaphore(%arg16 : memref<!tpu.dma_semaphore, #tpu.memory_space<semaphore_mem>>) src(%dma_wait3A_382 : memref<62500x16xf32, #tpu.memory_space<hbm>>) dst(%dma_wait3A_377 : memref<128x16xf32, #tpu.memory_space<vmem>>)
      %dma_wait3A_383 = arith.constant 256 : i32
      %dma_wait3A_384 = arith.constant 0 : i32
      %dma_wait3A_385 = tpu.memref_slice %arg12[%dma_wait3A_383, %dma_wait3A_384] : memref<512x16xf32, #tpu.memory_space<vmem>> -> memref<128x16xf32, #tpu.memory_space<vmem>>
      %dma_wait3A_386 = arith.constant 256 : i32
      %dma_wait3A_387 = tpu.memref_slice %arg8[%dma_wait3A_386] : memref<1024xi32, #tpu.memory_space<vmem>> -> memref<128xi32, #tpu.memory_space<vmem>>
      %dma_wait3A_388 = arith.constant 0 : i32
      %dma_wait3A_389 = arith.constant 0 : i32
      %dma_wait3A_390 = tpu.memref_slice %arg4[%dma_wait3A_388, %dma_wait3A_389] : memref<62500x16xf32, #tpu.memory_space<hbm>> -> memref<62500x16xf32, #tpu.memory_space<hbm>>
      tpu.wait_indirect_dma semaphore(%arg16 : memref<!tpu.dma_semaphore, #tpu.memory_space<semaphore_mem>>) src(%dma_wait3A_390 : memref<62500x16xf32, #tpu.memory_space<hbm>>) dst(%dma_wait3A_385 : memref<128x16xf32, #tpu.memory_space<vmem>>)
      %dma_wait3A_391 = arith.constant 384 : i32
      %dma_wait3A_392 = arith.constant 0 : i32
      %dma_wait3A_393 = tpu.memref_slice %arg12[%dma_wait3A_391, %dma_wait3A_392] : memref<512x16xf32, #tpu.memory_space<vmem>> -> memref<128x16xf32, #tpu.memory_space<vmem>>
      %dma_wait3A_394 = arith.constant 384 : i32
      %dma_wait3A_395 = tpu.memref_slice %arg8[%dma_wait3A_394] : memref<1024xi32, #tpu.memory_space<vmem>> -> memref<128xi32, #tpu.memory_space<vmem>>
      %dma_wait3A_396 = arith.constant 0 : i32
      %dma_wait3A_397 = arith.constant 0 : i32
      %dma_wait3A_398 = tpu.memref_slice %arg4[%dma_wait3A_396, %dma_wait3A_397] : memref<62500x16xf32, #tpu.memory_space<hbm>> -> memref<62500x16xf32, #tpu.memory_space<hbm>>
      tpu.wait_indirect_dma semaphore(%arg16 : memref<!tpu.dma_semaphore, #tpu.memory_space<semaphore_mem>>) src(%dma_wait3A_398 : memref<62500x16xf32, #tpu.memory_space<hbm>>) dst(%dma_wait3A_393 : memref<128x16xf32, #tpu.memory_space<vmem>>)
      %dma_wait3A_399 = arith.constant 0 : i32
      %dma_wait3A_400 = arith.constant 0 : i32
      %dma_wait3A_401 = tpu.memref_slice %arg11[%dma_wait3A_399, %dma_wait3A_400] : memref<512x16xi32, #tpu.memory_space<vmem>> -> memref<128x16xi32, #tpu.memory_space<vmem>>
      %dma_wait3A_402 = arith.constant 512 : i32
      %dma_wait3A_403 = tpu.memref_slice %arg9[%dma_wait3A_402] : memref<1024xi32, #tpu.memory_space<vmem>> -> memref<128xi32, #tpu.memory_space<vmem>>
      %dma_wait3A_404 = arith.constant 0 : i32
      %dma_wait3A_405 = arith.constant 0 : i32
      %dma_wait3A_406 = tpu.memref_slice %arg3[%dma_wait3A_404, %dma_wait3A_405] : memref<500000x16xi32, #tpu.memory_space<hbm>> -> memref<500000x16xi32, #tpu.memory_space<hbm>>
      tpu.wait_indirect_dma semaphore(%arg17 : memref<!tpu.dma_semaphore, #tpu.memory_space<semaphore_mem>>) src(%dma_wait3A_406 : memref<500000x16xi32, #tpu.memory_space<hbm>>) dst(%dma_wait3A_401 : memref<128x16xi32, #tpu.memory_space<vmem>>)
      %dma_wait3A_407 = arith.constant 128 : i32
      %dma_wait3A_408 = arith.constant 0 : i32
      %dma_wait3A_409 = tpu.memref_slice %arg11[%dma_wait3A_407, %dma_wait3A_408] : memref<512x16xi32, #tpu.memory_space<vmem>> -> memref<128x16xi32, #tpu.memory_space<vmem>>
      %dma_wait3A_410 = arith.constant 640 : i32
      %dma_wait3A_411 = tpu.memref_slice %arg9[%dma_wait3A_410] : memref<1024xi32, #tpu.memory_space<vmem>> -> memref<128xi32, #tpu.memory_space<vmem>>
      %dma_wait3A_412 = arith.constant 0 : i32
      %dma_wait3A_413 = arith.constant 0 : i32
      %dma_wait3A_414 = tpu.memref_slice %arg3[%dma_wait3A_412, %dma_wait3A_413] : memref<500000x16xi32, #tpu.memory_space<hbm>> -> memref<500000x16xi32, #tpu.memory_space<hbm>>
      tpu.wait_indirect_dma semaphore(%arg17 : memref<!tpu.dma_semaphore, #tpu.memory_space<semaphore_mem>>) src(%dma_wait3A_414 : memref<500000x16xi32, #tpu.memory_space<hbm>>) dst(%dma_wait3A_409 : memref<128x16xi32, #tpu.memory_space<vmem>>)
      %dma_wait3A_415 = arith.constant 256 : i32
      %dma_wait3A_416 = arith.constant 0 : i32
      %dma_wait3A_417 = tpu.memref_slice %arg11[%dma_wait3A_415, %dma_wait3A_416] : memref<512x16xi32, #tpu.memory_space<vmem>> -> memref<128x16xi32, #tpu.memory_space<vmem>>
      %dma_wait3A_418 = arith.constant 768 : i32
      %dma_wait3A_419 = tpu.memref_slice %arg9[%dma_wait3A_418] : memref<1024xi32, #tpu.memory_space<vmem>> -> memref<128xi32, #tpu.memory_space<vmem>>
      %dma_wait3A_420 = arith.constant 0 : i32
      %dma_wait3A_421 = arith.constant 0 : i32
      %dma_wait3A_422 = tpu.memref_slice %arg3[%dma_wait3A_420, %dma_wait3A_421] : memref<500000x16xi32, #tpu.memory_space<hbm>> -> memref<500000x16xi32, #tpu.memory_space<hbm>>
      tpu.wait_indirect_dma semaphore(%arg17 : memref<!tpu.dma_semaphore, #tpu.memory_space<semaphore_mem>>) src(%dma_wait3A_422 : memref<500000x16xi32, #tpu.memory_space<hbm>>) dst(%dma_wait3A_417 : memref<128x16xi32, #tpu.memory_space<vmem>>)
      %dma_wait3A_423 = arith.constant 384 : i32
      %dma_wait3A_424 = arith.constant 0 : i32
      %dma_wait3A_425 = tpu.memref_slice %arg11[%dma_wait3A_423, %dma_wait3A_424] : memref<512x16xi32, #tpu.memory_space<vmem>> -> memref<128x16xi32, #tpu.memory_space<vmem>>
      %dma_wait3A_426 = arith.constant 896 : i32
      %dma_wait3A_427 = tpu.memref_slice %arg9[%dma_wait3A_426] : memref<1024xi32, #tpu.memory_space<vmem>> -> memref<128xi32, #tpu.memory_space<vmem>>
      %dma_wait3A_428 = arith.constant 0 : i32
      %dma_wait3A_429 = arith.constant 0 : i32
      %dma_wait3A_430 = tpu.memref_slice %arg3[%dma_wait3A_428, %dma_wait3A_429] : memref<500000x16xi32, #tpu.memory_space<hbm>> -> memref<500000x16xi32, #tpu.memory_space<hbm>>
      tpu.wait_indirect_dma semaphore(%arg17 : memref<!tpu.dma_semaphore, #tpu.memory_space<semaphore_mem>>) src(%dma_wait3A_430 : memref<500000x16xi32, #tpu.memory_space<hbm>>) dst(%dma_wait3A_425 : memref<128x16xi32, #tpu.memory_space<vmem>>)
      %dma_wait3A_431 = arith.constant 0 : i32
      %dma_wait3A_432 = arith.constant 0 : i32
      %dma_wait3A_433 = tpu.memref_slice %arg13[%dma_wait3A_431, %dma_wait3A_432] : memref<512x16xf32, #tpu.memory_space<vmem>> -> memref<128x16xf32, #tpu.memory_space<vmem>>
      %dma_wait3A_434 = arith.constant 512 : i32
      %dma_wait3A_435 = tpu.memref_slice %arg8[%dma_wait3A_434] : memref<1024xi32, #tpu.memory_space<vmem>> -> memref<128xi32, #tpu.memory_space<vmem>>
      %dma_wait3A_436 = arith.constant 0 : i32
      %dma_wait3A_437 = arith.constant 0 : i32
      %dma_wait3A_438 = tpu.memref_slice %arg4[%dma_wait3A_436, %dma_wait3A_437] : memref<62500x16xf32, #tpu.memory_space<hbm>> -> memref<62500x16xf32, #tpu.memory_space<hbm>>
      tpu.wait_indirect_dma semaphore(%arg17 : memref<!tpu.dma_semaphore, #tpu.memory_space<semaphore_mem>>) src(%dma_wait3A_438 : memref<62500x16xf32, #tpu.memory_space<hbm>>) dst(%dma_wait3A_433 : memref<128x16xf32, #tpu.memory_space<vmem>>)
      %dma_wait3A_439 = arith.constant 128 : i32
      %dma_wait3A_440 = arith.constant 0 : i32
      %dma_wait3A_441 = tpu.memref_slice %arg13[%dma_wait3A_439, %dma_wait3A_440] : memref<512x16xf32, #tpu.memory_space<vmem>> -> memref<128x16xf32, #tpu.memory_space<vmem>>
      %dma_wait3A_442 = arith.constant 640 : i32
      %dma_wait3A_443 = tpu.memref_slice %arg8[%dma_wait3A_442] : memref<1024xi32, #tpu.memory_space<vmem>> -> memref<128xi32, #tpu.memory_space<vmem>>
      %dma_wait3A_444 = arith.constant 0 : i32
      %dma_wait3A_445 = arith.constant 0 : i32
      %dma_wait3A_446 = tpu.memref_slice %arg4[%dma_wait3A_444, %dma_wait3A_445] : memref<62500x16xf32, #tpu.memory_space<hbm>> -> memref<62500x16xf32, #tpu.memory_space<hbm>>
      tpu.wait_indirect_dma semaphore(%arg17 : memref<!tpu.dma_semaphore, #tpu.memory_space<semaphore_mem>>) src(%dma_wait3A_446 : memref<62500x16xf32, #tpu.memory_space<hbm>>) dst(%dma_wait3A_441 : memref<128x16xf32, #tpu.memory_space<vmem>>)
      %dma_wait3A_447 = arith.constant 256 : i32
      %dma_wait3A_448 = arith.constant 0 : i32
      %dma_wait3A_449 = tpu.memref_slice %arg13[%dma_wait3A_447, %dma_wait3A_448] : memref<512x16xf32, #tpu.memory_space<vmem>> -> memref<128x16xf32, #tpu.memory_space<vmem>>
      %dma_wait3A_450 = arith.constant 768 : i32
      %dma_wait3A_451 = tpu.memref_slice %arg8[%dma_wait3A_450] : memref<1024xi32, #tpu.memory_space<vmem>> -> memref<128xi32, #tpu.memory_space<vmem>>
      %dma_wait3A_452 = arith.constant 0 : i32
      %dma_wait3A_453 = arith.constant 0 : i32
      %dma_wait3A_454 = tpu.memref_slice %arg4[%dma_wait3A_452, %dma_wait3A_453] : memref<62500x16xf32, #tpu.memory_space<hbm>> -> memref<62500x16xf32, #tpu.memory_space<hbm>>
      tpu.wait_indirect_dma semaphore(%arg17 : memref<!tpu.dma_semaphore, #tpu.memory_space<semaphore_mem>>) src(%dma_wait3A_454 : memref<62500x16xf32, #tpu.memory_space<hbm>>) dst(%dma_wait3A_449 : memref<128x16xf32, #tpu.memory_space<vmem>>)
      %dma_wait3A_455 = arith.constant 384 : i32
      %dma_wait3A_456 = arith.constant 0 : i32
      %dma_wait3A_457 = tpu.memref_slice %arg13[%dma_wait3A_455, %dma_wait3A_456] : memref<512x16xf32, #tpu.memory_space<vmem>> -> memref<128x16xf32, #tpu.memory_space<vmem>>
      %dma_wait3A_458 = arith.constant 896 : i32
      %dma_wait3A_459 = tpu.memref_slice %arg8[%dma_wait3A_458] : memref<1024xi32, #tpu.memory_space<vmem>> -> memref<128xi32, #tpu.memory_space<vmem>>
      %dma_wait3A_460 = arith.constant 0 : i32
      %dma_wait3A_461 = arith.constant 0 : i32
      %dma_wait3A_462 = tpu.memref_slice %arg4[%dma_wait3A_460, %dma_wait3A_461] : memref<62500x16xf32, #tpu.memory_space<hbm>> -> memref<62500x16xf32, #tpu.memory_space<hbm>>
      tpu.wait_indirect_dma semaphore(%arg17 : memref<!tpu.dma_semaphore, #tpu.memory_space<semaphore_mem>>) src(%dma_wait3A_462 : memref<62500x16xf32, #tpu.memory_space<hbm>>) dst(%dma_wait3A_457 : memref<128x16xf32, #tpu.memory_space<vmem>>)
      %scan3A_463 = arith.constant 0 : i32
      %scan3A_464 = arith.constant 0 : i32
      %scan3A_465 = arith.constant 64 : i32
      %scan3A_466 = arith.addi %scan3A_464, %scan3A_465 : i32
      %scan3A_467 = arith.constant 1 : i32
      %scan3A_468 = scf.for %scan3A_664 = %scan3A_464 to %scan3A_466 step %scan3A_467 iter_args(%scan3A_665 = %scan3A_463) -> (i32)  : i32 {
        %mul3A_666 = arith.constant 16 : i32
        %mul3A_667 = arith.muli %scan3A_664, %mul3A_666 : i32
        %get3A = arith.index_cast %mul3A_667 : i32 to index
        %get3A_668 = tpu.vector_load %arg7[%get3A] {strides = array<i32>} : memref<1024xi32, #tpu.memory_space<vmem>>, vector<16xi32>,
        %get3A_669 = vector.shape_cast %get3A_668 : vector<16xi32> to vector<16xi32>
        %mul3A_670 = arith.constant 16 : i32
        %mul3A_671 = arith.muli %scan3A_664, %mul3A_670 : i32
        %swap3A = arith.index_cast %mul3A_671 : i32 to index
        %swap3A_672 = tpu.vector_load %arg6[%swap3A] {strides = array<i32>} : memref<1024xi32, #tpu.memory_space<vmem>>, vector<16xi32>,
        %swap3A_673 = vector.shape_cast %swap3A_672 : vector<16xi32> to vector<16xi32>
        %swap3A_674 = vector.shape_cast %get3A_669 : vector<16xi32> to vector<16xi32>
        tpu.vector_store %arg6[%swap3A], %swap3A_674 {strides = array<i32>} : memref<1024xi32, #tpu.memory_space<vmem>>, vector<16xi32>,
        %scan3A_675 = arith.constant 0 : i32
        scf.yield %scan3A_675 : i32
      }
      %scan3A_469 = arith.constant 64 : i32
      %add3A_470 = arith.constant 1 : i32
      %add3A_471 = arith.addi %scan3A_331, %add3A_470 : i32
      %mul3A_472 = arith.constant 2 : i32
      %mul3A_473 = arith.muli %add3A_471, %mul3A_472 : i32
      %mul3A_474 = arith.constant 512 : i32
      %mul3A_475 = arith.muli %mul3A_473, %mul3A_474 : i32
      %add3A_476 = arith.addi %mul3A_2, %mul3A_475 : i32
      %min3A_477 = arith.constant 818176 : i32
      %min3A_478 = arith.minsi %add3A_476, %min3A_477 : i32
      %multiple_of3A_479 = tpu.assume_multiple %min3A_478, 8 : i32
      "tpu.region"() ({
        %run_scoped3A = tpu.sem_alloc : memref<!tpu.dma_semaphore, #tpu.memory_space<semaphore_mem>>
        %dma_start3A_664 = tpu.memref_slice %arg2[%multiple_of3A_479] : memref<819200xi32, #tpu.memory_space<hbm>> -> memref<1024xi32, #tpu.memory_space<hbm>>
        %dma_start3A_665 = tpu.memref_slice %arg2[%multiple_of3A_479] : memref<819200xi32, #tpu.memory_space<hbm>> -> memref<1024xi32, #tpu.memory_space<hbm>>
        tpu.enqueue_dma source(%dma_start3A_665 : memref<1024xi32, #tpu.memory_space<hbm>>) target(%arg7 : memref<1024xi32, #tpu.memory_space<vmem>>) target_semaphore(%run_scoped3A : memref<!tpu.dma_semaphore, #tpu.memory_space<semaphore_mem>>)
        %dma_wait3A_666 = tpu.memref_slice %arg2[%multiple_of3A_479] : memref<819200xi32, #tpu.memory_space<hbm>> -> memref<1024xi32, #tpu.memory_space<hbm>>
        %dma_wait3A_667 = tpu.memref_slice %arg2[%multiple_of3A_479] : memref<819200xi32, #tpu.memory_space<hbm>> -> memref<1024xi32, #tpu.memory_space<hbm>>
        tpu.wait_dma2 semaphore(%run_scoped3A : memref<!tpu.dma_semaphore, #tpu.memory_space<semaphore_mem>>) src(%dma_wait3A_667 : memref<1024xi32, #tpu.memory_space<hbm>>) dst(%arg7 : memref<1024xi32, #tpu.memory_space<vmem>>)
        tpu.yield
      }) : () -> ()
      %scan3A_480 = arith.constant 0 : i32
      %scan3A_481 = arith.constant 0 : i32
      %scan3A_482 = arith.constant 64 : i32
      %scan3A_483 = arith.addi %scan3A_481, %scan3A_482 : i32
      %scan3A_484 = arith.constant 1 : i32
      %scan3A_485 = scf.for %scan3A_664 = %scan3A_481 to %scan3A_483 step %scan3A_484 iter_args(%scan3A_665 = %scan3A_480) -> (i32)  : i32 {
        %mul3A_666 = arith.constant 16 : i32
        %mul3A_667 = arith.muli %scan3A_664, %mul3A_666 : i32
        %get3A = arith.index_cast %mul3A_667 : i32 to index
        %get3A_668 = tpu.vector_load %arg7[%get3A] {strides = array<i32>} : memref<1024xi32, #tpu.memory_space<vmem>>, vector<16xi32>,
        %get3A_669 = vector.shape_cast %get3A_668 : vector<16xi32> to vector<16xi32>
        %shift_right_arithmetic3A_670 = arith.constant 1 : i32
        %shift_right_arithmetic3A_671 = vector.broadcast %shift_right_arithmetic3A_670 : i32 to vector<16xi32>
        %shift_right_arithmetic3A_672 = arith.shrsi %get3A_669, %shift_right_arithmetic3A_671 : vector<16xi32>
        %mul3A_673 = arith.constant 16 : i32
        %mul3A_674 = arith.muli %scan3A_664, %mul3A_673 : i32
        %swap3A = arith.index_cast %mul3A_674 : i32 to index
        %swap3A_675 = tpu.vector_load %arg9[%swap3A] {strides = array<i32>} : memref<1024xi32, #tpu.memory_space<vmem>>, vector<16xi32>,
        %swap3A_676 = vector.shape_cast %swap3A_675 : vector<16xi32> to vector<16xi32>
        %swap3A_677 = vector.shape_cast %shift_right_arithmetic3A_672 : vector<16xi32> to vector<16xi32>
        tpu.vector_store %arg9[%swap3A], %swap3A_677 {strides = array<i32>} : memref<1024xi32, #tpu.memory_space<vmem>>, vector<16xi32>,
        %shift_right_arithmetic3A_678 = arith.constant 4 : i32
        %shift_right_arithmetic3A_679 = vector.broadcast %shift_right_arithmetic3A_678 : i32 to vector<16xi32>
        %shift_right_arithmetic3A_680 = arith.shrsi %get3A_669, %shift_right_arithmetic3A_679 : vector<16xi32>
        %mul3A_681 = arith.constant 16 : i32
        %mul3A_682 = arith.muli %scan3A_664, %mul3A_681 : i32
        %swap3A_683 = arith.index_cast %mul3A_682 : i32 to index
        %swap3A_684 = tpu.vector_load %arg8[%swap3A_683] {strides = array<i32>} : memref<1024xi32, #tpu.memory_space<vmem>>, vector<16xi32>,
        %swap3A_685 = vector.shape_cast %swap3A_684 : vector<16xi32> to vector<16xi32>
        %swap3A_686 = vector.shape_cast %shift_right_arithmetic3A_680 : vector<16xi32> to vector<16xi32>
        tpu.vector_store %arg8[%swap3A_683], %swap3A_686 {strides = array<i32>} : memref<1024xi32, #tpu.memory_space<vmem>>, vector<16xi32>,
        %scan3A_687 = arith.constant 0 : i32
        scf.yield %scan3A_687 : i32
      }
      %scan3A_486 = arith.constant 64 : i32
      %mul3A_487 = arith.constant 512 : i32
      %mul3A_488 = arith.muli %mul3A_334, %mul3A_487 : i32
      %add3A_489 = arith.addi %mul3A_2, %mul3A_488 : i32
      %mul3A_490 = arith.constant 64 : i32
      %mul3A_491 = arith.muli %add3A_489, %mul3A_490 : i32
      %multiple_of3A_492 = tpu.assume_multiple %mul3A_491, 8 : i32
      %dma_wait3A_493 = tpu.memref_slice %arg5[%multiple_of3A_492] : memref<52428800xf32, #tpu.memory_space<hbm>> -> memref<32768xf32, #tpu.memory_space<hbm>>
      %dma_wait3A_494 = tpu.memref_slice %arg5[%multiple_of3A_492] : memref<52428800xf32, #tpu.memory_space<hbm>> -> memref<32768xf32, #tpu.memory_space<hbm>>
      tpu.wait_dma2 semaphore(%arg18 : memref<!tpu.dma_semaphore, #tpu.memory_space<semaphore_mem>>) src(%arg14 : memref<32768xf32, #tpu.memory_space<vmem>>) dst(%dma_wait3A_494 : memref<32768xf32, #tpu.memory_space<hbm>>)
      %scan3A_495 = arith.constant 0 : i32
      %scan3A_496 = arith.constant 0 : i32
      %scan3A_497 = arith.constant 32 : i32
      %scan3A_498 = arith.addi %scan3A_496, %scan3A_497 : i32
      %scan3A_499 = arith.constant 1 : i32
      %scan3A_500 = scf.for %scan3A_664 = %scan3A_496 to %scan3A_498 step %scan3A_499 iter_args(%scan3A_665 = %scan3A_495) -> (i32)  : i32 {
        %mul3A_666 = arith.constant 16 : i32
        %mul3A_667 = arith.muli %scan3A_664, %mul3A_666 : i32
        %add3A_668 = arith.constant 0 : i32
        %add3A_669 = arith.addi %add3A_668, %mul3A_667 : i32
        %get3A = arith.index_cast %add3A_669 : i32 to index
        %get3A_670 = tpu.vector_load %arg6[%get3A] {strides = array<i32>} : memref<1024xi32, #tpu.memory_space<vmem>>, vector<16xi32>,
        %get3A_671 = vector.shape_cast %get3A_670 : vector<16xi32> to vector<16xi32>
        %and3A_672 = arith.constant 15 : i32
        %and3A_673 = vector.broadcast %and3A_672 : i32 to vector<16xi32>
        %and3A_674 = arith.andi %get3A_671, %and3A_673 : vector<16xi32>
        %and3A_675 = arith.constant 1 : i32
        %and3A_676 = vector.broadcast %and3A_675 : i32 to vector<16xi32>
        %and3A_677 = arith.andi %get3A_671, %and3A_676 : vector<16xi32>
        %shift_left3A_678 = arith.constant 3 : i32
        %shift_left3A_679 = vector.broadcast %shift_left3A_678 : i32 to vector<16xi32>
        %shift_left3A_680 = arith.shli %and3A_677, %shift_left3A_679 : vector<16xi32>
        %mul3A_681 = arith.constant 16 : i32
        %mul3A_682 = arith.muli %scan3A_664, %mul3A_681 : i32
        %add3A_683 = arith.constant 0 : i32
        %add3A_684 = arith.addi %mul3A_682, %add3A_683 : i32
        %get3A_685 = arith.index_cast %add3A_684 : i32 to index
        %get3A_686 = arith.constant 0 : index
        %get3A_687 = tpu.vector_load %arg10[%get3A_685, %get3A_686] {strides = array<i32>} : memref<512x16xi32, #tpu.memory_space<vmem>>, vector<1x16xi32>,
        %get3A_688 = vector.shape_cast %get3A_687 : vector<1x16xi32> to vector<16xi32>
        %xor3A = arith.constant -2004318072 : i32
        %xor3A_689 = vector.broadcast %xor3A : i32 to vector<16xi32>
        %xor3A_690 = arith.xori %get3A_688, %xor3A_689 : vector<16xi32>
        %get3A_691 = arith.index_cast %add3A_684 : i32 to index
        %get3A_692 = arith.constant 0 : index
        %get3A_693 = tpu.vector_load %arg12[%get3A_691, %get3A_692] {strides = array<i32>} : memref<512x16xf32, #tpu.memory_space<vmem>>, vector<1x16xf32>,
        %get3A_694 = vector.shape_cast %get3A_693 : vector<1x16xf32> to vector<16xf32>
        %slice3A = vector.extract_strided_slice %and3A_674 {offsets = [0], sizes = [1], strides = [1]} : vector<16xi32> to vector<1xi32>
        %squeeze3A = vector.extract %slice3A[0] : i32 from vector<1xi32>
        %broadcast_in_dim3A = vector.broadcast %squeeze3A : i32 to vector<16xi32>
        %broadcast_in_dim3A_695 = vector.shape_cast %broadcast_in_dim3A : vector<16xi32> to vector<16x1xi32>
        %gather3A = vector.shape_cast %broadcast_in_dim3A_695 : vector<16x1xi32> to vector<16xi32>
        %gather3A_696 = tpu.dynamic_gather %get3A_694[%gather3A] in [0] : vector<16xf32>, vector<16xi32> -> vector<16xf32>
        %slice3A_697 = vector.extract_strided_slice %shift_left3A_680 {offsets = [0], sizes = [1], strides = [1]} : vector<16xi32> to vector<1xi32>
        %squeeze3A_698 = vector.extract %slice3A_697[0] : i32 from vector<1xi32>
        %add3A_699 = vector.broadcast %squeeze3A_698 : i32 to vector<16xi32>
        %add3A_700 = arith.addi %add3A_23, %add3A_699 : vector<16xi32>
        %broadcast_in_dim3A_701 = vector.shape_cast %add3A_700 : vector<16xi32> to vector<16x1xi32>
        %gather3A_702 = vector.shape_cast %broadcast_in_dim3A_701 : vector<16x1xi32> to vector<16xi32>
        %gather3A_703 = tpu.dynamic_gather %xor3A_690[%gather3A_702] in [0] : vector<16xi32>, vector<16xi32> -> vector<16xi32>
        %shift_left3A_704 = arith.shli %gather3A_703, %sub3A_17 : vector<16xi32>
        %shift_right_arithmetic3A_705 = arith.constant 28 : i32
        %shift_right_arithmetic3A_706 = vector.broadcast %shift_right_arithmetic3A_705 : i32 to vector<16xi32>
        %shift_right_arithmetic3A_707 = arith.shrsi %shift_left3A_704, %shift_right_arithmetic3A_706 : vector<16xi32>
        %convert_element_type3A = arith.sitofp %shift_right_arithmetic3A_707 : vector<16xi32> to vector<16xf32>
        %mul3A_708 = arith.mulf %convert_element_type3A, %gather3A_696 : vector<16xf32>
        %mul3A_709 = arith.constant 64 : i32
        %mul3A_710 = arith.muli %add3A_684, %mul3A_709 : i32
        %add3A_711 = arith.constant 0 : i32
        %add3A_712 = arith.addi %mul3A_710, %add3A_711 : i32
        %swap3A = arith.index_cast %add3A_712 : i32 to index
        %swap3A_713 = tpu.vector_load %arg14[%swap3A] {strides = array<i32>} : memref<32768xf32, #tpu.memory_space<vmem>>, vector<16xf32>,
        %swap3A_714 = vector.shape_cast %swap3A_713 : vector<16xf32> to vector<16xf32>
        %swap3A_715 = vector.shape_cast %mul3A_708 : vector<16xf32> to vector<16xf32>
        tpu.vector_store %arg14[%swap3A], %swap3A_715 {strides = array<i32>} : memref<32768xf32, #tpu.memory_space<vmem>>, vector<16xf32>,
        %add3A_716 = vector.broadcast %squeeze3A_698 : i32 to vector<16xi32>
        %add3A_717 = arith.addi %add3A_26, %add3A_716 : vector<16xi32>
        %broadcast_in_dim3A_718 = vector.shape_cast %add3A_717 : vector<16xi32> to vector<16x1xi32>
        %gather3A_719 = vector.shape_cast %broadcast_in_dim3A_718 : vector<16x1xi32> to vector<16xi32>
        %gather3A_720 = tpu.dynamic_gather %xor3A_690[%gather3A_719] in [0] : vector<16xi32>, vector<16xi32> -> vector<16xi32>
        %shift_left3A_721 = arith.shli %gather3A_720, %sub3A_17 : vector<16xi32>
        %shift_right_arithmetic3A_722 = arith.constant 28 : i32
        %shift_right_arithmetic3A_723 = vector.broadcast %shift_right_arithmetic3A_722 : i32 to vector<16xi32>
        %shift_right_arithmetic3A_724 = arith.shrsi %shift_left3A_721, %shift_right_arithmetic3A_723 : vector<16xi32>
        %convert_element_type3A_725 = arith.sitofp %shift_right_arithmetic3A_724 : vector<16xi32> to vector<16xf32>
        %mul3A_726 = arith.mulf %convert_element_type3A_725, %gather3A_696 : vector<16xf32>
        %mul3A_727 = arith.constant 64 : i32
        %mul3A_728 = arith.muli %add3A_684, %mul3A_727 : i32
        %add3A_729 = arith.constant 16 : i32
        %add3A_730 = arith.addi %mul3A_728, %add3A_729 : i32
        %swap3A_731 = arith.index_cast %add3A_730 : i32 to index
        %swap3A_732 = tpu.vector_load %arg14[%swap3A_731] {strides = array<i32>} : memref<32768xf32, #tpu.memory_space<vmem>>, vector<16xf32>,
        %swap3A_733 = vector.shape_cast %swap3A_732 : vector<16xf32> to vector<16xf32>
        %swap3A_734 = vector.shape_cast %mul3A_726 : vector<16xf32> to vector<16xf32>
        tpu.vector_store %arg14[%swap3A_731], %swap3A_734 {strides = array<i32>} : memref<32768xf32, #tpu.memory_space<vmem>>, vector<16xf32>,
        %add3A_735 = vector.broadcast %squeeze3A_698 : i32 to vector<16xi32>
        %add3A_736 = arith.addi %add3A_29, %add3A_735 : vector<16xi32>
        %broadcast_in_dim3A_737 = vector.shape_cast %add3A_736 : vector<16xi32> to vector<16x1xi32>
        %gather3A_738 = vector.shape_cast %broadcast_in_dim3A_737 : vector<16x1xi32> to vector<16xi32>
        %gather3A_739 = tpu.dynamic_gather %xor3A_690[%gather3A_738] in [0] : vector<16xi32>, vector<16xi32> -> vector<16xi32>
        %shift_left3A_740 = arith.shli %gather3A_739, %sub3A_17 : vector<16xi32>
        %shift_right_arithmetic3A_741 = arith.constant 28 : i32
        %shift_right_arithmetic3A_742 = vector.broadcast %shift_right_arithmetic3A_741 : i32 to vector<16xi32>
        %shift_right_arithmetic3A_743 = arith.shrsi %shift_left3A_740, %shift_right_arithmetic3A_742 : vector<16xi32>
        %convert_element_type3A_744 = arith.sitofp %shift_right_arithmetic3A_743 : vector<16xi32> to vector<16xf32>
        %mul3A_745 = arith.mulf %convert_element_type3A_744, %gather3A_696 : vector<16xf32>
        %mul3A_746 = arith.constant 64 : i32
        %mul3A_747 = arith.muli %add3A_684, %mul3A_746 : i32
        %add3A_748 = arith.constant 32 : i32
        %add3A_749 = arith.addi %mul3A_747, %add3A_748 : i32
        %swap3A_750 = arith.index_cast %add3A_749 : i32 to index
        %swap3A_751 = tpu.vector_load %arg14[%swap3A_750] {strides = array<i32>} : memref<32768xf32, #tpu.memory_space<vmem>>, vector<16xf32>,
        %swap3A_752 = vector.shape_cast %swap3A_751 : vector<16xf32> to vector<16xf32>
        %swap3A_753 = vector.shape_cast %mul3A_745 : vector<16xf32> to vector<16xf32>
        tpu.vector_store %arg14[%swap3A_750], %swap3A_753 {strides = array<i32>} : memref<32768xf32, #tpu.memory_space<vmem>>, vector<16xf32>,
        %add3A_754 = vector.broadcast %squeeze3A_698 : i32 to vector<16xi32>
        %add3A_755 = arith.addi %add3A_32, %add3A_754 : vector<16xi32>
        %broadcast_in_dim3A_756 = vector.shape_cast %add3A_755 : vector<16xi32> to vector<16x1xi32>
        %gather3A_757 = vector.shape_cast %broadcast_in_dim3A_756 : vector<16x1xi32> to vector<16xi32>
        %gather3A_758 = tpu.dynamic_gather %xor3A_690[%gather3A_757] in [0] : vector<16xi32>, vector<16xi32> -> vector<16xi32>
        %shift_left3A_759 = arith.shli %gather3A_758, %sub3A_17 : vector<16xi32>
        %shift_right_arithmetic3A_760 = arith.constant 28 : i32
        %shift_right_arithmetic3A_761 = vector.broadcast %shift_right_arithmetic3A_760 : i32 to vector<16xi32>
        %shift_right_arithmetic3A_762 = arith.shrsi %shift_left3A_759, %shift_right_arithmetic3A_761 : vector<16xi32>
        %convert_element_type3A_763 = arith.sitofp %shift_right_arithmetic3A_762 : vector<16xi32> to vector<16xf32>
        %mul3A_764 = arith.mulf %convert_element_type3A_763, %gather3A_696 : vector<16xf32>
        %mul3A_765 = arith.constant 64 : i32
        %mul3A_766 = arith.muli %add3A_684, %mul3A_765 : i32
        %add3A_767 = arith.constant 48 : i32
        %add3A_768 = arith.addi %mul3A_766, %add3A_767 : i32
        %swap3A_769 = arith.index_cast %add3A_768 : i32 to index
        %swap3A_770 = tpu.vector_load %arg14[%swap3A_769] {strides = array<i32>} : memref<32768xf32, #tpu.memory_space<vmem>>, vector<16xf32>,
        %swap3A_771 = vector.shape_cast %swap3A_770 : vector<16xf32> to vector<16xf32>
        %swap3A_772 = vector.shape_cast %mul3A_764 : vector<16xf32> to vector<16xf32>
        tpu.vector_store %arg14[%swap3A_769], %swap3A_772 {strides = array<i32>} : memref<32768xf32, #tpu.memory_space<vmem>>, vector<16xf32>,
        %mul3A_773 = arith.constant 16 : i32
        %mul3A_774 = arith.muli %scan3A_664, %mul3A_773 : i32
        %add3A_775 = arith.constant 1 : i32
        %add3A_776 = arith.addi %mul3A_774, %add3A_775 : i32
        %get3A_777 = arith.index_cast %add3A_776 : i32 to index
        %get3A_778 = arith.constant 0 : index
        %get3A_779 = tpu.vector_load %arg10[%get3A_777, %get3A_778] {strides = array<i32>} : memref<512x16xi32, #tpu.memory_space<vmem>>, vector<1x16xi32>,
        %get3A_780 = vector.shape_cast %get3A_779 : vector<1x16xi32> to vector<16xi32>
        %xor3A_781 = arith.constant -2004318072 : i32
        %xor3A_782 = vector.broadcast %xor3A_781 : i32 to vector<16xi32>
        %xor3A_783 = arith.xori %get3A_780, %xor3A_782 : vector<16xi32>
        %get3A_784 = arith.index_cast %add3A_776 : i32 to index
        %get3A_785 = arith.constant 0 : index
        %get3A_786 = tpu.vector_load %arg12[%get3A_784, %get3A_785] {strides = array<i32>} : memref<512x16xf32, #tpu.memory_space<vmem>>, vector<1x16xf32>,
        %get3A_787 = vector.shape_cast %get3A_786 : vector<1x16xf32> to vector<16xf32>
        %slice3A_788 = vector.extract_strided_slice %and3A_674 {offsets = [1], sizes = [1], strides = [1]} : vector<16xi32> to vector<1xi32>
        %squeeze3A_789 = vector.extract %slice3A_788[0] : i32 from vector<1xi32>
        %broadcast_in_dim3A_790 = vector.broadcast %squeeze3A_789 : i32 to vector<16xi32>
        %broadcast_in_dim3A_791 = vector.shape_cast %broadcast_in_dim3A_790 : vector<16xi32> to vector<16x1xi32>
        %gather3A_792 = vector.shape_cast %broadcast_in_dim3A_791 : vector<16x1xi32> to vector<16xi32>
        %gather3A_793 = tpu.dynamic_gather %get3A_787[%gather3A_792] in [0] : vector<16xf32>, vector<16xi32> -> vector<16xf32>
        %slice3A_794 = vector.extract_strided_slice %shift_left3A_680 {offsets = [1], sizes = [1], strides = [1]} : vector<16xi32> to vector<1xi32>
        %squeeze3A_795 = vector.extract %slice3A_794[0] : i32 from vector<1xi32>
        %add3A_796 = vector.broadcast %squeeze3A_795 : i32 to vector<16xi32>
        %add3A_797 = arith.addi %add3A_23, %add3A_796 : vector<16xi32>
        %broadcast_in_dim3A_798 = vector.shape_cast %add3A_797 : vector<16xi32> to vector<16x1xi32>
        %gather3A_799 = vector.shape_cast %broadcast_in_dim3A_798 : vector<16x1xi32> to vector<16xi32>
        %gather3A_800 = tpu.dynamic_gather %xor3A_783[%gather3A_799] in [0] : vector<16xi32>, vector<16xi32> -> vector<16xi32>
        %shift_left3A_801 = arith.shli %gather3A_800, %sub3A_17 : vector<16xi32>
        %shift_right_arithmetic3A_802 = arith.constant 28 : i32
        %shift_right_arithmetic3A_803 = vector.broadcast %shift_right_arithmetic3A_802 : i32 to vector<16xi32>
        %shift_right_arithmetic3A_804 = arith.shrsi %shift_left3A_801, %shift_right_arithmetic3A_803 : vector<16xi32>
        %convert_element_type3A_805 = arith.sitofp %shift_right_arithmetic3A_804 : vector<16xi32> to vector<16xf32>
        %mul3A_806 = arith.mulf %convert_element_type3A_805, %gather3A_793 : vector<16xf32>
        %mul3A_807 = arith.constant 64 : i32
        %mul3A_808 = arith.muli %add3A_776, %mul3A_807 : i32
        %add3A_809 = arith.constant 0 : i32
        %add3A_810 = arith.addi %mul3A_808, %add3A_809 : i32
        %swap3A_811 = arith.index_cast %add3A_810 : i32 to index
        %swap3A_812 = tpu.vector_load %arg14[%swap3A_811] {strides = array<i32>} : memref<32768xf32, #tpu.memory_space<vmem>>, vector<16xf32>,
        %swap3A_813 = vector.shape_cast %swap3A_812 : vector<16xf32> to vector<16xf32>
        %swap3A_814 = vector.shape_cast %mul3A_806 : vector<16xf32> to vector<16xf32>
        tpu.vector_store %arg14[%swap3A_811], %swap3A_814 {strides = array<i32>} : memref<32768xf32, #tpu.memory_space<vmem>>, vector<16xf32>,
        %add3A_815 = vector.broadcast %squeeze3A_795 : i32 to vector<16xi32>
        %add3A_816 = arith.addi %add3A_26, %add3A_815 : vector<16xi32>
        %broadcast_in_dim3A_817 = vector.shape_cast %add3A_816 : vector<16xi32> to vector<16x1xi32>
        %gather3A_818 = vector.shape_cast %broadcast_in_dim3A_817 : vector<16x1xi32> to vector<16xi32>
        %gather3A_819 = tpu.dynamic_gather %xor3A_783[%gather3A_818] in [0] : vector<16xi32>, vector<16xi32> -> vector<16xi32>
        %shift_left3A_820 = arith.shli %gather3A_819, %sub3A_17 : vector<16xi32>
        %shift_right_arithmetic3A_821 = arith.constant 28 : i32
        %shift_right_arithmetic3A_822 = vector.broadcast %shift_right_arithmetic3A_821 : i32 to vector<16xi32>
        %shift_right_arithmetic3A_823 = arith.shrsi %shift_left3A_820, %shift_right_arithmetic3A_822 : vector<16xi32>
        %convert_element_type3A_824 = arith.sitofp %shift_right_arithmetic3A_823 : vector<16xi32> to vector<16xf32>
        %mul3A_825 = arith.mulf %convert_element_type3A_824, %gather3A_793 : vector<16xf32>
        %mul3A_826 = arith.constant 64 : i32
        %mul3A_827 = arith.muli %add3A_776, %mul3A_826 : i32
        %add3A_828 = arith.constant 16 : i32
        %add3A_829 = arith.addi %mul3A_827, %add3A_828 : i32
        %swap3A_830 = arith.index_cast %add3A_829 : i32 to index
        %swap3A_831 = tpu.vector_load %arg14[%swap3A_830] {strides = array<i32>} : memref<32768xf32, #tpu.memory_space<vmem>>, vector<16xf32>,
        %swap3A_832 = vector.shape_cast %swap3A_831 : vector<16xf32> to vector<16xf32>
        %swap3A_833 = vector.shape_cast %mul3A_825 : vector<16xf32> to vector<16xf32>
        tpu.vector_store %arg14[%swap3A_830], %swap3A_833 {strides = array<i32>} : memref<32768xf32, #tpu.memory_space<vmem>>, vector<16xf32>,
        %add3A_834 = vector.broadcast %squeeze3A_795 : i32 to vector<16xi32>
        %add3A_835 = arith.addi %add3A_29, %add3A_834 : vector<16xi32>
        %broadcast_in_dim3A_836 = vector.shape_cast %add3A_835 : vector<16xi32> to vector<16x1xi32>
        %gather3A_837 = vector.shape_cast %broadcast_in_dim3A_836 : vector<16x1xi32> to vector<16xi32>
        %gather3A_838 = tpu.dynamic_gather %xor3A_783[%gather3A_837] in [0] : vector<16xi32>, vector<16xi32> -> vector<16xi32>
        %shift_left3A_839 = arith.shli %gather3A_838, %sub3A_17 : vector<16xi32>
        %shift_right_arithmetic3A_840 = arith.constant 28 : i32
        %shift_right_arithmetic3A_841 = vector.broadcast %shift_right_arithmetic3A_840 : i32 to vector<16xi32>
        %shift_right_arithmetic3A_842 = arith.shrsi %shift_left3A_839, %shift_right_arithmetic3A_841 : vector<16xi32>
        %convert_element_type3A_843 = arith.sitofp %shift_right_arithmetic3A_842 : vector<16xi32> to vector<16xf32>
        %mul3A_844 = arith.mulf %convert_element_type3A_843, %gather3A_793 : vector<16xf32>
        %mul3A_845 = arith.constant 64 : i32
        %mul3A_846 = arith.muli %add3A_776, %mul3A_845 : i32
        %add3A_847 = arith.constant 32 : i32
        %add3A_848 = arith.addi %mul3A_846, %add3A_847 : i32
        %swap3A_849 = arith.index_cast %add3A_848 : i32 to index
        %swap3A_850 = tpu.vector_load %arg14[%swap3A_849] {strides = array<i32>} : memref<32768xf32, #tpu.memory_space<vmem>>, vector<16xf32>,
        %swap3A_851 = vector.shape_cast %swap3A_850 : vector<16xf32> to vector<16xf32>
        %swap3A_852 = vector.shape_cast %mul3A_844 : vector<16xf32> to vector<16xf32>
        tpu.vector_store %arg14[%swap3A_849], %swap3A_852 {strides = array<i32>} : memref<32768xf32, #tpu.memory_space<vmem>>, vector<16xf32>,
        %add3A_853 = vector.broadcast %squeeze3A_795 : i32 to vector<16xi32>
        %add3A_854 = arith.addi %add3A_32, %add3A_853 : vector<16xi32>
        %broadcast_in_dim3A_855 = vector.shape_cast %add3A_854 : vector<16xi32> to vector<16x1xi32>
        %gather3A_856 = vector.shape_cast %broadcast_in_dim3A_855 : vector<16x1xi32> to vector<16xi32>
        %gather3A_857 = tpu.dynamic_gather %xor3A_783[%gather3A_856] in [0] : vector<16xi32>, vector<16xi32> -> vector<16xi32>
        %shift_left3A_858 = arith.shli %gather3A_857, %sub3A_17 : vector<16xi32>
        %shift_right_arithmetic3A_859 = arith.constant 28 : i32
        %shift_right_arithmetic3A_860 = vector.broadcast %shift_right_arithmetic3A_859 : i32 to vector<16xi32>
        %shift_right_arithmetic3A_861 = arith.shrsi %shift_left3A_858, %shift_right_arithmetic3A_860 : vector<16xi32>
        %convert_element_type3A_862 = arith.sitofp %shift_right_arithmetic3A_861 : vector<16xi32> to vector<16xf32>
        %mul3A_863 = arith.mulf %convert_element_type3A_862, %gather3A_793 : vector<16xf32>
        %mul3A_864 = arith.constant 64 : i32
        %mul3A_865 = arith.muli %add3A_776, %mul3A_864 : i32
        %add3A_866 = arith.constant 48 : i32
        %add3A_867 = arith.addi %mul3A_865, %add3A_866 : i32
        %swap3A_868 = arith.index_cast %add3A_867 : i32 to index
        %swap3A_869 = tpu.vector_load %arg14[%swap3A_868] {strides = array<i32>} : memref<32768xf32, #tpu.memory_space<vmem>>, vector<16xf32>,
        %swap3A_870 = vector.shape_cast %swap3A_869 : vector<16xf32> to vector<16xf32>
        %swap3A_871 = vector.shape_cast %mul3A_863 : vector<16xf32> to vector<16xf32>
        tpu.vector_store %arg14[%swap3A_868], %swap3A_871 {strides = array<i32>} : memref<32768xf32, #tpu.memory_space<vmem>>, vector<16xf32>,
        %mul3A_872 = arith.constant 16 : i32
        %mul3A_873 = arith.muli %scan3A_664, %mul3A_872 : i32
        %add3A_874 = arith.constant 2 : i32
        %add3A_875 = arith.addi %mul3A_873, %add3A_874 : i32
        %get3A_876 = arith.index_cast %add3A_875 : i32 to index
        %get3A_877 = arith.constant 0 : index
        %get3A_878 = tpu.vector_load %arg10[%get3A_876, %get3A_877] {strides = array<i32>} : memref<512x16xi32, #tpu.memory_space<vmem>>, vector<1x16xi32>,
        %get3A_879 = vector.shape_cast %get3A_878 : vector<1x16xi32> to vector<16xi32>
        %xor3A_880 = arith.constant -2004318072 : i32
        %xor3A_881 = vector.broadcast %xor3A_880 : i32 to vector<16xi32>
        %xor3A_882 = arith.xori %get3A_879, %xor3A_881 : vector<16xi32>
        %get3A_883 = arith.index_cast %add3A_875 : i32 to index
        %get3A_884 = arith.constant 0 : index
        %get3A_885 = tpu.vector_load %arg12[%get3A_883, %get3A_884] {strides = array<i32>} : memref<512x16xf32, #tpu.memory_space<vmem>>, vector<1x16xf32>,
        %get3A_886 = vector.shape_cast %get3A_885 : vector<1x16xf32> to vector<16xf32>
        %slice3A_887 = vector.extract_strided_slice %and3A_674 {offsets = [2], sizes = [1], strides = [1]} : vector<16xi32> to vector<1xi32>
        %squeeze3A_888 = vector.extract %slice3A_887[0] : i32 from vector<1xi32>
        %broadcast_in_dim3A_889 = vector.broadcast %squeeze3A_888 : i32 to vector<16xi32>
        %broadcast_in_dim3A_890 = vector.shape_cast %broadcast_in_dim3A_889 : vector<16xi32> to vector<16x1xi32>
        %gather3A_891 = vector.shape_cast %broadcast_in_dim3A_890 : vector<16x1xi32> to vector<16xi32>
        %gather3A_892 = tpu.dynamic_gather %get3A_886[%gather3A_891] in [0] : vector<16xf32>, vector<16xi32> -> vector<16xf32>
        %slice3A_893 = vector.extract_strided_slice %shift_left3A_680 {offsets = [2], sizes = [1], strides = [1]} : vector<16xi32> to vector<1xi32>
        %squeeze3A_894 = vector.extract %slice3A_893[0] : i32 from vector<1xi32>
        %add3A_895 = vector.broadcast %squeeze3A_894 : i32 to vector<16xi32>
        %add3A_896 = arith.addi %add3A_23, %add3A_895 : vector<16xi32>
        %broadcast_in_dim3A_897 = vector.shape_cast %add3A_896 : vector<16xi32> to vector<16x1xi32>
        %gather3A_898 = vector.shape_cast %broadcast_in_dim3A_897 : vector<16x1xi32> to vector<16xi32>
        %gather3A_899 = tpu.dynamic_gather %xor3A_882[%gather3A_898] in [0] : vector<16xi32>, vector<16xi32> -> vector<16xi32>
        %shift_left3A_900 = arith.shli %gather3A_899, %sub3A_17 : vector<16xi32>
        %shift_right_arithmetic3A_901 = arith.constant 28 : i32
        %shift_right_arithmetic3A_902 = vector.broadcast %shift_right_arithmetic3A_901 : i32 to vector<16xi32>
        %shift_right_arithmetic3A_903 = arith.shrsi %shift_left3A_900, %shift_right_arithmetic3A_902 : vector<16xi32>
        %convert_element_type3A_904 = arith.sitofp %shift_right_arithmetic3A_903 : vector<16xi32> to vector<16xf32>
        %mul3A_905 = arith.mulf %convert_element_type3A_904, %gather3A_892 : vector<16xf32>
        %mul3A_906 = arith.constant 64 : i32
        %mul3A_907 = arith.muli %add3A_875, %mul3A_906 : i32
        %add3A_908 = arith.constant 0 : i32
        %add3A_909 = arith.addi %mul3A_907, %add3A_908 : i32
        %swap3A_910 = arith.index_cast %add3A_909 : i32 to index
        %swap3A_911 = tpu.vector_load %arg14[%swap3A_910] {strides = array<i32>} : memref<32768xf32, #tpu.memory_space<vmem>>, vector<16xf32>,
        %swap3A_912 = vector.shape_cast %swap3A_911 : vector<16xf32> to vector<16xf32>
        %swap3A_913 = vector.shape_cast %mul3A_905 : vector<16xf32> to vector<16xf32>
        tpu.vector_store %arg14[%swap3A_910], %swap3A_913 {strides = array<i32>} : memref<32768xf32, #tpu.memory_space<vmem>>, vector<16xf32>,
        %add3A_914 = vector.broadcast %squeeze3A_894 : i32 to vector<16xi32>
        %add3A_915 = arith.addi %add3A_26, %add3A_914 : vector<16xi32>
        %broadcast_in_dim3A_916 = vector.shape_cast %add3A_915 : vector<16xi32> to vector<16x1xi32>
        %gather3A_917 = vector.shape_cast %broadcast_in_dim3A_916 : vector<16x1xi32> to vector<16xi32>
        %gather3A_918 = tpu.dynamic_gather %xor3A_882[%gather3A_917] in [0] : vector<16xi32>, vector<16xi32> -> vector<16xi32>
        %shift_left3A_919 = arith.shli %gather3A_918, %sub3A_17 : vector<16xi32>
        %shift_right_arithmetic3A_920 = arith.constant 28 : i32
        %shift_right_arithmetic3A_921 = vector.broadcast %shift_right_arithmetic3A_920 : i32 to vector<16xi32>
        %shift_right_arithmetic3A_922 = arith.shrsi %shift_left3A_919, %shift_right_arithmetic3A_921 : vector<16xi32>
        %convert_element_type3A_923 = arith.sitofp %shift_right_arithmetic3A_922 : vector<16xi32> to vector<16xf32>
        %mul3A_924 = arith.mulf %convert_element_type3A_923, %gather3A_892 : vector<16xf32>
        %mul3A_925 = arith.constant 64 : i32
        %mul3A_926 = arith.muli %add3A_875, %mul3A_925 : i32
        %add3A_927 = arith.constant 16 : i32
        %add3A_928 = arith.addi %mul3A_926, %add3A_927 : i32
        %swap3A_929 = arith.index_cast %add3A_928 : i32 to index
        %swap3A_930 = tpu.vector_load %arg14[%swap3A_929] {strides = array<i32>} : memref<32768xf32, #tpu.memory_space<vmem>>, vector<16xf32>,
        %swap3A_931 = vector.shape_cast %swap3A_930 : vector<16xf32> to vector<16xf32>
        %swap3A_932 = vector.shape_cast %mul3A_924 : vector<16xf32> to vector<16xf32>
        tpu.vector_store %arg14[%swap3A_929], %swap3A_932 {strides = array<i32>} : memref<32768xf32, #tpu.memory_space<vmem>>, vector<16xf32>,
        %add3A_933 = vector.broadcast %squeeze3A_894 : i32 to vector<16xi32>
        %add3A_934 = arith.addi %add3A_29, %add3A_933 : vector<16xi32>
        %broadcast_in_dim3A_935 = vector.shape_cast %add3A_934 : vector<16xi32> to vector<16x1xi32>
        %gather3A_936 = vector.shape_cast %broadcast_in_dim3A_935 : vector<16x1xi32> to vector<16xi32>
        %gather3A_937 = tpu.dynamic_gather %xor3A_882[%gather3A_936] in [0] : vector<16xi32>, vector<16xi32> -> vector<16xi32>
        %shift_left3A_938 = arith.shli %gather3A_937, %sub3A_17 : vector<16xi32>
        %shift_right_arithmetic3A_939 = arith.constant 28 : i32
        %shift_right_arithmetic3A_940 = vector.broadcast %shift_right_arithmetic3A_939 : i32 to vector<16xi32>
        %shift_right_arithmetic3A_941 = arith.shrsi %shift_left3A_938, %shift_right_arithmetic3A_940 : vector<16xi32>
        %convert_element_type3A_942 = arith.sitofp %shift_right_arithmetic3A_941 : vector<16xi32> to vector<16xf32>
        %mul3A_943 = arith.mulf %convert_element_type3A_942, %gather3A_892 : vector<16xf32>
        %mul3A_944 = arith.constant 64 : i32
        %mul3A_945 = arith.muli %add3A_875, %mul3A_944 : i32
        %add3A_946 = arith.constant 32 : i32
        %add3A_947 = arith.addi %mul3A_945, %add3A_946 : i32
        %swap3A_948 = arith.index_cast %add3A_947 : i32 to index
        %swap3A_949 = tpu.vector_load %arg14[%swap3A_948] {strides = array<i32>} : memref<32768xf32, #tpu.memory_space<vmem>>, vector<16xf32>,
        %swap3A_950 = vector.shape_cast %swap3A_949 : vector<16xf32> to vector<16xf32>
        %swap3A_951 = vector.shape_cast %mul3A_943 : vector<16xf32> to vector<16xf32>
        tpu.vector_store %arg14[%swap3A_948], %swap3A_951 {strides = array<i32>} : memref<32768xf32, #tpu.memory_space<vmem>>, vector<16xf32>,
        %add3A_952 = vector.broadcast %squeeze3A_894 : i32 to vector<16xi32>
        %add3A_953 = arith.addi %add3A_32, %add3A_952 : vector<16xi32>
        %broadcast_in_dim3A_954 = vector.shape_cast %add3A_953 : vector<16xi32> to vector<16x1xi32>
        %gather3A_955 = vector.shape_cast %broadcast_in_dim3A_954 : vector<16x1xi32> to vector<16xi32>
        %gather3A_956 = tpu.dynamic_gather %xor3A_882[%gather3A_955] in [0] : vector<16xi32>, vector<16xi32> -> vector<16xi32>
        %shift_left3A_957 = arith.shli %gather3A_956, %sub3A_17 : vector<16xi32>
        %shift_right_arithmetic3A_958 = arith.constant 28 : i32
        %shift_right_arithmetic3A_959 = vector.broadcast %shift_right_arithmetic3A_958 : i32 to vector<16xi32>
        %shift_right_arithmetic3A_960 = arith.shrsi %shift_left3A_957, %shift_right_arithmetic3A_959 : vector<16xi32>
        %convert_element_type3A_961 = arith.sitofp %shift_right_arithmetic3A_960 : vector<16xi32> to vector<16xf32>
        %mul3A_962 = arith.mulf %convert_element_type3A_961, %gather3A_892 : vector<16xf32>
        %mul3A_963 = arith.constant 64 : i32
        %mul3A_964 = arith.muli %add3A_875, %mul3A_963 : i32
        %add3A_965 = arith.constant 48 : i32
        %add3A_966 = arith.addi %mul3A_964, %add3A_965 : i32
        %swap3A_967 = arith.index_cast %add3A_966 : i32 to index
        %swap3A_968 = tpu.vector_load %arg14[%swap3A_967] {strides = array<i32>} : memref<32768xf32, #tpu.memory_space<vmem>>, vector<16xf32>,
        %swap3A_969 = vector.shape_cast %swap3A_968 : vector<16xf32> to vector<16xf32>
        %swap3A_970 = vector.shape_cast %mul3A_962 : vector<16xf32> to vector<16xf32>
        tpu.vector_store %arg14[%swap3A_967], %swap3A_970 {strides = array<i32>} : memref<32768xf32, #tpu.memory_space<vmem>>, vector<16xf32>,
        %mul3A_971 = arith.constant 16 : i32
        %mul3A_972 = arith.muli %scan3A_664, %mul3A_971 : i32
        %add3A_973 = arith.constant 3 : i32
        %add3A_974 = arith.addi %mul3A_972, %add3A_973 : i32
        %get3A_975 = arith.index_cast %add3A_974 : i32 to index
        %get3A_976 = arith.constant 0 : index
        %get3A_977 = tpu.vector_load %arg10[%get3A_975, %get3A_976] {strides = array<i32>} : memref<512x16xi32, #tpu.memory_space<vmem>>, vector<1x16xi32>,
        %get3A_978 = vector.shape_cast %get3A_977 : vector<1x16xi32> to vector<16xi32>
        %xor3A_979 = arith.constant -2004318072 : i32
        %xor3A_980 = vector.broadcast %xor3A_979 : i32 to vector<16xi32>
        %xor3A_981 = arith.xori %get3A_978, %xor3A_980 : vector<16xi32>
        %get3A_982 = arith.index_cast %add3A_974 : i32 to index
        %get3A_983 = arith.constant 0 : index
        %get3A_984 = tpu.vector_load %arg12[%get3A_982, %get3A_983] {strides = array<i32>} : memref<512x16xf32, #tpu.memory_space<vmem>>, vector<1x16xf32>,
        %get3A_985 = vector.shape_cast %get3A_984 : vector<1x16xf32> to vector<16xf32>
        %slice3A_986 = vector.extract_strided_slice %and3A_674 {offsets = [3], sizes = [1], strides = [1]} : vector<16xi32> to vector<1xi32>
        %squeeze3A_987 = vector.extract %slice3A_986[0] : i32 from vector<1xi32>
        %broadcast_in_dim3A_988 = vector.broadcast %squeeze3A_987 : i32 to vector<16xi32>
        %broadcast_in_dim3A_989 = vector.shape_cast %broadcast_in_dim3A_988 : vector<16xi32> to vector<16x1xi32>
        %gather3A_990 = vector.shape_cast %broadcast_in_dim3A_989 : vector<16x1xi32> to vector<16xi32>
        %gather3A_991 = tpu.dynamic_gather %get3A_985[%gather3A_990] in [0] : vector<16xf32>, vector<16xi32> -> vector<16xf32>
        %slice3A_992 = vector.extract_strided_slice %shift_left3A_680 {offsets = [3], sizes = [1], strides = [1]} : vector<16xi32> to vector<1xi32>
        %squeeze3A_993 = vector.extract %slice3A_992[0] : i32 from vector<1xi32>
        %add3A_994 = vector.broadcast %squeeze3A_993 : i32 to vector<16xi32>
        %add3A_995 = arith.addi %add3A_23, %add3A_994 : vector<16xi32>
        %broadcast_in_dim3A_996 = vector.shape_cast %add3A_995 : vector<16xi32> to vector<16x1xi32>
        %gather3A_997 = vector.shape_cast %broadcast_in_dim3A_996 : vector<16x1xi32> to vector<16xi32>
        %gather3A_998 = tpu.dynamic_gather %xor3A_981[%gather3A_997] in [0] : vector<16xi32>, vector<16xi32> -> vector<16xi32>
        %shift_left3A_999 = arith.shli %gather3A_998, %sub3A_17 : vector<16xi32>
        %shift_right_arithmetic3A_1000 = arith.constant 28 : i32
        %shift_right_arithmetic3A_1001 = vector.broadcast %shift_right_arithmetic3A_1000 : i32 to vector<16xi32>
        %shift_right_arithmetic3A_1002 = arith.shrsi %shift_left3A_999, %shift_right_arithmetic3A_1001 : vector<16xi32>
        %convert_element_type3A_1003 = arith.sitofp %shift_right_arithmetic3A_1002 : vector<16xi32> to vector<16xf32>
        %mul3A_1004 = arith.mulf %convert_element_type3A_1003, %gather3A_991 : vector<16xf32>
        %mul3A_1005 = arith.constant 64 : i32
        %mul3A_1006 = arith.muli %add3A_974, %mul3A_1005 : i32
        %add3A_1007 = arith.constant 0 : i32
        %add3A_1008 = arith.addi %mul3A_1006, %add3A_1007 : i32
        %swap3A_1009 = arith.index_cast %add3A_1008 : i32 to index
        %swap3A_1010 = tpu.vector_load %arg14[%swap3A_1009] {strides = array<i32>} : memref<32768xf32, #tpu.memory_space<vmem>>, vector<16xf32>,
        %swap3A_1011 = vector.shape_cast %swap3A_1010 : vector<16xf32> to vector<16xf32>
        %swap3A_1012 = vector.shape_cast %mul3A_1004 : vector<16xf32> to vector<16xf32>
        tpu.vector_store %arg14[%swap3A_1009], %swap3A_1012 {strides = array<i32>} : memref<32768xf32, #tpu.memory_space<vmem>>, vector<16xf32>,
        %add3A_1013 = vector.broadcast %squeeze3A_993 : i32 to vector<16xi32>
        %add3A_1014 = arith.addi %add3A_26, %add3A_1013 : vector<16xi32>
        %broadcast_in_dim3A_1015 = vector.shape_cast %add3A_1014 : vector<16xi32> to vector<16x1xi32>
        %gather3A_1016 = vector.shape_cast %broadcast_in_dim3A_1015 : vector<16x1xi32> to vector<16xi32>
        %gather3A_1017 = tpu.dynamic_gather %xor3A_981[%gather3A_1016] in [0] : vector<16xi32>, vector<16xi32> -> vector<16xi32>
        %shift_left3A_1018 = arith.shli %gather3A_1017, %sub3A_17 : vector<16xi32>
        %shift_right_arithmetic3A_1019 = arith.constant 28 : i32
        %shift_right_arithmetic3A_1020 = vector.broadcast %shift_right_arithmetic3A_1019 : i32 to vector<16xi32>
        %shift_right_arithmetic3A_1021 = arith.shrsi %shift_left3A_1018, %shift_right_arithmetic3A_1020 : vector<16xi32>
        %convert_element_type3A_1022 = arith.sitofp %shift_right_arithmetic3A_1021 : vector<16xi32> to vector<16xf32>
        %mul3A_1023 = arith.mulf %convert_element_type3A_1022, %gather3A_991 : vector<16xf32>
        %mul3A_1024 = arith.constant 64 : i32
        %mul3A_1025 = arith.muli %add3A_974, %mul3A_1024 : i32
        %add3A_1026 = arith.constant 16 : i32
        %add3A_1027 = arith.addi %mul3A_1025, %add3A_1026 : i32
        %swap3A_1028 = arith.index_cast %add3A_1027 : i32 to index
        %swap3A_1029 = tpu.vector_load %arg14[%swap3A_1028] {strides = array<i32>} : memref<32768xf32, #tpu.memory_space<vmem>>, vector<16xf32>,
        %swap3A_1030 = vector.shape_cast %swap3A_1029 : vector<16xf32> to vector<16xf32>
        %swap3A_1031 = vector.shape_cast %mul3A_1023 : vector<16xf32> to vector<16xf32>
        tpu.vector_store %arg14[%swap3A_1028], %swap3A_1031 {strides = array<i32>} : memref<32768xf32, #tpu.memory_space<vmem>>, vector<16xf32>,
        %add3A_1032 = vector.broadcast %squeeze3A_993 : i32 to vector<16xi32>
        %add3A_1033 = arith.addi %add3A_29, %add3A_1032 : vector<16xi32>
        %broadcast_in_dim3A_1034 = vector.shape_cast %add3A_1033 : vector<16xi32> to vector<16x1xi32>
        %gather3A_1035 = vector.shape_cast %broadcast_in_dim3A_1034 : vector<16x1xi32> to vector<16xi32>
        %gather3A_1036 = tpu.dynamic_gather %xor3A_981[%gather3A_1035] in [0] : vector<16xi32>, vector<16xi32> -> vector<16xi32>
        %shift_left3A_1037 = arith.shli %gather3A_1036, %sub3A_17 : vector<16xi32>
        %shift_right_arithmetic3A_1038 = arith.constant 28 : i32
        %shift_right_arithmetic3A_1039 = vector.broadcast %shift_right_arithmetic3A_1038 : i32 to vector<16xi32>
        %shift_right_arithmetic3A_1040 = arith.shrsi %shift_left3A_1037, %shift_right_arithmetic3A_1039 : vector<16xi32>
        %convert_element_type3A_1041 = arith.sitofp %shift_right_arithmetic3A_1040 : vector<16xi32> to vector<16xf32>
        %mul3A_1042 = arith.mulf %convert_element_type3A_1041, %gather3A_991 : vector<16xf32>
        %mul3A_1043 = arith.constant 64 : i32
        %mul3A_1044 = arith.muli %add3A_974, %mul3A_1043 : i32
        %add3A_1045 = arith.constant 32 : i32
        %add3A_1046 = arith.addi %mul3A_1044, %add3A_1045 : i32
        %swap3A_1047 = arith.index_cast %add3A_1046 : i32 to index
        %swap3A_1048 = tpu.vector_load %arg14[%swap3A_1047] {strides = array<i32>} : memref<32768xf32, #tpu.memory_space<vmem>>, vector<16xf32>,
        %swap3A_1049 = vector.shape_cast %swap3A_1048 : vector<16xf32> to vector<16xf32>
        %swap3A_1050 = vector.shape_cast %mul3A_1042 : vector<16xf32> to vector<16xf32>
        tpu.vector_store %arg14[%swap3A_1047], %swap3A_1050 {strides = array<i32>} : memref<32768xf32, #tpu.memory_space<vmem>>, vector<16xf32>,
        %add3A_1051 = vector.broadcast %squeeze3A_993 : i32 to vector<16xi32>
        %add3A_1052 = arith.addi %add3A_32, %add3A_1051 : vector<16xi32>
        %broadcast_in_dim3A_1053 = vector.shape_cast %add3A_1052 : vector<16xi32> to vector<16x1xi32>
        %gather3A_1054 = vector.shape_cast %broadcast_in_dim3A_1053 : vector<16x1xi32> to vector<16xi32>
        %gather3A_1055 = tpu.dynamic_gather %xor3A_981[%gather3A_1054] in [0] : vector<16xi32>, vector<16xi32> -> vector<16xi32>
        %shift_left3A_1056 = arith.shli %gather3A_1055, %sub3A_17 : vector<16xi32>
        %shift_right_arithmetic3A_1057 = arith.constant 28 : i32
        %shift_right_arithmetic3A_1058 = vector.broadcast %shift_right_arithmetic3A_1057 : i32 to vector<16xi32>
        %shift_right_arithmetic3A_1059 = arith.shrsi %shift_left3A_1056, %shift_right_arithmetic3A_1058 : vector<16xi32>
        %convert_element_type3A_1060 = arith.sitofp %shift_right_arithmetic3A_1059 : vector<16xi32> to vector<16xf32>
        %mul3A_1061 = arith.mulf %convert_element_type3A_1060, %gather3A_991 : vector<16xf32>
        %mul3A_1062 = arith.constant 64 : i32
        %mul3A_1063 = arith.muli %add3A_974, %mul3A_1062 : i32
        %add3A_1064 = arith.constant 48 : i32
        %add3A_1065 = arith.addi %mul3A_1063, %add3A_1064 : i32
        %swap3A_1066 = arith.index_cast %add3A_1065 : i32 to index
        %swap3A_1067 = tpu.vector_load %arg14[%swap3A_1066] {strides = array<i32>} : memref<32768xf32, #tpu.memory_space<vmem>>, vector<16xf32>,
        %swap3A_1068 = vector.shape_cast %swap3A_1067 : vector<16xf32> to vector<16xf32>
        %swap3A_1069 = vector.shape_cast %mul3A_1061 : vector<16xf32> to vector<16xf32>
        tpu.vector_store %arg14[%swap3A_1066], %swap3A_1069 {strides = array<i32>} : memref<32768xf32, #tpu.memory_space<vmem>>, vector<16xf32>,
        %mul3A_1070 = arith.constant 16 : i32
        %mul3A_1071 = arith.muli %scan3A_664, %mul3A_1070 : i32
        %add3A_1072 = arith.constant 4 : i32
        %add3A_1073 = arith.addi %mul3A_1071, %add3A_1072 : i32
        %get3A_1074 = arith.index_cast %add3A_1073 : i32 to index
        %get3A_1075 = arith.constant 0 : index
        %get3A_1076 = tpu.vector_load %arg10[%get3A_1074, %get3A_1075] {strides = array<i32>} : memref<512x16xi32, #tpu.memory_space<vmem>>, vector<1x16xi32>,
        %get3A_1077 = vector.shape_cast %get3A_1076 : vector<1x16xi32> to vector<16xi32>
        %xor3A_1078 = arith.constant -2004318072 : i32
        %xor3A_1079 = vector.broadcast %xor3A_1078 : i32 to vector<16xi32>
        %xor3A_1080 = arith.xori %get3A_1077, %xor3A_1079 : vector<16xi32>
        %get3A_1081 = arith.index_cast %add3A_1073 : i32 to index
        %get3A_1082 = arith.constant 0 : index
        %get3A_1083 = tpu.vector_load %arg12[%get3A_1081, %get3A_1082] {strides = array<i32>} : memref<512x16xf32, #tpu.memory_space<vmem>>, vector<1x16xf32>,
        %get3A_1084 = vector.shape_cast %get3A_1083 : vector<1x16xf32> to vector<16xf32>
        %slice3A_1085 = vector.extract_strided_slice %and3A_674 {offsets = [4], sizes = [1], strides = [1]} : vector<16xi32> to vector<1xi32>
        %squeeze3A_1086 = vector.extract %slice3A_1085[0] : i32 from vector<1xi32>
        %broadcast_in_dim3A_1087 = vector.broadcast %squeeze3A_1086 : i32 to vector<16xi32>
        %broadcast_in_dim3A_1088 = vector.shape_cast %broadcast_in_dim3A_1087 : vector<16xi32> to vector<16x1xi32>
        %gather3A_1089 = vector.shape_cast %broadcast_in_dim3A_1088 : vector<16x1xi32> to vector<16xi32>
        %gather3A_1090 = tpu.dynamic_gather %get3A_1084[%gather3A_1089] in [0] : vector<16xf32>, vector<16xi32> -> vector<16xf32>
        %slice3A_1091 = vector.extract_strided_slice %shift_left3A_680 {offsets = [4], sizes = [1], strides = [1]} : vector<16xi32> to vector<1xi32>
        %squeeze3A_1092 = vector.extract %slice3A_1091[0] : i32 from vector<1xi32>
        %add3A_1093 = vector.broadcast %squeeze3A_1092 : i32 to vector<16xi32>
        %add3A_1094 = arith.addi %add3A_23, %add3A_1093 : vector<16xi32>
        %broadcast_in_dim3A_1095 = vector.shape_cast %add3A_1094 : vector<16xi32> to vector<16x1xi32>
        %gather3A_1096 = vector.shape_cast %broadcast_in_dim3A_1095 : vector<16x1xi32> to vector<16xi32>
        %gather3A_1097 = tpu.dynamic_gather %xor3A_1080[%gather3A_1096] in [0] : vector<16xi32>, vector<16xi32> -> vector<16xi32>
        %shift_left3A_1098 = arith.shli %gather3A_1097, %sub3A_17 : vector<16xi32>
        %shift_right_arithmetic3A_1099 = arith.constant 28 : i32
        %shift_right_arithmetic3A_1100 = vector.broadcast %shift_right_arithmetic3A_1099 : i32 to vector<16xi32>
        %shift_right_arithmetic3A_1101 = arith.shrsi %shift_left3A_1098, %shift_right_arithmetic3A_1100 : vector<16xi32>
        %convert_element_type3A_1102 = arith.sitofp %shift_right_arithmetic3A_1101 : vector<16xi32> to vector<16xf32>
        %mul3A_1103 = arith.mulf %convert_element_type3A_1102, %gather3A_1090 : vector<16xf32>
        %mul3A_1104 = arith.constant 64 : i32
        %mul3A_1105 = arith.muli %add3A_1073, %mul3A_1104 : i32
        %add3A_1106 = arith.constant 0 : i32
        %add3A_1107 = arith.addi %mul3A_1105, %add3A_1106 : i32
        %swap3A_1108 = arith.index_cast %add3A_1107 : i32 to index
        %swap3A_1109 = tpu.vector_load %arg14[%swap3A_1108] {strides = array<i32>} : memref<32768xf32, #tpu.memory_space<vmem>>, vector<16xf32>,
        %swap3A_1110 = vector.shape_cast %swap3A_1109 : vector<16xf32> to vector<16xf32>
        %swap3A_1111 = vector.shape_cast %mul3A_1103 : vector<16xf32> to vector<16xf32>
        tpu.vector_store %arg14[%swap3A_1108], %swap3A_1111 {strides = array<i32>} : memref<32768xf32, #tpu.memory_space<vmem>>, vector<16xf32>,
        %add3A_1112 = vector.broadcast %squeeze3A_1092 : i32 to vector<16xi32>
        %add3A_1113 = arith.addi %add3A_26, %add3A_1112 : vector<16xi32>
        %broadcast_in_dim3A_1114 = vector.shape_cast %add3A_1113 : vector<16xi32> to vector<16x1xi32>
        %gather3A_1115 = vector.shape_cast %broadcast_in_dim3A_1114 : vector<16x1xi32> to vector<16xi32>
        %gather3A_1116 = tpu.dynamic_gather %xor3A_1080[%gather3A_1115] in [0] : vector<16xi32>, vector<16xi32> -> vector<16xi32>
        %shift_left3A_1117 = arith.shli %gather3A_1116, %sub3A_17 : vector<16xi32>
        %shift_right_arithmetic3A_1118 = arith.constant 28 : i32
        %shift_right_arithmetic3A_1119 = vector.broadcast %shift_right_arithmetic3A_1118 : i32 to vector<16xi32>
        %shift_right_arithmetic3A_1120 = arith.shrsi %shift_left3A_1117, %shift_right_arithmetic3A_1119 : vector<16xi32>
        %convert_element_type3A_1121 = arith.sitofp %shift_right_arithmetic3A_1120 : vector<16xi32> to vector<16xf32>
        %mul3A_1122 = arith.mulf %convert_element_type3A_1121, %gather3A_1090 : vector<16xf32>
        %mul3A_1123 = arith.constant 64 : i32
        %mul3A_1124 = arith.muli %add3A_1073, %mul3A_1123 : i32
        %add3A_1125 = arith.constant 16 : i32
        %add3A_1126 = arith.addi %mul3A_1124, %add3A_1125 : i32
        %swap3A_1127 = arith.index_cast %add3A_1126 : i32 to index
        %swap3A_1128 = tpu.vector_load %arg14[%swap3A_1127] {strides = array<i32>} : memref<32768xf32, #tpu.memory_space<vmem>>, vector<16xf32>,
        %swap3A_1129 = vector.shape_cast %swap3A_1128 : vector<16xf32> to vector<16xf32>
        %swap3A_1130 = vector.shape_cast %mul3A_1122 : vector<16xf32> to vector<16xf32>
        tpu.vector_store %arg14[%swap3A_1127], %swap3A_1130 {strides = array<i32>} : memref<32768xf32, #tpu.memory_space<vmem>>, vector<16xf32>,
        %add3A_1131 = vector.broadcast %squeeze3A_1092 : i32 to vector<16xi32>
        %add3A_1132 = arith.addi %add3A_29, %add3A_1131 : vector<16xi32>
        %broadcast_in_dim3A_1133 = vector.shape_cast %add3A_1132 : vector<16xi32> to vector<16x1xi32>
        %gather3A_1134 = vector.shape_cast %broadcast_in_dim3A_1133 : vector<16x1xi32> to vector<16xi32>
        %gather3A_1135 = tpu.dynamic_gather %xor3A_1080[%gather3A_1134] in [0] : vector<16xi32>, vector<16xi32> -> vector<16xi32>
        %shift_left3A_1136 = arith.shli %gather3A_1135, %sub3A_17 : vector<16xi32>
        %shift_right_arithmetic3A_1137 = arith.constant 28 : i32
        %shift_right_arithmetic3A_1138 = vector.broadcast %shift_right_arithmetic3A_1137 : i32 to vector<16xi32>
        %shift_right_arithmetic3A_1139 = arith.shrsi %shift_left3A_1136, %shift_right_arithmetic3A_1138 : vector<16xi32>
        %convert_element_type3A_1140 = arith.sitofp %shift_right_arithmetic3A_1139 : vector<16xi32> to vector<16xf32>
        %mul3A_1141 = arith.mulf %convert_element_type3A_1140, %gather3A_1090 : vector<16xf32>
        %mul3A_1142 = arith.constant 64 : i32
        %mul3A_1143 = arith.muli %add3A_1073, %mul3A_1142 : i32
        %add3A_1144 = arith.constant 32 : i32
        %add3A_1145 = arith.addi %mul3A_1143, %add3A_1144 : i32
        %swap3A_1146 = arith.index_cast %add3A_1145 : i32 to index
        %swap3A_1147 = tpu.vector_load %arg14[%swap3A_1146] {strides = array<i32>} : memref<32768xf32, #tpu.memory_space<vmem>>, vector<16xf32>,
        %swap3A_1148 = vector.shape_cast %swap3A_1147 : vector<16xf32> to vector<16xf32>
        %swap3A_1149 = vector.shape_cast %mul3A_1141 : vector<16xf32> to vector<16xf32>
        tpu.vector_store %arg14[%swap3A_1146], %swap3A_1149 {strides = array<i32>} : memref<32768xf32, #tpu.memory_space<vmem>>, vector<16xf32>,
        %add3A_1150 = vector.broadcast %squeeze3A_1092 : i32 to vector<16xi32>
        %add3A_1151 = arith.addi %add3A_32, %add3A_1150 : vector<16xi32>
        %broadcast_in_dim3A_1152 = vector.shape_cast %add3A_1151 : vector<16xi32> to vector<16x1xi32>
        %gather3A_1153 = vector.shape_cast %broadcast_in_dim3A_1152 : vector<16x1xi32> to vector<16xi32>
        %gather3A_1154 = tpu.dynamic_gather %xor3A_1080[%gather3A_1153] in [0] : vector<16xi32>, vector<16xi32> -> vector<16xi32>
        %shift_left3A_1155 = arith.shli %gather3A_1154, %sub3A_17 : vector<16xi32>
        %shift_right_arithmetic3A_1156 = arith.constant 28 : i32
        %shift_right_arithmetic3A_1157 = vector.broadcast %shift_right_arithmetic3A_1156 : i32 to vector<16xi32>
        %shift_right_arithmetic3A_1158 = arith.shrsi %shift_left3A_1155, %shift_right_arithmetic3A_1157 : vector<16xi32>
        %convert_element_type3A_1159 = arith.sitofp %shift_right_arithmetic3A_1158 : vector<16xi32> to vector<16xf32>
        %mul3A_1160 = arith.mulf %convert_element_type3A_1159, %gather3A_1090 : vector<16xf32>
        %mul3A_1161 = arith.constant 64 : i32
        %mul3A_1162 = arith.muli %add3A_1073, %mul3A_1161 : i32
        %add3A_1163 = arith.constant 48 : i32
        %add3A_1164 = arith.addi %mul3A_1162, %add3A_1163 : i32
        %swap3A_1165 = arith.index_cast %add3A_1164 : i32 to index
        %swap3A_1166 = tpu.vector_load %arg14[%swap3A_1165] {strides = array<i32>} : memref<32768xf32, #tpu.memory_space<vmem>>, vector<16xf32>,
        %swap3A_1167 = vector.shape_cast %swap3A_1166 : vector<16xf32> to vector<16xf32>
        %swap3A_1168 = vector.shape_cast %mul3A_1160 : vector<16xf32> to vector<16xf32>
        tpu.vector_store %arg14[%swap3A_1165], %swap3A_1168 {strides = array<i32>} : memref<32768xf32, #tpu.memory_space<vmem>>, vector<16xf32>,
        %mul3A_1169 = arith.constant 16 : i32
        %mul3A_1170 = arith.muli %scan3A_664, %mul3A_1169 : i32
        %add3A_1171 = arith.constant 5 : i32
        %add3A_1172 = arith.addi %mul3A_1170, %add3A_1171 : i32
        %get3A_1173 = arith.index_cast %add3A_1172 : i32 to index
        %get3A_1174 = arith.constant 0 : index
        %get3A_1175 = tpu.vector_load %arg10[%get3A_1173, %get3A_1174] {strides = array<i32>} : memref<512x16xi32, #tpu.memory_space<vmem>>, vector<1x16xi32>,
        %get3A_1176 = vector.shape_cast %get3A_1175 : vector<1x16xi32> to vector<16xi32>
        %xor3A_1177 = arith.constant -2004318072 : i32
        %xor3A_1178 = vector.broadcast %xor3A_1177 : i32 to vector<16xi32>
        %xor3A_1179 = arith.xori %get3A_1176, %xor3A_1178 : vector<16xi32>
        %get3A_1180 = arith.index_cast %add3A_1172 : i32 to index
        %get3A_1181 = arith.constant 0 : index
        %get3A_1182 = tpu.vector_load %arg12[%get3A_1180, %get3A_1181] {strides = array<i32>} : memref<512x16xf32, #tpu.memory_space<vmem>>, vector<1x16xf32>,
        %get3A_1183 = vector.shape_cast %get3A_1182 : vector<1x16xf32> to vector<16xf32>
        %slice3A_1184 = vector.extract_strided_slice %and3A_674 {offsets = [5], sizes = [1], strides = [1]} : vector<16xi32> to vector<1xi32>
        %squeeze3A_1185 = vector.extract %slice3A_1184[0] : i32 from vector<1xi32>
        %broadcast_in_dim3A_1186 = vector.broadcast %squeeze3A_1185 : i32 to vector<16xi32>
        %broadcast_in_dim3A_1187 = vector.shape_cast %broadcast_in_dim3A_1186 : vector<16xi32> to vector<16x1xi32>
        %gather3A_1188 = vector.shape_cast %broadcast_in_dim3A_1187 : vector<16x1xi32> to vector<16xi32>
        %gather3A_1189 = tpu.dynamic_gather %get3A_1183[%gather3A_1188] in [0] : vector<16xf32>, vector<16xi32> -> vector<16xf32>
        %slice3A_1190 = vector.extract_strided_slice %shift_left3A_680 {offsets = [5], sizes = [1], strides = [1]} : vector<16xi32> to vector<1xi32>
        %squeeze3A_1191 = vector.extract %slice3A_1190[0] : i32 from vector<1xi32>
        %add3A_1192 = vector.broadcast %squeeze3A_1191 : i32 to vector<16xi32>
        %add3A_1193 = arith.addi %add3A_23, %add3A_1192 : vector<16xi32>
        %broadcast_in_dim3A_1194 = vector.shape_cast %add3A_1193 : vector<16xi32> to vector<16x1xi32>
        %gather3A_1195 = vector.shape_cast %broadcast_in_dim3A_1194 : vector<16x1xi32> to vector<16xi32>
        %gather3A_1196 = tpu.dynamic_gather %xor3A_1179[%gather3A_1195] in [0] : vector<16xi32>, vector<16xi32> -> vector<16xi32>
        %shift_left3A_1197 = arith.shli %gather3A_1196, %sub3A_17 : vector<16xi32>
        %shift_right_arithmetic3A_1198 = arith.constant 28 : i32
        %shift_right_arithmetic3A_1199 = vector.broadcast %shift_right_arithmetic3A_1198 : i32 to vector<16xi32>
        %shift_right_arithmetic3A_1200 = arith.shrsi %shift_left3A_1197, %shift_right_arithmetic3A_1199 : vector<16xi32>
        %convert_element_type3A_1201 = arith.sitofp %shift_right_arithmetic3A_1200 : vector<16xi32> to vector<16xf32>
        %mul3A_1202 = arith.mulf %convert_element_type3A_1201, %gather3A_1189 : vector<16xf32>
        %mul3A_1203 = arith.constant 64 : i32
        %mul3A_1204 = arith.muli %add3A_1172, %mul3A_1203 : i32
        %add3A_1205 = arith.constant 0 : i32
        %add3A_1206 = arith.addi %mul3A_1204, %add3A_1205 : i32
        %swap3A_1207 = arith.index_cast %add3A_1206 : i32 to index
        %swap3A_1208 = tpu.vector_load %arg14[%swap3A_1207] {strides = array<i32>} : memref<32768xf32, #tpu.memory_space<vmem>>, vector<16xf32>,
        %swap3A_1209 = vector.shape_cast %swap3A_1208 : vector<16xf32> to vector<16xf32>
        %swap3A_1210 = vector.shape_cast %mul3A_1202 : vector<16xf32> to vector<16xf32>
        tpu.vector_store %arg14[%swap3A_1207], %swap3A_1210 {strides = array<i32>} : memref<32768xf32, #tpu.memory_space<vmem>>, vector<16xf32>,
        %add3A_1211 = vector.broadcast %squeeze3A_1191 : i32 to vector<16xi32>
        %add3A_1212 = arith.addi %add3A_26, %add3A_1211 : vector<16xi32>
        %broadcast_in_dim3A_1213 = vector.shape_cast %add3A_1212 : vector<16xi32> to vector<16x1xi32>
        %gather3A_1214 = vector.shape_cast %broadcast_in_dim3A_1213 : vector<16x1xi32> to vector<16xi32>
        %gather3A_1215 = tpu.dynamic_gather %xor3A_1179[%gather3A_1214] in [0] : vector<16xi32>, vector<16xi32> -> vector<16xi32>
        %shift_left3A_1216 = arith.shli %gather3A_1215, %sub3A_17 : vector<16xi32>
        %shift_right_arithmetic3A_1217 = arith.constant 28 : i32
        %shift_right_arithmetic3A_1218 = vector.broadcast %shift_right_arithmetic3A_1217 : i32 to vector<16xi32>
        %shift_right_arithmetic3A_1219 = arith.shrsi %shift_left3A_1216, %shift_right_arithmetic3A_1218 : vector<16xi32>
        %convert_element_type3A_1220 = arith.sitofp %shift_right_arithmetic3A_1219 : vector<16xi32> to vector<16xf32>
        %mul3A_1221 = arith.mulf %convert_element_type3A_1220, %gather3A_1189 : vector<16xf32>
        %mul3A_1222 = arith.constant 64 : i32
        %mul3A_1223 = arith.muli %add3A_1172, %mul3A_1222 : i32
        %add3A_1224 = arith.constant 16 : i32
        %add3A_1225 = arith.addi %mul3A_1223, %add3A_1224 : i32
        %swap3A_1226 = arith.index_cast %add3A_1225 : i32 to index
        %swap3A_1227 = tpu.vector_load %arg14[%swap3A_1226] {strides = array<i32>} : memref<32768xf32, #tpu.memory_space<vmem>>, vector<16xf32>,
        %swap3A_1228 = vector.shape_cast %swap3A_1227 : vector<16xf32> to vector<16xf32>
        %swap3A_1229 = vector.shape_cast %mul3A_1221 : vector<16xf32> to vector<16xf32>
        tpu.vector_store %arg14[%swap3A_1226], %swap3A_1229 {strides = array<i32>} : memref<32768xf32, #tpu.memory_space<vmem>>, vector<16xf32>,
        %add3A_1230 = vector.broadcast %squeeze3A_1191 : i32 to vector<16xi32>
        %add3A_1231 = arith.addi %add3A_29, %add3A_1230 : vector<16xi32>
        %broadcast_in_dim3A_1232 = vector.shape_cast %add3A_1231 : vector<16xi32> to vector<16x1xi32>
        %gather3A_1233 = vector.shape_cast %broadcast_in_dim3A_1232 : vector<16x1xi32> to vector<16xi32>
        %gather3A_1234 = tpu.dynamic_gather %xor3A_1179[%gather3A_1233] in [0] : vector<16xi32>, vector<16xi32> -> vector<16xi32>
        %shift_left3A_1235 = arith.shli %gather3A_1234, %sub3A_17 : vector<16xi32>
        %shift_right_arithmetic3A_1236 = arith.constant 28 : i32
        %shift_right_arithmetic3A_1237 = vector.broadcast %shift_right_arithmetic3A_1236 : i32 to vector<16xi32>
        %shift_right_arithmetic3A_1238 = arith.shrsi %shift_left3A_1235, %shift_right_arithmetic3A_1237 : vector<16xi32>
        %convert_element_type3A_1239 = arith.sitofp %shift_right_arithmetic3A_1238 : vector<16xi32> to vector<16xf32>
        %mul3A_1240 = arith.mulf %convert_element_type3A_1239, %gather3A_1189 : vector<16xf32>
        %mul3A_1241 = arith.constant 64 : i32
        %mul3A_1242 = arith.muli %add3A_1172, %mul3A_1241 : i32
        %add3A_1243 = arith.constant 32 : i32
        %add3A_1244 = arith.addi %mul3A_1242, %add3A_1243 : i32
        %swap3A_1245 = arith.index_cast %add3A_1244 : i32 to index
        %swap3A_1246 = tpu.vector_load %arg14[%swap3A_1245] {strides = array<i32>} : memref<32768xf32, #tpu.memory_space<vmem>>, vector<16xf32>,
        %swap3A_1247 = vector.shape_cast %swap3A_1246 : vector<16xf32> to vector<16xf32>
        %swap3A_1248 = vector.shape_cast %mul3A_1240 : vector<16xf32> to vector<16xf32>
        tpu.vector_store %arg14[%swap3A_1245], %swap3A_1248 {strides = array<i32>} : memref<32768xf32, #tpu.memory_space<vmem>>, vector<16xf32>,
        %add3A_1249 = vector.broadcast %squeeze3A_1191 : i32 to vector<16xi32>
        %add3A_1250 = arith.addi %add3A_32, %add3A_1249 : vector<16xi32>
        %broadcast_in_dim3A_1251 = vector.shape_cast %add3A_1250 : vector<16xi32> to vector<16x1xi32>
        %gather3A_1252 = vector.shape_cast %broadcast_in_dim3A_1251 : vector<16x1xi32> to vector<16xi32>
        %gather3A_1253 = tpu.dynamic_gather %xor3A_1179[%gather3A_1252] in [0] : vector<16xi32>, vector<16xi32> -> vector<16xi32>
        %shift_left3A_1254 = arith.shli %gather3A_1253, %sub3A_17 : vector<16xi32>
        %shift_right_arithmetic3A_1255 = arith.constant 28 : i32
        %shift_right_arithmetic3A_1256 = vector.broadcast %shift_right_arithmetic3A_1255 : i32 to vector<16xi32>
        %shift_right_arithmetic3A_1257 = arith.shrsi %shift_left3A_1254, %shift_right_arithmetic3A_1256 : vector<16xi32>
        %convert_element_type3A_1258 = arith.sitofp %shift_right_arithmetic3A_1257 : vector<16xi32> to vector<16xf32>
        %mul3A_1259 = arith.mulf %convert_element_type3A_1258, %gather3A_1189 : vector<16xf32>
        %mul3A_1260 = arith.constant 64 : i32
        %mul3A_1261 = arith.muli %add3A_1172, %mul3A_1260 : i32
        %add3A_1262 = arith.constant 48 : i32
        %add3A_1263 = arith.addi %mul3A_1261, %add3A_1262 : i32
        %swap3A_1264 = arith.index_cast %add3A_1263 : i32 to index
        %swap3A_1265 = tpu.vector_load %arg14[%swap3A_1264] {strides = array<i32>} : memref<32768xf32, #tpu.memory_space<vmem>>, vector<16xf32>,
        %swap3A_1266 = vector.shape_cast %swap3A_1265 : vector<16xf32> to vector<16xf32>
        %swap3A_1267 = vector.shape_cast %mul3A_1259 : vector<16xf32> to vector<16xf32>
        tpu.vector_store %arg14[%swap3A_1264], %swap3A_1267 {strides = array<i32>} : memref<32768xf32, #tpu.memory_space<vmem>>, vector<16xf32>,
        %mul3A_1268 = arith.constant 16 : i32
        %mul3A_1269 = arith.muli %scan3A_664, %mul3A_1268 : i32
        %add3A_1270 = arith.constant 6 : i32
        %add3A_1271 = arith.addi %mul3A_1269, %add3A_1270 : i32
        %get3A_1272 = arith.index_cast %add3A_1271 : i32 to index
        %get3A_1273 = arith.constant 0 : index
        %get3A_1274 = tpu.vector_load %arg10[%get3A_1272, %get3A_1273] {strides = array<i32>} : memref<512x16xi32, #tpu.memory_space<vmem>>, vector<1x16xi32>,
        %get3A_1275 = vector.shape_cast %get3A_1274 : vector<1x16xi32> to vector<16xi32>
        %xor3A_1276 = arith.constant -2004318072 : i32
        %xor3A_1277 = vector.broadcast %xor3A_1276 : i32 to vector<16xi32>
        %xor3A_1278 = arith.xori %get3A_1275, %xor3A_1277 : vector<16xi32>
        %get3A_1279 = arith.index_cast %add3A_1271 : i32 to index
        %get3A_1280 = arith.constant 0 : index
        %get3A_1281 = tpu.vector_load %arg12[%get3A_1279, %get3A_1280] {strides = array<i32>} : memref<512x16xf32, #tpu.memory_space<vmem>>, vector<1x16xf32>,
        %get3A_1282 = vector.shape_cast %get3A_1281 : vector<1x16xf32> to vector<16xf32>
        %slice3A_1283 = vector.extract_strided_slice %and3A_674 {offsets = [6], sizes = [1], strides = [1]} : vector<16xi32> to vector<1xi32>
        %squeeze3A_1284 = vector.extract %slice3A_1283[0] : i32 from vector<1xi32>
        %broadcast_in_dim3A_1285 = vector.broadcast %squeeze3A_1284 : i32 to vector<16xi32>
        %broadcast_in_dim3A_1286 = vector.shape_cast %broadcast_in_dim3A_1285 : vector<16xi32> to vector<16x1xi32>
        %gather3A_1287 = vector.shape_cast %broadcast_in_dim3A_1286 : vector<16x1xi32> to vector<16xi32>
        %gather3A_1288 = tpu.dynamic_gather %get3A_1282[%gather3A_1287] in [0] : vector<16xf32>, vector<16xi32> -> vector<16xf32>
        %slice3A_1289 = vector.extract_strided_slice %shift_left3A_680 {offsets = [6], sizes = [1], strides = [1]} : vector<16xi32> to vector<1xi32>
        %squeeze3A_1290 = vector.extract %slice3A_1289[0] : i32 from vector<1xi32>
        %add3A_1291 = vector.broadcast %squeeze3A_1290 : i32 to vector<16xi32>
        %add3A_1292 = arith.addi %add3A_23, %add3A_1291 : vector<16xi32>
        %broadcast_in_dim3A_1293 = vector.shape_cast %add3A_1292 : vector<16xi32> to vector<16x1xi32>
        %gather3A_1294 = vector.shape_cast %broadcast_in_dim3A_1293 : vector<16x1xi32> to vector<16xi32>
        %gather3A_1295 = tpu.dynamic_gather %xor3A_1278[%gather3A_1294] in [0] : vector<16xi32>, vector<16xi32> -> vector<16xi32>
        %shift_left3A_1296 = arith.shli %gather3A_1295, %sub3A_17 : vector<16xi32>
        %shift_right_arithmetic3A_1297 = arith.constant 28 : i32
        %shift_right_arithmetic3A_1298 = vector.broadcast %shift_right_arithmetic3A_1297 : i32 to vector<16xi32>
        %shift_right_arithmetic3A_1299 = arith.shrsi %shift_left3A_1296, %shift_right_arithmetic3A_1298 : vector<16xi32>
        %convert_element_type3A_1300 = arith.sitofp %shift_right_arithmetic3A_1299 : vector<16xi32> to vector<16xf32>
        %mul3A_1301 = arith.mulf %convert_element_type3A_1300, %gather3A_1288 : vector<16xf32>
        %mul3A_1302 = arith.constant 64 : i32
        %mul3A_1303 = arith.muli %add3A_1271, %mul3A_1302 : i32
        %add3A_1304 = arith.constant 0 : i32
        %add3A_1305 = arith.addi %mul3A_1303, %add3A_1304 : i32
        %swap3A_1306 = arith.index_cast %add3A_1305 : i32 to index
        %swap3A_1307 = tpu.vector_load %arg14[%swap3A_1306] {strides = array<i32>} : memref<32768xf32, #tpu.memory_space<vmem>>, vector<16xf32>,
        %swap3A_1308 = vector.shape_cast %swap3A_1307 : vector<16xf32> to vector<16xf32>
        %swap3A_1309 = vector.shape_cast %mul3A_1301 : vector<16xf32> to vector<16xf32>
        tpu.vector_store %arg14[%swap3A_1306], %swap3A_1309 {strides = array<i32>} : memref<32768xf32, #tpu.memory_space<vmem>>, vector<16xf32>,
        %add3A_1310 = vector.broadcast %squeeze3A_1290 : i32 to vector<16xi32>
        %add3A_1311 = arith.addi %add3A_26, %add3A_1310 : vector<16xi32>
        %broadcast_in_dim3A_1312 = vector.shape_cast %add3A_1311 : vector<16xi32> to vector<16x1xi32>
        %gather3A_1313 = vector.shape_cast %broadcast_in_dim3A_1312 : vector<16x1xi32> to vector<16xi32>
        %gather3A_1314 = tpu.dynamic_gather %xor3A_1278[%gather3A_1313] in [0] : vector<16xi32>, vector<16xi32> -> vector<16xi32>
        %shift_left3A_1315 = arith.shli %gather3A_1314, %sub3A_17 : vector<16xi32>
        %shift_right_arithmetic3A_1316 = arith.constant 28 : i32
        %shift_right_arithmetic3A_1317 = vector.broadcast %shift_right_arithmetic3A_1316 : i32 to vector<16xi32>
        %shift_right_arithmetic3A_1318 = arith.shrsi %shift_left3A_1315, %shift_right_arithmetic3A_1317 : vector<16xi32>
        %convert_element_type3A_1319 = arith.sitofp %shift_right_arithmetic3A_1318 : vector<16xi32> to vector<16xf32>
        %mul3A_1320 = arith.mulf %convert_element_type3A_1319, %gather3A_1288 : vector<16xf32>
        %mul3A_1321 = arith.constant 64 : i32
        %mul3A_1322 = arith.muli %add3A_1271, %mul3A_1321 : i32
        %add3A_1323 = arith.constant 16 : i32
        %add3A_1324 = arith.addi %mul3A_1322, %add3A_1323 : i32
        %swap3A_1325 = arith.index_cast %add3A_1324 : i32 to index
        %swap3A_1326 = tpu.vector_load %arg14[%swap3A_1325] {strides = array<i32>} : memref<32768xf32, #tpu.memory_space<vmem>>, vector<16xf32>,
        %swap3A_1327 = vector.shape_cast %swap3A_1326 : vector<16xf32> to vector<16xf32>
        %swap3A_1328 = vector.shape_cast %mul3A_1320 : vector<16xf32> to vector<16xf32>
        tpu.vector_store %arg14[%swap3A_1325], %swap3A_1328 {strides = array<i32>} : memref<32768xf32, #tpu.memory_space<vmem>>, vector<16xf32>,
        %add3A_1329 = vector.broadcast %squeeze3A_1290 : i32 to vector<16xi32>
        %add3A_1330 = arith.addi %add3A_29, %add3A_1329 : vector<16xi32>
        %broadcast_in_dim3A_1331 = vector.shape_cast %add3A_1330 : vector<16xi32> to vector<16x1xi32>
        %gather3A_1332 = vector.shape_cast %broadcast_in_dim3A_1331 : vector<16x1xi32> to vector<16xi32>
        %gather3A_1333 = tpu.dynamic_gather %xor3A_1278[%gather3A_1332] in [0] : vector<16xi32>, vector<16xi32> -> vector<16xi32>
        %shift_left3A_1334 = arith.shli %gather3A_1333, %sub3A_17 : vector<16xi32>
        %shift_right_arithmetic3A_1335 = arith.constant 28 : i32
        %shift_right_arithmetic3A_1336 = vector.broadcast %shift_right_arithmetic3A_1335 : i32 to vector<16xi32>
        %shift_right_arithmetic3A_1337 = arith.shrsi %shift_left3A_1334, %shift_right_arithmetic3A_1336 : vector<16xi32>
        %convert_element_type3A_1338 = arith.sitofp %shift_right_arithmetic3A_1337 : vector<16xi32> to vector<16xf32>
        %mul3A_1339 = arith.mulf %convert_element_type3A_1338, %gather3A_1288 : vector<16xf32>
        %mul3A_1340 = arith.constant 64 : i32
        %mul3A_1341 = arith.muli %add3A_1271, %mul3A_1340 : i32
        %add3A_1342 = arith.constant 32 : i32
        %add3A_1343 = arith.addi %mul3A_1341, %add3A_1342 : i32
        %swap3A_1344 = arith.index_cast %add3A_1343 : i32 to index
        %swap3A_1345 = tpu.vector_load %arg14[%swap3A_1344] {strides = array<i32>} : memref<32768xf32, #tpu.memory_space<vmem>>, vector<16xf32>,
        %swap3A_1346 = vector.shape_cast %swap3A_1345 : vector<16xf32> to vector<16xf32>
        %swap3A_1347 = vector.shape_cast %mul3A_1339 : vector<16xf32> to vector<16xf32>
        tpu.vector_store %arg14[%swap3A_1344], %swap3A_1347 {strides = array<i32>} : memref<32768xf32, #tpu.memory_space<vmem>>, vector<16xf32>,
        %add3A_1348 = vector.broadcast %squeeze3A_1290 : i32 to vector<16xi32>
        %add3A_1349 = arith.addi %add3A_32, %add3A_1348 : vector<16xi32>
        %broadcast_in_dim3A_1350 = vector.shape_cast %add3A_1349 : vector<16xi32> to vector<16x1xi32>
        %gather3A_1351 = vector.shape_cast %broadcast_in_dim3A_1350 : vector<16x1xi32> to vector<16xi32>
        %gather3A_1352 = tpu.dynamic_gather %xor3A_1278[%gather3A_1351] in [0] : vector<16xi32>, vector<16xi32> -> vector<16xi32>
        %shift_left3A_1353 = arith.shli %gather3A_1352, %sub3A_17 : vector<16xi32>
        %shift_right_arithmetic3A_1354 = arith.constant 28 : i32
        %shift_right_arithmetic3A_1355 = vector.broadcast %shift_right_arithmetic3A_1354 : i32 to vector<16xi32>
        %shift_right_arithmetic3A_1356 = arith.shrsi %shift_left3A_1353, %shift_right_arithmetic3A_1355 : vector<16xi32>
        %convert_element_type3A_1357 = arith.sitofp %shift_right_arithmetic3A_1356 : vector<16xi32> to vector<16xf32>
        %mul3A_1358 = arith.mulf %convert_element_type3A_1357, %gather3A_1288 : vector<16xf32>
        %mul3A_1359 = arith.constant 64 : i32
        %mul3A_1360 = arith.muli %add3A_1271, %mul3A_1359 : i32
        %add3A_1361 = arith.constant 48 : i32
        %add3A_1362 = arith.addi %mul3A_1360, %add3A_1361 : i32
        %swap3A_1363 = arith.index_cast %add3A_1362 : i32 to index
        %swap3A_1364 = tpu.vector_load %arg14[%swap3A_1363] {strides = array<i32>} : memref<32768xf32, #tpu.memory_space<vmem>>, vector<16xf32>,
        %swap3A_1365 = vector.shape_cast %swap3A_1364 : vector<16xf32> to vector<16xf32>
        %swap3A_1366 = vector.shape_cast %mul3A_1358 : vector<16xf32> to vector<16xf32>
        tpu.vector_store %arg14[%swap3A_1363], %swap3A_1366 {strides = array<i32>} : memref<32768xf32, #tpu.memory_space<vmem>>, vector<16xf32>,
        %mul3A_1367 = arith.constant 16 : i32
        %mul3A_1368 = arith.muli %scan3A_664, %mul3A_1367 : i32
        %add3A_1369 = arith.constant 7 : i32
        %add3A_1370 = arith.addi %mul3A_1368, %add3A_1369 : i32
        %get3A_1371 = arith.index_cast %add3A_1370 : i32 to index
        %get3A_1372 = arith.constant 0 : index
        %get3A_1373 = tpu.vector_load %arg10[%get3A_1371, %get3A_1372] {strides = array<i32>} : memref<512x16xi32, #tpu.memory_space<vmem>>, vector<1x16xi32>,
        %get3A_1374 = vector.shape_cast %get3A_1373 : vector<1x16xi32> to vector<16xi32>
        %xor3A_1375 = arith.constant -2004318072 : i32
        %xor3A_1376 = vector.broadcast %xor3A_1375 : i32 to vector<16xi32>
        %xor3A_1377 = arith.xori %get3A_1374, %xor3A_1376 : vector<16xi32>
        %get3A_1378 = arith.index_cast %add3A_1370 : i32 to index
        %get3A_1379 = arith.constant 0 : index
        %get3A_1380 = tpu.vector_load %arg12[%get3A_1378, %get3A_1379] {strides = array<i32>} : memref<512x16xf32, #tpu.memory_space<vmem>>, vector<1x16xf32>,
        %get3A_1381 = vector.shape_cast %get3A_1380 : vector<1x16xf32> to vector<16xf32>
        %slice3A_1382 = vector.extract_strided_slice %and3A_674 {offsets = [7], sizes = [1], strides = [1]} : vector<16xi32> to vector<1xi32>
        %squeeze3A_1383 = vector.extract %slice3A_1382[0] : i32 from vector<1xi32>
        %broadcast_in_dim3A_1384 = vector.broadcast %squeeze3A_1383 : i32 to vector<16xi32>
        %broadcast_in_dim3A_1385 = vector.shape_cast %broadcast_in_dim3A_1384 : vector<16xi32> to vector<16x1xi32>
        %gather3A_1386 = vector.shape_cast %broadcast_in_dim3A_1385 : vector<16x1xi32> to vector<16xi32>
        %gather3A_1387 = tpu.dynamic_gather %get3A_1381[%gather3A_1386] in [0] : vector<16xf32>, vector<16xi32> -> vector<16xf32>
        %slice3A_1388 = vector.extract_strided_slice %shift_left3A_680 {offsets = [7], sizes = [1], strides = [1]} : vector<16xi32> to vector<1xi32>
        %squeeze3A_1389 = vector.extract %slice3A_1388[0] : i32 from vector<1xi32>
        %add3A_1390 = vector.broadcast %squeeze3A_1389 : i32 to vector<16xi32>
        %add3A_1391 = arith.addi %add3A_23, %add3A_1390 : vector<16xi32>
        %broadcast_in_dim3A_1392 = vector.shape_cast %add3A_1391 : vector<16xi32> to vector<16x1xi32>
        %gather3A_1393 = vector.shape_cast %broadcast_in_dim3A_1392 : vector<16x1xi32> to vector<16xi32>
        %gather3A_1394 = tpu.dynamic_gather %xor3A_1377[%gather3A_1393] in [0] : vector<16xi32>, vector<16xi32> -> vector<16xi32>
        %shift_left3A_1395 = arith.shli %gather3A_1394, %sub3A_17 : vector<16xi32>
        %shift_right_arithmetic3A_1396 = arith.constant 28 : i32
        %shift_right_arithmetic3A_1397 = vector.broadcast %shift_right_arithmetic3A_1396 : i32 to vector<16xi32>
        %shift_right_arithmetic3A_1398 = arith.shrsi %shift_left3A_1395, %shift_right_arithmetic3A_1397 : vector<16xi32>
        %convert_element_type3A_1399 = arith.sitofp %shift_right_arithmetic3A_1398 : vector<16xi32> to vector<16xf32>
        %mul3A_1400 = arith.mulf %convert_element_type3A_1399, %gather3A_1387 : vector<16xf32>
        %mul3A_1401 = arith.constant 64 : i32
        %mul3A_1402 = arith.muli %add3A_1370, %mul3A_1401 : i32
        %add3A_1403 = arith.constant 0 : i32
        %add3A_1404 = arith.addi %mul3A_1402, %add3A_1403 : i32
        %swap3A_1405 = arith.index_cast %add3A_1404 : i32 to index
        %swap3A_1406 = tpu.vector_load %arg14[%swap3A_1405] {strides = array<i32>} : memref<32768xf32, #tpu.memory_space<vmem>>, vector<16xf32>,
        %swap3A_1407 = vector.shape_cast %swap3A_1406 : vector<16xf32> to vector<16xf32>
        %swap3A_1408 = vector.shape_cast %mul3A_1400 : vector<16xf32> to vector<16xf32>
        tpu.vector_store %arg14[%swap3A_1405], %swap3A_1408 {strides = array<i32>} : memref<32768xf32, #tpu.memory_space<vmem>>, vector<16xf32>,
        %add3A_1409 = vector.broadcast %squeeze3A_1389 : i32 to vector<16xi32>
        %add3A_1410 = arith.addi %add3A_26, %add3A_1409 : vector<16xi32>
        %broadcast_in_dim3A_1411 = vector.shape_cast %add3A_1410 : vector<16xi32> to vector<16x1xi32>
        %gather3A_1412 = vector.shape_cast %broadcast_in_dim3A_1411 : vector<16x1xi32> to vector<16xi32>
        %gather3A_1413 = tpu.dynamic_gather %xor3A_1377[%gather3A_1412] in [0] : vector<16xi32>, vector<16xi32> -> vector<16xi32>
        %shift_left3A_1414 = arith.shli %gather3A_1413, %sub3A_17 : vector<16xi32>
        %shift_right_arithmetic3A_1415 = arith.constant 28 : i32
        %shift_right_arithmetic3A_1416 = vector.broadcast %shift_right_arithmetic3A_1415 : i32 to vector<16xi32>
        %shift_right_arithmetic3A_1417 = arith.shrsi %shift_left3A_1414, %shift_right_arithmetic3A_1416 : vector<16xi32>
        %convert_element_type3A_1418 = arith.sitofp %shift_right_arithmetic3A_1417 : vector<16xi32> to vector<16xf32>
        %mul3A_1419 = arith.mulf %convert_element_type3A_1418, %gather3A_1387 : vector<16xf32>
        %mul3A_1420 = arith.constant 64 : i32
        %mul3A_1421 = arith.muli %add3A_1370, %mul3A_1420 : i32
        %add3A_1422 = arith.constant 16 : i32
        %add3A_1423 = arith.addi %mul3A_1421, %add3A_1422 : i32
        %swap3A_1424 = arith.index_cast %add3A_1423 : i32 to index
        %swap3A_1425 = tpu.vector_load %arg14[%swap3A_1424] {strides = array<i32>} : memref<32768xf32, #tpu.memory_space<vmem>>, vector<16xf32>,
        %swap3A_1426 = vector.shape_cast %swap3A_1425 : vector<16xf32> to vector<16xf32>
        %swap3A_1427 = vector.shape_cast %mul3A_1419 : vector<16xf32> to vector<16xf32>
        tpu.vector_store %arg14[%swap3A_1424], %swap3A_1427 {strides = array<i32>} : memref<32768xf32, #tpu.memory_space<vmem>>, vector<16xf32>,
        %add3A_1428 = vector.broadcast %squeeze3A_1389 : i32 to vector<16xi32>
        %add3A_1429 = arith.addi %add3A_29, %add3A_1428 : vector<16xi32>
        %broadcast_in_dim3A_1430 = vector.shape_cast %add3A_1429 : vector<16xi32> to vector<16x1xi32>
        %gather3A_1431 = vector.shape_cast %broadcast_in_dim3A_1430 : vector<16x1xi32> to vector<16xi32>
        %gather3A_1432 = tpu.dynamic_gather %xor3A_1377[%gather3A_1431] in [0] : vector<16xi32>, vector<16xi32> -> vector<16xi32>
        %shift_left3A_1433 = arith.shli %gather3A_1432, %sub3A_17 : vector<16xi32>
        %shift_right_arithmetic3A_1434 = arith.constant 28 : i32
        %shift_right_arithmetic3A_1435 = vector.broadcast %shift_right_arithmetic3A_1434 : i32 to vector<16xi32>
        %shift_right_arithmetic3A_1436 = arith.shrsi %shift_left3A_1433, %shift_right_arithmetic3A_1435 : vector<16xi32>
        %convert_element_type3A_1437 = arith.sitofp %shift_right_arithmetic3A_1436 : vector<16xi32> to vector<16xf32>
        %mul3A_1438 = arith.mulf %convert_element_type3A_1437, %gather3A_1387 : vector<16xf32>
        %mul3A_1439 = arith.constant 64 : i32
        %mul3A_1440 = arith.muli %add3A_1370, %mul3A_1439 : i32
        %add3A_1441 = arith.constant 32 : i32
        %add3A_1442 = arith.addi %mul3A_1440, %add3A_1441 : i32
        %swap3A_1443 = arith.index_cast %add3A_1442 : i32 to index
        %swap3A_1444 = tpu.vector_load %arg14[%swap3A_1443] {strides = array<i32>} : memref<32768xf32, #tpu.memory_space<vmem>>, vector<16xf32>,
        %swap3A_1445 = vector.shape_cast %swap3A_1444 : vector<16xf32> to vector<16xf32>
        %swap3A_1446 = vector.shape_cast %mul3A_1438 : vector<16xf32> to vector<16xf32>
        tpu.vector_store %arg14[%swap3A_1443], %swap3A_1446 {strides = array<i32>} : memref<32768xf32, #tpu.memory_space<vmem>>, vector<16xf32>,
        %add3A_1447 = vector.broadcast %squeeze3A_1389 : i32 to vector<16xi32>
        %add3A_1448 = arith.addi %add3A_32, %add3A_1447 : vector<16xi32>
        %broadcast_in_dim3A_1449 = vector.shape_cast %add3A_1448 : vector<16xi32> to vector<16x1xi32>
        %gather3A_1450 = vector.shape_cast %broadcast_in_dim3A_1449 : vector<16x1xi32> to vector<16xi32>
        %gather3A_1451 = tpu.dynamic_gather %xor3A_1377[%gather3A_1450] in [0] : vector<16xi32>, vector<16xi32> -> vector<16xi32>
        %shift_left3A_1452 = arith.shli %gather3A_1451, %sub3A_17 : vector<16xi32>
        %shift_right_arithmetic3A_1453 = arith.constant 28 : i32
        %shift_right_arithmetic3A_1454 = vector.broadcast %shift_right_arithmetic3A_1453 : i32 to vector<16xi32>
        %shift_right_arithmetic3A_1455 = arith.shrsi %shift_left3A_1452, %shift_right_arithmetic3A_1454 : vector<16xi32>
        %convert_element_type3A_1456 = arith.sitofp %shift_right_arithmetic3A_1455 : vector<16xi32> to vector<16xf32>
        %mul3A_1457 = arith.mulf %convert_element_type3A_1456, %gather3A_1387 : vector<16xf32>
        %mul3A_1458 = arith.constant 64 : i32
        %mul3A_1459 = arith.muli %add3A_1370, %mul3A_1458 : i32
        %add3A_1460 = arith.constant 48 : i32
        %add3A_1461 = arith.addi %mul3A_1459, %add3A_1460 : i32
        %swap3A_1462 = arith.index_cast %add3A_1461 : i32 to index
        %swap3A_1463 = tpu.vector_load %arg14[%swap3A_1462] {strides = array<i32>} : memref<32768xf32, #tpu.memory_space<vmem>>, vector<16xf32>,
        %swap3A_1464 = vector.shape_cast %swap3A_1463 : vector<16xf32> to vector<16xf32>
        %swap3A_1465 = vector.shape_cast %mul3A_1457 : vector<16xf32> to vector<16xf32>
        tpu.vector_store %arg14[%swap3A_1462], %swap3A_1465 {strides = array<i32>} : memref<32768xf32, #tpu.memory_space<vmem>>, vector<16xf32>,
        %mul3A_1466 = arith.constant 16 : i32
        %mul3A_1467 = arith.muli %scan3A_664, %mul3A_1466 : i32
        %add3A_1468 = arith.constant 8 : i32
        %add3A_1469 = arith.addi %mul3A_1467, %add3A_1468 : i32
        %get3A_1470 = arith.index_cast %add3A_1469 : i32 to index
        %get3A_1471 = arith.constant 0 : index
        %get3A_1472 = tpu.vector_load %arg10[%get3A_1470, %get3A_1471] {strides = array<i32>} : memref<512x16xi32, #tpu.memory_space<vmem>>, vector<1x16xi32>,
        %get3A_1473 = vector.shape_cast %get3A_1472 : vector<1x16xi32> to vector<16xi32>
        %xor3A_1474 = arith.constant -2004318072 : i32
        %xor3A_1475 = vector.broadcast %xor3A_1474 : i32 to vector<16xi32>
        %xor3A_1476 = arith.xori %get3A_1473, %xor3A_1475 : vector<16xi32>
        %get3A_1477 = arith.index_cast %add3A_1469 : i32 to index
        %get3A_1478 = arith.constant 0 : index
        %get3A_1479 = tpu.vector_load %arg12[%get3A_1477, %get3A_1478] {strides = array<i32>} : memref<512x16xf32, #tpu.memory_space<vmem>>, vector<1x16xf32>,
        %get3A_1480 = vector.shape_cast %get3A_1479 : vector<1x16xf32> to vector<16xf32>
        %slice3A_1481 = vector.extract_strided_slice %and3A_674 {offsets = [8], sizes = [1], strides = [1]} : vector<16xi32> to vector<1xi32>
        %squeeze3A_1482 = vector.extract %slice3A_1481[0] : i32 from vector<1xi32>
        %broadcast_in_dim3A_1483 = vector.broadcast %squeeze3A_1482 : i32 to vector<16xi32>
        %broadcast_in_dim3A_1484 = vector.shape_cast %broadcast_in_dim3A_1483 : vector<16xi32> to vector<16x1xi32>
        %gather3A_1485 = vector.shape_cast %broadcast_in_dim3A_1484 : vector<16x1xi32> to vector<16xi32>
        %gather3A_1486 = tpu.dynamic_gather %get3A_1480[%gather3A_1485] in [0] : vector<16xf32>, vector<16xi32> -> vector<16xf32>
        %slice3A_1487 = vector.extract_strided_slice %shift_left3A_680 {offsets = [8], sizes = [1], strides = [1]} : vector<16xi32> to vector<1xi32>
        %squeeze3A_1488 = vector.extract %slice3A_1487[0] : i32 from vector<1xi32>
        %add3A_1489 = vector.broadcast %squeeze3A_1488 : i32 to vector<16xi32>
        %add3A_1490 = arith.addi %add3A_23, %add3A_1489 : vector<16xi32>
        %broadcast_in_dim3A_1491 = vector.shape_cast %add3A_1490 : vector<16xi32> to vector<16x1xi32>
        %gather3A_1492 = vector.shape_cast %broadcast_in_dim3A_1491 : vector<16x1xi32> to vector<16xi32>
        %gather3A_1493 = tpu.dynamic_gather %xor3A_1476[%gather3A_1492] in [0] : vector<16xi32>, vector<16xi32> -> vector<16xi32>
        %shift_left3A_1494 = arith.shli %gather3A_1493, %sub3A_17 : vector<16xi32>
        %shift_right_arithmetic3A_1495 = arith.constant 28 : i32
        %shift_right_arithmetic3A_1496 = vector.broadcast %shift_right_arithmetic3A_1495 : i32 to vector<16xi32>
        %shift_right_arithmetic3A_1497 = arith.shrsi %shift_left3A_1494, %shift_right_arithmetic3A_1496 : vector<16xi32>
        %convert_element_type3A_1498 = arith.sitofp %shift_right_arithmetic3A_1497 : vector<16xi32> to vector<16xf32>
        %mul3A_1499 = arith.mulf %convert_element_type3A_1498, %gather3A_1486 : vector<16xf32>
        %mul3A_1500 = arith.constant 64 : i32
        %mul3A_1501 = arith.muli %add3A_1469, %mul3A_1500 : i32
        %add3A_1502 = arith.constant 0 : i32
        %add3A_1503 = arith.addi %mul3A_1501, %add3A_1502 : i32
        %swap3A_1504 = arith.index_cast %add3A_1503 : i32 to index
        %swap3A_1505 = tpu.vector_load %arg14[%swap3A_1504] {strides = array<i32>} : memref<32768xf32, #tpu.memory_space<vmem>>, vector<16xf32>,
        %swap3A_1506 = vector.shape_cast %swap3A_1505 : vector<16xf32> to vector<16xf32>
        %swap3A_1507 = vector.shape_cast %mul3A_1499 : vector<16xf32> to vector<16xf32>
        tpu.vector_store %arg14[%swap3A_1504], %swap3A_1507 {strides = array<i32>} : memref<32768xf32, #tpu.memory_space<vmem>>, vector<16xf32>,
        %add3A_1508 = vector.broadcast %squeeze3A_1488 : i32 to vector<16xi32>
        %add3A_1509 = arith.addi %add3A_26, %add3A_1508 : vector<16xi32>
        %broadcast_in_dim3A_1510 = vector.shape_cast %add3A_1509 : vector<16xi32> to vector<16x1xi32>
        %gather3A_1511 = vector.shape_cast %broadcast_in_dim3A_1510 : vector<16x1xi32> to vector<16xi32>
        %gather3A_1512 = tpu.dynamic_gather %xor3A_1476[%gather3A_1511] in [0] : vector<16xi32>, vector<16xi32> -> vector<16xi32>
        %shift_left3A_1513 = arith.shli %gather3A_1512, %sub3A_17 : vector<16xi32>
        %shift_right_arithmetic3A_1514 = arith.constant 28 : i32
        %shift_right_arithmetic3A_1515 = vector.broadcast %shift_right_arithmetic3A_1514 : i32 to vector<16xi32>
        %shift_right_arithmetic3A_1516 = arith.shrsi %shift_left3A_1513, %shift_right_arithmetic3A_1515 : vector<16xi32>
        %convert_element_type3A_1517 = arith.sitofp %shift_right_arithmetic3A_1516 : vector<16xi32> to vector<16xf32>
        %mul3A_1518 = arith.mulf %convert_element_type3A_1517, %gather3A_1486 : vector<16xf32>
        %mul3A_1519 = arith.constant 64 : i32
        %mul3A_1520 = arith.muli %add3A_1469, %mul3A_1519 : i32
        %add3A_1521 = arith.constant 16 : i32
        %add3A_1522 = arith.addi %mul3A_1520, %add3A_1521 : i32
        %swap3A_1523 = arith.index_cast %add3A_1522 : i32 to index
        %swap3A_1524 = tpu.vector_load %arg14[%swap3A_1523] {strides = array<i32>} : memref<32768xf32, #tpu.memory_space<vmem>>, vector<16xf32>,
        %swap3A_1525 = vector.shape_cast %swap3A_1524 : vector<16xf32> to vector<16xf32>
        %swap3A_1526 = vector.shape_cast %mul3A_1518 : vector<16xf32> to vector<16xf32>
        tpu.vector_store %arg14[%swap3A_1523], %swap3A_1526 {strides = array<i32>} : memref<32768xf32, #tpu.memory_space<vmem>>, vector<16xf32>,
        %add3A_1527 = vector.broadcast %squeeze3A_1488 : i32 to vector<16xi32>
        %add3A_1528 = arith.addi %add3A_29, %add3A_1527 : vector<16xi32>
        %broadcast_in_dim3A_1529 = vector.shape_cast %add3A_1528 : vector<16xi32> to vector<16x1xi32>
        %gather3A_1530 = vector.shape_cast %broadcast_in_dim3A_1529 : vector<16x1xi32> to vector<16xi32>
        %gather3A_1531 = tpu.dynamic_gather %xor3A_1476[%gather3A_1530] in [0] : vector<16xi32>, vector<16xi32> -> vector<16xi32>
        %shift_left3A_1532 = arith.shli %gather3A_1531, %sub3A_17 : vector<16xi32>
        %shift_right_arithmetic3A_1533 = arith.constant 28 : i32
        %shift_right_arithmetic3A_1534 = vector.broadcast %shift_right_arithmetic3A_1533 : i32 to vector<16xi32>
        %shift_right_arithmetic3A_1535 = arith.shrsi %shift_left3A_1532, %shift_right_arithmetic3A_1534 : vector<16xi32>
        %convert_element_type3A_1536 = arith.sitofp %shift_right_arithmetic3A_1535 : vector<16xi32> to vector<16xf32>
        %mul3A_1537 = arith.mulf %convert_element_type3A_1536, %gather3A_1486 : vector<16xf32>
        %mul3A_1538 = arith.constant 64 : i32
        %mul3A_1539 = arith.muli %add3A_1469, %mul3A_1538 : i32
        %add3A_1540 = arith.constant 32 : i32
        %add3A_1541 = arith.addi %mul3A_1539, %add3A_1540 : i32
        %swap3A_1542 = arith.index_cast %add3A_1541 : i32 to index
        %swap3A_1543 = tpu.vector_load %arg14[%swap3A_1542] {strides = array<i32>} : memref<32768xf32, #tpu.memory_space<vmem>>, vector<16xf32>,
        %swap3A_1544 = vector.shape_cast %swap3A_1543 : vector<16xf32> to vector<16xf32>
        %swap3A_1545 = vector.shape_cast %mul3A_1537 : vector<16xf32> to vector<16xf32>
        tpu.vector_store %arg14[%swap3A_1542], %swap3A_1545 {strides = array<i32>} : memref<32768xf32, #tpu.memory_space<vmem>>, vector<16xf32>,
        %add3A_1546 = vector.broadcast %squeeze3A_1488 : i32 to vector<16xi32>
        %add3A_1547 = arith.addi %add3A_32, %add3A_1546 : vector<16xi32>
        %broadcast_in_dim3A_1548 = vector.shape_cast %add3A_1547 : vector<16xi32> to vector<16x1xi32>
        %gather3A_1549 = vector.shape_cast %broadcast_in_dim3A_1548 : vector<16x1xi32> to vector<16xi32>
        %gather3A_1550 = tpu.dynamic_gather %xor3A_1476[%gather3A_1549] in [0] : vector<16xi32>, vector<16xi32> -> vector<16xi32>
        %shift_left3A_1551 = arith.shli %gather3A_1550, %sub3A_17 : vector<16xi32>
        %shift_right_arithmetic3A_1552 = arith.constant 28 : i32
        %shift_right_arithmetic3A_1553 = vector.broadcast %shift_right_arithmetic3A_1552 : i32 to vector<16xi32>
        %shift_right_arithmetic3A_1554 = arith.shrsi %shift_left3A_1551, %shift_right_arithmetic3A_1553 : vector<16xi32>
        %convert_element_type3A_1555 = arith.sitofp %shift_right_arithmetic3A_1554 : vector<16xi32> to vector<16xf32>
        %mul3A_1556 = arith.mulf %convert_element_type3A_1555, %gather3A_1486 : vector<16xf32>
        %mul3A_1557 = arith.constant 64 : i32
        %mul3A_1558 = arith.muli %add3A_1469, %mul3A_1557 : i32
        %add3A_1559 = arith.constant 48 : i32
        %add3A_1560 = arith.addi %mul3A_1558, %add3A_1559 : i32
        %swap3A_1561 = arith.index_cast %add3A_1560 : i32 to index
        %swap3A_1562 = tpu.vector_load %arg14[%swap3A_1561] {strides = array<i32>} : memref<32768xf32, #tpu.memory_space<vmem>>, vector<16xf32>,
        %swap3A_1563 = vector.shape_cast %swap3A_1562 : vector<16xf32> to vector<16xf32>
        %swap3A_1564 = vector.shape_cast %mul3A_1556 : vector<16xf32> to vector<16xf32>
        tpu.vector_store %arg14[%swap3A_1561], %swap3A_1564 {strides = array<i32>} : memref<32768xf32, #tpu.memory_space<vmem>>, vector<16xf32>,
        %mul3A_1565 = arith.constant 16 : i32
        %mul3A_1566 = arith.muli %scan3A_664, %mul3A_1565 : i32
        %add3A_1567 = arith.constant 9 : i32
        %add3A_1568 = arith.addi %mul3A_1566, %add3A_1567 : i32
        %get3A_1569 = arith.index_cast %add3A_1568 : i32 to index
        %get3A_1570 = arith.constant 0 : index
        %get3A_1571 = tpu.vector_load %arg10[%get3A_1569, %get3A_1570] {strides = array<i32>} : memref<512x16xi32, #tpu.memory_space<vmem>>, vector<1x16xi32>,
        %get3A_1572 = vector.shape_cast %get3A_1571 : vector<1x16xi32> to vector<16xi32>
        %xor3A_1573 = arith.constant -2004318072 : i32
        %xor3A_1574 = vector.broadcast %xor3A_1573 : i32 to vector<16xi32>
        %xor3A_1575 = arith.xori %get3A_1572, %xor3A_1574 : vector<16xi32>
        %get3A_1576 = arith.index_cast %add3A_1568 : i32 to index
        %get3A_1577 = arith.constant 0 : index
        %get3A_1578 = tpu.vector_load %arg12[%get3A_1576, %get3A_1577] {strides = array<i32>} : memref<512x16xf32, #tpu.memory_space<vmem>>, vector<1x16xf32>,
        %get3A_1579 = vector.shape_cast %get3A_1578 : vector<1x16xf32> to vector<16xf32>
        %slice3A_1580 = vector.extract_strided_slice %and3A_674 {offsets = [9], sizes = [1], strides = [1]} : vector<16xi32> to vector<1xi32>
        %squeeze3A_1581 = vector.extract %slice3A_1580[0] : i32 from vector<1xi32>
        %broadcast_in_dim3A_1582 = vector.broadcast %squeeze3A_1581 : i32 to vector<16xi32>
        %broadcast_in_dim3A_1583 = vector.shape_cast %broadcast_in_dim3A_1582 : vector<16xi32> to vector<16x1xi32>
        %gather3A_1584 = vector.shape_cast %broadcast_in_dim3A_1583 : vector<16x1xi32> to vector<16xi32>
        %gather3A_1585 = tpu.dynamic_gather %get3A_1579[%gather3A_1584] in [0] : vector<16xf32>, vector<16xi32> -> vector<16xf32>
        %slice3A_1586 = vector.extract_strided_slice %shift_left3A_680 {offsets = [9], sizes = [1], strides = [1]} : vector<16xi32> to vector<1xi32>
        %squeeze3A_1587 = vector.extract %slice3A_1586[0] : i32 from vector<1xi32>
        %add3A_1588 = vector.broadcast %squeeze3A_1587 : i32 to vector<16xi32>
        %add3A_1589 = arith.addi %add3A_23, %add3A_1588 : vector<16xi32>
        %broadcast_in_dim3A_1590 = vector.shape_cast %add3A_1589 : vector<16xi32> to vector<16x1xi32>
        %gather3A_1591 = vector.shape_cast %broadcast_in_dim3A_1590 : vector<16x1xi32> to vector<16xi32>
        %gather3A_1592 = tpu.dynamic_gather %xor3A_1575[%gather3A_1591] in [0] : vector<16xi32>, vector<16xi32> -> vector<16xi32>
        %shift_left3A_1593 = arith.shli %gather3A_1592, %sub3A_17 : vector<16xi32>
        %shift_right_arithmetic3A_1594 = arith.constant 28 : i32
        %shift_right_arithmetic3A_1595 = vector.broadcast %shift_right_arithmetic3A_1594 : i32 to vector<16xi32>
        %shift_right_arithmetic3A_1596 = arith.shrsi %shift_left3A_1593, %shift_right_arithmetic3A_1595 : vector<16xi32>
        %convert_element_type3A_1597 = arith.sitofp %shift_right_arithmetic3A_1596 : vector<16xi32> to vector<16xf32>
        %mul3A_1598 = arith.mulf %convert_element_type3A_1597, %gather3A_1585 : vector<16xf32>
        %mul3A_1599 = arith.constant 64 : i32
        %mul3A_1600 = arith.muli %add3A_1568, %mul3A_1599 : i32
        %add3A_1601 = arith.constant 0 : i32
        %add3A_1602 = arith.addi %mul3A_1600, %add3A_1601 : i32
        %swap3A_1603 = arith.index_cast %add3A_1602 : i32 to index
        %swap3A_1604 = tpu.vector_load %arg14[%swap3A_1603] {strides = array<i32>} : memref<32768xf32, #tpu.memory_space<vmem>>, vector<16xf32>,
        %swap3A_1605 = vector.shape_cast %swap3A_1604 : vector<16xf32> to vector<16xf32>
        %swap3A_1606 = vector.shape_cast %mul3A_1598 : vector<16xf32> to vector<16xf32>
        tpu.vector_store %arg14[%swap3A_1603], %swap3A_1606 {strides = array<i32>} : memref<32768xf32, #tpu.memory_space<vmem>>, vector<16xf32>,
        %add3A_1607 = vector.broadcast %squeeze3A_1587 : i32 to vector<16xi32>
        %add3A_1608 = arith.addi %add3A_26, %add3A_1607 : vector<16xi32>
        %broadcast_in_dim3A_1609 = vector.shape_cast %add3A_1608 : vector<16xi32> to vector<16x1xi32>
        %gather3A_1610 = vector.shape_cast %broadcast_in_dim3A_1609 : vector<16x1xi32> to vector<16xi32>
        %gather3A_1611 = tpu.dynamic_gather %xor3A_1575[%gather3A_1610] in [0] : vector<16xi32>, vector<16xi32> -> vector<16xi32>
        %shift_left3A_1612 = arith.shli %gather3A_1611, %sub3A_17 : vector<16xi32>
        %shift_right_arithmetic3A_1613 = arith.constant 28 : i32
        %shift_right_arithmetic3A_1614 = vector.broadcast %shift_right_arithmetic3A_1613 : i32 to vector<16xi32>
        %shift_right_arithmetic3A_1615 = arith.shrsi %shift_left3A_1612, %shift_right_arithmetic3A_1614 : vector<16xi32>
        %convert_element_type3A_1616 = arith.sitofp %shift_right_arithmetic3A_1615 : vector<16xi32> to vector<16xf32>
        %mul3A_1617 = arith.mulf %convert_element_type3A_1616, %gather3A_1585 : vector<16xf32>
        %mul3A_1618 = arith.constant 64 : i32
        %mul3A_1619 = arith.muli %add3A_1568, %mul3A_1618 : i32
        %add3A_1620 = arith.constant 16 : i32
        %add3A_1621 = arith.addi %mul3A_1619, %add3A_1620 : i32
        %swap3A_1622 = arith.index_cast %add3A_1621 : i32 to index
        %swap3A_1623 = tpu.vector_load %arg14[%swap3A_1622] {strides = array<i32>} : memref<32768xf32, #tpu.memory_space<vmem>>, vector<16xf32>,
        %swap3A_1624 = vector.shape_cast %swap3A_1623 : vector<16xf32> to vector<16xf32>
        %swap3A_1625 = vector.shape_cast %mul3A_1617 : vector<16xf32> to vector<16xf32>
        tpu.vector_store %arg14[%swap3A_1622], %swap3A_1625 {strides = array<i32>} : memref<32768xf32, #tpu.memory_space<vmem>>, vector<16xf32>,
        %add3A_1626 = vector.broadcast %squeeze3A_1587 : i32 to vector<16xi32>
        %add3A_1627 = arith.addi %add3A_29, %add3A_1626 : vector<16xi32>
        %broadcast_in_dim3A_1628 = vector.shape_cast %add3A_1627 : vector<16xi32> to vector<16x1xi32>
        %gather3A_1629 = vector.shape_cast %broadcast_in_dim3A_1628 : vector<16x1xi32> to vector<16xi32>
        %gather3A_1630 = tpu.dynamic_gather %xor3A_1575[%gather3A_1629] in [0] : vector<16xi32>, vector<16xi32> -> vector<16xi32>
        %shift_left3A_1631 = arith.shli %gather3A_1630, %sub3A_17 : vector<16xi32>
        %shift_right_arithmetic3A_1632 = arith.constant 28 : i32
        %shift_right_arithmetic3A_1633 = vector.broadcast %shift_right_arithmetic3A_1632 : i32 to vector<16xi32>
        %shift_right_arithmetic3A_1634 = arith.shrsi %shift_left3A_1631, %shift_right_arithmetic3A_1633 : vector<16xi32>
        %convert_element_type3A_1635 = arith.sitofp %shift_right_arithmetic3A_1634 : vector<16xi32> to vector<16xf32>
        %mul3A_1636 = arith.mulf %convert_element_type3A_1635, %gather3A_1585 : vector<16xf32>
        %mul3A_1637 = arith.constant 64 : i32
        %mul3A_1638 = arith.muli %add3A_1568, %mul3A_1637 : i32
        %add3A_1639 = arith.constant 32 : i32
        %add3A_1640 = arith.addi %mul3A_1638, %add3A_1639 : i32
        %swap3A_1641 = arith.index_cast %add3A_1640 : i32 to index
        %swap3A_1642 = tpu.vector_load %arg14[%swap3A_1641] {strides = array<i32>} : memref<32768xf32, #tpu.memory_space<vmem>>, vector<16xf32>,
        %swap3A_1643 = vector.shape_cast %swap3A_1642 : vector<16xf32> to vector<16xf32>
        %swap3A_1644 = vector.shape_cast %mul3A_1636 : vector<16xf32> to vector<16xf32>
        tpu.vector_store %arg14[%swap3A_1641], %swap3A_1644 {strides = array<i32>} : memref<32768xf32, #tpu.memory_space<vmem>>, vector<16xf32>,
        %add3A_1645 = vector.broadcast %squeeze3A_1587 : i32 to vector<16xi32>
        %add3A_1646 = arith.addi %add3A_32, %add3A_1645 : vector<16xi32>
        %broadcast_in_dim3A_1647 = vector.shape_cast %add3A_1646 : vector<16xi32> to vector<16x1xi32>
        %gather3A_1648 = vector.shape_cast %broadcast_in_dim3A_1647 : vector<16x1xi32> to vector<16xi32>
        %gather3A_1649 = tpu.dynamic_gather %xor3A_1575[%gather3A_1648] in [0] : vector<16xi32>, vector<16xi32> -> vector<16xi32>
        %shift_left3A_1650 = arith.shli %gather3A_1649, %sub3A_17 : vector<16xi32>
        %shift_right_arithmetic3A_1651 = arith.constant 28 : i32
        %shift_right_arithmetic3A_1652 = vector.broadcast %shift_right_arithmetic3A_1651 : i32 to vector<16xi32>
        %shift_right_arithmetic3A_1653 = arith.shrsi %shift_left3A_1650, %shift_right_arithmetic3A_1652 : vector<16xi32>
        %convert_element_type3A_1654 = arith.sitofp %shift_right_arithmetic3A_1653 : vector<16xi32> to vector<16xf32>
        %mul3A_1655 = arith.mulf %convert_element_type3A_1654, %gather3A_1585 : vector<16xf32>
        %mul3A_1656 = arith.constant 64 : i32
        %mul3A_1657 = arith.muli %add3A_1568, %mul3A_1656 : i32
        %add3A_1658 = arith.constant 48 : i32
        %add3A_1659 = arith.addi %mul3A_1657, %add3A_1658 : i32
        %swap3A_1660 = arith.index_cast %add3A_1659 : i32 to index
        %swap3A_1661 = tpu.vector_load %arg14[%swap3A_1660] {strides = array<i32>} : memref<32768xf32, #tpu.memory_space<vmem>>, vector<16xf32>,
        %swap3A_1662 = vector.shape_cast %swap3A_1661 : vector<16xf32> to vector<16xf32>
        %swap3A_1663 = vector.shape_cast %mul3A_1655 : vector<16xf32> to vector<16xf32>
        tpu.vector_store %arg14[%swap3A_1660], %swap3A_1663 {strides = array<i32>} : memref<32768xf32, #tpu.memory_space<vmem>>, vector<16xf32>,
        %mul3A_1664 = arith.constant 16 : i32
        %mul3A_1665 = arith.muli %scan3A_664, %mul3A_1664 : i32
        %add3A_1666 = arith.constant 10 : i32
        %add3A_1667 = arith.addi %mul3A_1665, %add3A_1666 : i32
        %get3A_1668 = arith.index_cast %add3A_1667 : i32 to index
        %get3A_1669 = arith.constant 0 : index
        %get3A_1670 = tpu.vector_load %arg10[%get3A_1668, %get3A_1669] {strides = array<i32>} : memref<512x16xi32, #tpu.memory_space<vmem>>, vector<1x16xi32>,
        %get3A_1671 = vector.shape_cast %get3A_1670 : vector<1x16xi32> to vector<16xi32>
        %xor3A_1672 = arith.constant -2004318072 : i32
        %xor3A_1673 = vector.broadcast %xor3A_1672 : i32 to vector<16xi32>
        %xor3A_1674 = arith.xori %get3A_1671, %xor3A_1673 : vector<16xi32>
        %get3A_1675 = arith.index_cast %add3A_1667 : i32 to index
        %get3A_1676 = arith.constant 0 : index
        %get3A_1677 = tpu.vector_load %arg12[%get3A_1675, %get3A_1676] {strides = array<i32>} : memref<512x16xf32, #tpu.memory_space<vmem>>, vector<1x16xf32>,
        %get3A_1678 = vector.shape_cast %get3A_1677 : vector<1x16xf32> to vector<16xf32>
        %slice3A_1679 = vector.extract_strided_slice %and3A_674 {offsets = [10], sizes = [1], strides = [1]} : vector<16xi32> to vector<1xi32>
        %squeeze3A_1680 = vector.extract %slice3A_1679[0] : i32 from vector<1xi32>
        %broadcast_in_dim3A_1681 = vector.broadcast %squeeze3A_1680 : i32 to vector<16xi32>
        %broadcast_in_dim3A_1682 = vector.shape_cast %broadcast_in_dim3A_1681 : vector<16xi32> to vector<16x1xi32>
        %gather3A_1683 = vector.shape_cast %broadcast_in_dim3A_1682 : vector<16x1xi32> to vector<16xi32>
        %gather3A_1684 = tpu.dynamic_gather %get3A_1678[%gather3A_1683] in [0] : vector<16xf32>, vector<16xi32> -> vector<16xf32>
        %slice3A_1685 = vector.extract_strided_slice %shift_left3A_680 {offsets = [10], sizes = [1], strides = [1]} : vector<16xi32> to vector<1xi32>
        %squeeze3A_1686 = vector.extract %slice3A_1685[0] : i32 from vector<1xi32>
        %add3A_1687 = vector.broadcast %squeeze3A_1686 : i32 to vector<16xi32>
        %add3A_1688 = arith.addi %add3A_23, %add3A_1687 : vector<16xi32>
        %broadcast_in_dim3A_1689 = vector.shape_cast %add3A_1688 : vector<16xi32> to vector<16x1xi32>
        %gather3A_1690 = vector.shape_cast %broadcast_in_dim3A_1689 : vector<16x1xi32> to vector<16xi32>
        %gather3A_1691 = tpu.dynamic_gather %xor3A_1674[%gather3A_1690] in [0] : vector<16xi32>, vector<16xi32> -> vector<16xi32>
        %shift_left3A_1692 = arith.shli %gather3A_1691, %sub3A_17 : vector<16xi32>
        %shift_right_arithmetic3A_1693 = arith.constant 28 : i32
        %shift_right_arithmetic3A_1694 = vector.broadcast %shift_right_arithmetic3A_1693 : i32 to vector<16xi32>
        %shift_right_arithmetic3A_1695 = arith.shrsi %shift_left3A_1692, %shift_right_arithmetic3A_1694 : vector<16xi32>
        %convert_element_type3A_1696 = arith.sitofp %shift_right_arithmetic3A_1695 : vector<16xi32> to vector<16xf32>
        %mul3A_1697 = arith.mulf %convert_element_type3A_1696, %gather3A_1684 : vector<16xf32>
        %mul3A_1698 = arith.constant 64 : i32
        %mul3A_1699 = arith.muli %add3A_1667, %mul3A_1698 : i32
        %add3A_1700 = arith.constant 0 : i32
        %add3A_1701 = arith.addi %mul3A_1699, %add3A_1700 : i32
        %swap3A_1702 = arith.index_cast %add3A_1701 : i32 to index
        %swap3A_1703 = tpu.vector_load %arg14[%swap3A_1702] {strides = array<i32>} : memref<32768xf32, #tpu.memory_space<vmem>>, vector<16xf32>,
        %swap3A_1704 = vector.shape_cast %swap3A_1703 : vector<16xf32> to vector<16xf32>
        %swap3A_1705 = vector.shape_cast %mul3A_1697 : vector<16xf32> to vector<16xf32>
        tpu.vector_store %arg14[%swap3A_1702], %swap3A_1705 {strides = array<i32>} : memref<32768xf32, #tpu.memory_space<vmem>>, vector<16xf32>,
        %add3A_1706 = vector.broadcast %squeeze3A_1686 : i32 to vector<16xi32>
        %add3A_1707 = arith.addi %add3A_26, %add3A_1706 : vector<16xi32>
        %broadcast_in_dim3A_1708 = vector.shape_cast %add3A_1707 : vector<16xi32> to vector<16x1xi32>
        %gather3A_1709 = vector.shape_cast %broadcast_in_dim3A_1708 : vector<16x1xi32> to vector<16xi32>
        %gather3A_1710 = tpu.dynamic_gather %xor3A_1674[%gather3A_1709] in [0] : vector<16xi32>, vector<16xi32> -> vector<16xi32>
        %shift_left3A_1711 = arith.shli %gather3A_1710, %sub3A_17 : vector<16xi32>
        %shift_right_arithmetic3A_1712 = arith.constant 28 : i32
        %shift_right_arithmetic3A_1713 = vector.broadcast %shift_right_arithmetic3A_1712 : i32 to vector<16xi32>
        %shift_right_arithmetic3A_1714 = arith.shrsi %shift_left3A_1711, %shift_right_arithmetic3A_1713 : vector<16xi32>
        %convert_element_type3A_1715 = arith.sitofp %shift_right_arithmetic3A_1714 : vector<16xi32> to vector<16xf32>
        %mul3A_1716 = arith.mulf %convert_element_type3A_1715, %gather3A_1684 : vector<16xf32>
        %mul3A_1717 = arith.constant 64 : i32
        %mul3A_1718 = arith.muli %add3A_1667, %mul3A_1717 : i32
        %add3A_1719 = arith.constant 16 : i32
        %add3A_1720 = arith.addi %mul3A_1718, %add3A_1719 : i32
        %swap3A_1721 = arith.index_cast %add3A_1720 : i32 to index
        %swap3A_1722 = tpu.vector_load %arg14[%swap3A_1721] {strides = array<i32>} : memref<32768xf32, #tpu.memory_space<vmem>>, vector<16xf32>,
        %swap3A_1723 = vector.shape_cast %swap3A_1722 : vector<16xf32> to vector<16xf32>
        %swap3A_1724 = vector.shape_cast %mul3A_1716 : vector<16xf32> to vector<16xf32>
        tpu.vector_store %arg14[%swap3A_1721], %swap3A_1724 {strides = array<i32>} : memref<32768xf32, #tpu.memory_space<vmem>>, vector<16xf32>,
        %add3A_1725 = vector.broadcast %squeeze3A_1686 : i32 to vector<16xi32>
        %add3A_1726 = arith.addi %add3A_29, %add3A_1725 : vector<16xi32>
        %broadcast_in_dim3A_1727 = vector.shape_cast %add3A_1726 : vector<16xi32> to vector<16x1xi32>
        %gather3A_1728 = vector.shape_cast %broadcast_in_dim3A_1727 : vector<16x1xi32> to vector<16xi32>
        %gather3A_1729 = tpu.dynamic_gather %xor3A_1674[%gather3A_1728] in [0] : vector<16xi32>, vector<16xi32> -> vector<16xi32>
        %shift_left3A_1730 = arith.shli %gather3A_1729, %sub3A_17 : vector<16xi32>
        %shift_right_arithmetic3A_1731 = arith.constant 28 : i32
        %shift_right_arithmetic3A_1732 = vector.broadcast %shift_right_arithmetic3A_1731 : i32 to vector<16xi32>
        %shift_right_arithmetic3A_1733 = arith.shrsi %shift_left3A_1730, %shift_right_arithmetic3A_1732 : vector<16xi32>
        %convert_element_type3A_1734 = arith.sitofp %shift_right_arithmetic3A_1733 : vector<16xi32> to vector<16xf32>
        %mul3A_1735 = arith.mulf %convert_element_type3A_1734, %gather3A_1684 : vector<16xf32>
        %mul3A_1736 = arith.constant 64 : i32
        %mul3A_1737 = arith.muli %add3A_1667, %mul3A_1736 : i32
        %add3A_1738 = arith.constant 32 : i32
        %add3A_1739 = arith.addi %mul3A_1737, %add3A_1738 : i32
        %swap3A_1740 = arith.index_cast %add3A_1739 : i32 to index
        %swap3A_1741 = tpu.vector_load %arg14[%swap3A_1740] {strides = array<i32>} : memref<32768xf32, #tpu.memory_space<vmem>>, vector<16xf32>,
        %swap3A_1742 = vector.shape_cast %swap3A_1741 : vector<16xf32> to vector<16xf32>
        %swap3A_1743 = vector.shape_cast %mul3A_1735 : vector<16xf32> to vector<16xf32>
        tpu.vector_store %arg14[%swap3A_1740], %swap3A_1743 {strides = array<i32>} : memref<32768xf32, #tpu.memory_space<vmem>>, vector<16xf32>,
        %add3A_1744 = vector.broadcast %squeeze3A_1686 : i32 to vector<16xi32>
        %add3A_1745 = arith.addi %add3A_32, %add3A_1744 : vector<16xi32>
        %broadcast_in_dim3A_1746 = vector.shape_cast %add3A_1745 : vector<16xi32> to vector<16x1xi32>
        %gather3A_1747 = vector.shape_cast %broadcast_in_dim3A_1746 : vector<16x1xi32> to vector<16xi32>
        %gather3A_1748 = tpu.dynamic_gather %xor3A_1674[%gather3A_1747] in [0] : vector<16xi32>, vector<16xi32> -> vector<16xi32>
        %shift_left3A_1749 = arith.shli %gather3A_1748, %sub3A_17 : vector<16xi32>
        %shift_right_arithmetic3A_1750 = arith.constant 28 : i32
        %shift_right_arithmetic3A_1751 = vector.broadcast %shift_right_arithmetic3A_1750 : i32 to vector<16xi32>
        %shift_right_arithmetic3A_1752 = arith.shrsi %shift_left3A_1749, %shift_right_arithmetic3A_1751 : vector<16xi32>
        %convert_element_type3A_1753 = arith.sitofp %shift_right_arithmetic3A_1752 : vector<16xi32> to vector<16xf32>
        %mul3A_1754 = arith.mulf %convert_element_type3A_1753, %gather3A_1684 : vector<16xf32>
        %mul3A_1755 = arith.constant 64 : i32
        %mul3A_1756 = arith.muli %add3A_1667, %mul3A_1755 : i32
        %add3A_1757 = arith.constant 48 : i32
        %add3A_1758 = arith.addi %mul3A_1756, %add3A_1757 : i32
        %swap3A_1759 = arith.index_cast %add3A_1758 : i32 to index
        %swap3A_1760 = tpu.vector_load %arg14[%swap3A_1759] {strides = array<i32>} : memref<32768xf32, #tpu.memory_space<vmem>>, vector<16xf32>,
        %swap3A_1761 = vector.shape_cast %swap3A_1760 : vector<16xf32> to vector<16xf32>
        %swap3A_1762 = vector.shape_cast %mul3A_1754 : vector<16xf32> to vector<16xf32>
        tpu.vector_store %arg14[%swap3A_1759], %swap3A_1762 {strides = array<i32>} : memref<32768xf32, #tpu.memory_space<vmem>>, vector<16xf32>,
        %mul3A_1763 = arith.constant 16 : i32
        %mul3A_1764 = arith.muli %scan3A_664, %mul3A_1763 : i32
        %add3A_1765 = arith.constant 11 : i32
        %add3A_1766 = arith.addi %mul3A_1764, %add3A_1765 : i32
        %get3A_1767 = arith.index_cast %add3A_1766 : i32 to index
        %get3A_1768 = arith.constant 0 : index
        %get3A_1769 = tpu.vector_load %arg10[%get3A_1767, %get3A_1768] {strides = array<i32>} : memref<512x16xi32, #tpu.memory_space<vmem>>, vector<1x16xi32>,
        %get3A_1770 = vector.shape_cast %get3A_1769 : vector<1x16xi32> to vector<16xi32>
        %xor3A_1771 = arith.constant -2004318072 : i32
        %xor3A_1772 = vector.broadcast %xor3A_1771 : i32 to vector<16xi32>
        %xor3A_1773 = arith.xori %get3A_1770, %xor3A_1772 : vector<16xi32>
        %get3A_1774 = arith.index_cast %add3A_1766 : i32 to index
        %get3A_1775 = arith.constant 0 : index
        %get3A_1776 = tpu.vector_load %arg12[%get3A_1774, %get3A_1775] {strides = array<i32>} : memref<512x16xf32, #tpu.memory_space<vmem>>, vector<1x16xf32>,
        %get3A_1777 = vector.shape_cast %get3A_1776 : vector<1x16xf32> to vector<16xf32>
        %slice3A_1778 = vector.extract_strided_slice %and3A_674 {offsets = [11], sizes = [1], strides = [1]} : vector<16xi32> to vector<1xi32>
        %squeeze3A_1779 = vector.extract %slice3A_1778[0] : i32 from vector<1xi32>
        %broadcast_in_dim3A_1780 = vector.broadcast %squeeze3A_1779 : i32 to vector<16xi32>
        %broadcast_in_dim3A_1781 = vector.shape_cast %broadcast_in_dim3A_1780 : vector<16xi32> to vector<16x1xi32>
        %gather3A_1782 = vector.shape_cast %broadcast_in_dim3A_1781 : vector<16x1xi32> to vector<16xi32>
        %gather3A_1783 = tpu.dynamic_gather %get3A_1777[%gather3A_1782] in [0] : vector<16xf32>, vector<16xi32> -> vector<16xf32>
        %slice3A_1784 = vector.extract_strided_slice %shift_left3A_680 {offsets = [11], sizes = [1], strides = [1]} : vector<16xi32> to vector<1xi32>
        %squeeze3A_1785 = vector.extract %slice3A_1784[0] : i32 from vector<1xi32>
        %add3A_1786 = vector.broadcast %squeeze3A_1785 : i32 to vector<16xi32>
        %add3A_1787 = arith.addi %add3A_23, %add3A_1786 : vector<16xi32>
        %broadcast_in_dim3A_1788 = vector.shape_cast %add3A_1787 : vector<16xi32> to vector<16x1xi32>
        %gather3A_1789 = vector.shape_cast %broadcast_in_dim3A_1788 : vector<16x1xi32> to vector<16xi32>
        %gather3A_1790 = tpu.dynamic_gather %xor3A_1773[%gather3A_1789] in [0] : vector<16xi32>, vector<16xi32> -> vector<16xi32>
        %shift_left3A_1791 = arith.shli %gather3A_1790, %sub3A_17 : vector<16xi32>
        %shift_right_arithmetic3A_1792 = arith.constant 28 : i32
        %shift_right_arithmetic3A_1793 = vector.broadcast %shift_right_arithmetic3A_1792 : i32 to vector<16xi32>
        %shift_right_arithmetic3A_1794 = arith.shrsi %shift_left3A_1791, %shift_right_arithmetic3A_1793 : vector<16xi32>
        %convert_element_type3A_1795 = arith.sitofp %shift_right_arithmetic3A_1794 : vector<16xi32> to vector<16xf32>
        %mul3A_1796 = arith.mulf %convert_element_type3A_1795, %gather3A_1783 : vector<16xf32>
        %mul3A_1797 = arith.constant 64 : i32
        %mul3A_1798 = arith.muli %add3A_1766, %mul3A_1797 : i32
        %add3A_1799 = arith.constant 0 : i32
        %add3A_1800 = arith.addi %mul3A_1798, %add3A_1799 : i32
        %swap3A_1801 = arith.index_cast %add3A_1800 : i32 to index
        %swap3A_1802 = tpu.vector_load %arg14[%swap3A_1801] {strides = array<i32>} : memref<32768xf32, #tpu.memory_space<vmem>>, vector<16xf32>,
        %swap3A_1803 = vector.shape_cast %swap3A_1802 : vector<16xf32> to vector<16xf32>
        %swap3A_1804 = vector.shape_cast %mul3A_1796 : vector<16xf32> to vector<16xf32>
        tpu.vector_store %arg14[%swap3A_1801], %swap3A_1804 {strides = array<i32>} : memref<32768xf32, #tpu.memory_space<vmem>>, vector<16xf32>,
        %add3A_1805 = vector.broadcast %squeeze3A_1785 : i32 to vector<16xi32>
        %add3A_1806 = arith.addi %add3A_26, %add3A_1805 : vector<16xi32>
        %broadcast_in_dim3A_1807 = vector.shape_cast %add3A_1806 : vector<16xi32> to vector<16x1xi32>
        %gather3A_1808 = vector.shape_cast %broadcast_in_dim3A_1807 : vector<16x1xi32> to vector<16xi32>
        %gather3A_1809 = tpu.dynamic_gather %xor3A_1773[%gather3A_1808] in [0] : vector<16xi32>, vector<16xi32> -> vector<16xi32>
        %shift_left3A_1810 = arith.shli %gather3A_1809, %sub3A_17 : vector<16xi32>
        %shift_right_arithmetic3A_1811 = arith.constant 28 : i32
        %shift_right_arithmetic3A_1812 = vector.broadcast %shift_right_arithmetic3A_1811 : i32 to vector<16xi32>
        %shift_right_arithmetic3A_1813 = arith.shrsi %shift_left3A_1810, %shift_right_arithmetic3A_1812 : vector<16xi32>
        %convert_element_type3A_1814 = arith.sitofp %shift_right_arithmetic3A_1813 : vector<16xi32> to vector<16xf32>
        %mul3A_1815 = arith.mulf %convert_element_type3A_1814, %gather3A_1783 : vector<16xf32>
        %mul3A_1816 = arith.constant 64 : i32
        %mul3A_1817 = arith.muli %add3A_1766, %mul3A_1816 : i32
        %add3A_1818 = arith.constant 16 : i32
        %add3A_1819 = arith.addi %mul3A_1817, %add3A_1818 : i32
        %swap3A_1820 = arith.index_cast %add3A_1819 : i32 to index
        %swap3A_1821 = tpu.vector_load %arg14[%swap3A_1820] {strides = array<i32>} : memref<32768xf32, #tpu.memory_space<vmem>>, vector<16xf32>,
        %swap3A_1822 = vector.shape_cast %swap3A_1821 : vector<16xf32> to vector<16xf32>
        %swap3A_1823 = vector.shape_cast %mul3A_1815 : vector<16xf32> to vector<16xf32>
        tpu.vector_store %arg14[%swap3A_1820], %swap3A_1823 {strides = array<i32>} : memref<32768xf32, #tpu.memory_space<vmem>>, vector<16xf32>,
        %add3A_1824 = vector.broadcast %squeeze3A_1785 : i32 to vector<16xi32>
        %add3A_1825 = arith.addi %add3A_29, %add3A_1824 : vector<16xi32>
        %broadcast_in_dim3A_1826 = vector.shape_cast %add3A_1825 : vector<16xi32> to vector<16x1xi32>
        %gather3A_1827 = vector.shape_cast %broadcast_in_dim3A_1826 : vector<16x1xi32> to vector<16xi32>
        %gather3A_1828 = tpu.dynamic_gather %xor3A_1773[%gather3A_1827] in [0] : vector<16xi32>, vector<16xi32> -> vector<16xi32>
        %shift_left3A_1829 = arith.shli %gather3A_1828, %sub3A_17 : vector<16xi32>
        %shift_right_arithmetic3A_1830 = arith.constant 28 : i32
        %shift_right_arithmetic3A_1831 = vector.broadcast %shift_right_arithmetic3A_1830 : i32 to vector<16xi32>
        %shift_right_arithmetic3A_1832 = arith.shrsi %shift_left3A_1829, %shift_right_arithmetic3A_1831 : vector<16xi32>
        %convert_element_type3A_1833 = arith.sitofp %shift_right_arithmetic3A_1832 : vector<16xi32> to vector<16xf32>
        %mul3A_1834 = arith.mulf %convert_element_type3A_1833, %gather3A_1783 : vector<16xf32>
        %mul3A_1835 = arith.constant 64 : i32
        %mul3A_1836 = arith.muli %add3A_1766, %mul3A_1835 : i32
        %add3A_1837 = arith.constant 32 : i32
        %add3A_1838 = arith.addi %mul3A_1836, %add3A_1837 : i32
        %swap3A_1839 = arith.index_cast %add3A_1838 : i32 to index
        %swap3A_1840 = tpu.vector_load %arg14[%swap3A_1839] {strides = array<i32>} : memref<32768xf32, #tpu.memory_space<vmem>>, vector<16xf32>,
        %swap3A_1841 = vector.shape_cast %swap3A_1840 : vector<16xf32> to vector<16xf32>
        %swap3A_1842 = vector.shape_cast %mul3A_1834 : vector<16xf32> to vector<16xf32>
        tpu.vector_store %arg14[%swap3A_1839], %swap3A_1842 {strides = array<i32>} : memref<32768xf32, #tpu.memory_space<vmem>>, vector<16xf32>,
        %add3A_1843 = vector.broadcast %squeeze3A_1785 : i32 to vector<16xi32>
        %add3A_1844 = arith.addi %add3A_32, %add3A_1843 : vector<16xi32>
        %broadcast_in_dim3A_1845 = vector.shape_cast %add3A_1844 : vector<16xi32> to vector<16x1xi32>
        %gather3A_1846 = vector.shape_cast %broadcast_in_dim3A_1845 : vector<16x1xi32> to vector<16xi32>
        %gather3A_1847 = tpu.dynamic_gather %xor3A_1773[%gather3A_1846] in [0] : vector<16xi32>, vector<16xi32> -> vector<16xi32>
        %shift_left3A_1848 = arith.shli %gather3A_1847, %sub3A_17 : vector<16xi32>
        %shift_right_arithmetic3A_1849 = arith.constant 28 : i32
        %shift_right_arithmetic3A_1850 = vector.broadcast %shift_right_arithmetic3A_1849 : i32 to vector<16xi32>
        %shift_right_arithmetic3A_1851 = arith.shrsi %shift_left3A_1848, %shift_right_arithmetic3A_1850 : vector<16xi32>
        %convert_element_type3A_1852 = arith.sitofp %shift_right_arithmetic3A_1851 : vector<16xi32> to vector<16xf32>
        %mul3A_1853 = arith.mulf %convert_element_type3A_1852, %gather3A_1783 : vector<16xf32>
        %mul3A_1854 = arith.constant 64 : i32
        %mul3A_1855 = arith.muli %add3A_1766, %mul3A_1854 : i32
        %add3A_1856 = arith.constant 48 : i32
        %add3A_1857 = arith.addi %mul3A_1855, %add3A_1856 : i32
        %swap3A_1858 = arith.index_cast %add3A_1857 : i32 to index
        %swap3A_1859 = tpu.vector_load %arg14[%swap3A_1858] {strides = array<i32>} : memref<32768xf32, #tpu.memory_space<vmem>>, vector<16xf32>,
        %swap3A_1860 = vector.shape_cast %swap3A_1859 : vector<16xf32> to vector<16xf32>
        %swap3A_1861 = vector.shape_cast %mul3A_1853 : vector<16xf32> to vector<16xf32>
        tpu.vector_store %arg14[%swap3A_1858], %swap3A_1861 {strides = array<i32>} : memref<32768xf32, #tpu.memory_space<vmem>>, vector<16xf32>,
        %mul3A_1862 = arith.constant 16 : i32
        %mul3A_1863 = arith.muli %scan3A_664, %mul3A_1862 : i32
        %add3A_1864 = arith.constant 12 : i32
        %add3A_1865 = arith.addi %mul3A_1863, %add3A_1864 : i32
        %get3A_1866 = arith.index_cast %add3A_1865 : i32 to index
        %get3A_1867 = arith.constant 0 : index
        %get3A_1868 = tpu.vector_load %arg10[%get3A_1866, %get3A_1867] {strides = array<i32>} : memref<512x16xi32, #tpu.memory_space<vmem>>, vector<1x16xi32>,
        %get3A_1869 = vector.shape_cast %get3A_1868 : vector<1x16xi32> to vector<16xi32>
        %xor3A_1870 = arith.constant -2004318072 : i32
        %xor3A_1871 = vector.broadcast %xor3A_1870 : i32 to vector<16xi32>
        %xor3A_1872 = arith.xori %get3A_1869, %xor3A_1871 : vector<16xi32>
        %get3A_1873 = arith.index_cast %add3A_1865 : i32 to index
        %get3A_1874 = arith.constant 0 : index
        %get3A_1875 = tpu.vector_load %arg12[%get3A_1873, %get3A_1874] {strides = array<i32>} : memref<512x16xf32, #tpu.memory_space<vmem>>, vector<1x16xf32>,
        %get3A_1876 = vector.shape_cast %get3A_1875 : vector<1x16xf32> to vector<16xf32>
        %slice3A_1877 = vector.extract_strided_slice %and3A_674 {offsets = [12], sizes = [1], strides = [1]} : vector<16xi32> to vector<1xi32>
        %squeeze3A_1878 = vector.extract %slice3A_1877[0] : i32 from vector<1xi32>
        %broadcast_in_dim3A_1879 = vector.broadcast %squeeze3A_1878 : i32 to vector<16xi32>
        %broadcast_in_dim3A_1880 = vector.shape_cast %broadcast_in_dim3A_1879 : vector<16xi32> to vector<16x1xi32>
        %gather3A_1881 = vector.shape_cast %broadcast_in_dim3A_1880 : vector<16x1xi32> to vector<16xi32>
        %gather3A_1882 = tpu.dynamic_gather %get3A_1876[%gather3A_1881] in [0] : vector<16xf32>, vector<16xi32> -> vector<16xf32>
        %slice3A_1883 = vector.extract_strided_slice %shift_left3A_680 {offsets = [12], sizes = [1], strides = [1]} : vector<16xi32> to vector<1xi32>
        %squeeze3A_1884 = vector.extract %slice3A_1883[0] : i32 from vector<1xi32>
        %add3A_1885 = vector.broadcast %squeeze3A_1884 : i32 to vector<16xi32>
        %add3A_1886 = arith.addi %add3A_23, %add3A_1885 : vector<16xi32>
        %broadcast_in_dim3A_1887 = vector.shape_cast %add3A_1886 : vector<16xi32> to vector<16x1xi32>
        %gather3A_1888 = vector.shape_cast %broadcast_in_dim3A_1887 : vector<16x1xi32> to vector<16xi32>
        %gather3A_1889 = tpu.dynamic_gather %xor3A_1872[%gather3A_1888] in [0] : vector<16xi32>, vector<16xi32> -> vector<16xi32>
        %shift_left3A_1890 = arith.shli %gather3A_1889, %sub3A_17 : vector<16xi32>
        %shift_right_arithmetic3A_1891 = arith.constant 28 : i32
        %shift_right_arithmetic3A_1892 = vector.broadcast %shift_right_arithmetic3A_1891 : i32 to vector<16xi32>
        %shift_right_arithmetic3A_1893 = arith.shrsi %shift_left3A_1890, %shift_right_arithmetic3A_1892 : vector<16xi32>
        %convert_element_type3A_1894 = arith.sitofp %shift_right_arithmetic3A_1893 : vector<16xi32> to vector<16xf32>
        %mul3A_1895 = arith.mulf %convert_element_type3A_1894, %gather3A_1882 : vector<16xf32>
        %mul3A_1896 = arith.constant 64 : i32
        %mul3A_1897 = arith.muli %add3A_1865, %mul3A_1896 : i32
        %add3A_1898 = arith.constant 0 : i32
        %add3A_1899 = arith.addi %mul3A_1897, %add3A_1898 : i32
        %swap3A_1900 = arith.index_cast %add3A_1899 : i32 to index
        %swap3A_1901 = tpu.vector_load %arg14[%swap3A_1900] {strides = array<i32>} : memref<32768xf32, #tpu.memory_space<vmem>>, vector<16xf32>,
        %swap3A_1902 = vector.shape_cast %swap3A_1901 : vector<16xf32> to vector<16xf32>
        %swap3A_1903 = vector.shape_cast %mul3A_1895 : vector<16xf32> to vector<16xf32>
        tpu.vector_store %arg14[%swap3A_1900], %swap3A_1903 {strides = array<i32>} : memref<32768xf32, #tpu.memory_space<vmem>>, vector<16xf32>,
        %add3A_1904 = vector.broadcast %squeeze3A_1884 : i32 to vector<16xi32>
        %add3A_1905 = arith.addi %add3A_26, %add3A_1904 : vector<16xi32>
        %broadcast_in_dim3A_1906 = vector.shape_cast %add3A_1905 : vector<16xi32> to vector<16x1xi32>
        %gather3A_1907 = vector.shape_cast %broadcast_in_dim3A_1906 : vector<16x1xi32> to vector<16xi32>
        %gather3A_1908 = tpu.dynamic_gather %xor3A_1872[%gather3A_1907] in [0] : vector<16xi32>, vector<16xi32> -> vector<16xi32>
        %shift_left3A_1909 = arith.shli %gather3A_1908, %sub3A_17 : vector<16xi32>
        %shift_right_arithmetic3A_1910 = arith.constant 28 : i32
        %shift_right_arithmetic3A_1911 = vector.broadcast %shift_right_arithmetic3A_1910 : i32 to vector<16xi32>
        %shift_right_arithmetic3A_1912 = arith.shrsi %shift_left3A_1909, %shift_right_arithmetic3A_1911 : vector<16xi32>
        %convert_element_type3A_1913 = arith.sitofp %shift_right_arithmetic3A_1912 : vector<16xi32> to vector<16xf32>
        %mul3A_1914 = arith.mulf %convert_element_type3A_1913, %gather3A_1882 : vector<16xf32>
        %mul3A_1915 = arith.constant 64 : i32
        %mul3A_1916 = arith.muli %add3A_1865, %mul3A_1915 : i32
        %add3A_1917 = arith.constant 16 : i32
        %add3A_1918 = arith.addi %mul3A_1916, %add3A_1917 : i32
        %swap3A_1919 = arith.index_cast %add3A_1918 : i32 to index
        %swap3A_1920 = tpu.vector_load %arg14[%swap3A_1919] {strides = array<i32>} : memref<32768xf32, #tpu.memory_space<vmem>>, vector<16xf32>,
        %swap3A_1921 = vector.shape_cast %swap3A_1920 : vector<16xf32> to vector<16xf32>
        %swap3A_1922 = vector.shape_cast %mul3A_1914 : vector<16xf32> to vector<16xf32>
        tpu.vector_store %arg14[%swap3A_1919], %swap3A_1922 {strides = array<i32>} : memref<32768xf32, #tpu.memory_space<vmem>>, vector<16xf32>,
        %add3A_1923 = vector.broadcast %squeeze3A_1884 : i32 to vector<16xi32>
        %add3A_1924 = arith.addi %add3A_29, %add3A_1923 : vector<16xi32>
        %broadcast_in_dim3A_1925 = vector.shape_cast %add3A_1924 : vector<16xi32> to vector<16x1xi32>
        %gather3A_1926 = vector.shape_cast %broadcast_in_dim3A_1925 : vector<16x1xi32> to vector<16xi32>
        %gather3A_1927 = tpu.dynamic_gather %xor3A_1872[%gather3A_1926] in [0] : vector<16xi32>, vector<16xi32> -> vector<16xi32>
        %shift_left3A_1928 = arith.shli %gather3A_1927, %sub3A_17 : vector<16xi32>
        %shift_right_arithmetic3A_1929 = arith.constant 28 : i32
        %shift_right_arithmetic3A_1930 = vector.broadcast %shift_right_arithmetic3A_1929 : i32 to vector<16xi32>
        %shift_right_arithmetic3A_1931 = arith.shrsi %shift_left3A_1928, %shift_right_arithmetic3A_1930 : vector<16xi32>
        %convert_element_type3A_1932 = arith.sitofp %shift_right_arithmetic3A_1931 : vector<16xi32> to vector<16xf32>
        %mul3A_1933 = arith.mulf %convert_element_type3A_1932, %gather3A_1882 : vector<16xf32>
        %mul3A_1934 = arith.constant 64 : i32
        %mul3A_1935 = arith.muli %add3A_1865, %mul3A_1934 : i32
        %add3A_1936 = arith.constant 32 : i32
        %add3A_1937 = arith.addi %mul3A_1935, %add3A_1936 : i32
        %swap3A_1938 = arith.index_cast %add3A_1937 : i32 to index
        %swap3A_1939 = tpu.vector_load %arg14[%swap3A_1938] {strides = array<i32>} : memref<32768xf32, #tpu.memory_space<vmem>>, vector<16xf32>,
        %swap3A_1940 = vector.shape_cast %swap3A_1939 : vector<16xf32> to vector<16xf32>
        %swap3A_1941 = vector.shape_cast %mul3A_1933 : vector<16xf32> to vector<16xf32>
        tpu.vector_store %arg14[%swap3A_1938], %swap3A_1941 {strides = array<i32>} : memref<32768xf32, #tpu.memory_space<vmem>>, vector<16xf32>,
        %add3A_1942 = vector.broadcast %squeeze3A_1884 : i32 to vector<16xi32>
        %add3A_1943 = arith.addi %add3A_32, %add3A_1942 : vector<16xi32>
        %broadcast_in_dim3A_1944 = vector.shape_cast %add3A_1943 : vector<16xi32> to vector<16x1xi32>
        %gather3A_1945 = vector.shape_cast %broadcast_in_dim3A_1944 : vector<16x1xi32> to vector<16xi32>
        %gather3A_1946 = tpu.dynamic_gather %xor3A_1872[%gather3A_1945] in [0] : vector<16xi32>, vector<16xi32> -> vector<16xi32>
        %shift_left3A_1947 = arith.shli %gather3A_1946, %sub3A_17 : vector<16xi32>
        %shift_right_arithmetic3A_1948 = arith.constant 28 : i32
        %shift_right_arithmetic3A_1949 = vector.broadcast %shift_right_arithmetic3A_1948 : i32 to vector<16xi32>
        %shift_right_arithmetic3A_1950 = arith.shrsi %shift_left3A_1947, %shift_right_arithmetic3A_1949 : vector<16xi32>
        %convert_element_type3A_1951 = arith.sitofp %shift_right_arithmetic3A_1950 : vector<16xi32> to vector<16xf32>
        %mul3A_1952 = arith.mulf %convert_element_type3A_1951, %gather3A_1882 : vector<16xf32>
        %mul3A_1953 = arith.constant 64 : i32
        %mul3A_1954 = arith.muli %add3A_1865, %mul3A_1953 : i32
        %add3A_1955 = arith.constant 48 : i32
        %add3A_1956 = arith.addi %mul3A_1954, %add3A_1955 : i32
        %swap3A_1957 = arith.index_cast %add3A_1956 : i32 to index
        %swap3A_1958 = tpu.vector_load %arg14[%swap3A_1957] {strides = array<i32>} : memref<32768xf32, #tpu.memory_space<vmem>>, vector<16xf32>,
        %swap3A_1959 = vector.shape_cast %swap3A_1958 : vector<16xf32> to vector<16xf32>
        %swap3A_1960 = vector.shape_cast %mul3A_1952 : vector<16xf32> to vector<16xf32>
        tpu.vector_store %arg14[%swap3A_1957], %swap3A_1960 {strides = array<i32>} : memref<32768xf32, #tpu.memory_space<vmem>>, vector<16xf32>,
        %mul3A_1961 = arith.constant 16 : i32
        %mul3A_1962 = arith.muli %scan3A_664, %mul3A_1961 : i32
        %add3A_1963 = arith.constant 13 : i32
        %add3A_1964 = arith.addi %mul3A_1962, %add3A_1963 : i32
        %get3A_1965 = arith.index_cast %add3A_1964 : i32 to index
        %get3A_1966 = arith.constant 0 : index
        %get3A_1967 = tpu.vector_load %arg10[%get3A_1965, %get3A_1966] {strides = array<i32>} : memref<512x16xi32, #tpu.memory_space<vmem>>, vector<1x16xi32>,
        %get3A_1968 = vector.shape_cast %get3A_1967 : vector<1x16xi32> to vector<16xi32>
        %xor3A_1969 = arith.constant -2004318072 : i32
        %xor3A_1970 = vector.broadcast %xor3A_1969 : i32 to vector<16xi32>
        %xor3A_1971 = arith.xori %get3A_1968, %xor3A_1970 : vector<16xi32>
        %get3A_1972 = arith.index_cast %add3A_1964 : i32 to index
        %get3A_1973 = arith.constant 0 : index
        %get3A_1974 = tpu.vector_load %arg12[%get3A_1972, %get3A_1973] {strides = array<i32>} : memref<512x16xf32, #tpu.memory_space<vmem>>, vector<1x16xf32>,
        %get3A_1975 = vector.shape_cast %get3A_1974 : vector<1x16xf32> to vector<16xf32>
        %slice3A_1976 = vector.extract_strided_slice %and3A_674 {offsets = [13], sizes = [1], strides = [1]} : vector<16xi32> to vector<1xi32>
        %squeeze3A_1977 = vector.extract %slice3A_1976[0] : i32 from vector<1xi32>
        %broadcast_in_dim3A_1978 = vector.broadcast %squeeze3A_1977 : i32 to vector<16xi32>
        %broadcast_in_dim3A_1979 = vector.shape_cast %broadcast_in_dim3A_1978 : vector<16xi32> to vector<16x1xi32>
        %gather3A_1980 = vector.shape_cast %broadcast_in_dim3A_1979 : vector<16x1xi32> to vector<16xi32>
        %gather3A_1981 = tpu.dynamic_gather %get3A_1975[%gather3A_1980] in [0] : vector<16xf32>, vector<16xi32> -> vector<16xf32>
        %slice3A_1982 = vector.extract_strided_slice %shift_left3A_680 {offsets = [13], sizes = [1], strides = [1]} : vector<16xi32> to vector<1xi32>
        %squeeze3A_1983 = vector.extract %slice3A_1982[0] : i32 from vector<1xi32>
        %add3A_1984 = vector.broadcast %squeeze3A_1983 : i32 to vector<16xi32>
        %add3A_1985 = arith.addi %add3A_23, %add3A_1984 : vector<16xi32>
        %broadcast_in_dim3A_1986 = vector.shape_cast %add3A_1985 : vector<16xi32> to vector<16x1xi32>
        %gather3A_1987 = vector.shape_cast %broadcast_in_dim3A_1986 : vector<16x1xi32> to vector<16xi32>
        %gather3A_1988 = tpu.dynamic_gather %xor3A_1971[%gather3A_1987] in [0] : vector<16xi32>, vector<16xi32> -> vector<16xi32>
        %shift_left3A_1989 = arith.shli %gather3A_1988, %sub3A_17 : vector<16xi32>
        %shift_right_arithmetic3A_1990 = arith.constant 28 : i32
        %shift_right_arithmetic3A_1991 = vector.broadcast %shift_right_arithmetic3A_1990 : i32 to vector<16xi32>
        %shift_right_arithmetic3A_1992 = arith.shrsi %shift_left3A_1989, %shift_right_arithmetic3A_1991 : vector<16xi32>
        %convert_element_type3A_1993 = arith.sitofp %shift_right_arithmetic3A_1992 : vector<16xi32> to vector<16xf32>
        %mul3A_1994 = arith.mulf %convert_element_type3A_1993, %gather3A_1981 : vector<16xf32>
        %mul3A_1995 = arith.constant 64 : i32
        %mul3A_1996 = arith.muli %add3A_1964, %mul3A_1995 : i32
        %add3A_1997 = arith.constant 0 : i32
        %add3A_1998 = arith.addi %mul3A_1996, %add3A_1997 : i32
        %swap3A_1999 = arith.index_cast %add3A_1998 : i32 to index
        %swap3A_2000 = tpu.vector_load %arg14[%swap3A_1999] {strides = array<i32>} : memref<32768xf32, #tpu.memory_space<vmem>>, vector<16xf32>,
        %swap3A_2001 = vector.shape_cast %swap3A_2000 : vector<16xf32> to vector<16xf32>
        %swap3A_2002 = vector.shape_cast %mul3A_1994 : vector<16xf32> to vector<16xf32>
        tpu.vector_store %arg14[%swap3A_1999], %swap3A_2002 {strides = array<i32>} : memref<32768xf32, #tpu.memory_space<vmem>>, vector<16xf32>,
        %add3A_2003 = vector.broadcast %squeeze3A_1983 : i32 to vector<16xi32>
        %add3A_2004 = arith.addi %add3A_26, %add3A_2003 : vector<16xi32>
        %broadcast_in_dim3A_2005 = vector.shape_cast %add3A_2004 : vector<16xi32> to vector<16x1xi32>
        %gather3A_2006 = vector.shape_cast %broadcast_in_dim3A_2005 : vector<16x1xi32> to vector<16xi32>
        %gather3A_2007 = tpu.dynamic_gather %xor3A_1971[%gather3A_2006] in [0] : vector<16xi32>, vector<16xi32> -> vector<16xi32>
        %shift_left3A_2008 = arith.shli %gather3A_2007, %sub3A_17 : vector<16xi32>
        %shift_right_arithmetic3A_2009 = arith.constant 28 : i32
        %shift_right_arithmetic3A_2010 = vector.broadcast %shift_right_arithmetic3A_2009 : i32 to vector<16xi32>
        %shift_right_arithmetic3A_2011 = arith.shrsi %shift_left3A_2008, %shift_right_arithmetic3A_2010 : vector<16xi32>
        %convert_element_type3A_2012 = arith.sitofp %shift_right_arithmetic3A_2011 : vector<16xi32> to vector<16xf32>
        %mul3A_2013 = arith.mulf %convert_element_type3A_2012, %gather3A_1981 : vector<16xf32>
        %mul3A_2014 = arith.constant 64 : i32
        %mul3A_2015 = arith.muli %add3A_1964, %mul3A_2014 : i32
        %add3A_2016 = arith.constant 16 : i32
        %add3A_2017 = arith.addi %mul3A_2015, %add3A_2016 : i32
        %swap3A_2018 = arith.index_cast %add3A_2017 : i32 to index
        %swap3A_2019 = tpu.vector_load %arg14[%swap3A_2018] {strides = array<i32>} : memref<32768xf32, #tpu.memory_space<vmem>>, vector<16xf32>,
        %swap3A_2020 = vector.shape_cast %swap3A_2019 : vector<16xf32> to vector<16xf32>
        %swap3A_2021 = vector.shape_cast %mul3A_2013 : vector<16xf32> to vector<16xf32>
        tpu.vector_store %arg14[%swap3A_2018], %swap3A_2021 {strides = array<i32>} : memref<32768xf32, #tpu.memory_space<vmem>>, vector<16xf32>,
        %add3A_2022 = vector.broadcast %squeeze3A_1983 : i32 to vector<16xi32>
        %add3A_2023 = arith.addi %add3A_29, %add3A_2022 : vector<16xi32>
        %broadcast_in_dim3A_2024 = vector.shape_cast %add3A_2023 : vector<16xi32> to vector<16x1xi32>
        %gather3A_2025 = vector.shape_cast %broadcast_in_dim3A_2024 : vector<16x1xi32> to vector<16xi32>
        %gather3A_2026 = tpu.dynamic_gather %xor3A_1971[%gather3A_2025] in [0] : vector<16xi32>, vector<16xi32> -> vector<16xi32>
        %shift_left3A_2027 = arith.shli %gather3A_2026, %sub3A_17 : vector<16xi32>
        %shift_right_arithmetic3A_2028 = arith.constant 28 : i32
        %shift_right_arithmetic3A_2029 = vector.broadcast %shift_right_arithmetic3A_2028 : i32 to vector<16xi32>
        %shift_right_arithmetic3A_2030 = arith.shrsi %shift_left3A_2027, %shift_right_arithmetic3A_2029 : vector<16xi32>
        %convert_element_type3A_2031 = arith.sitofp %shift_right_arithmetic3A_2030 : vector<16xi32> to vector<16xf32>
        %mul3A_2032 = arith.mulf %convert_element_type3A_2031, %gather3A_1981 : vector<16xf32>
        %mul3A_2033 = arith.constant 64 : i32
        %mul3A_2034 = arith.muli %add3A_1964, %mul3A_2033 : i32
        %add3A_2035 = arith.constant 32 : i32
        %add3A_2036 = arith.addi %mul3A_2034, %add3A_2035 : i32
        %swap3A_2037 = arith.index_cast %add3A_2036 : i32 to index
        %swap3A_2038 = tpu.vector_load %arg14[%swap3A_2037] {strides = array<i32>} : memref<32768xf32, #tpu.memory_space<vmem>>, vector<16xf32>,
        %swap3A_2039 = vector.shape_cast %swap3A_2038 : vector<16xf32> to vector<16xf32>
        %swap3A_2040 = vector.shape_cast %mul3A_2032 : vector<16xf32> to vector<16xf32>
        tpu.vector_store %arg14[%swap3A_2037], %swap3A_2040 {strides = array<i32>} : memref<32768xf32, #tpu.memory_space<vmem>>, vector<16xf32>,
        %add3A_2041 = vector.broadcast %squeeze3A_1983 : i32 to vector<16xi32>
        %add3A_2042 = arith.addi %add3A_32, %add3A_2041 : vector<16xi32>
        %broadcast_in_dim3A_2043 = vector.shape_cast %add3A_2042 : vector<16xi32> to vector<16x1xi32>
        %gather3A_2044 = vector.shape_cast %broadcast_in_dim3A_2043 : vector<16x1xi32> to vector<16xi32>
        %gather3A_2045 = tpu.dynamic_gather %xor3A_1971[%gather3A_2044] in [0] : vector<16xi32>, vector<16xi32> -> vector<16xi32>
        %shift_left3A_2046 = arith.shli %gather3A_2045, %sub3A_17 : vector<16xi32>
        %shift_right_arithmetic3A_2047 = arith.constant 28 : i32
        %shift_right_arithmetic3A_2048 = vector.broadcast %shift_right_arithmetic3A_2047 : i32 to vector<16xi32>
        %shift_right_arithmetic3A_2049 = arith.shrsi %shift_left3A_2046, %shift_right_arithmetic3A_2048 : vector<16xi32>
        %convert_element_type3A_2050 = arith.sitofp %shift_right_arithmetic3A_2049 : vector<16xi32> to vector<16xf32>
        %mul3A_2051 = arith.mulf %convert_element_type3A_2050, %gather3A_1981 : vector<16xf32>
        %mul3A_2052 = arith.constant 64 : i32
        %mul3A_2053 = arith.muli %add3A_1964, %mul3A_2052 : i32
        %add3A_2054 = arith.constant 48 : i32
        %add3A_2055 = arith.addi %mul3A_2053, %add3A_2054 : i32
        %swap3A_2056 = arith.index_cast %add3A_2055 : i32 to index
        %swap3A_2057 = tpu.vector_load %arg14[%swap3A_2056] {strides = array<i32>} : memref<32768xf32, #tpu.memory_space<vmem>>, vector<16xf32>,
        %swap3A_2058 = vector.shape_cast %swap3A_2057 : vector<16xf32> to vector<16xf32>
        %swap3A_2059 = vector.shape_cast %mul3A_2051 : vector<16xf32> to vector<16xf32>
        tpu.vector_store %arg14[%swap3A_2056], %swap3A_2059 {strides = array<i32>} : memref<32768xf32, #tpu.memory_space<vmem>>, vector<16xf32>,
        %mul3A_2060 = arith.constant 16 : i32
        %mul3A_2061 = arith.muli %scan3A_664, %mul3A_2060 : i32
        %add3A_2062 = arith.constant 14 : i32
        %add3A_2063 = arith.addi %mul3A_2061, %add3A_2062 : i32
        %get3A_2064 = arith.index_cast %add3A_2063 : i32 to index
        %get3A_2065 = arith.constant 0 : index
        %get3A_2066 = tpu.vector_load %arg10[%get3A_2064, %get3A_2065] {strides = array<i32>} : memref<512x16xi32, #tpu.memory_space<vmem>>, vector<1x16xi32>,
        %get3A_2067 = vector.shape_cast %get3A_2066 : vector<1x16xi32> to vector<16xi32>
        %xor3A_2068 = arith.constant -2004318072 : i32
        %xor3A_2069 = vector.broadcast %xor3A_2068 : i32 to vector<16xi32>
        %xor3A_2070 = arith.xori %get3A_2067, %xor3A_2069 : vector<16xi32>
        %get3A_2071 = arith.index_cast %add3A_2063 : i32 to index
        %get3A_2072 = arith.constant 0 : index
        %get3A_2073 = tpu.vector_load %arg12[%get3A_2071, %get3A_2072] {strides = array<i32>} : memref<512x16xf32, #tpu.memory_space<vmem>>, vector<1x16xf32>,
        %get3A_2074 = vector.shape_cast %get3A_2073 : vector<1x16xf32> to vector<16xf32>
        %slice3A_2075 = vector.extract_strided_slice %and3A_674 {offsets = [14], sizes = [1], strides = [1]} : vector<16xi32> to vector<1xi32>
        %squeeze3A_2076 = vector.extract %slice3A_2075[0] : i32 from vector<1xi32>
        %broadcast_in_dim3A_2077 = vector.broadcast %squeeze3A_2076 : i32 to vector<16xi32>
        %broadcast_in_dim3A_2078 = vector.shape_cast %broadcast_in_dim3A_2077 : vector<16xi32> to vector<16x1xi32>
        %gather3A_2079 = vector.shape_cast %broadcast_in_dim3A_2078 : vector<16x1xi32> to vector<16xi32>
        %gather3A_2080 = tpu.dynamic_gather %get3A_2074[%gather3A_2079] in [0] : vector<16xf32>, vector<16xi32> -> vector<16xf32>
        %slice3A_2081 = vector.extract_strided_slice %shift_left3A_680 {offsets = [14], sizes = [1], strides = [1]} : vector<16xi32> to vector<1xi32>
        %squeeze3A_2082 = vector.extract %slice3A_2081[0] : i32 from vector<1xi32>
        %add3A_2083 = vector.broadcast %squeeze3A_2082 : i32 to vector<16xi32>
        %add3A_2084 = arith.addi %add3A_23, %add3A_2083 : vector<16xi32>
        %broadcast_in_dim3A_2085 = vector.shape_cast %add3A_2084 : vector<16xi32> to vector<16x1xi32>
        %gather3A_2086 = vector.shape_cast %broadcast_in_dim3A_2085 : vector<16x1xi32> to vector<16xi32>
        %gather3A_2087 = tpu.dynamic_gather %xor3A_2070[%gather3A_2086] in [0] : vector<16xi32>, vector<16xi32> -> vector<16xi32>
        %shift_left3A_2088 = arith.shli %gather3A_2087, %sub3A_17 : vector<16xi32>
        %shift_right_arithmetic3A_2089 = arith.constant 28 : i32
        %shift_right_arithmetic3A_2090 = vector.broadcast %shift_right_arithmetic3A_2089 : i32 to vector<16xi32>
        %shift_right_arithmetic3A_2091 = arith.shrsi %shift_left3A_2088, %shift_right_arithmetic3A_2090 : vector<16xi32>
        %convert_element_type3A_2092 = arith.sitofp %shift_right_arithmetic3A_2091 : vector<16xi32> to vector<16xf32>
        %mul3A_2093 = arith.mulf %convert_element_type3A_2092, %gather3A_2080 : vector<16xf32>
        %mul3A_2094 = arith.constant 64 : i32
        %mul3A_2095 = arith.muli %add3A_2063, %mul3A_2094 : i32
        %add3A_2096 = arith.constant 0 : i32
        %add3A_2097 = arith.addi %mul3A_2095, %add3A_2096 : i32
        %swap3A_2098 = arith.index_cast %add3A_2097 : i32 to index
        %swap3A_2099 = tpu.vector_load %arg14[%swap3A_2098] {strides = array<i32>} : memref<32768xf32, #tpu.memory_space<vmem>>, vector<16xf32>,
        %swap3A_2100 = vector.shape_cast %swap3A_2099 : vector<16xf32> to vector<16xf32>
        %swap3A_2101 = vector.shape_cast %mul3A_2093 : vector<16xf32> to vector<16xf32>
        tpu.vector_store %arg14[%swap3A_2098], %swap3A_2101 {strides = array<i32>} : memref<32768xf32, #tpu.memory_space<vmem>>, vector<16xf32>,
        %add3A_2102 = vector.broadcast %squeeze3A_2082 : i32 to vector<16xi32>
        %add3A_2103 = arith.addi %add3A_26, %add3A_2102 : vector<16xi32>
        %broadcast_in_dim3A_2104 = vector.shape_cast %add3A_2103 : vector<16xi32> to vector<16x1xi32>
        %gather3A_2105 = vector.shape_cast %broadcast_in_dim3A_2104 : vector<16x1xi32> to vector<16xi32>
        %gather3A_2106 = tpu.dynamic_gather %xor3A_2070[%gather3A_2105] in [0] : vector<16xi32>, vector<16xi32> -> vector<16xi32>
        %shift_left3A_2107 = arith.shli %gather3A_2106, %sub3A_17 : vector<16xi32>
        %shift_right_arithmetic3A_2108 = arith.constant 28 : i32
        %shift_right_arithmetic3A_2109 = vector.broadcast %shift_right_arithmetic3A_2108 : i32 to vector<16xi32>
        %shift_right_arithmetic3A_2110 = arith.shrsi %shift_left3A_2107, %shift_right_arithmetic3A_2109 : vector<16xi32>
        %convert_element_type3A_2111 = arith.sitofp %shift_right_arithmetic3A_2110 : vector<16xi32> to vector<16xf32>
        %mul3A_2112 = arith.mulf %convert_element_type3A_2111, %gather3A_2080 : vector<16xf32>
        %mul3A_2113 = arith.constant 64 : i32
        %mul3A_2114 = arith.muli %add3A_2063, %mul3A_2113 : i32
        %add3A_2115 = arith.constant 16 : i32
        %add3A_2116 = arith.addi %mul3A_2114, %add3A_2115 : i32
        %swap3A_2117 = arith.index_cast %add3A_2116 : i32 to index
        %swap3A_2118 = tpu.vector_load %arg14[%swap3A_2117] {strides = array<i32>} : memref<32768xf32, #tpu.memory_space<vmem>>, vector<16xf32>,
        %swap3A_2119 = vector.shape_cast %swap3A_2118 : vector<16xf32> to vector<16xf32>
        %swap3A_2120 = vector.shape_cast %mul3A_2112 : vector<16xf32> to vector<16xf32>
        tpu.vector_store %arg14[%swap3A_2117], %swap3A_2120 {strides = array<i32>} : memref<32768xf32, #tpu.memory_space<vmem>>, vector<16xf32>,
        %add3A_2121 = vector.broadcast %squeeze3A_2082 : i32 to vector<16xi32>
        %add3A_2122 = arith.addi %add3A_29, %add3A_2121 : vector<16xi32>
        %broadcast_in_dim3A_2123 = vector.shape_cast %add3A_2122 : vector<16xi32> to vector<16x1xi32>
        %gather3A_2124 = vector.shape_cast %broadcast_in_dim3A_2123 : vector<16x1xi32> to vector<16xi32>
        %gather3A_2125 = tpu.dynamic_gather %xor3A_2070[%gather3A_2124] in [0] : vector<16xi32>, vector<16xi32> -> vector<16xi32>
        %shift_left3A_2126 = arith.shli %gather3A_2125, %sub3A_17 : vector<16xi32>
        %shift_right_arithmetic3A_2127 = arith.constant 28 : i32
        %shift_right_arithmetic3A_2128 = vector.broadcast %shift_right_arithmetic3A_2127 : i32 to vector<16xi32>
        %shift_right_arithmetic3A_2129 = arith.shrsi %shift_left3A_2126, %shift_right_arithmetic3A_2128 : vector<16xi32>
        %convert_element_type3A_2130 = arith.sitofp %shift_right_arithmetic3A_2129 : vector<16xi32> to vector<16xf32>
        %mul3A_2131 = arith.mulf %convert_element_type3A_2130, %gather3A_2080 : vector<16xf32>
        %mul3A_2132 = arith.constant 64 : i32
        %mul3A_2133 = arith.muli %add3A_2063, %mul3A_2132 : i32
        %add3A_2134 = arith.constant 32 : i32
        %add3A_2135 = arith.addi %mul3A_2133, %add3A_2134 : i32
        %swap3A_2136 = arith.index_cast %add3A_2135 : i32 to index
        %swap3A_2137 = tpu.vector_load %arg14[%swap3A_2136] {strides = array<i32>} : memref<32768xf32, #tpu.memory_space<vmem>>, vector<16xf32>,
        %swap3A_2138 = vector.shape_cast %swap3A_2137 : vector<16xf32> to vector<16xf32>
        %swap3A_2139 = vector.shape_cast %mul3A_2131 : vector<16xf32> to vector<16xf32>
        tpu.vector_store %arg14[%swap3A_2136], %swap3A_2139 {strides = array<i32>} : memref<32768xf32, #tpu.memory_space<vmem>>, vector<16xf32>,
        %add3A_2140 = vector.broadcast %squeeze3A_2082 : i32 to vector<16xi32>
        %add3A_2141 = arith.addi %add3A_32, %add3A_2140 : vector<16xi32>
        %broadcast_in_dim3A_2142 = vector.shape_cast %add3A_2141 : vector<16xi32> to vector<16x1xi32>
        %gather3A_2143 = vector.shape_cast %broadcast_in_dim3A_2142 : vector<16x1xi32> to vector<16xi32>
        %gather3A_2144 = tpu.dynamic_gather %xor3A_2070[%gather3A_2143] in [0] : vector<16xi32>, vector<16xi32> -> vector<16xi32>
        %shift_left3A_2145 = arith.shli %gather3A_2144, %sub3A_17 : vector<16xi32>
        %shift_right_arithmetic3A_2146 = arith.constant 28 : i32
        %shift_right_arithmetic3A_2147 = vector.broadcast %shift_right_arithmetic3A_2146 : i32 to vector<16xi32>
        %shift_right_arithmetic3A_2148 = arith.shrsi %shift_left3A_2145, %shift_right_arithmetic3A_2147 : vector<16xi32>
        %convert_element_type3A_2149 = arith.sitofp %shift_right_arithmetic3A_2148 : vector<16xi32> to vector<16xf32>
        %mul3A_2150 = arith.mulf %convert_element_type3A_2149, %gather3A_2080 : vector<16xf32>
        %mul3A_2151 = arith.constant 64 : i32
        %mul3A_2152 = arith.muli %add3A_2063, %mul3A_2151 : i32
        %add3A_2153 = arith.constant 48 : i32
        %add3A_2154 = arith.addi %mul3A_2152, %add3A_2153 : i32
        %swap3A_2155 = arith.index_cast %add3A_2154 : i32 to index
        %swap3A_2156 = tpu.vector_load %arg14[%swap3A_2155] {strides = array<i32>} : memref<32768xf32, #tpu.memory_space<vmem>>, vector<16xf32>,
        %swap3A_2157 = vector.shape_cast %swap3A_2156 : vector<16xf32> to vector<16xf32>
        %swap3A_2158 = vector.shape_cast %mul3A_2150 : vector<16xf32> to vector<16xf32>
        tpu.vector_store %arg14[%swap3A_2155], %swap3A_2158 {strides = array<i32>} : memref<32768xf32, #tpu.memory_space<vmem>>, vector<16xf32>,
        %mul3A_2159 = arith.constant 16 : i32
        %mul3A_2160 = arith.muli %scan3A_664, %mul3A_2159 : i32
        %add3A_2161 = arith.constant 15 : i32
        %add3A_2162 = arith.addi %mul3A_2160, %add3A_2161 : i32
        %get3A_2163 = arith.index_cast %add3A_2162 : i32 to index
        %get3A_2164 = arith.constant 0 : index
        %get3A_2165 = tpu.vector_load %arg10[%get3A_2163, %get3A_2164] {strides = array<i32>} : memref<512x16xi32, #tpu.memory_space<vmem>>, vector<1x16xi32>,
        %get3A_2166 = vector.shape_cast %get3A_2165 : vector<1x16xi32> to vector<16xi32>
        %xor3A_2167 = arith.constant -2004318072 : i32
        %xor3A_2168 = vector.broadcast %xor3A_2167 : i32 to vector<16xi32>
        %xor3A_2169 = arith.xori %get3A_2166, %xor3A_2168 : vector<16xi32>
        %get3A_2170 = arith.index_cast %add3A_2162 : i32 to index
        %get3A_2171 = arith.constant 0 : index
        %get3A_2172 = tpu.vector_load %arg12[%get3A_2170, %get3A_2171] {strides = array<i32>} : memref<512x16xf32, #tpu.memory_space<vmem>>, vector<1x16xf32>,
        %get3A_2173 = vector.shape_cast %get3A_2172 : vector<1x16xf32> to vector<16xf32>
        %slice3A_2174 = vector.extract_strided_slice %and3A_674 {offsets = [15], sizes = [1], strides = [1]} : vector<16xi32> to vector<1xi32>
        %squeeze3A_2175 = vector.extract %slice3A_2174[0] : i32 from vector<1xi32>
        %broadcast_in_dim3A_2176 = vector.broadcast %squeeze3A_2175 : i32 to vector<16xi32>
        %broadcast_in_dim3A_2177 = vector.shape_cast %broadcast_in_dim3A_2176 : vector<16xi32> to vector<16x1xi32>
        %gather3A_2178 = vector.shape_cast %broadcast_in_dim3A_2177 : vector<16x1xi32> to vector<16xi32>
        %gather3A_2179 = tpu.dynamic_gather %get3A_2173[%gather3A_2178] in [0] : vector<16xf32>, vector<16xi32> -> vector<16xf32>
        %slice3A_2180 = vector.extract_strided_slice %shift_left3A_680 {offsets = [15], sizes = [1], strides = [1]} : vector<16xi32> to vector<1xi32>
        %squeeze3A_2181 = vector.extract %slice3A_2180[0] : i32 from vector<1xi32>
        %add3A_2182 = vector.broadcast %squeeze3A_2181 : i32 to vector<16xi32>
        %add3A_2183 = arith.addi %add3A_23, %add3A_2182 : vector<16xi32>
        %broadcast_in_dim3A_2184 = vector.shape_cast %add3A_2183 : vector<16xi32> to vector<16x1xi32>
        %gather3A_2185 = vector.shape_cast %broadcast_in_dim3A_2184 : vector<16x1xi32> to vector<16xi32>
        %gather3A_2186 = tpu.dynamic_gather %xor3A_2169[%gather3A_2185] in [0] : vector<16xi32>, vector<16xi32> -> vector<16xi32>
        %shift_left3A_2187 = arith.shli %gather3A_2186, %sub3A_17 : vector<16xi32>
        %shift_right_arithmetic3A_2188 = arith.constant 28 : i32
        %shift_right_arithmetic3A_2189 = vector.broadcast %shift_right_arithmetic3A_2188 : i32 to vector<16xi32>
        %shift_right_arithmetic3A_2190 = arith.shrsi %shift_left3A_2187, %shift_right_arithmetic3A_2189 : vector<16xi32>
        %convert_element_type3A_2191 = arith.sitofp %shift_right_arithmetic3A_2190 : vector<16xi32> to vector<16xf32>
        %mul3A_2192 = arith.mulf %convert_element_type3A_2191, %gather3A_2179 : vector<16xf32>
        %mul3A_2193 = arith.constant 64 : i32
        %mul3A_2194 = arith.muli %add3A_2162, %mul3A_2193 : i32
        %add3A_2195 = arith.constant 0 : i32
        %add3A_2196 = arith.addi %mul3A_2194, %add3A_2195 : i32
        %swap3A_2197 = arith.index_cast %add3A_2196 : i32 to index
        %swap3A_2198 = tpu.vector_load %arg14[%swap3A_2197] {strides = array<i32>} : memref<32768xf32, #tpu.memory_space<vmem>>, vector<16xf32>,
        %swap3A_2199 = vector.shape_cast %swap3A_2198 : vector<16xf32> to vector<16xf32>
        %swap3A_2200 = vector.shape_cast %mul3A_2192 : vector<16xf32> to vector<16xf32>
        tpu.vector_store %arg14[%swap3A_2197], %swap3A_2200 {strides = array<i32>} : memref<32768xf32, #tpu.memory_space<vmem>>, vector<16xf32>,
        %add3A_2201 = vector.broadcast %squeeze3A_2181 : i32 to vector<16xi32>
        %add3A_2202 = arith.addi %add3A_26, %add3A_2201 : vector<16xi32>
        %broadcast_in_dim3A_2203 = vector.shape_cast %add3A_2202 : vector<16xi32> to vector<16x1xi32>
        %gather3A_2204 = vector.shape_cast %broadcast_in_dim3A_2203 : vector<16x1xi32> to vector<16xi32>
        %gather3A_2205 = tpu.dynamic_gather %xor3A_2169[%gather3A_2204] in [0] : vector<16xi32>, vector<16xi32> -> vector<16xi32>
        %shift_left3A_2206 = arith.shli %gather3A_2205, %sub3A_17 : vector<16xi32>
        %shift_right_arithmetic3A_2207 = arith.constant 28 : i32
        %shift_right_arithmetic3A_2208 = vector.broadcast %shift_right_arithmetic3A_2207 : i32 to vector<16xi32>
        %shift_right_arithmetic3A_2209 = arith.shrsi %shift_left3A_2206, %shift_right_arithmetic3A_2208 : vector<16xi32>
        %convert_element_type3A_2210 = arith.sitofp %shift_right_arithmetic3A_2209 : vector<16xi32> to vector<16xf32>
        %mul3A_2211 = arith.mulf %convert_element_type3A_2210, %gather3A_2179 : vector<16xf32>
        %mul3A_2212 = arith.constant 64 : i32
        %mul3A_2213 = arith.muli %add3A_2162, %mul3A_2212 : i32
        %add3A_2214 = arith.constant 16 : i32
        %add3A_2215 = arith.addi %mul3A_2213, %add3A_2214 : i32
        %swap3A_2216 = arith.index_cast %add3A_2215 : i32 to index
        %swap3A_2217 = tpu.vector_load %arg14[%swap3A_2216] {strides = array<i32>} : memref<32768xf32, #tpu.memory_space<vmem>>, vector<16xf32>,
        %swap3A_2218 = vector.shape_cast %swap3A_2217 : vector<16xf32> to vector<16xf32>
        %swap3A_2219 = vector.shape_cast %mul3A_2211 : vector<16xf32> to vector<16xf32>
        tpu.vector_store %arg14[%swap3A_2216], %swap3A_2219 {strides = array<i32>} : memref<32768xf32, #tpu.memory_space<vmem>>, vector<16xf32>,
        %add3A_2220 = vector.broadcast %squeeze3A_2181 : i32 to vector<16xi32>
        %add3A_2221 = arith.addi %add3A_29, %add3A_2220 : vector<16xi32>
        %broadcast_in_dim3A_2222 = vector.shape_cast %add3A_2221 : vector<16xi32> to vector<16x1xi32>
        %gather3A_2223 = vector.shape_cast %broadcast_in_dim3A_2222 : vector<16x1xi32> to vector<16xi32>
        %gather3A_2224 = tpu.dynamic_gather %xor3A_2169[%gather3A_2223] in [0] : vector<16xi32>, vector<16xi32> -> vector<16xi32>
        %shift_left3A_2225 = arith.shli %gather3A_2224, %sub3A_17 : vector<16xi32>
        %shift_right_arithmetic3A_2226 = arith.constant 28 : i32
        %shift_right_arithmetic3A_2227 = vector.broadcast %shift_right_arithmetic3A_2226 : i32 to vector<16xi32>
        %shift_right_arithmetic3A_2228 = arith.shrsi %shift_left3A_2225, %shift_right_arithmetic3A_2227 : vector<16xi32>
        %convert_element_type3A_2229 = arith.sitofp %shift_right_arithmetic3A_2228 : vector<16xi32> to vector<16xf32>
        %mul3A_2230 = arith.mulf %convert_element_type3A_2229, %gather3A_2179 : vector<16xf32>
        %mul3A_2231 = arith.constant 64 : i32
        %mul3A_2232 = arith.muli %add3A_2162, %mul3A_2231 : i32
        %add3A_2233 = arith.constant 32 : i32
        %add3A_2234 = arith.addi %mul3A_2232, %add3A_2233 : i32
        %swap3A_2235 = arith.index_cast %add3A_2234 : i32 to index
        %swap3A_2236 = tpu.vector_load %arg14[%swap3A_2235] {strides = array<i32>} : memref<32768xf32, #tpu.memory_space<vmem>>, vector<16xf32>,
        %swap3A_2237 = vector.shape_cast %swap3A_2236 : vector<16xf32> to vector<16xf32>
        %swap3A_2238 = vector.shape_cast %mul3A_2230 : vector<16xf32> to vector<16xf32>
        tpu.vector_store %arg14[%swap3A_2235], %swap3A_2238 {strides = array<i32>} : memref<32768xf32, #tpu.memory_space<vmem>>, vector<16xf32>,
        %add3A_2239 = vector.broadcast %squeeze3A_2181 : i32 to vector<16xi32>
        %add3A_2240 = arith.addi %add3A_32, %add3A_2239 : vector<16xi32>
        %broadcast_in_dim3A_2241 = vector.shape_cast %add3A_2240 : vector<16xi32> to vector<16x1xi32>
        %gather3A_2242 = vector.shape_cast %broadcast_in_dim3A_2241 : vector<16x1xi32> to vector<16xi32>
        %gather3A_2243 = tpu.dynamic_gather %xor3A_2169[%gather3A_2242] in [0] : vector<16xi32>, vector<16xi32> -> vector<16xi32>
        %shift_left3A_2244 = arith.shli %gather3A_2243, %sub3A_17 : vector<16xi32>
        %shift_right_arithmetic3A_2245 = arith.constant 28 : i32
        %shift_right_arithmetic3A_2246 = vector.broadcast %shift_right_arithmetic3A_2245 : i32 to vector<16xi32>
        %shift_right_arithmetic3A_2247 = arith.shrsi %shift_left3A_2244, %shift_right_arithmetic3A_2246 : vector<16xi32>
        %convert_element_type3A_2248 = arith.sitofp %shift_right_arithmetic3A_2247 : vector<16xi32> to vector<16xf32>
        %mul3A_2249 = arith.mulf %convert_element_type3A_2248, %gather3A_2179 : vector<16xf32>
        %mul3A_2250 = arith.constant 64 : i32
        %mul3A_2251 = arith.muli %add3A_2162, %mul3A_2250 : i32
        %add3A_2252 = arith.constant 48 : i32
        %add3A_2253 = arith.addi %mul3A_2251, %add3A_2252 : i32
        %swap3A_2254 = arith.index_cast %add3A_2253 : i32 to index
        %swap3A_2255 = tpu.vector_load %arg14[%swap3A_2254] {strides = array<i32>} : memref<32768xf32, #tpu.memory_space<vmem>>, vector<16xf32>,
        %swap3A_2256 = vector.shape_cast %swap3A_2255 : vector<16xf32> to vector<16xf32>
        %swap3A_2257 = vector.shape_cast %mul3A_2249 : vector<16xf32> to vector<16xf32>
        tpu.vector_store %arg14[%swap3A_2254], %swap3A_2257 {strides = array<i32>} : memref<32768xf32, #tpu.memory_space<vmem>>, vector<16xf32>,
        %scan3A_2258 = arith.constant 0 : i32
        scf.yield %scan3A_2258 : i32
      }
      %scan3A_501 = arith.constant 32 : i32
      %mul3A_502 = arith.constant 512 : i32
      %mul3A_503 = arith.muli %mul3A_334, %mul3A_502 : i32
      %add3A_504 = arith.addi %mul3A_2, %mul3A_503 : i32
      %mul3A_505 = arith.constant 64 : i32
      %mul3A_506 = arith.muli %add3A_504, %mul3A_505 : i32
      %multiple_of3A_507 = tpu.assume_multiple %mul3A_506, 8 : i32
      %dma_start3A_508 = tpu.memref_slice %arg5[%multiple_of3A_507] : memref<52428800xf32, #tpu.memory_space<hbm>> -> memref<32768xf32, #tpu.memory_space<hbm>>
      %dma_start3A_509 = tpu.memref_slice %arg5[%multiple_of3A_507] : memref<52428800xf32, #tpu.memory_space<hbm>> -> memref<32768xf32, #tpu.memory_space<hbm>>
      tpu.enqueue_dma source(%arg14 : memref<32768xf32, #tpu.memory_space<vmem>>) target(%dma_start3A_509 : memref<32768xf32, #tpu.memory_space<hbm>>) target_semaphore(%arg18 : memref<!tpu.dma_semaphore, #tpu.memory_space<semaphore_mem>>)
      %dma_start3A_510 = arith.constant 0 : i32
      %dma_start3A_511 = arith.constant 0 : i32
      %dma_start3A_512 = tpu.memref_slice %arg10[%dma_start3A_510, %dma_start3A_511] : memref<512x16xi32, #tpu.memory_space<vmem>> -> memref<128x16xi32, #tpu.memory_space<vmem>>
      %dma_start3A_513 = arith.constant 0 : i32
      %dma_start3A_514 = tpu.memref_slice %arg9[%dma_start3A_513] : memref<1024xi32, #tpu.memory_space<vmem>> -> memref<128xi32, #tpu.memory_space<vmem>>
      %dma_start3A_515 = arith.constant 0 : i32
      %dma_start3A_516 = arith.constant 0 : i32
      %dma_start3A_517 = tpu.memref_slice %arg3[%dma_start3A_515, %dma_start3A_516] : memref<500000x16xi32, #tpu.memory_space<hbm>> -> memref<500000x16xi32, #tpu.memory_space<hbm>>
      tpu.enqueue_indirect_dma source(%dma_start3A_517 : memref<500000x16xi32, #tpu.memory_space<hbm>>) target(%dma_start3A_512 : memref<128x16xi32, #tpu.memory_space<vmem>>) offsets(%dma_start3A_514 : memref<128xi32, #tpu.memory_space<vmem>>) semaphore(%arg16 : memref<!tpu.dma_semaphore, #tpu.memory_space<semaphore_mem>>)
      %dma_start3A_518 = arith.constant 128 : i32
      %dma_start3A_519 = arith.constant 0 : i32
      %dma_start3A_520 = tpu.memref_slice %arg10[%dma_start3A_518, %dma_start3A_519] : memref<512x16xi32, #tpu.memory_space<vmem>> -> memref<128x16xi32, #tpu.memory_space<vmem>>
      %dma_start3A_521 = arith.constant 128 : i32
      %dma_start3A_522 = tpu.memref_slice %arg9[%dma_start3A_521] : memref<1024xi32, #tpu.memory_space<vmem>> -> memref<128xi32, #tpu.memory_space<vmem>>
      %dma_start3A_523 = arith.constant 0 : i32
      %dma_start3A_524 = arith.constant 0 : i32
      %dma_start3A_525 = tpu.memref_slice %arg3[%dma_start3A_523, %dma_start3A_524] : memref<500000x16xi32, #tpu.memory_space<hbm>> -> memref<500000x16xi32, #tpu.memory_space<hbm>>
      tpu.enqueue_indirect_dma source(%dma_start3A_525 : memref<500000x16xi32, #tpu.memory_space<hbm>>) target(%dma_start3A_520 : memref<128x16xi32, #tpu.memory_space<vmem>>) offsets(%dma_start3A_522 : memref<128xi32, #tpu.memory_space<vmem>>) semaphore(%arg16 : memref<!tpu.dma_semaphore, #tpu.memory_space<semaphore_mem>>)
      %dma_start3A_526 = arith.constant 256 : i32
      %dma_start3A_527 = arith.constant 0 : i32
      %dma_start3A_528 = tpu.memref_slice %arg10[%dma_start3A_526, %dma_start3A_527] : memref<512x16xi32, #tpu.memory_space<vmem>> -> memref<128x16xi32, #tpu.memory_space<vmem>>
      %dma_start3A_529 = arith.constant 256 : i32
      %dma_start3A_530 = tpu.memref_slice %arg9[%dma_start3A_529] : memref<1024xi32, #tpu.memory_space<vmem>> -> memref<128xi32, #tpu.memory_space<vmem>>
      %dma_start3A_531 = arith.constant 0 : i32
      %dma_start3A_532 = arith.constant 0 : i32
      %dma_start3A_533 = tpu.memref_slice %arg3[%dma_start3A_531, %dma_start3A_532] : memref<500000x16xi32, #tpu.memory_space<hbm>> -> memref<500000x16xi32, #tpu.memory_space<hbm>>
      tpu.enqueue_indirect_dma source(%dma_start3A_533 : memref<500000x16xi32, #tpu.memory_space<hbm>>) target(%dma_start3A_528 : memref<128x16xi32, #tpu.memory_space<vmem>>) offsets(%dma_start3A_530 : memref<128xi32, #tpu.memory_space<vmem>>) semaphore(%arg16 : memref<!tpu.dma_semaphore, #tpu.memory_space<semaphore_mem>>)
      %dma_start3A_534 = arith.constant 384 : i32
      %dma_start3A_535 = arith.constant 0 : i32
      %dma_start3A_536 = tpu.memref_slice %arg10[%dma_start3A_534, %dma_start3A_535] : memref<512x16xi32, #tpu.memory_space<vmem>> -> memref<128x16xi32, #tpu.memory_space<vmem>>
      %dma_start3A_537 = arith.constant 384 : i32
      %dma_start3A_538 = tpu.memref_slice %arg9[%dma_start3A_537] : memref<1024xi32, #tpu.memory_space<vmem>> -> memref<128xi32, #tpu.memory_space<vmem>>
      %dma_start3A_539 = arith.constant 0 : i32
      %dma_start3A_540 = arith.constant 0 : i32
      %dma_start3A_541 = tpu.memref_slice %arg3[%dma_start3A_539, %dma_start3A_540] : memref<500000x16xi32, #tpu.memory_space<hbm>> -> memref<500000x16xi32, #tpu.memory_space<hbm>>
      tpu.enqueue_indirect_dma source(%dma_start3A_541 : memref<500000x16xi32, #tpu.memory_space<hbm>>) target(%dma_start3A_536 : memref<128x16xi32, #tpu.memory_space<vmem>>) offsets(%dma_start3A_538 : memref<128xi32, #tpu.memory_space<vmem>>) semaphore(%arg16 : memref<!tpu.dma_semaphore, #tpu.memory_space<semaphore_mem>>)
      %dma_start3A_542 = arith.constant 0 : i32
      %dma_start3A_543 = arith.constant 0 : i32
      %dma_start3A_544 = tpu.memref_slice %arg12[%dma_start3A_542, %dma_start3A_543] : memref<512x16xf32, #tpu.memory_space<vmem>> -> memref<128x16xf32, #tpu.memory_space<vmem>>
      %dma_start3A_545 = arith.constant 0 : i32
      %dma_start3A_546 = tpu.memref_slice %arg8[%dma_start3A_545] : memref<1024xi32, #tpu.memory_space<vmem>> -> memref<128xi32, #tpu.memory_space<vmem>>
      %dma_start3A_547 = arith.constant 0 : i32
      %dma_start3A_548 = arith.constant 0 : i32
      %dma_start3A_549 = tpu.memref_slice %arg4[%dma_start3A_547, %dma_start3A_548] : memref<62500x16xf32, #tpu.memory_space<hbm>> -> memref<62500x16xf32, #tpu.memory_space<hbm>>
      tpu.enqueue_indirect_dma source(%dma_start3A_549 : memref<62500x16xf32, #tpu.memory_space<hbm>>) target(%dma_start3A_544 : memref<128x16xf32, #tpu.memory_space<vmem>>) offsets(%dma_start3A_546 : memref<128xi32, #tpu.memory_space<vmem>>) semaphore(%arg16 : memref<!tpu.dma_semaphore, #tpu.memory_space<semaphore_mem>>)
      %dma_start3A_550 = arith.constant 128 : i32
      %dma_start3A_551 = arith.constant 0 : i32
      %dma_start3A_552 = tpu.memref_slice %arg12[%dma_start3A_550, %dma_start3A_551] : memref<512x16xf32, #tpu.memory_space<vmem>> -> memref<128x16xf32, #tpu.memory_space<vmem>>
      %dma_start3A_553 = arith.constant 128 : i32
      %dma_start3A_554 = tpu.memref_slice %arg8[%dma_start3A_553] : memref<1024xi32, #tpu.memory_space<vmem>> -> memref<128xi32, #tpu.memory_space<vmem>>
      %dma_start3A_555 = arith.constant 0 : i32
      %dma_start3A_556 = arith.constant 0 : i32
      %dma_start3A_557 = tpu.memref_slice %arg4[%dma_start3A_555, %dma_start3A_556] : memref<62500x16xf32, #tpu.memory_space<hbm>> -> memref<62500x16xf32, #tpu.memory_space<hbm>>
      tpu.enqueue_indirect_dma source(%dma_start3A_557 : memref<62500x16xf32, #tpu.memory_space<hbm>>) target(%dma_start3A_552 : memref<128x16xf32, #tpu.memory_space<vmem>>) offsets(%dma_start3A_554 : memref<128xi32, #tpu.memory_space<vmem>>) semaphore(%arg16 : memref<!tpu.dma_semaphore, #tpu.memory_space<semaphore_mem>>)
      %dma_start3A_558 = arith.constant 256 : i32
      %dma_start3A_559 = arith.constant 0 : i32
      %dma_start3A_560 = tpu.memref_slice %arg12[%dma_start3A_558, %dma_start3A_559] : memref<512x16xf32, #tpu.memory_space<vmem>> -> memref<128x16xf32, #tpu.memory_space<vmem>>
      %dma_start3A_561 = arith.constant 256 : i32
      %dma_start3A_562 = tpu.memref_slice %arg8[%dma_start3A_561] : memref<1024xi32, #tpu.memory_space<vmem>> -> memref<128xi32, #tpu.memory_space<vmem>>
      %dma_start3A_563 = arith.constant 0 : i32
      %dma_start3A_564 = arith.constant 0 : i32
      %dma_start3A_565 = tpu.memref_slice %arg4[%dma_start3A_563, %dma_start3A_564] : memref<62500x16xf32, #tpu.memory_space<hbm>> -> memref<62500x16xf32, #tpu.memory_space<hbm>>
      tpu.enqueue_indirect_dma source(%dma_start3A_565 : memref<62500x16xf32, #tpu.memory_space<hbm>>) target(%dma_start3A_560 : memref<128x16xf32, #tpu.memory_space<vmem>>) offsets(%dma_start3A_562 : memref<128xi32, #tpu.memory_space<vmem>>) semaphore(%arg16 : memref<!tpu.dma_semaphore, #tpu.memory_space<semaphore_mem>>)
      %dma_start3A_566 = arith.constant 384 : i32
      %dma_start3A_567 = arith.constant 0 : i32
      %dma_start3A_568 = tpu.memref_slice %arg12[%dma_start3A_566, %dma_start3A_567] : memref<512x16xf32, #tpu.memory_space<vmem>> -> memref<128x16xf32, #tpu.memory_space<vmem>>
      %dma_start3A_569 = arith.constant 384 : i32
      %dma_start3A_570 = tpu.memref_slice %arg8[%dma_start3A_569] : memref<1024xi32, #tpu.memory_space<vmem>> -> memref<128xi32, #tpu.memory_space<vmem>>
      %dma_start3A_571 = arith.constant 0 : i32
      %dma_start3A_572 = arith.constant 0 : i32
      %dma_start3A_573 = tpu.memref_slice %arg4[%dma_start3A_571, %dma_start3A_572] : memref<62500x16xf32, #tpu.memory_space<hbm>> -> memref<62500x16xf32, #tpu.memory_space<hbm>>
      tpu.enqueue_indirect_dma source(%dma_start3A_573 : memref<62500x16xf32, #tpu.memory_space<hbm>>) target(%dma_start3A_568 : memref<128x16xf32, #tpu.memory_space<vmem>>) offsets(%dma_start3A_570 : memref<128xi32, #tpu.memory_space<vmem>>) semaphore(%arg16 : memref<!tpu.dma_semaphore, #tpu.memory_space<semaphore_mem>>)
      %mul3A_574 = arith.constant 512 : i32
      %mul3A_575 = arith.muli %mul3A_334, %mul3A_574 : i32
      %add3A_576 = arith.addi %mul3A_2, %mul3A_575 : i32
      %mul3A_577 = arith.constant 64 : i32
      %mul3A_578 = arith.muli %add3A_576, %mul3A_577 : i32
      %multiple_of3A_579 = tpu.assume_multiple %mul3A_578, 8 : i32
      %dma_wait3A_580 = tpu.memref_slice %arg5[%multiple_of3A_579] : memref<52428800xf32, #tpu.memory_space<hbm>> -> memref<32768xf32, #tpu.memory_space<hbm>>
      %dma_wait3A_581 = tpu.memref_slice %arg5[%multiple_of3A_579] : memref<52428800xf32, #tpu.memory_space<hbm>> -> memref<32768xf32, #tpu.memory_space<hbm>>
      tpu.wait_dma2 semaphore(%arg19 : memref<!tpu.dma_semaphore, #tpu.memory_space<semaphore_mem>>) src(%arg15 : memref<32768xf32, #tpu.memory_space<vmem>>) dst(%dma_wait3A_581 : memref<32768xf32, #tpu.memory_space<hbm>>)
      %scan3A_582 = arith.constant 0 : i32
      %scan3A_583 = arith.constant 0 : i32
      %scan3A_584 = arith.constant 32 : i32
      %scan3A_585 = arith.addi %scan3A_583, %scan3A_584 : i32
      %scan3A_586 = arith.constant 1 : i32
      %scan3A_587 = scf.for %scan3A_664 = %scan3A_583 to %scan3A_585 step %scan3A_586 iter_args(%scan3A_665 = %scan3A_582) -> (i32)  : i32 {
        %mul3A_666 = arith.constant 16 : i32
        %mul3A_667 = arith.muli %scan3A_664, %mul3A_666 : i32
        %add3A_668 = arith.constant 512 : i32
        %add3A_669 = arith.addi %add3A_668, %mul3A_667 : i32
        %get3A = arith.index_cast %add3A_669 : i32 to index
        %get3A_670 = tpu.vector_load %arg6[%get3A] {strides = array<i32>} : memref<1024xi32, #tpu.memory_space<vmem>>, vector<16xi32>,
        %get3A_671 = vector.shape_cast %get3A_670 : vector<16xi32> to vector<16xi32>
        %and3A_672 = arith.constant 15 : i32
        %and3A_673 = vector.broadcast %and3A_672 : i32 to vector<16xi32>
        %and3A_674 = arith.andi %get3A_671, %and3A_673 : vector<16xi32>
        %and3A_675 = arith.constant 1 : i32
        %and3A_676 = vector.broadcast %and3A_675 : i32 to vector<16xi32>
        %and3A_677 = arith.andi %get3A_671, %and3A_676 : vector<16xi32>
        %shift_left3A_678 = arith.constant 3 : i32
        %shift_left3A_679 = vector.broadcast %shift_left3A_678 : i32 to vector<16xi32>
        %shift_left3A_680 = arith.shli %and3A_677, %shift_left3A_679 : vector<16xi32>
        %mul3A_681 = arith.constant 16 : i32
        %mul3A_682 = arith.muli %scan3A_664, %mul3A_681 : i32
        %add3A_683 = arith.constant 0 : i32
        %add3A_684 = arith.addi %mul3A_682, %add3A_683 : i32
        %get3A_685 = arith.index_cast %add3A_684 : i32 to index
        %get3A_686 = arith.constant 0 : index
        %get3A_687 = tpu.vector_load %arg11[%get3A_685, %get3A_686] {strides = array<i32>} : memref<512x16xi32, #tpu.memory_space<vmem>>, vector<1x16xi32>,
        %get3A_688 = vector.shape_cast %get3A_687 : vector<1x16xi32> to vector<16xi32>
        %xor3A = arith.constant -2004318072 : i32
        %xor3A_689 = vector.broadcast %xor3A : i32 to vector<16xi32>
        %xor3A_690 = arith.xori %get3A_688, %xor3A_689 : vector<16xi32>
        %get3A_691 = arith.index_cast %add3A_684 : i32 to index
        %get3A_692 = arith.constant 0 : index
        %get3A_693 = tpu.vector_load %arg13[%get3A_691, %get3A_692] {strides = array<i32>} : memref<512x16xf32, #tpu.memory_space<vmem>>, vector<1x16xf32>,
        %get3A_694 = vector.shape_cast %get3A_693 : vector<1x16xf32> to vector<16xf32>
        %slice3A = vector.extract_strided_slice %and3A_674 {offsets = [0], sizes = [1], strides = [1]} : vector<16xi32> to vector<1xi32>
        %squeeze3A = vector.extract %slice3A[0] : i32 from vector<1xi32>
        %broadcast_in_dim3A = vector.broadcast %squeeze3A : i32 to vector<16xi32>
        %broadcast_in_dim3A_695 = vector.shape_cast %broadcast_in_dim3A : vector<16xi32> to vector<16x1xi32>
        %gather3A = vector.shape_cast %broadcast_in_dim3A_695 : vector<16x1xi32> to vector<16xi32>
        %gather3A_696 = tpu.dynamic_gather %get3A_694[%gather3A] in [0] : vector<16xf32>, vector<16xi32> -> vector<16xf32>
        %slice3A_697 = vector.extract_strided_slice %shift_left3A_680 {offsets = [0], sizes = [1], strides = [1]} : vector<16xi32> to vector<1xi32>
        %squeeze3A_698 = vector.extract %slice3A_697[0] : i32 from vector<1xi32>
        %add3A_699 = vector.broadcast %squeeze3A_698 : i32 to vector<16xi32>
        %add3A_700 = arith.addi %add3A_23, %add3A_699 : vector<16xi32>
        %broadcast_in_dim3A_701 = vector.shape_cast %add3A_700 : vector<16xi32> to vector<16x1xi32>
        %gather3A_702 = vector.shape_cast %broadcast_in_dim3A_701 : vector<16x1xi32> to vector<16xi32>
        %gather3A_703 = tpu.dynamic_gather %xor3A_690[%gather3A_702] in [0] : vector<16xi32>, vector<16xi32> -> vector<16xi32>
        %shift_left3A_704 = arith.shli %gather3A_703, %sub3A_17 : vector<16xi32>
        %shift_right_arithmetic3A_705 = arith.constant 28 : i32
        %shift_right_arithmetic3A_706 = vector.broadcast %shift_right_arithmetic3A_705 : i32 to vector<16xi32>
        %shift_right_arithmetic3A_707 = arith.shrsi %shift_left3A_704, %shift_right_arithmetic3A_706 : vector<16xi32>
        %convert_element_type3A = arith.sitofp %shift_right_arithmetic3A_707 : vector<16xi32> to vector<16xf32>
        %mul3A_708 = arith.mulf %convert_element_type3A, %gather3A_696 : vector<16xf32>
        %mul3A_709 = arith.constant 64 : i32
        %mul3A_710 = arith.muli %add3A_684, %mul3A_709 : i32
        %add3A_711 = arith.constant 0 : i32
        %add3A_712 = arith.addi %mul3A_710, %add3A_711 : i32
        %swap3A = arith.index_cast %add3A_712 : i32 to index
        %swap3A_713 = tpu.vector_load %arg15[%swap3A] {strides = array<i32>} : memref<32768xf32, #tpu.memory_space<vmem>>, vector<16xf32>,
        %swap3A_714 = vector.shape_cast %swap3A_713 : vector<16xf32> to vector<16xf32>
        %swap3A_715 = vector.shape_cast %mul3A_708 : vector<16xf32> to vector<16xf32>
        tpu.vector_store %arg15[%swap3A], %swap3A_715 {strides = array<i32>} : memref<32768xf32, #tpu.memory_space<vmem>>, vector<16xf32>,
        %add3A_716 = vector.broadcast %squeeze3A_698 : i32 to vector<16xi32>
        %add3A_717 = arith.addi %add3A_26, %add3A_716 : vector<16xi32>
        %broadcast_in_dim3A_718 = vector.shape_cast %add3A_717 : vector<16xi32> to vector<16x1xi32>
        %gather3A_719 = vector.shape_cast %broadcast_in_dim3A_718 : vector<16x1xi32> to vector<16xi32>
        %gather3A_720 = tpu.dynamic_gather %xor3A_690[%gather3A_719] in [0] : vector<16xi32>, vector<16xi32> -> vector<16xi32>
        %shift_left3A_721 = arith.shli %gather3A_720, %sub3A_17 : vector<16xi32>
        %shift_right_arithmetic3A_722 = arith.constant 28 : i32
        %shift_right_arithmetic3A_723 = vector.broadcast %shift_right_arithmetic3A_722 : i32 to vector<16xi32>
        %shift_right_arithmetic3A_724 = arith.shrsi %shift_left3A_721, %shift_right_arithmetic3A_723 : vector<16xi32>
        %convert_element_type3A_725 = arith.sitofp %shift_right_arithmetic3A_724 : vector<16xi32> to vector<16xf32>
        %mul3A_726 = arith.mulf %convert_element_type3A_725, %gather3A_696 : vector<16xf32>
        %mul3A_727 = arith.constant 64 : i32
        %mul3A_728 = arith.muli %add3A_684, %mul3A_727 : i32
        %add3A_729 = arith.constant 16 : i32
        %add3A_730 = arith.addi %mul3A_728, %add3A_729 : i32
        %swap3A_731 = arith.index_cast %add3A_730 : i32 to index
        %swap3A_732 = tpu.vector_load %arg15[%swap3A_731] {strides = array<i32>} : memref<32768xf32, #tpu.memory_space<vmem>>, vector<16xf32>,
        %swap3A_733 = vector.shape_cast %swap3A_732 : vector<16xf32> to vector<16xf32>
        %swap3A_734 = vector.shape_cast %mul3A_726 : vector<16xf32> to vector<16xf32>
        tpu.vector_store %arg15[%swap3A_731], %swap3A_734 {strides = array<i32>} : memref<32768xf32, #tpu.memory_space<vmem>>, vector<16xf32>,
        %add3A_735 = vector.broadcast %squeeze3A_698 : i32 to vector<16xi32>
        %add3A_736 = arith.addi %add3A_29, %add3A_735 : vector<16xi32>
        %broadcast_in_dim3A_737 = vector.shape_cast %add3A_736 : vector<16xi32> to vector<16x1xi32>
        %gather3A_738 = vector.shape_cast %broadcast_in_dim3A_737 : vector<16x1xi32> to vector<16xi32>
        %gather3A_739 = tpu.dynamic_gather %xor3A_690[%gather3A_738] in [0] : vector<16xi32>, vector<16xi32> -> vector<16xi32>
        %shift_left3A_740 = arith.shli %gather3A_739, %sub3A_17 : vector<16xi32>
        %shift_right_arithmetic3A_741 = arith.constant 28 : i32
        %shift_right_arithmetic3A_742 = vector.broadcast %shift_right_arithmetic3A_741 : i32 to vector<16xi32>
        %shift_right_arithmetic3A_743 = arith.shrsi %shift_left3A_740, %shift_right_arithmetic3A_742 : vector<16xi32>
        %convert_element_type3A_744 = arith.sitofp %shift_right_arithmetic3A_743 : vector<16xi32> to vector<16xf32>
        %mul3A_745 = arith.mulf %convert_element_type3A_744, %gather3A_696 : vector<16xf32>
        %mul3A_746 = arith.constant 64 : i32
        %mul3A_747 = arith.muli %add3A_684, %mul3A_746 : i32
        %add3A_748 = arith.constant 32 : i32
        %add3A_749 = arith.addi %mul3A_747, %add3A_748 : i32
        %swap3A_750 = arith.index_cast %add3A_749 : i32 to index
        %swap3A_751 = tpu.vector_load %arg15[%swap3A_750] {strides = array<i32>} : memref<32768xf32, #tpu.memory_space<vmem>>, vector<16xf32>,
        %swap3A_752 = vector.shape_cast %swap3A_751 : vector<16xf32> to vector<16xf32>
        %swap3A_753 = vector.shape_cast %mul3A_745 : vector<16xf32> to vector<16xf32>
        tpu.vector_store %arg15[%swap3A_750], %swap3A_753 {strides = array<i32>} : memref<32768xf32, #tpu.memory_space<vmem>>, vector<16xf32>,
        %add3A_754 = vector.broadcast %squeeze3A_698 : i32 to vector<16xi32>
        %add3A_755 = arith.addi %add3A_32, %add3A_754 : vector<16xi32>
        %broadcast_in_dim3A_756 = vector.shape_cast %add3A_755 : vector<16xi32> to vector<16x1xi32>
        %gather3A_757 = vector.shape_cast %broadcast_in_dim3A_756 : vector<16x1xi32> to vector<16xi32>
        %gather3A_758 = tpu.dynamic_gather %xor3A_690[%gather3A_757] in [0] : vector<16xi32>, vector<16xi32> -> vector<16xi32>
        %shift_left3A_759 = arith.shli %gather3A_758, %sub3A_17 : vector<16xi32>
        %shift_right_arithmetic3A_760 = arith.constant 28 : i32
        %shift_right_arithmetic3A_761 = vector.broadcast %shift_right_arithmetic3A_760 : i32 to vector<16xi32>
        %shift_right_arithmetic3A_762 = arith.shrsi %shift_left3A_759, %shift_right_arithmetic3A_761 : vector<16xi32>
        %convert_element_type3A_763 = arith.sitofp %shift_right_arithmetic3A_762 : vector<16xi32> to vector<16xf32>
        %mul3A_764 = arith.mulf %convert_element_type3A_763, %gather3A_696 : vector<16xf32>
        %mul3A_765 = arith.constant 64 : i32
        %mul3A_766 = arith.muli %add3A_684, %mul3A_765 : i32
        %add3A_767 = arith.constant 48 : i32
        %add3A_768 = arith.addi %mul3A_766, %add3A_767 : i32
        %swap3A_769 = arith.index_cast %add3A_768 : i32 to index
        %swap3A_770 = tpu.vector_load %arg15[%swap3A_769] {strides = array<i32>} : memref<32768xf32, #tpu.memory_space<vmem>>, vector<16xf32>,
        %swap3A_771 = vector.shape_cast %swap3A_770 : vector<16xf32> to vector<16xf32>
        %swap3A_772 = vector.shape_cast %mul3A_764 : vector<16xf32> to vector<16xf32>
        tpu.vector_store %arg15[%swap3A_769], %swap3A_772 {strides = array<i32>} : memref<32768xf32, #tpu.memory_space<vmem>>, vector<16xf32>,
        %mul3A_773 = arith.constant 16 : i32
        %mul3A_774 = arith.muli %scan3A_664, %mul3A_773 : i32
        %add3A_775 = arith.constant 1 : i32
        %add3A_776 = arith.addi %mul3A_774, %add3A_775 : i32
        %get3A_777 = arith.index_cast %add3A_776 : i32 to index
        %get3A_778 = arith.constant 0 : index
        %get3A_779 = tpu.vector_load %arg11[%get3A_777, %get3A_778] {strides = array<i32>} : memref<512x16xi32, #tpu.memory_space<vmem>>, vector<1x16xi32>,
        %get3A_780 = vector.shape_cast %get3A_779 : vector<1x16xi32> to vector<16xi32>
        %xor3A_781 = arith.constant -2004318072 : i32
        %xor3A_782 = vector.broadcast %xor3A_781 : i32 to vector<16xi32>
        %xor3A_783 = arith.xori %get3A_780, %xor3A_782 : vector<16xi32>
        %get3A_784 = arith.index_cast %add3A_776 : i32 to index
        %get3A_785 = arith.constant 0 : index
        %get3A_786 = tpu.vector_load %arg13[%get3A_784, %get3A_785] {strides = array<i32>} : memref<512x16xf32, #tpu.memory_space<vmem>>, vector<1x16xf32>,
        %get3A_787 = vector.shape_cast %get3A_786 : vector<1x16xf32> to vector<16xf32>
        %slice3A_788 = vector.extract_strided_slice %and3A_674 {offsets = [1], sizes = [1], strides = [1]} : vector<16xi32> to vector<1xi32>
        %squeeze3A_789 = vector.extract %slice3A_788[0] : i32 from vector<1xi32>
        %broadcast_in_dim3A_790 = vector.broadcast %squeeze3A_789 : i32 to vector<16xi32>
        %broadcast_in_dim3A_791 = vector.shape_cast %broadcast_in_dim3A_790 : vector<16xi32> to vector<16x1xi32>
        %gather3A_792 = vector.shape_cast %broadcast_in_dim3A_791 : vector<16x1xi32> to vector<16xi32>
        %gather3A_793 = tpu.dynamic_gather %get3A_787[%gather3A_792] in [0] : vector<16xf32>, vector<16xi32> -> vector<16xf32>
        %slice3A_794 = vector.extract_strided_slice %shift_left3A_680 {offsets = [1], sizes = [1], strides = [1]} : vector<16xi32> to vector<1xi32>
        %squeeze3A_795 = vector.extract %slice3A_794[0] : i32 from vector<1xi32>
        %add3A_796 = vector.broadcast %squeeze3A_795 : i32 to vector<16xi32>
        %add3A_797 = arith.addi %add3A_23, %add3A_796 : vector<16xi32>
        %broadcast_in_dim3A_798 = vector.shape_cast %add3A_797 : vector<16xi32> to vector<16x1xi32>
        %gather3A_799 = vector.shape_cast %broadcast_in_dim3A_798 : vector<16x1xi32> to vector<16xi32>
        %gather3A_800 = tpu.dynamic_gather %xor3A_783[%gather3A_799] in [0] : vector<16xi32>, vector<16xi32> -> vector<16xi32>
        %shift_left3A_801 = arith.shli %gather3A_800, %sub3A_17 : vector<16xi32>
        %shift_right_arithmetic3A_802 = arith.constant 28 : i32
        %shift_right_arithmetic3A_803 = vector.broadcast %shift_right_arithmetic3A_802 : i32 to vector<16xi32>
        %shift_right_arithmetic3A_804 = arith.shrsi %shift_left3A_801, %shift_right_arithmetic3A_803 : vector<16xi32>
        %convert_element_type3A_805 = arith.sitofp %shift_right_arithmetic3A_804 : vector<16xi32> to vector<16xf32>
        %mul3A_806 = arith.mulf %convert_element_type3A_805, %gather3A_793 : vector<16xf32>
        %mul3A_807 = arith.constant 64 : i32
        %mul3A_808 = arith.muli %add3A_776, %mul3A_807 : i32
        %add3A_809 = arith.constant 0 : i32
        %add3A_810 = arith.addi %mul3A_808, %add3A_809 : i32
        %swap3A_811 = arith.index_cast %add3A_810 : i32 to index
        %swap3A_812 = tpu.vector_load %arg15[%swap3A_811] {strides = array<i32>} : memref<32768xf32, #tpu.memory_space<vmem>>, vector<16xf32>,
        %swap3A_813 = vector.shape_cast %swap3A_812 : vector<16xf32> to vector<16xf32>
        %swap3A_814 = vector.shape_cast %mul3A_806 : vector<16xf32> to vector<16xf32>
        tpu.vector_store %arg15[%swap3A_811], %swap3A_814 {strides = array<i32>} : memref<32768xf32, #tpu.memory_space<vmem>>, vector<16xf32>,
        %add3A_815 = vector.broadcast %squeeze3A_795 : i32 to vector<16xi32>
        %add3A_816 = arith.addi %add3A_26, %add3A_815 : vector<16xi32>
        %broadcast_in_dim3A_817 = vector.shape_cast %add3A_816 : vector<16xi32> to vector<16x1xi32>
        %gather3A_818 = vector.shape_cast %broadcast_in_dim3A_817 : vector<16x1xi32> to vector<16xi32>
        %gather3A_819 = tpu.dynamic_gather %xor3A_783[%gather3A_818] in [0] : vector<16xi32>, vector<16xi32> -> vector<16xi32>
        %shift_left3A_820 = arith.shli %gather3A_819, %sub3A_17 : vector<16xi32>
        %shift_right_arithmetic3A_821 = arith.constant 28 : i32
        %shift_right_arithmetic3A_822 = vector.broadcast %shift_right_arithmetic3A_821 : i32 to vector<16xi32>
        %shift_right_arithmetic3A_823 = arith.shrsi %shift_left3A_820, %shift_right_arithmetic3A_822 : vector<16xi32>
        %convert_element_type3A_824 = arith.sitofp %shift_right_arithmetic3A_823 : vector<16xi32> to vector<16xf32>
        %mul3A_825 = arith.mulf %convert_element_type3A_824, %gather3A_793 : vector<16xf32>
        %mul3A_826 = arith.constant 64 : i32
        %mul3A_827 = arith.muli %add3A_776, %mul3A_826 : i32
        %add3A_828 = arith.constant 16 : i32
        %add3A_829 = arith.addi %mul3A_827, %add3A_828 : i32
        %swap3A_830 = arith.index_cast %add3A_829 : i32 to index
        %swap3A_831 = tpu.vector_load %arg15[%swap3A_830] {strides = array<i32>} : memref<32768xf32, #tpu.memory_space<vmem>>, vector<16xf32>,
        %swap3A_832 = vector.shape_cast %swap3A_831 : vector<16xf32> to vector<16xf32>
        %swap3A_833 = vector.shape_cast %mul3A_825 : vector<16xf32> to vector<16xf32>
        tpu.vector_store %arg15[%swap3A_830], %swap3A_833 {strides = array<i32>} : memref<32768xf32, #tpu.memory_space<vmem>>, vector<16xf32>,
        %add3A_834 = vector.broadcast %squeeze3A_795 : i32 to vector<16xi32>
        %add3A_835 = arith.addi %add3A_29, %add3A_834 : vector<16xi32>
        %broadcast_in_dim3A_836 = vector.shape_cast %add3A_835 : vector<16xi32> to vector<16x1xi32>
        %gather3A_837 = vector.shape_cast %broadcast_in_dim3A_836 : vector<16x1xi32> to vector<16xi32>
        %gather3A_838 = tpu.dynamic_gather %xor3A_783[%gather3A_837] in [0] : vector<16xi32>, vector<16xi32> -> vector<16xi32>
        %shift_left3A_839 = arith.shli %gather3A_838, %sub3A_17 : vector<16xi32>
        %shift_right_arithmetic3A_840 = arith.constant 28 : i32
        %shift_right_arithmetic3A_841 = vector.broadcast %shift_right_arithmetic3A_840 : i32 to vector<16xi32>
        %shift_right_arithmetic3A_842 = arith.shrsi %shift_left3A_839, %shift_right_arithmetic3A_841 : vector<16xi32>
        %convert_element_type3A_843 = arith.sitofp %shift_right_arithmetic3A_842 : vector<16xi32> to vector<16xf32>
        %mul3A_844 = arith.mulf %convert_element_type3A_843, %gather3A_793 : vector<16xf32>
        %mul3A_845 = arith.constant 64 : i32
        %mul3A_846 = arith.muli %add3A_776, %mul3A_845 : i32
        %add3A_847 = arith.constant 32 : i32
        %add3A_848 = arith.addi %mul3A_846, %add3A_847 : i32
        %swap3A_849 = arith.index_cast %add3A_848 : i32 to index
        %swap3A_850 = tpu.vector_load %arg15[%swap3A_849] {strides = array<i32>} : memref<32768xf32, #tpu.memory_space<vmem>>, vector<16xf32>,
        %swap3A_851 = vector.shape_cast %swap3A_850 : vector<16xf32> to vector<16xf32>
        %swap3A_852 = vector.shape_cast %mul3A_844 : vector<16xf32> to vector<16xf32>
        tpu.vector_store %arg15[%swap3A_849], %swap3A_852 {strides = array<i32>} : memref<32768xf32, #tpu.memory_space<vmem>>, vector<16xf32>,
        %add3A_853 = vector.broadcast %squeeze3A_795 : i32 to vector<16xi32>
        %add3A_854 = arith.addi %add3A_32, %add3A_853 : vector<16xi32>
        %broadcast_in_dim3A_855 = vector.shape_cast %add3A_854 : vector<16xi32> to vector<16x1xi32>
        %gather3A_856 = vector.shape_cast %broadcast_in_dim3A_855 : vector<16x1xi32> to vector<16xi32>
        %gather3A_857 = tpu.dynamic_gather %xor3A_783[%gather3A_856] in [0] : vector<16xi32>, vector<16xi32> -> vector<16xi32>
        %shift_left3A_858 = arith.shli %gather3A_857, %sub3A_17 : vector<16xi32>
        %shift_right_arithmetic3A_859 = arith.constant 28 : i32
        %shift_right_arithmetic3A_860 = vector.broadcast %shift_right_arithmetic3A_859 : i32 to vector<16xi32>
        %shift_right_arithmetic3A_861 = arith.shrsi %shift_left3A_858, %shift_right_arithmetic3A_860 : vector<16xi32>
        %convert_element_type3A_862 = arith.sitofp %shift_right_arithmetic3A_861 : vector<16xi32> to vector<16xf32>
        %mul3A_863 = arith.mulf %convert_element_type3A_862, %gather3A_793 : vector<16xf32>
        %mul3A_864 = arith.constant 64 : i32
        %mul3A_865 = arith.muli %add3A_776, %mul3A_864 : i32
        %add3A_866 = arith.constant 48 : i32
        %add3A_867 = arith.addi %mul3A_865, %add3A_866 : i32
        %swap3A_868 = arith.index_cast %add3A_867 : i32 to index
        %swap3A_869 = tpu.vector_load %arg15[%swap3A_868] {strides = array<i32>} : memref<32768xf32, #tpu.memory_space<vmem>>, vector<16xf32>,
        %swap3A_870 = vector.shape_cast %swap3A_869 : vector<16xf32> to vector<16xf32>
        %swap3A_871 = vector.shape_cast %mul3A_863 : vector<16xf32> to vector<16xf32>
        tpu.vector_store %arg15[%swap3A_868], %swap3A_871 {strides = array<i32>} : memref<32768xf32, #tpu.memory_space<vmem>>, vector<16xf32>,
        %mul3A_872 = arith.constant 16 : i32
        %mul3A_873 = arith.muli %scan3A_664, %mul3A_872 : i32
        %add3A_874 = arith.constant 2 : i32
        %add3A_875 = arith.addi %mul3A_873, %add3A_874 : i32
        %get3A_876 = arith.index_cast %add3A_875 : i32 to index
        %get3A_877 = arith.constant 0 : index
        %get3A_878 = tpu.vector_load %arg11[%get3A_876, %get3A_877] {strides = array<i32>} : memref<512x16xi32, #tpu.memory_space<vmem>>, vector<1x16xi32>,
        %get3A_879 = vector.shape_cast %get3A_878 : vector<1x16xi32> to vector<16xi32>
        %xor3A_880 = arith.constant -2004318072 : i32
        %xor3A_881 = vector.broadcast %xor3A_880 : i32 to vector<16xi32>
        %xor3A_882 = arith.xori %get3A_879, %xor3A_881 : vector<16xi32>
        %get3A_883 = arith.index_cast %add3A_875 : i32 to index
        %get3A_884 = arith.constant 0 : index
        %get3A_885 = tpu.vector_load %arg13[%get3A_883, %get3A_884] {strides = array<i32>} : memref<512x16xf32, #tpu.memory_space<vmem>>, vector<1x16xf32>,
        %get3A_886 = vector.shape_cast %get3A_885 : vector<1x16xf32> to vector<16xf32>
        %slice3A_887 = vector.extract_strided_slice %and3A_674 {offsets = [2], sizes = [1], strides = [1]} : vector<16xi32> to vector<1xi32>
        %squeeze3A_888 = vector.extract %slice3A_887[0] : i32 from vector<1xi32>
        %broadcast_in_dim3A_889 = vector.broadcast %squeeze3A_888 : i32 to vector<16xi32>
        %broadcast_in_dim3A_890 = vector.shape_cast %broadcast_in_dim3A_889 : vector<16xi32> to vector<16x1xi32>
        %gather3A_891 = vector.shape_cast %broadcast_in_dim3A_890 : vector<16x1xi32> to vector<16xi32>
        %gather3A_892 = tpu.dynamic_gather %get3A_886[%gather3A_891] in [0] : vector<16xf32>, vector<16xi32> -> vector<16xf32>
        %slice3A_893 = vector.extract_strided_slice %shift_left3A_680 {offsets = [2], sizes = [1], strides = [1]} : vector<16xi32> to vector<1xi32>
        %squeeze3A_894 = vector.extract %slice3A_893[0] : i32 from vector<1xi32>
        %add3A_895 = vector.broadcast %squeeze3A_894 : i32 to vector<16xi32>
        %add3A_896 = arith.addi %add3A_23, %add3A_895 : vector<16xi32>
        %broadcast_in_dim3A_897 = vector.shape_cast %add3A_896 : vector<16xi32> to vector<16x1xi32>
        %gather3A_898 = vector.shape_cast %broadcast_in_dim3A_897 : vector<16x1xi32> to vector<16xi32>
        %gather3A_899 = tpu.dynamic_gather %xor3A_882[%gather3A_898] in [0] : vector<16xi32>, vector<16xi32> -> vector<16xi32>
        %shift_left3A_900 = arith.shli %gather3A_899, %sub3A_17 : vector<16xi32>
        %shift_right_arithmetic3A_901 = arith.constant 28 : i32
        %shift_right_arithmetic3A_902 = vector.broadcast %shift_right_arithmetic3A_901 : i32 to vector<16xi32>
        %shift_right_arithmetic3A_903 = arith.shrsi %shift_left3A_900, %shift_right_arithmetic3A_902 : vector<16xi32>
        %convert_element_type3A_904 = arith.sitofp %shift_right_arithmetic3A_903 : vector<16xi32> to vector<16xf32>
        %mul3A_905 = arith.mulf %convert_element_type3A_904, %gather3A_892 : vector<16xf32>
        %mul3A_906 = arith.constant 64 : i32
        %mul3A_907 = arith.muli %add3A_875, %mul3A_906 : i32
        %add3A_908 = arith.constant 0 : i32
        %add3A_909 = arith.addi %mul3A_907, %add3A_908 : i32
        %swap3A_910 = arith.index_cast %add3A_909 : i32 to index
        %swap3A_911 = tpu.vector_load %arg15[%swap3A_910] {strides = array<i32>} : memref<32768xf32, #tpu.memory_space<vmem>>, vector<16xf32>,
        %swap3A_912 = vector.shape_cast %swap3A_911 : vector<16xf32> to vector<16xf32>
        %swap3A_913 = vector.shape_cast %mul3A_905 : vector<16xf32> to vector<16xf32>
        tpu.vector_store %arg15[%swap3A_910], %swap3A_913 {strides = array<i32>} : memref<32768xf32, #tpu.memory_space<vmem>>, vector<16xf32>,
        %add3A_914 = vector.broadcast %squeeze3A_894 : i32 to vector<16xi32>
        %add3A_915 = arith.addi %add3A_26, %add3A_914 : vector<16xi32>
        %broadcast_in_dim3A_916 = vector.shape_cast %add3A_915 : vector<16xi32> to vector<16x1xi32>
        %gather3A_917 = vector.shape_cast %broadcast_in_dim3A_916 : vector<16x1xi32> to vector<16xi32>
        %gather3A_918 = tpu.dynamic_gather %xor3A_882[%gather3A_917] in [0] : vector<16xi32>, vector<16xi32> -> vector<16xi32>
        %shift_left3A_919 = arith.shli %gather3A_918, %sub3A_17 : vector<16xi32>
        %shift_right_arithmetic3A_920 = arith.constant 28 : i32
        %shift_right_arithmetic3A_921 = vector.broadcast %shift_right_arithmetic3A_920 : i32 to vector<16xi32>
        %shift_right_arithmetic3A_922 = arith.shrsi %shift_left3A_919, %shift_right_arithmetic3A_921 : vector<16xi32>
        %convert_element_type3A_923 = arith.sitofp %shift_right_arithmetic3A_922 : vector<16xi32> to vector<16xf32>
        %mul3A_924 = arith.mulf %convert_element_type3A_923, %gather3A_892 : vector<16xf32>
        %mul3A_925 = arith.constant 64 : i32
        %mul3A_926 = arith.muli %add3A_875, %mul3A_925 : i32
        %add3A_927 = arith.constant 16 : i32
        %add3A_928 = arith.addi %mul3A_926, %add3A_927 : i32
        %swap3A_929 = arith.index_cast %add3A_928 : i32 to index
        %swap3A_930 = tpu.vector_load %arg15[%swap3A_929] {strides = array<i32>} : memref<32768xf32, #tpu.memory_space<vmem>>, vector<16xf32>,
        %swap3A_931 = vector.shape_cast %swap3A_930 : vector<16xf32> to vector<16xf32>
        %swap3A_932 = vector.shape_cast %mul3A_924 : vector<16xf32> to vector<16xf32>
        tpu.vector_store %arg15[%swap3A_929], %swap3A_932 {strides = array<i32>} : memref<32768xf32, #tpu.memory_space<vmem>>, vector<16xf32>,
        %add3A_933 = vector.broadcast %squeeze3A_894 : i32 to vector<16xi32>
        %add3A_934 = arith.addi %add3A_29, %add3A_933 : vector<16xi32>
        %broadcast_in_dim3A_935 = vector.shape_cast %add3A_934 : vector<16xi32> to vector<16x1xi32>
        %gather3A_936 = vector.shape_cast %broadcast_in_dim3A_935 : vector<16x1xi32> to vector<16xi32>
        %gather3A_937 = tpu.dynamic_gather %xor3A_882[%gather3A_936] in [0] : vector<16xi32>, vector<16xi32> -> vector<16xi32>
        %shift_left3A_938 = arith.shli %gather3A_937, %sub3A_17 : vector<16xi32>
        %shift_right_arithmetic3A_939 = arith.constant 28 : i32
        %shift_right_arithmetic3A_940 = vector.broadcast %shift_right_arithmetic3A_939 : i32 to vector<16xi32>
        %shift_right_arithmetic3A_941 = arith.shrsi %shift_left3A_938, %shift_right_arithmetic3A_940 : vector<16xi32>
        %convert_element_type3A_942 = arith.sitofp %shift_right_arithmetic3A_941 : vector<16xi32> to vector<16xf32>
        %mul3A_943 = arith.mulf %convert_element_type3A_942, %gather3A_892 : vector<16xf32>
        %mul3A_944 = arith.constant 64 : i32
        %mul3A_945 = arith.muli %add3A_875, %mul3A_944 : i32
        %add3A_946 = arith.constant 32 : i32
        %add3A_947 = arith.addi %mul3A_945, %add3A_946 : i32
        %swap3A_948 = arith.index_cast %add3A_947 : i32 to index
        %swap3A_949 = tpu.vector_load %arg15[%swap3A_948] {strides = array<i32>} : memref<32768xf32, #tpu.memory_space<vmem>>, vector<16xf32>,
        %swap3A_950 = vector.shape_cast %swap3A_949 : vector<16xf32> to vector<16xf32>
        %swap3A_951 = vector.shape_cast %mul3A_943 : vector<16xf32> to vector<16xf32>
        tpu.vector_store %arg15[%swap3A_948], %swap3A_951 {strides = array<i32>} : memref<32768xf32, #tpu.memory_space<vmem>>, vector<16xf32>,
        %add3A_952 = vector.broadcast %squeeze3A_894 : i32 to vector<16xi32>
        %add3A_953 = arith.addi %add3A_32, %add3A_952 : vector<16xi32>
        %broadcast_in_dim3A_954 = vector.shape_cast %add3A_953 : vector<16xi32> to vector<16x1xi32>
        %gather3A_955 = vector.shape_cast %broadcast_in_dim3A_954 : vector<16x1xi32> to vector<16xi32>
        %gather3A_956 = tpu.dynamic_gather %xor3A_882[%gather3A_955] in [0] : vector<16xi32>, vector<16xi32> -> vector<16xi32>
        %shift_left3A_957 = arith.shli %gather3A_956, %sub3A_17 : vector<16xi32>
        %shift_right_arithmetic3A_958 = arith.constant 28 : i32
        %shift_right_arithmetic3A_959 = vector.broadcast %shift_right_arithmetic3A_958 : i32 to vector<16xi32>
        %shift_right_arithmetic3A_960 = arith.shrsi %shift_left3A_957, %shift_right_arithmetic3A_959 : vector<16xi32>
        %convert_element_type3A_961 = arith.sitofp %shift_right_arithmetic3A_960 : vector<16xi32> to vector<16xf32>
        %mul3A_962 = arith.mulf %convert_element_type3A_961, %gather3A_892 : vector<16xf32>
        %mul3A_963 = arith.constant 64 : i32
        %mul3A_964 = arith.muli %add3A_875, %mul3A_963 : i32
        %add3A_965 = arith.constant 48 : i32
        %add3A_966 = arith.addi %mul3A_964, %add3A_965 : i32
        %swap3A_967 = arith.index_cast %add3A_966 : i32 to index
        %swap3A_968 = tpu.vector_load %arg15[%swap3A_967] {strides = array<i32>} : memref<32768xf32, #tpu.memory_space<vmem>>, vector<16xf32>,
        %swap3A_969 = vector.shape_cast %swap3A_968 : vector<16xf32> to vector<16xf32>
        %swap3A_970 = vector.shape_cast %mul3A_962 : vector<16xf32> to vector<16xf32>
        tpu.vector_store %arg15[%swap3A_967], %swap3A_970 {strides = array<i32>} : memref<32768xf32, #tpu.memory_space<vmem>>, vector<16xf32>,
        %mul3A_971 = arith.constant 16 : i32
        %mul3A_972 = arith.muli %scan3A_664, %mul3A_971 : i32
        %add3A_973 = arith.constant 3 : i32
        %add3A_974 = arith.addi %mul3A_972, %add3A_973 : i32
        %get3A_975 = arith.index_cast %add3A_974 : i32 to index
        %get3A_976 = arith.constant 0 : index
        %get3A_977 = tpu.vector_load %arg11[%get3A_975, %get3A_976] {strides = array<i32>} : memref<512x16xi32, #tpu.memory_space<vmem>>, vector<1x16xi32>,
        %get3A_978 = vector.shape_cast %get3A_977 : vector<1x16xi32> to vector<16xi32>
        %xor3A_979 = arith.constant -2004318072 : i32
        %xor3A_980 = vector.broadcast %xor3A_979 : i32 to vector<16xi32>
        %xor3A_981 = arith.xori %get3A_978, %xor3A_980 : vector<16xi32>
        %get3A_982 = arith.index_cast %add3A_974 : i32 to index
        %get3A_983 = arith.constant 0 : index
        %get3A_984 = tpu.vector_load %arg13[%get3A_982, %get3A_983] {strides = array<i32>} : memref<512x16xf32, #tpu.memory_space<vmem>>, vector<1x16xf32>,
        %get3A_985 = vector.shape_cast %get3A_984 : vector<1x16xf32> to vector<16xf32>
        %slice3A_986 = vector.extract_strided_slice %and3A_674 {offsets = [3], sizes = [1], strides = [1]} : vector<16xi32> to vector<1xi32>
        %squeeze3A_987 = vector.extract %slice3A_986[0] : i32 from vector<1xi32>
        %broadcast_in_dim3A_988 = vector.broadcast %squeeze3A_987 : i32 to vector<16xi32>
        %broadcast_in_dim3A_989 = vector.shape_cast %broadcast_in_dim3A_988 : vector<16xi32> to vector<16x1xi32>
        %gather3A_990 = vector.shape_cast %broadcast_in_dim3A_989 : vector<16x1xi32> to vector<16xi32>
        %gather3A_991 = tpu.dynamic_gather %get3A_985[%gather3A_990] in [0] : vector<16xf32>, vector<16xi32> -> vector<16xf32>
        %slice3A_992 = vector.extract_strided_slice %shift_left3A_680 {offsets = [3], sizes = [1], strides = [1]} : vector<16xi32> to vector<1xi32>
        %squeeze3A_993 = vector.extract %slice3A_992[0] : i32 from vector<1xi32>
        %add3A_994 = vector.broadcast %squeeze3A_993 : i32 to vector<16xi32>
        %add3A_995 = arith.addi %add3A_23, %add3A_994 : vector<16xi32>
        %broadcast_in_dim3A_996 = vector.shape_cast %add3A_995 : vector<16xi32> to vector<16x1xi32>
        %gather3A_997 = vector.shape_cast %broadcast_in_dim3A_996 : vector<16x1xi32> to vector<16xi32>
        %gather3A_998 = tpu.dynamic_gather %xor3A_981[%gather3A_997] in [0] : vector<16xi32>, vector<16xi32> -> vector<16xi32>
        %shift_left3A_999 = arith.shli %gather3A_998, %sub3A_17 : vector<16xi32>
        %shift_right_arithmetic3A_1000 = arith.constant 28 : i32
        %shift_right_arithmetic3A_1001 = vector.broadcast %shift_right_arithmetic3A_1000 : i32 to vector<16xi32>
        %shift_right_arithmetic3A_1002 = arith.shrsi %shift_left3A_999, %shift_right_arithmetic3A_1001 : vector<16xi32>
        %convert_element_type3A_1003 = arith.sitofp %shift_right_arithmetic3A_1002 : vector<16xi32> to vector<16xf32>
        %mul3A_1004 = arith.mulf %convert_element_type3A_1003, %gather3A_991 : vector<16xf32>
        %mul3A_1005 = arith.constant 64 : i32
        %mul3A_1006 = arith.muli %add3A_974, %mul3A_1005 : i32
        %add3A_1007 = arith.constant 0 : i32
        %add3A_1008 = arith.addi %mul3A_1006, %add3A_1007 : i32
        %swap3A_1009 = arith.index_cast %add3A_1008 : i32 to index
        %swap3A_1010 = tpu.vector_load %arg15[%swap3A_1009] {strides = array<i32>} : memref<32768xf32, #tpu.memory_space<vmem>>, vector<16xf32>,
        %swap3A_1011 = vector.shape_cast %swap3A_1010 : vector<16xf32> to vector<16xf32>
        %swap3A_1012 = vector.shape_cast %mul3A_1004 : vector<16xf32> to vector<16xf32>
        tpu.vector_store %arg15[%swap3A_1009], %swap3A_1012 {strides = array<i32>} : memref<32768xf32, #tpu.memory_space<vmem>>, vector<16xf32>,
        %add3A_1013 = vector.broadcast %squeeze3A_993 : i32 to vector<16xi32>
        %add3A_1014 = arith.addi %add3A_26, %add3A_1013 : vector<16xi32>
        %broadcast_in_dim3A_1015 = vector.shape_cast %add3A_1014 : vector<16xi32> to vector<16x1xi32>
        %gather3A_1016 = vector.shape_cast %broadcast_in_dim3A_1015 : vector<16x1xi32> to vector<16xi32>
        %gather3A_1017 = tpu.dynamic_gather %xor3A_981[%gather3A_1016] in [0] : vector<16xi32>, vector<16xi32> -> vector<16xi32>
        %shift_left3A_1018 = arith.shli %gather3A_1017, %sub3A_17 : vector<16xi32>
        %shift_right_arithmetic3A_1019 = arith.constant 28 : i32
        %shift_right_arithmetic3A_1020 = vector.broadcast %shift_right_arithmetic3A_1019 : i32 to vector<16xi32>
        %shift_right_arithmetic3A_1021 = arith.shrsi %shift_left3A_1018, %shift_right_arithmetic3A_1020 : vector<16xi32>
        %convert_element_type3A_1022 = arith.sitofp %shift_right_arithmetic3A_1021 : vector<16xi32> to vector<16xf32>
        %mul3A_1023 = arith.mulf %convert_element_type3A_1022, %gather3A_991 : vector<16xf32>
        %mul3A_1024 = arith.constant 64 : i32
        %mul3A_1025 = arith.muli %add3A_974, %mul3A_1024 : i32
        %add3A_1026 = arith.constant 16 : i32
        %add3A_1027 = arith.addi %mul3A_1025, %add3A_1026 : i32
        %swap3A_1028 = arith.index_cast %add3A_1027 : i32 to index
        %swap3A_1029 = tpu.vector_load %arg15[%swap3A_1028] {strides = array<i32>} : memref<32768xf32, #tpu.memory_space<vmem>>, vector<16xf32>,
        %swap3A_1030 = vector.shape_cast %swap3A_1029 : vector<16xf32> to vector<16xf32>
        %swap3A_1031 = vector.shape_cast %mul3A_1023 : vector<16xf32> to vector<16xf32>
        tpu.vector_store %arg15[%swap3A_1028], %swap3A_1031 {strides = array<i32>} : memref<32768xf32, #tpu.memory_space<vmem>>, vector<16xf32>,
        %add3A_1032 = vector.broadcast %squeeze3A_993 : i32 to vector<16xi32>
        %add3A_1033 = arith.addi %add3A_29, %add3A_1032 : vector<16xi32>
        %broadcast_in_dim3A_1034 = vector.shape_cast %add3A_1033 : vector<16xi32> to vector<16x1xi32>
        %gather3A_1035 = vector.shape_cast %broadcast_in_dim3A_1034 : vector<16x1xi32> to vector<16xi32>
        %gather3A_1036 = tpu.dynamic_gather %xor3A_981[%gather3A_1035] in [0] : vector<16xi32>, vector<16xi32> -> vector<16xi32>
        %shift_left3A_1037 = arith.shli %gather3A_1036, %sub3A_17 : vector<16xi32>
        %shift_right_arithmetic3A_1038 = arith.constant 28 : i32
        %shift_right_arithmetic3A_1039 = vector.broadcast %shift_right_arithmetic3A_1038 : i32 to vector<16xi32>
        %shift_right_arithmetic3A_1040 = arith.shrsi %shift_left3A_1037, %shift_right_arithmetic3A_1039 : vector<16xi32>
        %convert_element_type3A_1041 = arith.sitofp %shift_right_arithmetic3A_1040 : vector<16xi32> to vector<16xf32>
        %mul3A_1042 = arith.mulf %convert_element_type3A_1041, %gather3A_991 : vector<16xf32>
        %mul3A_1043 = arith.constant 64 : i32
        %mul3A_1044 = arith.muli %add3A_974, %mul3A_1043 : i32
        %add3A_1045 = arith.constant 32 : i32
        %add3A_1046 = arith.addi %mul3A_1044, %add3A_1045 : i32
        %swap3A_1047 = arith.index_cast %add3A_1046 : i32 to index
        %swap3A_1048 = tpu.vector_load %arg15[%swap3A_1047] {strides = array<i32>} : memref<32768xf32, #tpu.memory_space<vmem>>, vector<16xf32>,
        %swap3A_1049 = vector.shape_cast %swap3A_1048 : vector<16xf32> to vector<16xf32>
        %swap3A_1050 = vector.shape_cast %mul3A_1042 : vector<16xf32> to vector<16xf32>
        tpu.vector_store %arg15[%swap3A_1047], %swap3A_1050 {strides = array<i32>} : memref<32768xf32, #tpu.memory_space<vmem>>, vector<16xf32>,
        %add3A_1051 = vector.broadcast %squeeze3A_993 : i32 to vector<16xi32>
        %add3A_1052 = arith.addi %add3A_32, %add3A_1051 : vector<16xi32>
        %broadcast_in_dim3A_1053 = vector.shape_cast %add3A_1052 : vector<16xi32> to vector<16x1xi32>
        %gather3A_1054 = vector.shape_cast %broadcast_in_dim3A_1053 : vector<16x1xi32> to vector<16xi32>
        %gather3A_1055 = tpu.dynamic_gather %xor3A_981[%gather3A_1054] in [0] : vector<16xi32>, vector<16xi32> -> vector<16xi32>
        %shift_left3A_1056 = arith.shli %gather3A_1055, %sub3A_17 : vector<16xi32>
        %shift_right_arithmetic3A_1057 = arith.constant 28 : i32
        %shift_right_arithmetic3A_1058 = vector.broadcast %shift_right_arithmetic3A_1057 : i32 to vector<16xi32>
        %shift_right_arithmetic3A_1059 = arith.shrsi %shift_left3A_1056, %shift_right_arithmetic3A_1058 : vector<16xi32>
        %convert_element_type3A_1060 = arith.sitofp %shift_right_arithmetic3A_1059 : vector<16xi32> to vector<16xf32>
        %mul3A_1061 = arith.mulf %convert_element_type3A_1060, %gather3A_991 : vector<16xf32>
        %mul3A_1062 = arith.constant 64 : i32
        %mul3A_1063 = arith.muli %add3A_974, %mul3A_1062 : i32
        %add3A_1064 = arith.constant 48 : i32
        %add3A_1065 = arith.addi %mul3A_1063, %add3A_1064 : i32
        %swap3A_1066 = arith.index_cast %add3A_1065 : i32 to index
        %swap3A_1067 = tpu.vector_load %arg15[%swap3A_1066] {strides = array<i32>} : memref<32768xf32, #tpu.memory_space<vmem>>, vector<16xf32>,
        %swap3A_1068 = vector.shape_cast %swap3A_1067 : vector<16xf32> to vector<16xf32>
        %swap3A_1069 = vector.shape_cast %mul3A_1061 : vector<16xf32> to vector<16xf32>
        tpu.vector_store %arg15[%swap3A_1066], %swap3A_1069 {strides = array<i32>} : memref<32768xf32, #tpu.memory_space<vmem>>, vector<16xf32>,
        %mul3A_1070 = arith.constant 16 : i32
        %mul3A_1071 = arith.muli %scan3A_664, %mul3A_1070 : i32
        %add3A_1072 = arith.constant 4 : i32
        %add3A_1073 = arith.addi %mul3A_1071, %add3A_1072 : i32
        %get3A_1074 = arith.index_cast %add3A_1073 : i32 to index
        %get3A_1075 = arith.constant 0 : index
        %get3A_1076 = tpu.vector_load %arg11[%get3A_1074, %get3A_1075] {strides = array<i32>} : memref<512x16xi32, #tpu.memory_space<vmem>>, vector<1x16xi32>,
        %get3A_1077 = vector.shape_cast %get3A_1076 : vector<1x16xi32> to vector<16xi32>
        %xor3A_1078 = arith.constant -2004318072 : i32
        %xor3A_1079 = vector.broadcast %xor3A_1078 : i32 to vector<16xi32>
        %xor3A_1080 = arith.xori %get3A_1077, %xor3A_1079 : vector<16xi32>
        %get3A_1081 = arith.index_cast %add3A_1073 : i32 to index
        %get3A_1082 = arith.constant 0 : index
        %get3A_1083 = tpu.vector_load %arg13[%get3A_1081, %get3A_1082] {strides = array<i32>} : memref<512x16xf32, #tpu.memory_space<vmem>>, vector<1x16xf32>,
        %get3A_1084 = vector.shape_cast %get3A_1083 : vector<1x16xf32> to vector<16xf32>
        %slice3A_1085 = vector.extract_strided_slice %and3A_674 {offsets = [4], sizes = [1], strides = [1]} : vector<16xi32> to vector<1xi32>
        %squeeze3A_1086 = vector.extract %slice3A_1085[0] : i32 from vector<1xi32>
        %broadcast_in_dim3A_1087 = vector.broadcast %squeeze3A_1086 : i32 to vector<16xi32>
        %broadcast_in_dim3A_1088 = vector.shape_cast %broadcast_in_dim3A_1087 : vector<16xi32> to vector<16x1xi32>
        %gather3A_1089 = vector.shape_cast %broadcast_in_dim3A_1088 : vector<16x1xi32> to vector<16xi32>
        %gather3A_1090 = tpu.dynamic_gather %get3A_1084[%gather3A_1089] in [0] : vector<16xf32>, vector<16xi32> -> vector<16xf32>
        %slice3A_1091 = vector.extract_strided_slice %shift_left3A_680 {offsets = [4], sizes = [1], strides = [1]} : vector<16xi32> to vector<1xi32>
        %squeeze3A_1092 = vector.extract %slice3A_1091[0] : i32 from vector<1xi32>
        %add3A_1093 = vector.broadcast %squeeze3A_1092 : i32 to vector<16xi32>
        %add3A_1094 = arith.addi %add3A_23, %add3A_1093 : vector<16xi32>
        %broadcast_in_dim3A_1095 = vector.shape_cast %add3A_1094 : vector<16xi32> to vector<16x1xi32>
        %gather3A_1096 = vector.shape_cast %broadcast_in_dim3A_1095 : vector<16x1xi32> to vector<16xi32>
        %gather3A_1097 = tpu.dynamic_gather %xor3A_1080[%gather3A_1096] in [0] : vector<16xi32>, vector<16xi32> -> vector<16xi32>
        %shift_left3A_1098 = arith.shli %gather3A_1097, %sub3A_17 : vector<16xi32>
        %shift_right_arithmetic3A_1099 = arith.constant 28 : i32
        %shift_right_arithmetic3A_1100 = vector.broadcast %shift_right_arithmetic3A_1099 : i32 to vector<16xi32>
        %shift_right_arithmetic3A_1101 = arith.shrsi %shift_left3A_1098, %shift_right_arithmetic3A_1100 : vector<16xi32>
        %convert_element_type3A_1102 = arith.sitofp %shift_right_arithmetic3A_1101 : vector<16xi32> to vector<16xf32>
        %mul3A_1103 = arith.mulf %convert_element_type3A_1102, %gather3A_1090 : vector<16xf32>
        %mul3A_1104 = arith.constant 64 : i32
        %mul3A_1105 = arith.muli %add3A_1073, %mul3A_1104 : i32
        %add3A_1106 = arith.constant 0 : i32
        %add3A_1107 = arith.addi %mul3A_1105, %add3A_1106 : i32
        %swap3A_1108 = arith.index_cast %add3A_1107 : i32 to index
        %swap3A_1109 = tpu.vector_load %arg15[%swap3A_1108] {strides = array<i32>} : memref<32768xf32, #tpu.memory_space<vmem>>, vector<16xf32>,
        %swap3A_1110 = vector.shape_cast %swap3A_1109 : vector<16xf32> to vector<16xf32>
        %swap3A_1111 = vector.shape_cast %mul3A_1103 : vector<16xf32> to vector<16xf32>
        tpu.vector_store %arg15[%swap3A_1108], %swap3A_1111 {strides = array<i32>} : memref<32768xf32, #tpu.memory_space<vmem>>, vector<16xf32>,
        %add3A_1112 = vector.broadcast %squeeze3A_1092 : i32 to vector<16xi32>
        %add3A_1113 = arith.addi %add3A_26, %add3A_1112 : vector<16xi32>
        %broadcast_in_dim3A_1114 = vector.shape_cast %add3A_1113 : vector<16xi32> to vector<16x1xi32>
        %gather3A_1115 = vector.shape_cast %broadcast_in_dim3A_1114 : vector<16x1xi32> to vector<16xi32>
        %gather3A_1116 = tpu.dynamic_gather %xor3A_1080[%gather3A_1115] in [0] : vector<16xi32>, vector<16xi32> -> vector<16xi32>
        %shift_left3A_1117 = arith.shli %gather3A_1116, %sub3A_17 : vector<16xi32>
        %shift_right_arithmetic3A_1118 = arith.constant 28 : i32
        %shift_right_arithmetic3A_1119 = vector.broadcast %shift_right_arithmetic3A_1118 : i32 to vector<16xi32>
        %shift_right_arithmetic3A_1120 = arith.shrsi %shift_left3A_1117, %shift_right_arithmetic3A_1119 : vector<16xi32>
        %convert_element_type3A_1121 = arith.sitofp %shift_right_arithmetic3A_1120 : vector<16xi32> to vector<16xf32>
        %mul3A_1122 = arith.mulf %convert_element_type3A_1121, %gather3A_1090 : vector<16xf32>
        %mul3A_1123 = arith.constant 64 : i32
        %mul3A_1124 = arith.muli %add3A_1073, %mul3A_1123 : i32
        %add3A_1125 = arith.constant 16 : i32
        %add3A_1126 = arith.addi %mul3A_1124, %add3A_1125 : i32
        %swap3A_1127 = arith.index_cast %add3A_1126 : i32 to index
        %swap3A_1128 = tpu.vector_load %arg15[%swap3A_1127] {strides = array<i32>} : memref<32768xf32, #tpu.memory_space<vmem>>, vector<16xf32>,
        %swap3A_1129 = vector.shape_cast %swap3A_1128 : vector<16xf32> to vector<16xf32>
        %swap3A_1130 = vector.shape_cast %mul3A_1122 : vector<16xf32> to vector<16xf32>
        tpu.vector_store %arg15[%swap3A_1127], %swap3A_1130 {strides = array<i32>} : memref<32768xf32, #tpu.memory_space<vmem>>, vector<16xf32>,
        %add3A_1131 = vector.broadcast %squeeze3A_1092 : i32 to vector<16xi32>
        %add3A_1132 = arith.addi %add3A_29, %add3A_1131 : vector<16xi32>
        %broadcast_in_dim3A_1133 = vector.shape_cast %add3A_1132 : vector<16xi32> to vector<16x1xi32>
        %gather3A_1134 = vector.shape_cast %broadcast_in_dim3A_1133 : vector<16x1xi32> to vector<16xi32>
        %gather3A_1135 = tpu.dynamic_gather %xor3A_1080[%gather3A_1134] in [0] : vector<16xi32>, vector<16xi32> -> vector<16xi32>
        %shift_left3A_1136 = arith.shli %gather3A_1135, %sub3A_17 : vector<16xi32>
        %shift_right_arithmetic3A_1137 = arith.constant 28 : i32
        %shift_right_arithmetic3A_1138 = vector.broadcast %shift_right_arithmetic3A_1137 : i32 to vector<16xi32>
        %shift_right_arithmetic3A_1139 = arith.shrsi %shift_left3A_1136, %shift_right_arithmetic3A_1138 : vector<16xi32>
        %convert_element_type3A_1140 = arith.sitofp %shift_right_arithmetic3A_1139 : vector<16xi32> to vector<16xf32>
        %mul3A_1141 = arith.mulf %convert_element_type3A_1140, %gather3A_1090 : vector<16xf32>
        %mul3A_1142 = arith.constant 64 : i32
        %mul3A_1143 = arith.muli %add3A_1073, %mul3A_1142 : i32
        %add3A_1144 = arith.constant 32 : i32
        %add3A_1145 = arith.addi %mul3A_1143, %add3A_1144 : i32
        %swap3A_1146 = arith.index_cast %add3A_1145 : i32 to index
        %swap3A_1147 = tpu.vector_load %arg15[%swap3A_1146] {strides = array<i32>} : memref<32768xf32, #tpu.memory_space<vmem>>, vector<16xf32>,
        %swap3A_1148 = vector.shape_cast %swap3A_1147 : vector<16xf32> to vector<16xf32>
        %swap3A_1149 = vector.shape_cast %mul3A_1141 : vector<16xf32> to vector<16xf32>
        tpu.vector_store %arg15[%swap3A_1146], %swap3A_1149 {strides = array<i32>} : memref<32768xf32, #tpu.memory_space<vmem>>, vector<16xf32>,
        %add3A_1150 = vector.broadcast %squeeze3A_1092 : i32 to vector<16xi32>
        %add3A_1151 = arith.addi %add3A_32, %add3A_1150 : vector<16xi32>
        %broadcast_in_dim3A_1152 = vector.shape_cast %add3A_1151 : vector<16xi32> to vector<16x1xi32>
        %gather3A_1153 = vector.shape_cast %broadcast_in_dim3A_1152 : vector<16x1xi32> to vector<16xi32>
        %gather3A_1154 = tpu.dynamic_gather %xor3A_1080[%gather3A_1153] in [0] : vector<16xi32>, vector<16xi32> -> vector<16xi32>
        %shift_left3A_1155 = arith.shli %gather3A_1154, %sub3A_17 : vector<16xi32>
        %shift_right_arithmetic3A_1156 = arith.constant 28 : i32
        %shift_right_arithmetic3A_1157 = vector.broadcast %shift_right_arithmetic3A_1156 : i32 to vector<16xi32>
        %shift_right_arithmetic3A_1158 = arith.shrsi %shift_left3A_1155, %shift_right_arithmetic3A_1157 : vector<16xi32>
        %convert_element_type3A_1159 = arith.sitofp %shift_right_arithmetic3A_1158 : vector<16xi32> to vector<16xf32>
        %mul3A_1160 = arith.mulf %convert_element_type3A_1159, %gather3A_1090 : vector<16xf32>
        %mul3A_1161 = arith.constant 64 : i32
        %mul3A_1162 = arith.muli %add3A_1073, %mul3A_1161 : i32
        %add3A_1163 = arith.constant 48 : i32
        %add3A_1164 = arith.addi %mul3A_1162, %add3A_1163 : i32
        %swap3A_1165 = arith.index_cast %add3A_1164 : i32 to index
        %swap3A_1166 = tpu.vector_load %arg15[%swap3A_1165] {strides = array<i32>} : memref<32768xf32, #tpu.memory_space<vmem>>, vector<16xf32>,
        %swap3A_1167 = vector.shape_cast %swap3A_1166 : vector<16xf32> to vector<16xf32>
        %swap3A_1168 = vector.shape_cast %mul3A_1160 : vector<16xf32> to vector<16xf32>
        tpu.vector_store %arg15[%swap3A_1165], %swap3A_1168 {strides = array<i32>} : memref<32768xf32, #tpu.memory_space<vmem>>, vector<16xf32>,
        %mul3A_1169 = arith.constant 16 : i32
        %mul3A_1170 = arith.muli %scan3A_664, %mul3A_1169 : i32
        %add3A_1171 = arith.constant 5 : i32
        %add3A_1172 = arith.addi %mul3A_1170, %add3A_1171 : i32
        %get3A_1173 = arith.index_cast %add3A_1172 : i32 to index
        %get3A_1174 = arith.constant 0 : index
        %get3A_1175 = tpu.vector_load %arg11[%get3A_1173, %get3A_1174] {strides = array<i32>} : memref<512x16xi32, #tpu.memory_space<vmem>>, vector<1x16xi32>,
        %get3A_1176 = vector.shape_cast %get3A_1175 : vector<1x16xi32> to vector<16xi32>
        %xor3A_1177 = arith.constant -2004318072 : i32
        %xor3A_1178 = vector.broadcast %xor3A_1177 : i32 to vector<16xi32>
        %xor3A_1179 = arith.xori %get3A_1176, %xor3A_1178 : vector<16xi32>
        %get3A_1180 = arith.index_cast %add3A_1172 : i32 to index
        %get3A_1181 = arith.constant 0 : index
        %get3A_1182 = tpu.vector_load %arg13[%get3A_1180, %get3A_1181] {strides = array<i32>} : memref<512x16xf32, #tpu.memory_space<vmem>>, vector<1x16xf32>,
        %get3A_1183 = vector.shape_cast %get3A_1182 : vector<1x16xf32> to vector<16xf32>
        %slice3A_1184 = vector.extract_strided_slice %and3A_674 {offsets = [5], sizes = [1], strides = [1]} : vector<16xi32> to vector<1xi32>
        %squeeze3A_1185 = vector.extract %slice3A_1184[0] : i32 from vector<1xi32>
        %broadcast_in_dim3A_1186 = vector.broadcast %squeeze3A_1185 : i32 to vector<16xi32>
        %broadcast_in_dim3A_1187 = vector.shape_cast %broadcast_in_dim3A_1186 : vector<16xi32> to vector<16x1xi32>
        %gather3A_1188 = vector.shape_cast %broadcast_in_dim3A_1187 : vector<16x1xi32> to vector<16xi32>
        %gather3A_1189 = tpu.dynamic_gather %get3A_1183[%gather3A_1188] in [0] : vector<16xf32>, vector<16xi32> -> vector<16xf32>
        %slice3A_1190 = vector.extract_strided_slice %shift_left3A_680 {offsets = [5], sizes = [1], strides = [1]} : vector<16xi32> to vector<1xi32>
        %squeeze3A_1191 = vector.extract %slice3A_1190[0] : i32 from vector<1xi32>
        %add3A_1192 = vector.broadcast %squeeze3A_1191 : i32 to vector<16xi32>
        %add3A_1193 = arith.addi %add3A_23, %add3A_1192 : vector<16xi32>
        %broadcast_in_dim3A_1194 = vector.shape_cast %add3A_1193 : vector<16xi32> to vector<16x1xi32>
        %gather3A_1195 = vector.shape_cast %broadcast_in_dim3A_1194 : vector<16x1xi32> to vector<16xi32>
        %gather3A_1196 = tpu.dynamic_gather %xor3A_1179[%gather3A_1195] in [0] : vector<16xi32>, vector<16xi32> -> vector<16xi32>
        %shift_left3A_1197 = arith.shli %gather3A_1196, %sub3A_17 : vector<16xi32>
        %shift_right_arithmetic3A_1198 = arith.constant 28 : i32
        %shift_right_arithmetic3A_1199 = vector.broadcast %shift_right_arithmetic3A_1198 : i32 to vector<16xi32>
        %shift_right_arithmetic3A_1200 = arith.shrsi %shift_left3A_1197, %shift_right_arithmetic3A_1199 : vector<16xi32>
        %convert_element_type3A_1201 = arith.sitofp %shift_right_arithmetic3A_1200 : vector<16xi32> to vector<16xf32>
        %mul3A_1202 = arith.mulf %convert_element_type3A_1201, %gather3A_1189 : vector<16xf32>
        %mul3A_1203 = arith.constant 64 : i32
        %mul3A_1204 = arith.muli %add3A_1172, %mul3A_1203 : i32
        %add3A_1205 = arith.constant 0 : i32
        %add3A_1206 = arith.addi %mul3A_1204, %add3A_1205 : i32
        %swap3A_1207 = arith.index_cast %add3A_1206 : i32 to index
        %swap3A_1208 = tpu.vector_load %arg15[%swap3A_1207] {strides = array<i32>} : memref<32768xf32, #tpu.memory_space<vmem>>, vector<16xf32>,
        %swap3A_1209 = vector.shape_cast %swap3A_1208 : vector<16xf32> to vector<16xf32>
        %swap3A_1210 = vector.shape_cast %mul3A_1202 : vector<16xf32> to vector<16xf32>
        tpu.vector_store %arg15[%swap3A_1207], %swap3A_1210 {strides = array<i32>} : memref<32768xf32, #tpu.memory_space<vmem>>, vector<16xf32>,
        %add3A_1211 = vector.broadcast %squeeze3A_1191 : i32 to vector<16xi32>
        %add3A_1212 = arith.addi %add3A_26, %add3A_1211 : vector<16xi32>
        %broadcast_in_dim3A_1213 = vector.shape_cast %add3A_1212 : vector<16xi32> to vector<16x1xi32>
        %gather3A_1214 = vector.shape_cast %broadcast_in_dim3A_1213 : vector<16x1xi32> to vector<16xi32>
        %gather3A_1215 = tpu.dynamic_gather %xor3A_1179[%gather3A_1214] in [0] : vector<16xi32>, vector<16xi32> -> vector<16xi32>
        %shift_left3A_1216 = arith.shli %gather3A_1215, %sub3A_17 : vector<16xi32>
        %shift_right_arithmetic3A_1217 = arith.constant 28 : i32
        %shift_right_arithmetic3A_1218 = vector.broadcast %shift_right_arithmetic3A_1217 : i32 to vector<16xi32>
        %shift_right_arithmetic3A_1219 = arith.shrsi %shift_left3A_1216, %shift_right_arithmetic3A_1218 : vector<16xi32>
        %convert_element_type3A_1220 = arith.sitofp %shift_right_arithmetic3A_1219 : vector<16xi32> to vector<16xf32>
        %mul3A_1221 = arith.mulf %convert_element_type3A_1220, %gather3A_1189 : vector<16xf32>
        %mul3A_1222 = arith.constant 64 : i32
        %mul3A_1223 = arith.muli %add3A_1172, %mul3A_1222 : i32
        %add3A_1224 = arith.constant 16 : i32
        %add3A_1225 = arith.addi %mul3A_1223, %add3A_1224 : i32
        %swap3A_1226 = arith.index_cast %add3A_1225 : i32 to index
        %swap3A_1227 = tpu.vector_load %arg15[%swap3A_1226] {strides = array<i32>} : memref<32768xf32, #tpu.memory_space<vmem>>, vector<16xf32>,
        %swap3A_1228 = vector.shape_cast %swap3A_1227 : vector<16xf32> to vector<16xf32>
        %swap3A_1229 = vector.shape_cast %mul3A_1221 : vector<16xf32> to vector<16xf32>
        tpu.vector_store %arg15[%swap3A_1226], %swap3A_1229 {strides = array<i32>} : memref<32768xf32, #tpu.memory_space<vmem>>, vector<16xf32>,
        %add3A_1230 = vector.broadcast %squeeze3A_1191 : i32 to vector<16xi32>
        %add3A_1231 = arith.addi %add3A_29, %add3A_1230 : vector<16xi32>
        %broadcast_in_dim3A_1232 = vector.shape_cast %add3A_1231 : vector<16xi32> to vector<16x1xi32>
        %gather3A_1233 = vector.shape_cast %broadcast_in_dim3A_1232 : vector<16x1xi32> to vector<16xi32>
        %gather3A_1234 = tpu.dynamic_gather %xor3A_1179[%gather3A_1233] in [0] : vector<16xi32>, vector<16xi32> -> vector<16xi32>
        %shift_left3A_1235 = arith.shli %gather3A_1234, %sub3A_17 : vector<16xi32>
        %shift_right_arithmetic3A_1236 = arith.constant 28 : i32
        %shift_right_arithmetic3A_1237 = vector.broadcast %shift_right_arithmetic3A_1236 : i32 to vector<16xi32>
        %shift_right_arithmetic3A_1238 = arith.shrsi %shift_left3A_1235, %shift_right_arithmetic3A_1237 : vector<16xi32>
        %convert_element_type3A_1239 = arith.sitofp %shift_right_arithmetic3A_1238 : vector<16xi32> to vector<16xf32>
        %mul3A_1240 = arith.mulf %convert_element_type3A_1239, %gather3A_1189 : vector<16xf32>
        %mul3A_1241 = arith.constant 64 : i32
        %mul3A_1242 = arith.muli %add3A_1172, %mul3A_1241 : i32
        %add3A_1243 = arith.constant 32 : i32
        %add3A_1244 = arith.addi %mul3A_1242, %add3A_1243 : i32
        %swap3A_1245 = arith.index_cast %add3A_1244 : i32 to index
        %swap3A_1246 = tpu.vector_load %arg15[%swap3A_1245] {strides = array<i32>} : memref<32768xf32, #tpu.memory_space<vmem>>, vector<16xf32>,
        %swap3A_1247 = vector.shape_cast %swap3A_1246 : vector<16xf32> to vector<16xf32>
        %swap3A_1248 = vector.shape_cast %mul3A_1240 : vector<16xf32> to vector<16xf32>
        tpu.vector_store %arg15[%swap3A_1245], %swap3A_1248 {strides = array<i32>} : memref<32768xf32, #tpu.memory_space<vmem>>, vector<16xf32>,
        %add3A_1249 = vector.broadcast %squeeze3A_1191 : i32 to vector<16xi32>
        %add3A_1250 = arith.addi %add3A_32, %add3A_1249 : vector<16xi32>
        %broadcast_in_dim3A_1251 = vector.shape_cast %add3A_1250 : vector<16xi32> to vector<16x1xi32>
        %gather3A_1252 = vector.shape_cast %broadcast_in_dim3A_1251 : vector<16x1xi32> to vector<16xi32>
        %gather3A_1253 = tpu.dynamic_gather %xor3A_1179[%gather3A_1252] in [0] : vector<16xi32>, vector<16xi32> -> vector<16xi32>
        %shift_left3A_1254 = arith.shli %gather3A_1253, %sub3A_17 : vector<16xi32>
        %shift_right_arithmetic3A_1255 = arith.constant 28 : i32
        %shift_right_arithmetic3A_1256 = vector.broadcast %shift_right_arithmetic3A_1255 : i32 to vector<16xi32>
        %shift_right_arithmetic3A_1257 = arith.shrsi %shift_left3A_1254, %shift_right_arithmetic3A_1256 : vector<16xi32>
        %convert_element_type3A_1258 = arith.sitofp %shift_right_arithmetic3A_1257 : vector<16xi32> to vector<16xf32>
        %mul3A_1259 = arith.mulf %convert_element_type3A_1258, %gather3A_1189 : vector<16xf32>
        %mul3A_1260 = arith.constant 64 : i32
        %mul3A_1261 = arith.muli %add3A_1172, %mul3A_1260 : i32
        %add3A_1262 = arith.constant 48 : i32
        %add3A_1263 = arith.addi %mul3A_1261, %add3A_1262 : i32
        %swap3A_1264 = arith.index_cast %add3A_1263 : i32 to index
        %swap3A_1265 = tpu.vector_load %arg15[%swap3A_1264] {strides = array<i32>} : memref<32768xf32, #tpu.memory_space<vmem>>, vector<16xf32>,
        %swap3A_1266 = vector.shape_cast %swap3A_1265 : vector<16xf32> to vector<16xf32>
        %swap3A_1267 = vector.shape_cast %mul3A_1259 : vector<16xf32> to vector<16xf32>
        tpu.vector_store %arg15[%swap3A_1264], %swap3A_1267 {strides = array<i32>} : memref<32768xf32, #tpu.memory_space<vmem>>, vector<16xf32>,
        %mul3A_1268 = arith.constant 16 : i32
        %mul3A_1269 = arith.muli %scan3A_664, %mul3A_1268 : i32
        %add3A_1270 = arith.constant 6 : i32
        %add3A_1271 = arith.addi %mul3A_1269, %add3A_1270 : i32
        %get3A_1272 = arith.index_cast %add3A_1271 : i32 to index
        %get3A_1273 = arith.constant 0 : index
        %get3A_1274 = tpu.vector_load %arg11[%get3A_1272, %get3A_1273] {strides = array<i32>} : memref<512x16xi32, #tpu.memory_space<vmem>>, vector<1x16xi32>,
        %get3A_1275 = vector.shape_cast %get3A_1274 : vector<1x16xi32> to vector<16xi32>
        %xor3A_1276 = arith.constant -2004318072 : i32
        %xor3A_1277 = vector.broadcast %xor3A_1276 : i32 to vector<16xi32>
        %xor3A_1278 = arith.xori %get3A_1275, %xor3A_1277 : vector<16xi32>
        %get3A_1279 = arith.index_cast %add3A_1271 : i32 to index
        %get3A_1280 = arith.constant 0 : index
        %get3A_1281 = tpu.vector_load %arg13[%get3A_1279, %get3A_1280] {strides = array<i32>} : memref<512x16xf32, #tpu.memory_space<vmem>>, vector<1x16xf32>,
        %get3A_1282 = vector.shape_cast %get3A_1281 : vector<1x16xf32> to vector<16xf32>
        %slice3A_1283 = vector.extract_strided_slice %and3A_674 {offsets = [6], sizes = [1], strides = [1]} : vector<16xi32> to vector<1xi32>
        %squeeze3A_1284 = vector.extract %slice3A_1283[0] : i32 from vector<1xi32>
        %broadcast_in_dim3A_1285 = vector.broadcast %squeeze3A_1284 : i32 to vector<16xi32>
        %broadcast_in_dim3A_1286 = vector.shape_cast %broadcast_in_dim3A_1285 : vector<16xi32> to vector<16x1xi32>
        %gather3A_1287 = vector.shape_cast %broadcast_in_dim3A_1286 : vector<16x1xi32> to vector<16xi32>
        %gather3A_1288 = tpu.dynamic_gather %get3A_1282[%gather3A_1287] in [0] : vector<16xf32>, vector<16xi32> -> vector<16xf32>
        %slice3A_1289 = vector.extract_strided_slice %shift_left3A_680 {offsets = [6], sizes = [1], strides = [1]} : vector<16xi32> to vector<1xi32>
        %squeeze3A_1290 = vector.extract %slice3A_1289[0] : i32 from vector<1xi32>
        %add3A_1291 = vector.broadcast %squeeze3A_1290 : i32 to vector<16xi32>
        %add3A_1292 = arith.addi %add3A_23, %add3A_1291 : vector<16xi32>
        %broadcast_in_dim3A_1293 = vector.shape_cast %add3A_1292 : vector<16xi32> to vector<16x1xi32>
        %gather3A_1294 = vector.shape_cast %broadcast_in_dim3A_1293 : vector<16x1xi32> to vector<16xi32>
        %gather3A_1295 = tpu.dynamic_gather %xor3A_1278[%gather3A_1294] in [0] : vector<16xi32>, vector<16xi32> -> vector<16xi32>
        %shift_left3A_1296 = arith.shli %gather3A_1295, %sub3A_17 : vector<16xi32>
        %shift_right_arithmetic3A_1297 = arith.constant 28 : i32
        %shift_right_arithmetic3A_1298 = vector.broadcast %shift_right_arithmetic3A_1297 : i32 to vector<16xi32>
        %shift_right_arithmetic3A_1299 = arith.shrsi %shift_left3A_1296, %shift_right_arithmetic3A_1298 : vector<16xi32>
        %convert_element_type3A_1300 = arith.sitofp %shift_right_arithmetic3A_1299 : vector<16xi32> to vector<16xf32>
        %mul3A_1301 = arith.mulf %convert_element_type3A_1300, %gather3A_1288 : vector<16xf32>
        %mul3A_1302 = arith.constant 64 : i32
        %mul3A_1303 = arith.muli %add3A_1271, %mul3A_1302 : i32
        %add3A_1304 = arith.constant 0 : i32
        %add3A_1305 = arith.addi %mul3A_1303, %add3A_1304 : i32
        %swap3A_1306 = arith.index_cast %add3A_1305 : i32 to index
        %swap3A_1307 = tpu.vector_load %arg15[%swap3A_1306] {strides = array<i32>} : memref<32768xf32, #tpu.memory_space<vmem>>, vector<16xf32>,
        %swap3A_1308 = vector.shape_cast %swap3A_1307 : vector<16xf32> to vector<16xf32>
        %swap3A_1309 = vector.shape_cast %mul3A_1301 : vector<16xf32> to vector<16xf32>
        tpu.vector_store %arg15[%swap3A_1306], %swap3A_1309 {strides = array<i32>} : memref<32768xf32, #tpu.memory_space<vmem>>, vector<16xf32>,
        %add3A_1310 = vector.broadcast %squeeze3A_1290 : i32 to vector<16xi32>
        %add3A_1311 = arith.addi %add3A_26, %add3A_1310 : vector<16xi32>
        %broadcast_in_dim3A_1312 = vector.shape_cast %add3A_1311 : vector<16xi32> to vector<16x1xi32>
        %gather3A_1313 = vector.shape_cast %broadcast_in_dim3A_1312 : vector<16x1xi32> to vector<16xi32>
        %gather3A_1314 = tpu.dynamic_gather %xor3A_1278[%gather3A_1313] in [0] : vector<16xi32>, vector<16xi32> -> vector<16xi32>
        %shift_left3A_1315 = arith.shli %gather3A_1314, %sub3A_17 : vector<16xi32>
        %shift_right_arithmetic3A_1316 = arith.constant 28 : i32
        %shift_right_arithmetic3A_1317 = vector.broadcast %shift_right_arithmetic3A_1316 : i32 to vector<16xi32>
        %shift_right_arithmetic3A_1318 = arith.shrsi %shift_left3A_1315, %shift_right_arithmetic3A_1317 : vector<16xi32>
        %convert_element_type3A_1319 = arith.sitofp %shift_right_arithmetic3A_1318 : vector<16xi32> to vector<16xf32>
        %mul3A_1320 = arith.mulf %convert_element_type3A_1319, %gather3A_1288 : vector<16xf32>
        %mul3A_1321 = arith.constant 64 : i32
        %mul3A_1322 = arith.muli %add3A_1271, %mul3A_1321 : i32
        %add3A_1323 = arith.constant 16 : i32
        %add3A_1324 = arith.addi %mul3A_1322, %add3A_1323 : i32
        %swap3A_1325 = arith.index_cast %add3A_1324 : i32 to index
        %swap3A_1326 = tpu.vector_load %arg15[%swap3A_1325] {strides = array<i32>} : memref<32768xf32, #tpu.memory_space<vmem>>, vector<16xf32>,
        %swap3A_1327 = vector.shape_cast %swap3A_1326 : vector<16xf32> to vector<16xf32>
        %swap3A_1328 = vector.shape_cast %mul3A_1320 : vector<16xf32> to vector<16xf32>
        tpu.vector_store %arg15[%swap3A_1325], %swap3A_1328 {strides = array<i32>} : memref<32768xf32, #tpu.memory_space<vmem>>, vector<16xf32>,
        %add3A_1329 = vector.broadcast %squeeze3A_1290 : i32 to vector<16xi32>
        %add3A_1330 = arith.addi %add3A_29, %add3A_1329 : vector<16xi32>
        %broadcast_in_dim3A_1331 = vector.shape_cast %add3A_1330 : vector<16xi32> to vector<16x1xi32>
        %gather3A_1332 = vector.shape_cast %broadcast_in_dim3A_1331 : vector<16x1xi32> to vector<16xi32>
        %gather3A_1333 = tpu.dynamic_gather %xor3A_1278[%gather3A_1332] in [0] : vector<16xi32>, vector<16xi32> -> vector<16xi32>
        %shift_left3A_1334 = arith.shli %gather3A_1333, %sub3A_17 : vector<16xi32>
        %shift_right_arithmetic3A_1335 = arith.constant 28 : i32
        %shift_right_arithmetic3A_1336 = vector.broadcast %shift_right_arithmetic3A_1335 : i32 to vector<16xi32>
        %shift_right_arithmetic3A_1337 = arith.shrsi %shift_left3A_1334, %shift_right_arithmetic3A_1336 : vector<16xi32>
        %convert_element_type3A_1338 = arith.sitofp %shift_right_arithmetic3A_1337 : vector<16xi32> to vector<16xf32>
        %mul3A_1339 = arith.mulf %convert_element_type3A_1338, %gather3A_1288 : vector<16xf32>
        %mul3A_1340 = arith.constant 64 : i32
        %mul3A_1341 = arith.muli %add3A_1271, %mul3A_1340 : i32
        %add3A_1342 = arith.constant 32 : i32
        %add3A_1343 = arith.addi %mul3A_1341, %add3A_1342 : i32
        %swap3A_1344 = arith.index_cast %add3A_1343 : i32 to index
        %swap3A_1345 = tpu.vector_load %arg15[%swap3A_1344] {strides = array<i32>} : memref<32768xf32, #tpu.memory_space<vmem>>, vector<16xf32>,
        %swap3A_1346 = vector.shape_cast %swap3A_1345 : vector<16xf32> to vector<16xf32>
        %swap3A_1347 = vector.shape_cast %mul3A_1339 : vector<16xf32> to vector<16xf32>
        tpu.vector_store %arg15[%swap3A_1344], %swap3A_1347 {strides = array<i32>} : memref<32768xf32, #tpu.memory_space<vmem>>, vector<16xf32>,
        %add3A_1348 = vector.broadcast %squeeze3A_1290 : i32 to vector<16xi32>
        %add3A_1349 = arith.addi %add3A_32, %add3A_1348 : vector<16xi32>
        %broadcast_in_dim3A_1350 = vector.shape_cast %add3A_1349 : vector<16xi32> to vector<16x1xi32>
        %gather3A_1351 = vector.shape_cast %broadcast_in_dim3A_1350 : vector<16x1xi32> to vector<16xi32>
        %gather3A_1352 = tpu.dynamic_gather %xor3A_1278[%gather3A_1351] in [0] : vector<16xi32>, vector<16xi32> -> vector<16xi32>
        %shift_left3A_1353 = arith.shli %gather3A_1352, %sub3A_17 : vector<16xi32>
        %shift_right_arithmetic3A_1354 = arith.constant 28 : i32
        %shift_right_arithmetic3A_1355 = vector.broadcast %shift_right_arithmetic3A_1354 : i32 to vector<16xi32>
        %shift_right_arithmetic3A_1356 = arith.shrsi %shift_left3A_1353, %shift_right_arithmetic3A_1355 : vector<16xi32>
        %convert_element_type3A_1357 = arith.sitofp %shift_right_arithmetic3A_1356 : vector<16xi32> to vector<16xf32>
        %mul3A_1358 = arith.mulf %convert_element_type3A_1357, %gather3A_1288 : vector<16xf32>
        %mul3A_1359 = arith.constant 64 : i32
        %mul3A_1360 = arith.muli %add3A_1271, %mul3A_1359 : i32
        %add3A_1361 = arith.constant 48 : i32
        %add3A_1362 = arith.addi %mul3A_1360, %add3A_1361 : i32
        %swap3A_1363 = arith.index_cast %add3A_1362 : i32 to index
        %swap3A_1364 = tpu.vector_load %arg15[%swap3A_1363] {strides = array<i32>} : memref<32768xf32, #tpu.memory_space<vmem>>, vector<16xf32>,
        %swap3A_1365 = vector.shape_cast %swap3A_1364 : vector<16xf32> to vector<16xf32>
        %swap3A_1366 = vector.shape_cast %mul3A_1358 : vector<16xf32> to vector<16xf32>
        tpu.vector_store %arg15[%swap3A_1363], %swap3A_1366 {strides = array<i32>} : memref<32768xf32, #tpu.memory_space<vmem>>, vector<16xf32>,
        %mul3A_1367 = arith.constant 16 : i32
        %mul3A_1368 = arith.muli %scan3A_664, %mul3A_1367 : i32
        %add3A_1369 = arith.constant 7 : i32
        %add3A_1370 = arith.addi %mul3A_1368, %add3A_1369 : i32
        %get3A_1371 = arith.index_cast %add3A_1370 : i32 to index
        %get3A_1372 = arith.constant 0 : index
        %get3A_1373 = tpu.vector_load %arg11[%get3A_1371, %get3A_1372] {strides = array<i32>} : memref<512x16xi32, #tpu.memory_space<vmem>>, vector<1x16xi32>,
        %get3A_1374 = vector.shape_cast %get3A_1373 : vector<1x16xi32> to vector<16xi32>
        %xor3A_1375 = arith.constant -2004318072 : i32
        %xor3A_1376 = vector.broadcast %xor3A_1375 : i32 to vector<16xi32>
        %xor3A_1377 = arith.xori %get3A_1374, %xor3A_1376 : vector<16xi32>
        %get3A_1378 = arith.index_cast %add3A_1370 : i32 to index
        %get3A_1379 = arith.constant 0 : index
        %get3A_1380 = tpu.vector_load %arg13[%get3A_1378, %get3A_1379] {strides = array<i32>} : memref<512x16xf32, #tpu.memory_space<vmem>>, vector<1x16xf32>,
        %get3A_1381 = vector.shape_cast %get3A_1380 : vector<1x16xf32> to vector<16xf32>
        %slice3A_1382 = vector.extract_strided_slice %and3A_674 {offsets = [7], sizes = [1], strides = [1]} : vector<16xi32> to vector<1xi32>
        %squeeze3A_1383 = vector.extract %slice3A_1382[0] : i32 from vector<1xi32>
        %broadcast_in_dim3A_1384 = vector.broadcast %squeeze3A_1383 : i32 to vector<16xi32>
        %broadcast_in_dim3A_1385 = vector.shape_cast %broadcast_in_dim3A_1384 : vector<16xi32> to vector<16x1xi32>
        %gather3A_1386 = vector.shape_cast %broadcast_in_dim3A_1385 : vector<16x1xi32> to vector<16xi32>
        %gather3A_1387 = tpu.dynamic_gather %get3A_1381[%gather3A_1386] in [0] : vector<16xf32>, vector<16xi32> -> vector<16xf32>
        %slice3A_1388 = vector.extract_strided_slice %shift_left3A_680 {offsets = [7], sizes = [1], strides = [1]} : vector<16xi32> to vector<1xi32>
        %squeeze3A_1389 = vector.extract %slice3A_1388[0] : i32 from vector<1xi32>
        %add3A_1390 = vector.broadcast %squeeze3A_1389 : i32 to vector<16xi32>
        %add3A_1391 = arith.addi %add3A_23, %add3A_1390 : vector<16xi32>
        %broadcast_in_dim3A_1392 = vector.shape_cast %add3A_1391 : vector<16xi32> to vector<16x1xi32>
        %gather3A_1393 = vector.shape_cast %broadcast_in_dim3A_1392 : vector<16x1xi32> to vector<16xi32>
        %gather3A_1394 = tpu.dynamic_gather %xor3A_1377[%gather3A_1393] in [0] : vector<16xi32>, vector<16xi32> -> vector<16xi32>
        %shift_left3A_1395 = arith.shli %gather3A_1394, %sub3A_17 : vector<16xi32>
        %shift_right_arithmetic3A_1396 = arith.constant 28 : i32
        %shift_right_arithmetic3A_1397 = vector.broadcast %shift_right_arithmetic3A_1396 : i32 to vector<16xi32>
        %shift_right_arithmetic3A_1398 = arith.shrsi %shift_left3A_1395, %shift_right_arithmetic3A_1397 : vector<16xi32>
        %convert_element_type3A_1399 = arith.sitofp %shift_right_arithmetic3A_1398 : vector<16xi32> to vector<16xf32>
        %mul3A_1400 = arith.mulf %convert_element_type3A_1399, %gather3A_1387 : vector<16xf32>
        %mul3A_1401 = arith.constant 64 : i32
        %mul3A_1402 = arith.muli %add3A_1370, %mul3A_1401 : i32
        %add3A_1403 = arith.constant 0 : i32
        %add3A_1404 = arith.addi %mul3A_1402, %add3A_1403 : i32
        %swap3A_1405 = arith.index_cast %add3A_1404 : i32 to index
        %swap3A_1406 = tpu.vector_load %arg15[%swap3A_1405] {strides = array<i32>} : memref<32768xf32, #tpu.memory_space<vmem>>, vector<16xf32>,
        %swap3A_1407 = vector.shape_cast %swap3A_1406 : vector<16xf32> to vector<16xf32>
        %swap3A_1408 = vector.shape_cast %mul3A_1400 : vector<16xf32> to vector<16xf32>
        tpu.vector_store %arg15[%swap3A_1405], %swap3A_1408 {strides = array<i32>} : memref<32768xf32, #tpu.memory_space<vmem>>, vector<16xf32>,
        %add3A_1409 = vector.broadcast %squeeze3A_1389 : i32 to vector<16xi32>
        %add3A_1410 = arith.addi %add3A_26, %add3A_1409 : vector<16xi32>
        %broadcast_in_dim3A_1411 = vector.shape_cast %add3A_1410 : vector<16xi32> to vector<16x1xi32>
        %gather3A_1412 = vector.shape_cast %broadcast_in_dim3A_1411 : vector<16x1xi32> to vector<16xi32>
        %gather3A_1413 = tpu.dynamic_gather %xor3A_1377[%gather3A_1412] in [0] : vector<16xi32>, vector<16xi32> -> vector<16xi32>
        %shift_left3A_1414 = arith.shli %gather3A_1413, %sub3A_17 : vector<16xi32>
        %shift_right_arithmetic3A_1415 = arith.constant 28 : i32
        %shift_right_arithmetic3A_1416 = vector.broadcast %shift_right_arithmetic3A_1415 : i32 to vector<16xi32>
        %shift_right_arithmetic3A_1417 = arith.shrsi %shift_left3A_1414, %shift_right_arithmetic3A_1416 : vector<16xi32>
        %convert_element_type3A_1418 = arith.sitofp %shift_right_arithmetic3A_1417 : vector<16xi32> to vector<16xf32>
        %mul3A_1419 = arith.mulf %convert_element_type3A_1418, %gather3A_1387 : vector<16xf32>
        %mul3A_1420 = arith.constant 64 : i32
        %mul3A_1421 = arith.muli %add3A_1370, %mul3A_1420 : i32
        %add3A_1422 = arith.constant 16 : i32
        %add3A_1423 = arith.addi %mul3A_1421, %add3A_1422 : i32
        %swap3A_1424 = arith.index_cast %add3A_1423 : i32 to index
        %swap3A_1425 = tpu.vector_load %arg15[%swap3A_1424] {strides = array<i32>} : memref<32768xf32, #tpu.memory_space<vmem>>, vector<16xf32>,
        %swap3A_1426 = vector.shape_cast %swap3A_1425 : vector<16xf32> to vector<16xf32>
        %swap3A_1427 = vector.shape_cast %mul3A_1419 : vector<16xf32> to vector<16xf32>
        tpu.vector_store %arg15[%swap3A_1424], %swap3A_1427 {strides = array<i32>} : memref<32768xf32, #tpu.memory_space<vmem>>, vector<16xf32>,
        %add3A_1428 = vector.broadcast %squeeze3A_1389 : i32 to vector<16xi32>
        %add3A_1429 = arith.addi %add3A_29, %add3A_1428 : vector<16xi32>
        %broadcast_in_dim3A_1430 = vector.shape_cast %add3A_1429 : vector<16xi32> to vector<16x1xi32>
        %gather3A_1431 = vector.shape_cast %broadcast_in_dim3A_1430 : vector<16x1xi32> to vector<16xi32>
        %gather3A_1432 = tpu.dynamic_gather %xor3A_1377[%gather3A_1431] in [0] : vector<16xi32>, vector<16xi32> -> vector<16xi32>
        %shift_left3A_1433 = arith.shli %gather3A_1432, %sub3A_17 : vector<16xi32>
        %shift_right_arithmetic3A_1434 = arith.constant 28 : i32
        %shift_right_arithmetic3A_1435 = vector.broadcast %shift_right_arithmetic3A_1434 : i32 to vector<16xi32>
        %shift_right_arithmetic3A_1436 = arith.shrsi %shift_left3A_1433, %shift_right_arithmetic3A_1435 : vector<16xi32>
        %convert_element_type3A_1437 = arith.sitofp %shift_right_arithmetic3A_1436 : vector<16xi32> to vector<16xf32>
        %mul3A_1438 = arith.mulf %convert_element_type3A_1437, %gather3A_1387 : vector<16xf32>
        %mul3A_1439 = arith.constant 64 : i32
        %mul3A_1440 = arith.muli %add3A_1370, %mul3A_1439 : i32
        %add3A_1441 = arith.constant 32 : i32
        %add3A_1442 = arith.addi %mul3A_1440, %add3A_1441 : i32
        %swap3A_1443 = arith.index_cast %add3A_1442 : i32 to index
        %swap3A_1444 = tpu.vector_load %arg15[%swap3A_1443] {strides = array<i32>} : memref<32768xf32, #tpu.memory_space<vmem>>, vector<16xf32>,
        %swap3A_1445 = vector.shape_cast %swap3A_1444 : vector<16xf32> to vector<16xf32>
        %swap3A_1446 = vector.shape_cast %mul3A_1438 : vector<16xf32> to vector<16xf32>
        tpu.vector_store %arg15[%swap3A_1443], %swap3A_1446 {strides = array<i32>} : memref<32768xf32, #tpu.memory_space<vmem>>, vector<16xf32>,
        %add3A_1447 = vector.broadcast %squeeze3A_1389 : i32 to vector<16xi32>
        %add3A_1448 = arith.addi %add3A_32, %add3A_1447 : vector<16xi32>
        %broadcast_in_dim3A_1449 = vector.shape_cast %add3A_1448 : vector<16xi32> to vector<16x1xi32>
        %gather3A_1450 = vector.shape_cast %broadcast_in_dim3A_1449 : vector<16x1xi32> to vector<16xi32>
        %gather3A_1451 = tpu.dynamic_gather %xor3A_1377[%gather3A_1450] in [0] : vector<16xi32>, vector<16xi32> -> vector<16xi32>
        %shift_left3A_1452 = arith.shli %gather3A_1451, %sub3A_17 : vector<16xi32>
        %shift_right_arithmetic3A_1453 = arith.constant 28 : i32
        %shift_right_arithmetic3A_1454 = vector.broadcast %shift_right_arithmetic3A_1453 : i32 to vector<16xi32>
        %shift_right_arithmetic3A_1455 = arith.shrsi %shift_left3A_1452, %shift_right_arithmetic3A_1454 : vector<16xi32>
        %convert_element_type3A_1456 = arith.sitofp %shift_right_arithmetic3A_1455 : vector<16xi32> to vector<16xf32>
        %mul3A_1457 = arith.mulf %convert_element_type3A_1456, %gather3A_1387 : vector<16xf32>
        %mul3A_1458 = arith.constant 64 : i32
        %mul3A_1459 = arith.muli %add3A_1370, %mul3A_1458 : i32
        %add3A_1460 = arith.constant 48 : i32
        %add3A_1461 = arith.addi %mul3A_1459, %add3A_1460 : i32
        %swap3A_1462 = arith.index_cast %add3A_1461 : i32 to index
        %swap3A_1463 = tpu.vector_load %arg15[%swap3A_1462] {strides = array<i32>} : memref<32768xf32, #tpu.memory_space<vmem>>, vector<16xf32>,
        %swap3A_1464 = vector.shape_cast %swap3A_1463 : vector<16xf32> to vector<16xf32>
        %swap3A_1465 = vector.shape_cast %mul3A_1457 : vector<16xf32> to vector<16xf32>
        tpu.vector_store %arg15[%swap3A_1462], %swap3A_1465 {strides = array<i32>} : memref<32768xf32, #tpu.memory_space<vmem>>, vector<16xf32>,
        %mul3A_1466 = arith.constant 16 : i32
        %mul3A_1467 = arith.muli %scan3A_664, %mul3A_1466 : i32
        %add3A_1468 = arith.constant 8 : i32
        %add3A_1469 = arith.addi %mul3A_1467, %add3A_1468 : i32
        %get3A_1470 = arith.index_cast %add3A_1469 : i32 to index
        %get3A_1471 = arith.constant 0 : index
        %get3A_1472 = tpu.vector_load %arg11[%get3A_1470, %get3A_1471] {strides = array<i32>} : memref<512x16xi32, #tpu.memory_space<vmem>>, vector<1x16xi32>,
        %get3A_1473 = vector.shape_cast %get3A_1472 : vector<1x16xi32> to vector<16xi32>
        %xor3A_1474 = arith.constant -2004318072 : i32
        %xor3A_1475 = vector.broadcast %xor3A_1474 : i32 to vector<16xi32>
        %xor3A_1476 = arith.xori %get3A_1473, %xor3A_1475 : vector<16xi32>
        %get3A_1477 = arith.index_cast %add3A_1469 : i32 to index
        %get3A_1478 = arith.constant 0 : index
        %get3A_1479 = tpu.vector_load %arg13[%get3A_1477, %get3A_1478] {strides = array<i32>} : memref<512x16xf32, #tpu.memory_space<vmem>>, vector<1x16xf32>,
        %get3A_1480 = vector.shape_cast %get3A_1479 : vector<1x16xf32> to vector<16xf32>
        %slice3A_1481 = vector.extract_strided_slice %and3A_674 {offsets = [8], sizes = [1], strides = [1]} : vector<16xi32> to vector<1xi32>
        %squeeze3A_1482 = vector.extract %slice3A_1481[0] : i32 from vector<1xi32>
        %broadcast_in_dim3A_1483 = vector.broadcast %squeeze3A_1482 : i32 to vector<16xi32>
        %broadcast_in_dim3A_1484 = vector.shape_cast %broadcast_in_dim3A_1483 : vector<16xi32> to vector<16x1xi32>
        %gather3A_1485 = vector.shape_cast %broadcast_in_dim3A_1484 : vector<16x1xi32> to vector<16xi32>
        %gather3A_1486 = tpu.dynamic_gather %get3A_1480[%gather3A_1485] in [0] : vector<16xf32>, vector<16xi32> -> vector<16xf32>
        %slice3A_1487 = vector.extract_strided_slice %shift_left3A_680 {offsets = [8], sizes = [1], strides = [1]} : vector<16xi32> to vector<1xi32>
        %squeeze3A_1488 = vector.extract %slice3A_1487[0] : i32 from vector<1xi32>
        %add3A_1489 = vector.broadcast %squeeze3A_1488 : i32 to vector<16xi32>
        %add3A_1490 = arith.addi %add3A_23, %add3A_1489 : vector<16xi32>
        %broadcast_in_dim3A_1491 = vector.shape_cast %add3A_1490 : vector<16xi32> to vector<16x1xi32>
        %gather3A_1492 = vector.shape_cast %broadcast_in_dim3A_1491 : vector<16x1xi32> to vector<16xi32>
        %gather3A_1493 = tpu.dynamic_gather %xor3A_1476[%gather3A_1492] in [0] : vector<16xi32>, vector<16xi32> -> vector<16xi32>
        %shift_left3A_1494 = arith.shli %gather3A_1493, %sub3A_17 : vector<16xi32>
        %shift_right_arithmetic3A_1495 = arith.constant 28 : i32
        %shift_right_arithmetic3A_1496 = vector.broadcast %shift_right_arithmetic3A_1495 : i32 to vector<16xi32>
        %shift_right_arithmetic3A_1497 = arith.shrsi %shift_left3A_1494, %shift_right_arithmetic3A_1496 : vector<16xi32>
        %convert_element_type3A_1498 = arith.sitofp %shift_right_arithmetic3A_1497 : vector<16xi32> to vector<16xf32>
        %mul3A_1499 = arith.mulf %convert_element_type3A_1498, %gather3A_1486 : vector<16xf32>
        %mul3A_1500 = arith.constant 64 : i32
        %mul3A_1501 = arith.muli %add3A_1469, %mul3A_1500 : i32
        %add3A_1502 = arith.constant 0 : i32
        %add3A_1503 = arith.addi %mul3A_1501, %add3A_1502 : i32
        %swap3A_1504 = arith.index_cast %add3A_1503 : i32 to index
        %swap3A_1505 = tpu.vector_load %arg15[%swap3A_1504] {strides = array<i32>} : memref<32768xf32, #tpu.memory_space<vmem>>, vector<16xf32>,
        %swap3A_1506 = vector.shape_cast %swap3A_1505 : vector<16xf32> to vector<16xf32>
        %swap3A_1507 = vector.shape_cast %mul3A_1499 : vector<16xf32> to vector<16xf32>
        tpu.vector_store %arg15[%swap3A_1504], %swap3A_1507 {strides = array<i32>} : memref<32768xf32, #tpu.memory_space<vmem>>, vector<16xf32>,
        %add3A_1508 = vector.broadcast %squeeze3A_1488 : i32 to vector<16xi32>
        %add3A_1509 = arith.addi %add3A_26, %add3A_1508 : vector<16xi32>
        %broadcast_in_dim3A_1510 = vector.shape_cast %add3A_1509 : vector<16xi32> to vector<16x1xi32>
        %gather3A_1511 = vector.shape_cast %broadcast_in_dim3A_1510 : vector<16x1xi32> to vector<16xi32>
        %gather3A_1512 = tpu.dynamic_gather %xor3A_1476[%gather3A_1511] in [0] : vector<16xi32>, vector<16xi32> -> vector<16xi32>
        %shift_left3A_1513 = arith.shli %gather3A_1512, %sub3A_17 : vector<16xi32>
        %shift_right_arithmetic3A_1514 = arith.constant 28 : i32
        %shift_right_arithmetic3A_1515 = vector.broadcast %shift_right_arithmetic3A_1514 : i32 to vector<16xi32>
        %shift_right_arithmetic3A_1516 = arith.shrsi %shift_left3A_1513, %shift_right_arithmetic3A_1515 : vector<16xi32>
        %convert_element_type3A_1517 = arith.sitofp %shift_right_arithmetic3A_1516 : vector<16xi32> to vector<16xf32>
        %mul3A_1518 = arith.mulf %convert_element_type3A_1517, %gather3A_1486 : vector<16xf32>
        %mul3A_1519 = arith.constant 64 : i32
        %mul3A_1520 = arith.muli %add3A_1469, %mul3A_1519 : i32
        %add3A_1521 = arith.constant 16 : i32
        %add3A_1522 = arith.addi %mul3A_1520, %add3A_1521 : i32
        %swap3A_1523 = arith.index_cast %add3A_1522 : i32 to index
        %swap3A_1524 = tpu.vector_load %arg15[%swap3A_1523] {strides = array<i32>} : memref<32768xf32, #tpu.memory_space<vmem>>, vector<16xf32>,
        %swap3A_1525 = vector.shape_cast %swap3A_1524 : vector<16xf32> to vector<16xf32>
        %swap3A_1526 = vector.shape_cast %mul3A_1518 : vector<16xf32> to vector<16xf32>
        tpu.vector_store %arg15[%swap3A_1523], %swap3A_1526 {strides = array<i32>} : memref<32768xf32, #tpu.memory_space<vmem>>, vector<16xf32>,
        %add3A_1527 = vector.broadcast %squeeze3A_1488 : i32 to vector<16xi32>
        %add3A_1528 = arith.addi %add3A_29, %add3A_1527 : vector<16xi32>
        %broadcast_in_dim3A_1529 = vector.shape_cast %add3A_1528 : vector<16xi32> to vector<16x1xi32>
        %gather3A_1530 = vector.shape_cast %broadcast_in_dim3A_1529 : vector<16x1xi32> to vector<16xi32>
        %gather3A_1531 = tpu.dynamic_gather %xor3A_1476[%gather3A_1530] in [0] : vector<16xi32>, vector<16xi32> -> vector<16xi32>
        %shift_left3A_1532 = arith.shli %gather3A_1531, %sub3A_17 : vector<16xi32>
        %shift_right_arithmetic3A_1533 = arith.constant 28 : i32
        %shift_right_arithmetic3A_1534 = vector.broadcast %shift_right_arithmetic3A_1533 : i32 to vector<16xi32>
        %shift_right_arithmetic3A_1535 = arith.shrsi %shift_left3A_1532, %shift_right_arithmetic3A_1534 : vector<16xi32>
        %convert_element_type3A_1536 = arith.sitofp %shift_right_arithmetic3A_1535 : vector<16xi32> to vector<16xf32>
        %mul3A_1537 = arith.mulf %convert_element_type3A_1536, %gather3A_1486 : vector<16xf32>
        %mul3A_1538 = arith.constant 64 : i32
        %mul3A_1539 = arith.muli %add3A_1469, %mul3A_1538 : i32
        %add3A_1540 = arith.constant 32 : i32
        %add3A_1541 = arith.addi %mul3A_1539, %add3A_1540 : i32
        %swap3A_1542 = arith.index_cast %add3A_1541 : i32 to index
        %swap3A_1543 = tpu.vector_load %arg15[%swap3A_1542] {strides = array<i32>} : memref<32768xf32, #tpu.memory_space<vmem>>, vector<16xf32>,
        %swap3A_1544 = vector.shape_cast %swap3A_1543 : vector<16xf32> to vector<16xf32>
        %swap3A_1545 = vector.shape_cast %mul3A_1537 : vector<16xf32> to vector<16xf32>
        tpu.vector_store %arg15[%swap3A_1542], %swap3A_1545 {strides = array<i32>} : memref<32768xf32, #tpu.memory_space<vmem>>, vector<16xf32>,
        %add3A_1546 = vector.broadcast %squeeze3A_1488 : i32 to vector<16xi32>
        %add3A_1547 = arith.addi %add3A_32, %add3A_1546 : vector<16xi32>
        %broadcast_in_dim3A_1548 = vector.shape_cast %add3A_1547 : vector<16xi32> to vector<16x1xi32>
        %gather3A_1549 = vector.shape_cast %broadcast_in_dim3A_1548 : vector<16x1xi32> to vector<16xi32>
        %gather3A_1550 = tpu.dynamic_gather %xor3A_1476[%gather3A_1549] in [0] : vector<16xi32>, vector<16xi32> -> vector<16xi32>
        %shift_left3A_1551 = arith.shli %gather3A_1550, %sub3A_17 : vector<16xi32>
        %shift_right_arithmetic3A_1552 = arith.constant 28 : i32
        %shift_right_arithmetic3A_1553 = vector.broadcast %shift_right_arithmetic3A_1552 : i32 to vector<16xi32>
        %shift_right_arithmetic3A_1554 = arith.shrsi %shift_left3A_1551, %shift_right_arithmetic3A_1553 : vector<16xi32>
        %convert_element_type3A_1555 = arith.sitofp %shift_right_arithmetic3A_1554 : vector<16xi32> to vector<16xf32>
        %mul3A_1556 = arith.mulf %convert_element_type3A_1555, %gather3A_1486 : vector<16xf32>
        %mul3A_1557 = arith.constant 64 : i32
        %mul3A_1558 = arith.muli %add3A_1469, %mul3A_1557 : i32
        %add3A_1559 = arith.constant 48 : i32
        %add3A_1560 = arith.addi %mul3A_1558, %add3A_1559 : i32
        %swap3A_1561 = arith.index_cast %add3A_1560 : i32 to index
        %swap3A_1562 = tpu.vector_load %arg15[%swap3A_1561] {strides = array<i32>} : memref<32768xf32, #tpu.memory_space<vmem>>, vector<16xf32>,
        %swap3A_1563 = vector.shape_cast %swap3A_1562 : vector<16xf32> to vector<16xf32>
        %swap3A_1564 = vector.shape_cast %mul3A_1556 : vector<16xf32> to vector<16xf32>
        tpu.vector_store %arg15[%swap3A_1561], %swap3A_1564 {strides = array<i32>} : memref<32768xf32, #tpu.memory_space<vmem>>, vector<16xf32>,
        %mul3A_1565 = arith.constant 16 : i32
        %mul3A_1566 = arith.muli %scan3A_664, %mul3A_1565 : i32
        %add3A_1567 = arith.constant 9 : i32
        %add3A_1568 = arith.addi %mul3A_1566, %add3A_1567 : i32
        %get3A_1569 = arith.index_cast %add3A_1568 : i32 to index
        %get3A_1570 = arith.constant 0 : index
        %get3A_1571 = tpu.vector_load %arg11[%get3A_1569, %get3A_1570] {strides = array<i32>} : memref<512x16xi32, #tpu.memory_space<vmem>>, vector<1x16xi32>,
        %get3A_1572 = vector.shape_cast %get3A_1571 : vector<1x16xi32> to vector<16xi32>
        %xor3A_1573 = arith.constant -2004318072 : i32
        %xor3A_1574 = vector.broadcast %xor3A_1573 : i32 to vector<16xi32>
        %xor3A_1575 = arith.xori %get3A_1572, %xor3A_1574 : vector<16xi32>
        %get3A_1576 = arith.index_cast %add3A_1568 : i32 to index
        %get3A_1577 = arith.constant 0 : index
        %get3A_1578 = tpu.vector_load %arg13[%get3A_1576, %get3A_1577] {strides = array<i32>} : memref<512x16xf32, #tpu.memory_space<vmem>>, vector<1x16xf32>,
        %get3A_1579 = vector.shape_cast %get3A_1578 : vector<1x16xf32> to vector<16xf32>
        %slice3A_1580 = vector.extract_strided_slice %and3A_674 {offsets = [9], sizes = [1], strides = [1]} : vector<16xi32> to vector<1xi32>
        %squeeze3A_1581 = vector.extract %slice3A_1580[0] : i32 from vector<1xi32>
        %broadcast_in_dim3A_1582 = vector.broadcast %squeeze3A_1581 : i32 to vector<16xi32>
        %broadcast_in_dim3A_1583 = vector.shape_cast %broadcast_in_dim3A_1582 : vector<16xi32> to vector<16x1xi32>
        %gather3A_1584 = vector.shape_cast %broadcast_in_dim3A_1583 : vector<16x1xi32> to vector<16xi32>
        %gather3A_1585 = tpu.dynamic_gather %get3A_1579[%gather3A_1584] in [0] : vector<16xf32>, vector<16xi32> -> vector<16xf32>
        %slice3A_1586 = vector.extract_strided_slice %shift_left3A_680 {offsets = [9], sizes = [1], strides = [1]} : vector<16xi32> to vector<1xi32>
        %squeeze3A_1587 = vector.extract %slice3A_1586[0] : i32 from vector<1xi32>
        %add3A_1588 = vector.broadcast %squeeze3A_1587 : i32 to vector<16xi32>
        %add3A_1589 = arith.addi %add3A_23, %add3A_1588 : vector<16xi32>
        %broadcast_in_dim3A_1590 = vector.shape_cast %add3A_1589 : vector<16xi32> to vector<16x1xi32>
        %gather3A_1591 = vector.shape_cast %broadcast_in_dim3A_1590 : vector<16x1xi32> to vector<16xi32>
        %gather3A_1592 = tpu.dynamic_gather %xor3A_1575[%gather3A_1591] in [0] : vector<16xi32>, vector<16xi32> -> vector<16xi32>
        %shift_left3A_1593 = arith.shli %gather3A_1592, %sub3A_17 : vector<16xi32>
        %shift_right_arithmetic3A_1594 = arith.constant 28 : i32
        %shift_right_arithmetic3A_1595 = vector.broadcast %shift_right_arithmetic3A_1594 : i32 to vector<16xi32>
        %shift_right_arithmetic3A_1596 = arith.shrsi %shift_left3A_1593, %shift_right_arithmetic3A_1595 : vector<16xi32>
        %convert_element_type3A_1597 = arith.sitofp %shift_right_arithmetic3A_1596 : vector<16xi32> to vector<16xf32>
        %mul3A_1598 = arith.mulf %convert_element_type3A_1597, %gather3A_1585 : vector<16xf32>
        %mul3A_1599 = arith.constant 64 : i32
        %mul3A_1600 = arith.muli %add3A_1568, %mul3A_1599 : i32
        %add3A_1601 = arith.constant 0 : i32
        %add3A_1602 = arith.addi %mul3A_1600, %add3A_1601 : i32
        %swap3A_1603 = arith.index_cast %add3A_1602 : i32 to index
        %swap3A_1604 = tpu.vector_load %arg15[%swap3A_1603] {strides = array<i32>} : memref<32768xf32, #tpu.memory_space<vmem>>, vector<16xf32>,
        %swap3A_1605 = vector.shape_cast %swap3A_1604 : vector<16xf32> to vector<16xf32>
        %swap3A_1606 = vector.shape_cast %mul3A_1598 : vector<16xf32> to vector<16xf32>
        tpu.vector_store %arg15[%swap3A_1603], %swap3A_1606 {strides = array<i32>} : memref<32768xf32, #tpu.memory_space<vmem>>, vector<16xf32>,
        %add3A_1607 = vector.broadcast %squeeze3A_1587 : i32 to vector<16xi32>
        %add3A_1608 = arith.addi %add3A_26, %add3A_1607 : vector<16xi32>
        %broadcast_in_dim3A_1609 = vector.shape_cast %add3A_1608 : vector<16xi32> to vector<16x1xi32>
        %gather3A_1610 = vector.shape_cast %broadcast_in_dim3A_1609 : vector<16x1xi32> to vector<16xi32>
        %gather3A_1611 = tpu.dynamic_gather %xor3A_1575[%gather3A_1610] in [0] : vector<16xi32>, vector<16xi32> -> vector<16xi32>
        %shift_left3A_1612 = arith.shli %gather3A_1611, %sub3A_17 : vector<16xi32>
        %shift_right_arithmetic3A_1613 = arith.constant 28 : i32
        %shift_right_arithmetic3A_1614 = vector.broadcast %shift_right_arithmetic3A_1613 : i32 to vector<16xi32>
        %shift_right_arithmetic3A_1615 = arith.shrsi %shift_left3A_1612, %shift_right_arithmetic3A_1614 : vector<16xi32>
        %convert_element_type3A_1616 = arith.sitofp %shift_right_arithmetic3A_1615 : vector<16xi32> to vector<16xf32>
        %mul3A_1617 = arith.mulf %convert_element_type3A_1616, %gather3A_1585 : vector<16xf32>
        %mul3A_1618 = arith.constant 64 : i32
        %mul3A_1619 = arith.muli %add3A_1568, %mul3A_1618 : i32
        %add3A_1620 = arith.constant 16 : i32
        %add3A_1621 = arith.addi %mul3A_1619, %add3A_1620 : i32
        %swap3A_1622 = arith.index_cast %add3A_1621 : i32 to index
        %swap3A_1623 = tpu.vector_load %arg15[%swap3A_1622] {strides = array<i32>} : memref<32768xf32, #tpu.memory_space<vmem>>, vector<16xf32>,
        %swap3A_1624 = vector.shape_cast %swap3A_1623 : vector<16xf32> to vector<16xf32>
        %swap3A_1625 = vector.shape_cast %mul3A_1617 : vector<16xf32> to vector<16xf32>
        tpu.vector_store %arg15[%swap3A_1622], %swap3A_1625 {strides = array<i32>} : memref<32768xf32, #tpu.memory_space<vmem>>, vector<16xf32>,
        %add3A_1626 = vector.broadcast %squeeze3A_1587 : i32 to vector<16xi32>
        %add3A_1627 = arith.addi %add3A_29, %add3A_1626 : vector<16xi32>
        %broadcast_in_dim3A_1628 = vector.shape_cast %add3A_1627 : vector<16xi32> to vector<16x1xi32>
        %gather3A_1629 = vector.shape_cast %broadcast_in_dim3A_1628 : vector<16x1xi32> to vector<16xi32>
        %gather3A_1630 = tpu.dynamic_gather %xor3A_1575[%gather3A_1629] in [0] : vector<16xi32>, vector<16xi32> -> vector<16xi32>
        %shift_left3A_1631 = arith.shli %gather3A_1630, %sub3A_17 : vector<16xi32>
        %shift_right_arithmetic3A_1632 = arith.constant 28 : i32
        %shift_right_arithmetic3A_1633 = vector.broadcast %shift_right_arithmetic3A_1632 : i32 to vector<16xi32>
        %shift_right_arithmetic3A_1634 = arith.shrsi %shift_left3A_1631, %shift_right_arithmetic3A_1633 : vector<16xi32>
        %convert_element_type3A_1635 = arith.sitofp %shift_right_arithmetic3A_1634 : vector<16xi32> to vector<16xf32>
        %mul3A_1636 = arith.mulf %convert_element_type3A_1635, %gather3A_1585 : vector<16xf32>
        %mul3A_1637 = arith.constant 64 : i32
        %mul3A_1638 = arith.muli %add3A_1568, %mul3A_1637 : i32
        %add3A_1639 = arith.constant 32 : i32
        %add3A_1640 = arith.addi %mul3A_1638, %add3A_1639 : i32
        %swap3A_1641 = arith.index_cast %add3A_1640 : i32 to index
        %swap3A_1642 = tpu.vector_load %arg15[%swap3A_1641] {strides = array<i32>} : memref<32768xf32, #tpu.memory_space<vmem>>, vector<16xf32>,
        %swap3A_1643 = vector.shape_cast %swap3A_1642 : vector<16xf32> to vector<16xf32>
        %swap3A_1644 = vector.shape_cast %mul3A_1636 : vector<16xf32> to vector<16xf32>
        tpu.vector_store %arg15[%swap3A_1641], %swap3A_1644 {strides = array<i32>} : memref<32768xf32, #tpu.memory_space<vmem>>, vector<16xf32>,
        %add3A_1645 = vector.broadcast %squeeze3A_1587 : i32 to vector<16xi32>
        %add3A_1646 = arith.addi %add3A_32, %add3A_1645 : vector<16xi32>
        %broadcast_in_dim3A_1647 = vector.shape_cast %add3A_1646 : vector<16xi32> to vector<16x1xi32>
        %gather3A_1648 = vector.shape_cast %broadcast_in_dim3A_1647 : vector<16x1xi32> to vector<16xi32>
        %gather3A_1649 = tpu.dynamic_gather %xor3A_1575[%gather3A_1648] in [0] : vector<16xi32>, vector<16xi32> -> vector<16xi32>
        %shift_left3A_1650 = arith.shli %gather3A_1649, %sub3A_17 : vector<16xi32>
        %shift_right_arithmetic3A_1651 = arith.constant 28 : i32
        %shift_right_arithmetic3A_1652 = vector.broadcast %shift_right_arithmetic3A_1651 : i32 to vector<16xi32>
        %shift_right_arithmetic3A_1653 = arith.shrsi %shift_left3A_1650, %shift_right_arithmetic3A_1652 : vector<16xi32>
        %convert_element_type3A_1654 = arith.sitofp %shift_right_arithmetic3A_1653 : vector<16xi32> to vector<16xf32>
        %mul3A_1655 = arith.mulf %convert_element_type3A_1654, %gather3A_1585 : vector<16xf32>
        %mul3A_1656 = arith.constant 64 : i32
        %mul3A_1657 = arith.muli %add3A_1568, %mul3A_1656 : i32
        %add3A_1658 = arith.constant 48 : i32
        %add3A_1659 = arith.addi %mul3A_1657, %add3A_1658 : i32
        %swap3A_1660 = arith.index_cast %add3A_1659 : i32 to index
        %swap3A_1661 = tpu.vector_load %arg15[%swap3A_1660] {strides = array<i32>} : memref<32768xf32, #tpu.memory_space<vmem>>, vector<16xf32>,
        %swap3A_1662 = vector.shape_cast %swap3A_1661 : vector<16xf32> to vector<16xf32>
        %swap3A_1663 = vector.shape_cast %mul3A_1655 : vector<16xf32> to vector<16xf32>
        tpu.vector_store %arg15[%swap3A_1660], %swap3A_1663 {strides = array<i32>} : memref<32768xf32, #tpu.memory_space<vmem>>, vector<16xf32>,
        %mul3A_1664 = arith.constant 16 : i32
        %mul3A_1665 = arith.muli %scan3A_664, %mul3A_1664 : i32
        %add3A_1666 = arith.constant 10 : i32
        %add3A_1667 = arith.addi %mul3A_1665, %add3A_1666 : i32
        %get3A_1668 = arith.index_cast %add3A_1667 : i32 to index
        %get3A_1669 = arith.constant 0 : index
        %get3A_1670 = tpu.vector_load %arg11[%get3A_1668, %get3A_1669] {strides = array<i32>} : memref<512x16xi32, #tpu.memory_space<vmem>>, vector<1x16xi32>,
        %get3A_1671 = vector.shape_cast %get3A_1670 : vector<1x16xi32> to vector<16xi32>
        %xor3A_1672 = arith.constant -2004318072 : i32
        %xor3A_1673 = vector.broadcast %xor3A_1672 : i32 to vector<16xi32>
        %xor3A_1674 = arith.xori %get3A_1671, %xor3A_1673 : vector<16xi32>
        %get3A_1675 = arith.index_cast %add3A_1667 : i32 to index
        %get3A_1676 = arith.constant 0 : index
        %get3A_1677 = tpu.vector_load %arg13[%get3A_1675, %get3A_1676] {strides = array<i32>} : memref<512x16xf32, #tpu.memory_space<vmem>>, vector<1x16xf32>,
        %get3A_1678 = vector.shape_cast %get3A_1677 : vector<1x16xf32> to vector<16xf32>
        %slice3A_1679 = vector.extract_strided_slice %and3A_674 {offsets = [10], sizes = [1], strides = [1]} : vector<16xi32> to vector<1xi32>
        %squeeze3A_1680 = vector.extract %slice3A_1679[0] : i32 from vector<1xi32>
        %broadcast_in_dim3A_1681 = vector.broadcast %squeeze3A_1680 : i32 to vector<16xi32>
        %broadcast_in_dim3A_1682 = vector.shape_cast %broadcast_in_dim3A_1681 : vector<16xi32> to vector<16x1xi32>
        %gather3A_1683 = vector.shape_cast %broadcast_in_dim3A_1682 : vector<16x1xi32> to vector<16xi32>
        %gather3A_1684 = tpu.dynamic_gather %get3A_1678[%gather3A_1683] in [0] : vector<16xf32>, vector<16xi32> -> vector<16xf32>
        %slice3A_1685 = vector.extract_strided_slice %shift_left3A_680 {offsets = [10], sizes = [1], strides = [1]} : vector<16xi32> to vector<1xi32>
        %squeeze3A_1686 = vector.extract %slice3A_1685[0] : i32 from vector<1xi32>
        %add3A_1687 = vector.broadcast %squeeze3A_1686 : i32 to vector<16xi32>
        %add3A_1688 = arith.addi %add3A_23, %add3A_1687 : vector<16xi32>
        %broadcast_in_dim3A_1689 = vector.shape_cast %add3A_1688 : vector<16xi32> to vector<16x1xi32>
        %gather3A_1690 = vector.shape_cast %broadcast_in_dim3A_1689 : vector<16x1xi32> to vector<16xi32>
        %gather3A_1691 = tpu.dynamic_gather %xor3A_1674[%gather3A_1690] in [0] : vector<16xi32>, vector<16xi32> -> vector<16xi32>
        %shift_left3A_1692 = arith.shli %gather3A_1691, %sub3A_17 : vector<16xi32>
        %shift_right_arithmetic3A_1693 = arith.constant 28 : i32
        %shift_right_arithmetic3A_1694 = vector.broadcast %shift_right_arithmetic3A_1693 : i32 to vector<16xi32>
        %shift_right_arithmetic3A_1695 = arith.shrsi %shift_left3A_1692, %shift_right_arithmetic3A_1694 : vector<16xi32>
        %convert_element_type3A_1696 = arith.sitofp %shift_right_arithmetic3A_1695 : vector<16xi32> to vector<16xf32>
        %mul3A_1697 = arith.mulf %convert_element_type3A_1696, %gather3A_1684 : vector<16xf32>
        %mul3A_1698 = arith.constant 64 : i32
        %mul3A_1699 = arith.muli %add3A_1667, %mul3A_1698 : i32
        %add3A_1700 = arith.constant 0 : i32
        %add3A_1701 = arith.addi %mul3A_1699, %add3A_1700 : i32
        %swap3A_1702 = arith.index_cast %add3A_1701 : i32 to index
        %swap3A_1703 = tpu.vector_load %arg15[%swap3A_1702] {strides = array<i32>} : memref<32768xf32, #tpu.memory_space<vmem>>, vector<16xf32>,
        %swap3A_1704 = vector.shape_cast %swap3A_1703 : vector<16xf32> to vector<16xf32>
        %swap3A_1705 = vector.shape_cast %mul3A_1697 : vector<16xf32> to vector<16xf32>
        tpu.vector_store %arg15[%swap3A_1702], %swap3A_1705 {strides = array<i32>} : memref<32768xf32, #tpu.memory_space<vmem>>, vector<16xf32>,
        %add3A_1706 = vector.broadcast %squeeze3A_1686 : i32 to vector<16xi32>
        %add3A_1707 = arith.addi %add3A_26, %add3A_1706 : vector<16xi32>
        %broadcast_in_dim3A_1708 = vector.shape_cast %add3A_1707 : vector<16xi32> to vector<16x1xi32>
        %gather3A_1709 = vector.shape_cast %broadcast_in_dim3A_1708 : vector<16x1xi32> to vector<16xi32>
        %gather3A_1710 = tpu.dynamic_gather %xor3A_1674[%gather3A_1709] in [0] : vector<16xi32>, vector<16xi32> -> vector<16xi32>
        %shift_left3A_1711 = arith.shli %gather3A_1710, %sub3A_17 : vector<16xi32>
        %shift_right_arithmetic3A_1712 = arith.constant 28 : i32
        %shift_right_arithmetic3A_1713 = vector.broadcast %shift_right_arithmetic3A_1712 : i32 to vector<16xi32>
        %shift_right_arithmetic3A_1714 = arith.shrsi %shift_left3A_1711, %shift_right_arithmetic3A_1713 : vector<16xi32>
        %convert_element_type3A_1715 = arith.sitofp %shift_right_arithmetic3A_1714 : vector<16xi32> to vector<16xf32>
        %mul3A_1716 = arith.mulf %convert_element_type3A_1715, %gather3A_1684 : vector<16xf32>
        %mul3A_1717 = arith.constant 64 : i32
        %mul3A_1718 = arith.muli %add3A_1667, %mul3A_1717 : i32
        %add3A_1719 = arith.constant 16 : i32
        %add3A_1720 = arith.addi %mul3A_1718, %add3A_1719 : i32
        %swap3A_1721 = arith.index_cast %add3A_1720 : i32 to index
        %swap3A_1722 = tpu.vector_load %arg15[%swap3A_1721] {strides = array<i32>} : memref<32768xf32, #tpu.memory_space<vmem>>, vector<16xf32>,
        %swap3A_1723 = vector.shape_cast %swap3A_1722 : vector<16xf32> to vector<16xf32>
        %swap3A_1724 = vector.shape_cast %mul3A_1716 : vector<16xf32> to vector<16xf32>
        tpu.vector_store %arg15[%swap3A_1721], %swap3A_1724 {strides = array<i32>} : memref<32768xf32, #tpu.memory_space<vmem>>, vector<16xf32>,
        %add3A_1725 = vector.broadcast %squeeze3A_1686 : i32 to vector<16xi32>
        %add3A_1726 = arith.addi %add3A_29, %add3A_1725 : vector<16xi32>
        %broadcast_in_dim3A_1727 = vector.shape_cast %add3A_1726 : vector<16xi32> to vector<16x1xi32>
        %gather3A_1728 = vector.shape_cast %broadcast_in_dim3A_1727 : vector<16x1xi32> to vector<16xi32>
        %gather3A_1729 = tpu.dynamic_gather %xor3A_1674[%gather3A_1728] in [0] : vector<16xi32>, vector<16xi32> -> vector<16xi32>
        %shift_left3A_1730 = arith.shli %gather3A_1729, %sub3A_17 : vector<16xi32>
        %shift_right_arithmetic3A_1731 = arith.constant 28 : i32
        %shift_right_arithmetic3A_1732 = vector.broadcast %shift_right_arithmetic3A_1731 : i32 to vector<16xi32>
        %shift_right_arithmetic3A_1733 = arith.shrsi %shift_left3A_1730, %shift_right_arithmetic3A_1732 : vector<16xi32>
        %convert_element_type3A_1734 = arith.sitofp %shift_right_arithmetic3A_1733 : vector<16xi32> to vector<16xf32>
        %mul3A_1735 = arith.mulf %convert_element_type3A_1734, %gather3A_1684 : vector<16xf32>
        %mul3A_1736 = arith.constant 64 : i32
        %mul3A_1737 = arith.muli %add3A_1667, %mul3A_1736 : i32
        %add3A_1738 = arith.constant 32 : i32
        %add3A_1739 = arith.addi %mul3A_1737, %add3A_1738 : i32
        %swap3A_1740 = arith.index_cast %add3A_1739 : i32 to index
        %swap3A_1741 = tpu.vector_load %arg15[%swap3A_1740] {strides = array<i32>} : memref<32768xf32, #tpu.memory_space<vmem>>, vector<16xf32>,
        %swap3A_1742 = vector.shape_cast %swap3A_1741 : vector<16xf32> to vector<16xf32>
        %swap3A_1743 = vector.shape_cast %mul3A_1735 : vector<16xf32> to vector<16xf32>
        tpu.vector_store %arg15[%swap3A_1740], %swap3A_1743 {strides = array<i32>} : memref<32768xf32, #tpu.memory_space<vmem>>, vector<16xf32>,
        %add3A_1744 = vector.broadcast %squeeze3A_1686 : i32 to vector<16xi32>
        %add3A_1745 = arith.addi %add3A_32, %add3A_1744 : vector<16xi32>
        %broadcast_in_dim3A_1746 = vector.shape_cast %add3A_1745 : vector<16xi32> to vector<16x1xi32>
        %gather3A_1747 = vector.shape_cast %broadcast_in_dim3A_1746 : vector<16x1xi32> to vector<16xi32>
        %gather3A_1748 = tpu.dynamic_gather %xor3A_1674[%gather3A_1747] in [0] : vector<16xi32>, vector<16xi32> -> vector<16xi32>
        %shift_left3A_1749 = arith.shli %gather3A_1748, %sub3A_17 : vector<16xi32>
        %shift_right_arithmetic3A_1750 = arith.constant 28 : i32
        %shift_right_arithmetic3A_1751 = vector.broadcast %shift_right_arithmetic3A_1750 : i32 to vector<16xi32>
        %shift_right_arithmetic3A_1752 = arith.shrsi %shift_left3A_1749, %shift_right_arithmetic3A_1751 : vector<16xi32>
        %convert_element_type3A_1753 = arith.sitofp %shift_right_arithmetic3A_1752 : vector<16xi32> to vector<16xf32>
        %mul3A_1754 = arith.mulf %convert_element_type3A_1753, %gather3A_1684 : vector<16xf32>
        %mul3A_1755 = arith.constant 64 : i32
        %mul3A_1756 = arith.muli %add3A_1667, %mul3A_1755 : i32
        %add3A_1757 = arith.constant 48 : i32
        %add3A_1758 = arith.addi %mul3A_1756, %add3A_1757 : i32
        %swap3A_1759 = arith.index_cast %add3A_1758 : i32 to index
        %swap3A_1760 = tpu.vector_load %arg15[%swap3A_1759] {strides = array<i32>} : memref<32768xf32, #tpu.memory_space<vmem>>, vector<16xf32>,
        %swap3A_1761 = vector.shape_cast %swap3A_1760 : vector<16xf32> to vector<16xf32>
        %swap3A_1762 = vector.shape_cast %mul3A_1754 : vector<16xf32> to vector<16xf32>
        tpu.vector_store %arg15[%swap3A_1759], %swap3A_1762 {strides = array<i32>} : memref<32768xf32, #tpu.memory_space<vmem>>, vector<16xf32>,
        %mul3A_1763 = arith.constant 16 : i32
        %mul3A_1764 = arith.muli %scan3A_664, %mul3A_1763 : i32
        %add3A_1765 = arith.constant 11 : i32
        %add3A_1766 = arith.addi %mul3A_1764, %add3A_1765 : i32
        %get3A_1767 = arith.index_cast %add3A_1766 : i32 to index
        %get3A_1768 = arith.constant 0 : index
        %get3A_1769 = tpu.vector_load %arg11[%get3A_1767, %get3A_1768] {strides = array<i32>} : memref<512x16xi32, #tpu.memory_space<vmem>>, vector<1x16xi32>,
        %get3A_1770 = vector.shape_cast %get3A_1769 : vector<1x16xi32> to vector<16xi32>
        %xor3A_1771 = arith.constant -2004318072 : i32
        %xor3A_1772 = vector.broadcast %xor3A_1771 : i32 to vector<16xi32>
        %xor3A_1773 = arith.xori %get3A_1770, %xor3A_1772 : vector<16xi32>
        %get3A_1774 = arith.index_cast %add3A_1766 : i32 to index
        %get3A_1775 = arith.constant 0 : index
        %get3A_1776 = tpu.vector_load %arg13[%get3A_1774, %get3A_1775] {strides = array<i32>} : memref<512x16xf32, #tpu.memory_space<vmem>>, vector<1x16xf32>,
        %get3A_1777 = vector.shape_cast %get3A_1776 : vector<1x16xf32> to vector<16xf32>
        %slice3A_1778 = vector.extract_strided_slice %and3A_674 {offsets = [11], sizes = [1], strides = [1]} : vector<16xi32> to vector<1xi32>
        %squeeze3A_1779 = vector.extract %slice3A_1778[0] : i32 from vector<1xi32>
        %broadcast_in_dim3A_1780 = vector.broadcast %squeeze3A_1779 : i32 to vector<16xi32>
        %broadcast_in_dim3A_1781 = vector.shape_cast %broadcast_in_dim3A_1780 : vector<16xi32> to vector<16x1xi32>
        %gather3A_1782 = vector.shape_cast %broadcast_in_dim3A_1781 : vector<16x1xi32> to vector<16xi32>
        %gather3A_1783 = tpu.dynamic_gather %get3A_1777[%gather3A_1782] in [0] : vector<16xf32>, vector<16xi32> -> vector<16xf32>
        %slice3A_1784 = vector.extract_strided_slice %shift_left3A_680 {offsets = [11], sizes = [1], strides = [1]} : vector<16xi32> to vector<1xi32>
        %squeeze3A_1785 = vector.extract %slice3A_1784[0] : i32 from vector<1xi32>
        %add3A_1786 = vector.broadcast %squeeze3A_1785 : i32 to vector<16xi32>
        %add3A_1787 = arith.addi %add3A_23, %add3A_1786 : vector<16xi32>
        %broadcast_in_dim3A_1788 = vector.shape_cast %add3A_1787 : vector<16xi32> to vector<16x1xi32>
        %gather3A_1789 = vector.shape_cast %broadcast_in_dim3A_1788 : vector<16x1xi32> to vector<16xi32>
        %gather3A_1790 = tpu.dynamic_gather %xor3A_1773[%gather3A_1789] in [0] : vector<16xi32>, vector<16xi32> -> vector<16xi32>
        %shift_left3A_1791 = arith.shli %gather3A_1790, %sub3A_17 : vector<16xi32>
        %shift_right_arithmetic3A_1792 = arith.constant 28 : i32
        %shift_right_arithmetic3A_1793 = vector.broadcast %shift_right_arithmetic3A_1792 : i32 to vector<16xi32>
        %shift_right_arithmetic3A_1794 = arith.shrsi %shift_left3A_1791, %shift_right_arithmetic3A_1793 : vector<16xi32>
        %convert_element_type3A_1795 = arith.sitofp %shift_right_arithmetic3A_1794 : vector<16xi32> to vector<16xf32>
        %mul3A_1796 = arith.mulf %convert_element_type3A_1795, %gather3A_1783 : vector<16xf32>
        %mul3A_1797 = arith.constant 64 : i32
        %mul3A_1798 = arith.muli %add3A_1766, %mul3A_1797 : i32
        %add3A_1799 = arith.constant 0 : i32
        %add3A_1800 = arith.addi %mul3A_1798, %add3A_1799 : i32
        %swap3A_1801 = arith.index_cast %add3A_1800 : i32 to index
        %swap3A_1802 = tpu.vector_load %arg15[%swap3A_1801] {strides = array<i32>} : memref<32768xf32, #tpu.memory_space<vmem>>, vector<16xf32>,
        %swap3A_1803 = vector.shape_cast %swap3A_1802 : vector<16xf32> to vector<16xf32>
        %swap3A_1804 = vector.shape_cast %mul3A_1796 : vector<16xf32> to vector<16xf32>
        tpu.vector_store %arg15[%swap3A_1801], %swap3A_1804 {strides = array<i32>} : memref<32768xf32, #tpu.memory_space<vmem>>, vector<16xf32>,
        %add3A_1805 = vector.broadcast %squeeze3A_1785 : i32 to vector<16xi32>
        %add3A_1806 = arith.addi %add3A_26, %add3A_1805 : vector<16xi32>
        %broadcast_in_dim3A_1807 = vector.shape_cast %add3A_1806 : vector<16xi32> to vector<16x1xi32>
        %gather3A_1808 = vector.shape_cast %broadcast_in_dim3A_1807 : vector<16x1xi32> to vector<16xi32>
        %gather3A_1809 = tpu.dynamic_gather %xor3A_1773[%gather3A_1808] in [0] : vector<16xi32>, vector<16xi32> -> vector<16xi32>
        %shift_left3A_1810 = arith.shli %gather3A_1809, %sub3A_17 : vector<16xi32>
        %shift_right_arithmetic3A_1811 = arith.constant 28 : i32
        %shift_right_arithmetic3A_1812 = vector.broadcast %shift_right_arithmetic3A_1811 : i32 to vector<16xi32>
        %shift_right_arithmetic3A_1813 = arith.shrsi %shift_left3A_1810, %shift_right_arithmetic3A_1812 : vector<16xi32>
        %convert_element_type3A_1814 = arith.sitofp %shift_right_arithmetic3A_1813 : vector<16xi32> to vector<16xf32>
        %mul3A_1815 = arith.mulf %convert_element_type3A_1814, %gather3A_1783 : vector<16xf32>
        %mul3A_1816 = arith.constant 64 : i32
        %mul3A_1817 = arith.muli %add3A_1766, %mul3A_1816 : i32
        %add3A_1818 = arith.constant 16 : i32
        %add3A_1819 = arith.addi %mul3A_1817, %add3A_1818 : i32
        %swap3A_1820 = arith.index_cast %add3A_1819 : i32 to index
        %swap3A_1821 = tpu.vector_load %arg15[%swap3A_1820] {strides = array<i32>} : memref<32768xf32, #tpu.memory_space<vmem>>, vector<16xf32>,
        %swap3A_1822 = vector.shape_cast %swap3A_1821 : vector<16xf32> to vector<16xf32>
        %swap3A_1823 = vector.shape_cast %mul3A_1815 : vector<16xf32> to vector<16xf32>
        tpu.vector_store %arg15[%swap3A_1820], %swap3A_1823 {strides = array<i32>} : memref<32768xf32, #tpu.memory_space<vmem>>, vector<16xf32>,
        %add3A_1824 = vector.broadcast %squeeze3A_1785 : i32 to vector<16xi32>
        %add3A_1825 = arith.addi %add3A_29, %add3A_1824 : vector<16xi32>
        %broadcast_in_dim3A_1826 = vector.shape_cast %add3A_1825 : vector<16xi32> to vector<16x1xi32>
        %gather3A_1827 = vector.shape_cast %broadcast_in_dim3A_1826 : vector<16x1xi32> to vector<16xi32>
        %gather3A_1828 = tpu.dynamic_gather %xor3A_1773[%gather3A_1827] in [0] : vector<16xi32>, vector<16xi32> -> vector<16xi32>
        %shift_left3A_1829 = arith.shli %gather3A_1828, %sub3A_17 : vector<16xi32>
        %shift_right_arithmetic3A_1830 = arith.constant 28 : i32
        %shift_right_arithmetic3A_1831 = vector.broadcast %shift_right_arithmetic3A_1830 : i32 to vector<16xi32>
        %shift_right_arithmetic3A_1832 = arith.shrsi %shift_left3A_1829, %shift_right_arithmetic3A_1831 : vector<16xi32>
        %convert_element_type3A_1833 = arith.sitofp %shift_right_arithmetic3A_1832 : vector<16xi32> to vector<16xf32>
        %mul3A_1834 = arith.mulf %convert_element_type3A_1833, %gather3A_1783 : vector<16xf32>
        %mul3A_1835 = arith.constant 64 : i32
        %mul3A_1836 = arith.muli %add3A_1766, %mul3A_1835 : i32
        %add3A_1837 = arith.constant 32 : i32
        %add3A_1838 = arith.addi %mul3A_1836, %add3A_1837 : i32
        %swap3A_1839 = arith.index_cast %add3A_1838 : i32 to index
        %swap3A_1840 = tpu.vector_load %arg15[%swap3A_1839] {strides = array<i32>} : memref<32768xf32, #tpu.memory_space<vmem>>, vector<16xf32>,
        %swap3A_1841 = vector.shape_cast %swap3A_1840 : vector<16xf32> to vector<16xf32>
        %swap3A_1842 = vector.shape_cast %mul3A_1834 : vector<16xf32> to vector<16xf32>
        tpu.vector_store %arg15[%swap3A_1839], %swap3A_1842 {strides = array<i32>} : memref<32768xf32, #tpu.memory_space<vmem>>, vector<16xf32>,
        %add3A_1843 = vector.broadcast %squeeze3A_1785 : i32 to vector<16xi32>
        %add3A_1844 = arith.addi %add3A_32, %add3A_1843 : vector<16xi32>
        %broadcast_in_dim3A_1845 = vector.shape_cast %add3A_1844 : vector<16xi32> to vector<16x1xi32>
        %gather3A_1846 = vector.shape_cast %broadcast_in_dim3A_1845 : vector<16x1xi32> to vector<16xi32>
        %gather3A_1847 = tpu.dynamic_gather %xor3A_1773[%gather3A_1846] in [0] : vector<16xi32>, vector<16xi32> -> vector<16xi32>
        %shift_left3A_1848 = arith.shli %gather3A_1847, %sub3A_17 : vector<16xi32>
        %shift_right_arithmetic3A_1849 = arith.constant 28 : i32
        %shift_right_arithmetic3A_1850 = vector.broadcast %shift_right_arithmetic3A_1849 : i32 to vector<16xi32>
        %shift_right_arithmetic3A_1851 = arith.shrsi %shift_left3A_1848, %shift_right_arithmetic3A_1850 : vector<16xi32>
        %convert_element_type3A_1852 = arith.sitofp %shift_right_arithmetic3A_1851 : vector<16xi32> to vector<16xf32>
        %mul3A_1853 = arith.mulf %convert_element_type3A_1852, %gather3A_1783 : vector<16xf32>
        %mul3A_1854 = arith.constant 64 : i32
        %mul3A_1855 = arith.muli %add3A_1766, %mul3A_1854 : i32
        %add3A_1856 = arith.constant 48 : i32
        %add3A_1857 = arith.addi %mul3A_1855, %add3A_1856 : i32
        %swap3A_1858 = arith.index_cast %add3A_1857 : i32 to index
        %swap3A_1859 = tpu.vector_load %arg15[%swap3A_1858] {strides = array<i32>} : memref<32768xf32, #tpu.memory_space<vmem>>, vector<16xf32>,
        %swap3A_1860 = vector.shape_cast %swap3A_1859 : vector<16xf32> to vector<16xf32>
        %swap3A_1861 = vector.shape_cast %mul3A_1853 : vector<16xf32> to vector<16xf32>
        tpu.vector_store %arg15[%swap3A_1858], %swap3A_1861 {strides = array<i32>} : memref<32768xf32, #tpu.memory_space<vmem>>, vector<16xf32>,
        %mul3A_1862 = arith.constant 16 : i32
        %mul3A_1863 = arith.muli %scan3A_664, %mul3A_1862 : i32
        %add3A_1864 = arith.constant 12 : i32
        %add3A_1865 = arith.addi %mul3A_1863, %add3A_1864 : i32
        %get3A_1866 = arith.index_cast %add3A_1865 : i32 to index
        %get3A_1867 = arith.constant 0 : index
        %get3A_1868 = tpu.vector_load %arg11[%get3A_1866, %get3A_1867] {strides = array<i32>} : memref<512x16xi32, #tpu.memory_space<vmem>>, vector<1x16xi32>,
        %get3A_1869 = vector.shape_cast %get3A_1868 : vector<1x16xi32> to vector<16xi32>
        %xor3A_1870 = arith.constant -2004318072 : i32
        %xor3A_1871 = vector.broadcast %xor3A_1870 : i32 to vector<16xi32>
        %xor3A_1872 = arith.xori %get3A_1869, %xor3A_1871 : vector<16xi32>
        %get3A_1873 = arith.index_cast %add3A_1865 : i32 to index
        %get3A_1874 = arith.constant 0 : index
        %get3A_1875 = tpu.vector_load %arg13[%get3A_1873, %get3A_1874] {strides = array<i32>} : memref<512x16xf32, #tpu.memory_space<vmem>>, vector<1x16xf32>,
        %get3A_1876 = vector.shape_cast %get3A_1875 : vector<1x16xf32> to vector<16xf32>
        %slice3A_1877 = vector.extract_strided_slice %and3A_674 {offsets = [12], sizes = [1], strides = [1]} : vector<16xi32> to vector<1xi32>
        %squeeze3A_1878 = vector.extract %slice3A_1877[0] : i32 from vector<1xi32>
        %broadcast_in_dim3A_1879 = vector.broadcast %squeeze3A_1878 : i32 to vector<16xi32>
        %broadcast_in_dim3A_1880 = vector.shape_cast %broadcast_in_dim3A_1879 : vector<16xi32> to vector<16x1xi32>
        %gather3A_1881 = vector.shape_cast %broadcast_in_dim3A_1880 : vector<16x1xi32> to vector<16xi32>
        %gather3A_1882 = tpu.dynamic_gather %get3A_1876[%gather3A_1881] in [0] : vector<16xf32>, vector<16xi32> -> vector<16xf32>
        %slice3A_1883 = vector.extract_strided_slice %shift_left3A_680 {offsets = [12], sizes = [1], strides = [1]} : vector<16xi32> to vector<1xi32>
        %squeeze3A_1884 = vector.extract %slice3A_1883[0] : i32 from vector<1xi32>
        %add3A_1885 = vector.broadcast %squeeze3A_1884 : i32 to vector<16xi32>
        %add3A_1886 = arith.addi %add3A_23, %add3A_1885 : vector<16xi32>
        %broadcast_in_dim3A_1887 = vector.shape_cast %add3A_1886 : vector<16xi32> to vector<16x1xi32>
        %gather3A_1888 = vector.shape_cast %broadcast_in_dim3A_1887 : vector<16x1xi32> to vector<16xi32>
        %gather3A_1889 = tpu.dynamic_gather %xor3A_1872[%gather3A_1888] in [0] : vector<16xi32>, vector<16xi32> -> vector<16xi32>
        %shift_left3A_1890 = arith.shli %gather3A_1889, %sub3A_17 : vector<16xi32>
        %shift_right_arithmetic3A_1891 = arith.constant 28 : i32
        %shift_right_arithmetic3A_1892 = vector.broadcast %shift_right_arithmetic3A_1891 : i32 to vector<16xi32>
        %shift_right_arithmetic3A_1893 = arith.shrsi %shift_left3A_1890, %shift_right_arithmetic3A_1892 : vector<16xi32>
        %convert_element_type3A_1894 = arith.sitofp %shift_right_arithmetic3A_1893 : vector<16xi32> to vector<16xf32>
        %mul3A_1895 = arith.mulf %convert_element_type3A_1894, %gather3A_1882 : vector<16xf32>
        %mul3A_1896 = arith.constant 64 : i32
        %mul3A_1897 = arith.muli %add3A_1865, %mul3A_1896 : i32
        %add3A_1898 = arith.constant 0 : i32
        %add3A_1899 = arith.addi %mul3A_1897, %add3A_1898 : i32
        %swap3A_1900 = arith.index_cast %add3A_1899 : i32 to index
        %swap3A_1901 = tpu.vector_load %arg15[%swap3A_1900] {strides = array<i32>} : memref<32768xf32, #tpu.memory_space<vmem>>, vector<16xf32>,
        %swap3A_1902 = vector.shape_cast %swap3A_1901 : vector<16xf32> to vector<16xf32>
        %swap3A_1903 = vector.shape_cast %mul3A_1895 : vector<16xf32> to vector<16xf32>
        tpu.vector_store %arg15[%swap3A_1900], %swap3A_1903 {strides = array<i32>} : memref<32768xf32, #tpu.memory_space<vmem>>, vector<16xf32>,
        %add3A_1904 = vector.broadcast %squeeze3A_1884 : i32 to vector<16xi32>
        %add3A_1905 = arith.addi %add3A_26, %add3A_1904 : vector<16xi32>
        %broadcast_in_dim3A_1906 = vector.shape_cast %add3A_1905 : vector<16xi32> to vector<16x1xi32>
        %gather3A_1907 = vector.shape_cast %broadcast_in_dim3A_1906 : vector<16x1xi32> to vector<16xi32>
        %gather3A_1908 = tpu.dynamic_gather %xor3A_1872[%gather3A_1907] in [0] : vector<16xi32>, vector<16xi32> -> vector<16xi32>
        %shift_left3A_1909 = arith.shli %gather3A_1908, %sub3A_17 : vector<16xi32>
        %shift_right_arithmetic3A_1910 = arith.constant 28 : i32
        %shift_right_arithmetic3A_1911 = vector.broadcast %shift_right_arithmetic3A_1910 : i32 to vector<16xi32>
        %shift_right_arithmetic3A_1912 = arith.shrsi %shift_left3A_1909, %shift_right_arithmetic3A_1911 : vector<16xi32>
        %convert_element_type3A_1913 = arith.sitofp %shift_right_arithmetic3A_1912 : vector<16xi32> to vector<16xf32>
        %mul3A_1914 = arith.mulf %convert_element_type3A_1913, %gather3A_1882 : vector<16xf32>
        %mul3A_1915 = arith.constant 64 : i32
        %mul3A_1916 = arith.muli %add3A_1865, %mul3A_1915 : i32
        %add3A_1917 = arith.constant 16 : i32
        %add3A_1918 = arith.addi %mul3A_1916, %add3A_1917 : i32
        %swap3A_1919 = arith.index_cast %add3A_1918 : i32 to index
        %swap3A_1920 = tpu.vector_load %arg15[%swap3A_1919] {strides = array<i32>} : memref<32768xf32, #tpu.memory_space<vmem>>, vector<16xf32>,
        %swap3A_1921 = vector.shape_cast %swap3A_1920 : vector<16xf32> to vector<16xf32>
        %swap3A_1922 = vector.shape_cast %mul3A_1914 : vector<16xf32> to vector<16xf32>
        tpu.vector_store %arg15[%swap3A_1919], %swap3A_1922 {strides = array<i32>} : memref<32768xf32, #tpu.memory_space<vmem>>, vector<16xf32>,
        %add3A_1923 = vector.broadcast %squeeze3A_1884 : i32 to vector<16xi32>
        %add3A_1924 = arith.addi %add3A_29, %add3A_1923 : vector<16xi32>
        %broadcast_in_dim3A_1925 = vector.shape_cast %add3A_1924 : vector<16xi32> to vector<16x1xi32>
        %gather3A_1926 = vector.shape_cast %broadcast_in_dim3A_1925 : vector<16x1xi32> to vector<16xi32>
        %gather3A_1927 = tpu.dynamic_gather %xor3A_1872[%gather3A_1926] in [0] : vector<16xi32>, vector<16xi32> -> vector<16xi32>
        %shift_left3A_1928 = arith.shli %gather3A_1927, %sub3A_17 : vector<16xi32>
        %shift_right_arithmetic3A_1929 = arith.constant 28 : i32
        %shift_right_arithmetic3A_1930 = vector.broadcast %shift_right_arithmetic3A_1929 : i32 to vector<16xi32>
        %shift_right_arithmetic3A_1931 = arith.shrsi %shift_left3A_1928, %shift_right_arithmetic3A_1930 : vector<16xi32>
        %convert_element_type3A_1932 = arith.sitofp %shift_right_arithmetic3A_1931 : vector<16xi32> to vector<16xf32>
        %mul3A_1933 = arith.mulf %convert_element_type3A_1932, %gather3A_1882 : vector<16xf32>
        %mul3A_1934 = arith.constant 64 : i32
        %mul3A_1935 = arith.muli %add3A_1865, %mul3A_1934 : i32
        %add3A_1936 = arith.constant 32 : i32
        %add3A_1937 = arith.addi %mul3A_1935, %add3A_1936 : i32
        %swap3A_1938 = arith.index_cast %add3A_1937 : i32 to index
        %swap3A_1939 = tpu.vector_load %arg15[%swap3A_1938] {strides = array<i32>} : memref<32768xf32, #tpu.memory_space<vmem>>, vector<16xf32>,
        %swap3A_1940 = vector.shape_cast %swap3A_1939 : vector<16xf32> to vector<16xf32>
        %swap3A_1941 = vector.shape_cast %mul3A_1933 : vector<16xf32> to vector<16xf32>
        tpu.vector_store %arg15[%swap3A_1938], %swap3A_1941 {strides = array<i32>} : memref<32768xf32, #tpu.memory_space<vmem>>, vector<16xf32>,
        %add3A_1942 = vector.broadcast %squeeze3A_1884 : i32 to vector<16xi32>
        %add3A_1943 = arith.addi %add3A_32, %add3A_1942 : vector<16xi32>
        %broadcast_in_dim3A_1944 = vector.shape_cast %add3A_1943 : vector<16xi32> to vector<16x1xi32>
        %gather3A_1945 = vector.shape_cast %broadcast_in_dim3A_1944 : vector<16x1xi32> to vector<16xi32>
        %gather3A_1946 = tpu.dynamic_gather %xor3A_1872[%gather3A_1945] in [0] : vector<16xi32>, vector<16xi32> -> vector<16xi32>
        %shift_left3A_1947 = arith.shli %gather3A_1946, %sub3A_17 : vector<16xi32>
        %shift_right_arithmetic3A_1948 = arith.constant 28 : i32
        %shift_right_arithmetic3A_1949 = vector.broadcast %shift_right_arithmetic3A_1948 : i32 to vector<16xi32>
        %shift_right_arithmetic3A_1950 = arith.shrsi %shift_left3A_1947, %shift_right_arithmetic3A_1949 : vector<16xi32>
        %convert_element_type3A_1951 = arith.sitofp %shift_right_arithmetic3A_1950 : vector<16xi32> to vector<16xf32>
        %mul3A_1952 = arith.mulf %convert_element_type3A_1951, %gather3A_1882 : vector<16xf32>
        %mul3A_1953 = arith.constant 64 : i32
        %mul3A_1954 = arith.muli %add3A_1865, %mul3A_1953 : i32
        %add3A_1955 = arith.constant 48 : i32
        %add3A_1956 = arith.addi %mul3A_1954, %add3A_1955 : i32
        %swap3A_1957 = arith.index_cast %add3A_1956 : i32 to index
        %swap3A_1958 = tpu.vector_load %arg15[%swap3A_1957] {strides = array<i32>} : memref<32768xf32, #tpu.memory_space<vmem>>, vector<16xf32>,
        %swap3A_1959 = vector.shape_cast %swap3A_1958 : vector<16xf32> to vector<16xf32>
        %swap3A_1960 = vector.shape_cast %mul3A_1952 : vector<16xf32> to vector<16xf32>
        tpu.vector_store %arg15[%swap3A_1957], %swap3A_1960 {strides = array<i32>} : memref<32768xf32, #tpu.memory_space<vmem>>, vector<16xf32>,
        %mul3A_1961 = arith.constant 16 : i32
        %mul3A_1962 = arith.muli %scan3A_664, %mul3A_1961 : i32
        %add3A_1963 = arith.constant 13 : i32
        %add3A_1964 = arith.addi %mul3A_1962, %add3A_1963 : i32
        %get3A_1965 = arith.index_cast %add3A_1964 : i32 to index
        %get3A_1966 = arith.constant 0 : index
        %get3A_1967 = tpu.vector_load %arg11[%get3A_1965, %get3A_1966] {strides = array<i32>} : memref<512x16xi32, #tpu.memory_space<vmem>>, vector<1x16xi32>,
        %get3A_1968 = vector.shape_cast %get3A_1967 : vector<1x16xi32> to vector<16xi32>
        %xor3A_1969 = arith.constant -2004318072 : i32
        %xor3A_1970 = vector.broadcast %xor3A_1969 : i32 to vector<16xi32>
        %xor3A_1971 = arith.xori %get3A_1968, %xor3A_1970 : vector<16xi32>
        %get3A_1972 = arith.index_cast %add3A_1964 : i32 to index
        %get3A_1973 = arith.constant 0 : index
        %get3A_1974 = tpu.vector_load %arg13[%get3A_1972, %get3A_1973] {strides = array<i32>} : memref<512x16xf32, #tpu.memory_space<vmem>>, vector<1x16xf32>,
        %get3A_1975 = vector.shape_cast %get3A_1974 : vector<1x16xf32> to vector<16xf32>
        %slice3A_1976 = vector.extract_strided_slice %and3A_674 {offsets = [13], sizes = [1], strides = [1]} : vector<16xi32> to vector<1xi32>
        %squeeze3A_1977 = vector.extract %slice3A_1976[0] : i32 from vector<1xi32>
        %broadcast_in_dim3A_1978 = vector.broadcast %squeeze3A_1977 : i32 to vector<16xi32>
        %broadcast_in_dim3A_1979 = vector.shape_cast %broadcast_in_dim3A_1978 : vector<16xi32> to vector<16x1xi32>
        %gather3A_1980 = vector.shape_cast %broadcast_in_dim3A_1979 : vector<16x1xi32> to vector<16xi32>
        %gather3A_1981 = tpu.dynamic_gather %get3A_1975[%gather3A_1980] in [0] : vector<16xf32>, vector<16xi32> -> vector<16xf32>
        %slice3A_1982 = vector.extract_strided_slice %shift_left3A_680 {offsets = [13], sizes = [1], strides = [1]} : vector<16xi32> to vector<1xi32>
        %squeeze3A_1983 = vector.extract %slice3A_1982[0] : i32 from vector<1xi32>
        %add3A_1984 = vector.broadcast %squeeze3A_1983 : i32 to vector<16xi32>
        %add3A_1985 = arith.addi %add3A_23, %add3A_1984 : vector<16xi32>
        %broadcast_in_dim3A_1986 = vector.shape_cast %add3A_1985 : vector<16xi32> to vector<16x1xi32>
        %gather3A_1987 = vector.shape_cast %broadcast_in_dim3A_1986 : vector<16x1xi32> to vector<16xi32>
        %gather3A_1988 = tpu.dynamic_gather %xor3A_1971[%gather3A_1987] in [0] : vector<16xi32>, vector<16xi32> -> vector<16xi32>
        %shift_left3A_1989 = arith.shli %gather3A_1988, %sub3A_17 : vector<16xi32>
        %shift_right_arithmetic3A_1990 = arith.constant 28 : i32
        %shift_right_arithmetic3A_1991 = vector.broadcast %shift_right_arithmetic3A_1990 : i32 to vector<16xi32>
        %shift_right_arithmetic3A_1992 = arith.shrsi %shift_left3A_1989, %shift_right_arithmetic3A_1991 : vector<16xi32>
        %convert_element_type3A_1993 = arith.sitofp %shift_right_arithmetic3A_1992 : vector<16xi32> to vector<16xf32>
        %mul3A_1994 = arith.mulf %convert_element_type3A_1993, %gather3A_1981 : vector<16xf32>
        %mul3A_1995 = arith.constant 64 : i32
        %mul3A_1996 = arith.muli %add3A_1964, %mul3A_1995 : i32
        %add3A_1997 = arith.constant 0 : i32
        %add3A_1998 = arith.addi %mul3A_1996, %add3A_1997 : i32
        %swap3A_1999 = arith.index_cast %add3A_1998 : i32 to index
        %swap3A_2000 = tpu.vector_load %arg15[%swap3A_1999] {strides = array<i32>} : memref<32768xf32, #tpu.memory_space<vmem>>, vector<16xf32>,
        %swap3A_2001 = vector.shape_cast %swap3A_2000 : vector<16xf32> to vector<16xf32>
        %swap3A_2002 = vector.shape_cast %mul3A_1994 : vector<16xf32> to vector<16xf32>
        tpu.vector_store %arg15[%swap3A_1999], %swap3A_2002 {strides = array<i32>} : memref<32768xf32, #tpu.memory_space<vmem>>, vector<16xf32>,
        %add3A_2003 = vector.broadcast %squeeze3A_1983 : i32 to vector<16xi32>
        %add3A_2004 = arith.addi %add3A_26, %add3A_2003 : vector<16xi32>
        %broadcast_in_dim3A_2005 = vector.shape_cast %add3A_2004 : vector<16xi32> to vector<16x1xi32>
        %gather3A_2006 = vector.shape_cast %broadcast_in_dim3A_2005 : vector<16x1xi32> to vector<16xi32>
        %gather3A_2007 = tpu.dynamic_gather %xor3A_1971[%gather3A_2006] in [0] : vector<16xi32>, vector<16xi32> -> vector<16xi32>
        %shift_left3A_2008 = arith.shli %gather3A_2007, %sub3A_17 : vector<16xi32>
        %shift_right_arithmetic3A_2009 = arith.constant 28 : i32
        %shift_right_arithmetic3A_2010 = vector.broadcast %shift_right_arithmetic3A_2009 : i32 to vector<16xi32>
        %shift_right_arithmetic3A_2011 = arith.shrsi %shift_left3A_2008, %shift_right_arithmetic3A_2010 : vector<16xi32>
        %convert_element_type3A_2012 = arith.sitofp %shift_right_arithmetic3A_2011 : vector<16xi32> to vector<16xf32>
        %mul3A_2013 = arith.mulf %convert_element_type3A_2012, %gather3A_1981 : vector<16xf32>
        %mul3A_2014 = arith.constant 64 : i32
        %mul3A_2015 = arith.muli %add3A_1964, %mul3A_2014 : i32
        %add3A_2016 = arith.constant 16 : i32
        %add3A_2017 = arith.addi %mul3A_2015, %add3A_2016 : i32
        %swap3A_2018 = arith.index_cast %add3A_2017 : i32 to index
        %swap3A_2019 = tpu.vector_load %arg15[%swap3A_2018] {strides = array<i32>} : memref<32768xf32, #tpu.memory_space<vmem>>, vector<16xf32>,
        %swap3A_2020 = vector.shape_cast %swap3A_2019 : vector<16xf32> to vector<16xf32>
        %swap3A_2021 = vector.shape_cast %mul3A_2013 : vector<16xf32> to vector<16xf32>
        tpu.vector_store %arg15[%swap3A_2018], %swap3A_2021 {strides = array<i32>} : memref<32768xf32, #tpu.memory_space<vmem>>, vector<16xf32>,
        %add3A_2022 = vector.broadcast %squeeze3A_1983 : i32 to vector<16xi32>
        %add3A_2023 = arith.addi %add3A_29, %add3A_2022 : vector<16xi32>
        %broadcast_in_dim3A_2024 = vector.shape_cast %add3A_2023 : vector<16xi32> to vector<16x1xi32>
        %gather3A_2025 = vector.shape_cast %broadcast_in_dim3A_2024 : vector<16x1xi32> to vector<16xi32>
        %gather3A_2026 = tpu.dynamic_gather %xor3A_1971[%gather3A_2025] in [0] : vector<16xi32>, vector<16xi32> -> vector<16xi32>
        %shift_left3A_2027 = arith.shli %gather3A_2026, %sub3A_17 : vector<16xi32>
        %shift_right_arithmetic3A_2028 = arith.constant 28 : i32
        %shift_right_arithmetic3A_2029 = vector.broadcast %shift_right_arithmetic3A_2028 : i32 to vector<16xi32>
        %shift_right_arithmetic3A_2030 = arith.shrsi %shift_left3A_2027, %shift_right_arithmetic3A_2029 : vector<16xi32>
        %convert_element_type3A_2031 = arith.sitofp %shift_right_arithmetic3A_2030 : vector<16xi32> to vector<16xf32>
        %mul3A_2032 = arith.mulf %convert_element_type3A_2031, %gather3A_1981 : vector<16xf32>
        %mul3A_2033 = arith.constant 64 : i32
        %mul3A_2034 = arith.muli %add3A_1964, %mul3A_2033 : i32
        %add3A_2035 = arith.constant 32 : i32
        %add3A_2036 = arith.addi %mul3A_2034, %add3A_2035 : i32
        %swap3A_2037 = arith.index_cast %add3A_2036 : i32 to index
        %swap3A_2038 = tpu.vector_load %arg15[%swap3A_2037] {strides = array<i32>} : memref<32768xf32, #tpu.memory_space<vmem>>, vector<16xf32>,
        %swap3A_2039 = vector.shape_cast %swap3A_2038 : vector<16xf32> to vector<16xf32>
        %swap3A_2040 = vector.shape_cast %mul3A_2032 : vector<16xf32> to vector<16xf32>
        tpu.vector_store %arg15[%swap3A_2037], %swap3A_2040 {strides = array<i32>} : memref<32768xf32, #tpu.memory_space<vmem>>, vector<16xf32>,
        %add3A_2041 = vector.broadcast %squeeze3A_1983 : i32 to vector<16xi32>
        %add3A_2042 = arith.addi %add3A_32, %add3A_2041 : vector<16xi32>
        %broadcast_in_dim3A_2043 = vector.shape_cast %add3A_2042 : vector<16xi32> to vector<16x1xi32>
        %gather3A_2044 = vector.shape_cast %broadcast_in_dim3A_2043 : vector<16x1xi32> to vector<16xi32>
        %gather3A_2045 = tpu.dynamic_gather %xor3A_1971[%gather3A_2044] in [0] : vector<16xi32>, vector<16xi32> -> vector<16xi32>
        %shift_left3A_2046 = arith.shli %gather3A_2045, %sub3A_17 : vector<16xi32>
        %shift_right_arithmetic3A_2047 = arith.constant 28 : i32
        %shift_right_arithmetic3A_2048 = vector.broadcast %shift_right_arithmetic3A_2047 : i32 to vector<16xi32>
        %shift_right_arithmetic3A_2049 = arith.shrsi %shift_left3A_2046, %shift_right_arithmetic3A_2048 : vector<16xi32>
        %convert_element_type3A_2050 = arith.sitofp %shift_right_arithmetic3A_2049 : vector<16xi32> to vector<16xf32>
        %mul3A_2051 = arith.mulf %convert_element_type3A_2050, %gather3A_1981 : vector<16xf32>
        %mul3A_2052 = arith.constant 64 : i32
        %mul3A_2053 = arith.muli %add3A_1964, %mul3A_2052 : i32
        %add3A_2054 = arith.constant 48 : i32
        %add3A_2055 = arith.addi %mul3A_2053, %add3A_2054 : i32
        %swap3A_2056 = arith.index_cast %add3A_2055 : i32 to index
        %swap3A_2057 = tpu.vector_load %arg15[%swap3A_2056] {strides = array<i32>} : memref<32768xf32, #tpu.memory_space<vmem>>, vector<16xf32>,
        %swap3A_2058 = vector.shape_cast %swap3A_2057 : vector<16xf32> to vector<16xf32>
        %swap3A_2059 = vector.shape_cast %mul3A_2051 : vector<16xf32> to vector<16xf32>
        tpu.vector_store %arg15[%swap3A_2056], %swap3A_2059 {strides = array<i32>} : memref<32768xf32, #tpu.memory_space<vmem>>, vector<16xf32>,
        %mul3A_2060 = arith.constant 16 : i32
        %mul3A_2061 = arith.muli %scan3A_664, %mul3A_2060 : i32
        %add3A_2062 = arith.constant 14 : i32
        %add3A_2063 = arith.addi %mul3A_2061, %add3A_2062 : i32
        %get3A_2064 = arith.index_cast %add3A_2063 : i32 to index
        %get3A_2065 = arith.constant 0 : index
        %get3A_2066 = tpu.vector_load %arg11[%get3A_2064, %get3A_2065] {strides = array<i32>} : memref<512x16xi32, #tpu.memory_space<vmem>>, vector<1x16xi32>,
        %get3A_2067 = vector.shape_cast %get3A_2066 : vector<1x16xi32> to vector<16xi32>
        %xor3A_2068 = arith.constant -2004318072 : i32
        %xor3A_2069 = vector.broadcast %xor3A_2068 : i32 to vector<16xi32>
        %xor3A_2070 = arith.xori %get3A_2067, %xor3A_2069 : vector<16xi32>
        %get3A_2071 = arith.index_cast %add3A_2063 : i32 to index
        %get3A_2072 = arith.constant 0 : index
        %get3A_2073 = tpu.vector_load %arg13[%get3A_2071, %get3A_2072] {strides = array<i32>} : memref<512x16xf32, #tpu.memory_space<vmem>>, vector<1x16xf32>,
        %get3A_2074 = vector.shape_cast %get3A_2073 : vector<1x16xf32> to vector<16xf32>
        %slice3A_2075 = vector.extract_strided_slice %and3A_674 {offsets = [14], sizes = [1], strides = [1]} : vector<16xi32> to vector<1xi32>
        %squeeze3A_2076 = vector.extract %slice3A_2075[0] : i32 from vector<1xi32>
        %broadcast_in_dim3A_2077 = vector.broadcast %squeeze3A_2076 : i32 to vector<16xi32>
        %broadcast_in_dim3A_2078 = vector.shape_cast %broadcast_in_dim3A_2077 : vector<16xi32> to vector<16x1xi32>
        %gather3A_2079 = vector.shape_cast %broadcast_in_dim3A_2078 : vector<16x1xi32> to vector<16xi32>
        %gather3A_2080 = tpu.dynamic_gather %get3A_2074[%gather3A_2079] in [0] : vector<16xf32>, vector<16xi32> -> vector<16xf32>
        %slice3A_2081 = vector.extract_strided_slice %shift_left3A_680 {offsets = [14], sizes = [1], strides = [1]} : vector<16xi32> to vector<1xi32>
        %squeeze3A_2082 = vector.extract %slice3A_2081[0] : i32 from vector<1xi32>
        %add3A_2083 = vector.broadcast %squeeze3A_2082 : i32 to vector<16xi32>
        %add3A_2084 = arith.addi %add3A_23, %add3A_2083 : vector<16xi32>
        %broadcast_in_dim3A_2085 = vector.shape_cast %add3A_2084 : vector<16xi32> to vector<16x1xi32>
        %gather3A_2086 = vector.shape_cast %broadcast_in_dim3A_2085 : vector<16x1xi32> to vector<16xi32>
        %gather3A_2087 = tpu.dynamic_gather %xor3A_2070[%gather3A_2086] in [0] : vector<16xi32>, vector<16xi32> -> vector<16xi32>
        %shift_left3A_2088 = arith.shli %gather3A_2087, %sub3A_17 : vector<16xi32>
        %shift_right_arithmetic3A_2089 = arith.constant 28 : i32
        %shift_right_arithmetic3A_2090 = vector.broadcast %shift_right_arithmetic3A_2089 : i32 to vector<16xi32>
        %shift_right_arithmetic3A_2091 = arith.shrsi %shift_left3A_2088, %shift_right_arithmetic3A_2090 : vector<16xi32>
        %convert_element_type3A_2092 = arith.sitofp %shift_right_arithmetic3A_2091 : vector<16xi32> to vector<16xf32>
        %mul3A_2093 = arith.mulf %convert_element_type3A_2092, %gather3A_2080 : vector<16xf32>
        %mul3A_2094 = arith.constant 64 : i32
        %mul3A_2095 = arith.muli %add3A_2063, %mul3A_2094 : i32
        %add3A_2096 = arith.constant 0 : i32
        %add3A_2097 = arith.addi %mul3A_2095, %add3A_2096 : i32
        %swap3A_2098 = arith.index_cast %add3A_2097 : i32 to index
        %swap3A_2099 = tpu.vector_load %arg15[%swap3A_2098] {strides = array<i32>} : memref<32768xf32, #tpu.memory_space<vmem>>, vector<16xf32>,
        %swap3A_2100 = vector.shape_cast %swap3A_2099 : vector<16xf32> to vector<16xf32>
        %swap3A_2101 = vector.shape_cast %mul3A_2093 : vector<16xf32> to vector<16xf32>
        tpu.vector_store %arg15[%swap3A_2098], %swap3A_2101 {strides = array<i32>} : memref<32768xf32, #tpu.memory_space<vmem>>, vector<16xf32>,
        %add3A_2102 = vector.broadcast %squeeze3A_2082 : i32 to vector<16xi32>
        %add3A_2103 = arith.addi %add3A_26, %add3A_2102 : vector<16xi32>
        %broadcast_in_dim3A_2104 = vector.shape_cast %add3A_2103 : vector<16xi32> to vector<16x1xi32>
        %gather3A_2105 = vector.shape_cast %broadcast_in_dim3A_2104 : vector<16x1xi32> to vector<16xi32>
        %gather3A_2106 = tpu.dynamic_gather %xor3A_2070[%gather3A_2105] in [0] : vector<16xi32>, vector<16xi32> -> vector<16xi32>
        %shift_left3A_2107 = arith.shli %gather3A_2106, %sub3A_17 : vector<16xi32>
        %shift_right_arithmetic3A_2108 = arith.constant 28 : i32
        %shift_right_arithmetic3A_2109 = vector.broadcast %shift_right_arithmetic3A_2108 : i32 to vector<16xi32>
        %shift_right_arithmetic3A_2110 = arith.shrsi %shift_left3A_2107, %shift_right_arithmetic3A_2109 : vector<16xi32>
        %convert_element_type3A_2111 = arith.sitofp %shift_right_arithmetic3A_2110 : vector<16xi32> to vector<16xf32>
        %mul3A_2112 = arith.mulf %convert_element_type3A_2111, %gather3A_2080 : vector<16xf32>
        %mul3A_2113 = arith.constant 64 : i32
        %mul3A_2114 = arith.muli %add3A_2063, %mul3A_2113 : i32
        %add3A_2115 = arith.constant 16 : i32
        %add3A_2116 = arith.addi %mul3A_2114, %add3A_2115 : i32
        %swap3A_2117 = arith.index_cast %add3A_2116 : i32 to index
        %swap3A_2118 = tpu.vector_load %arg15[%swap3A_2117] {strides = array<i32>} : memref<32768xf32, #tpu.memory_space<vmem>>, vector<16xf32>,
        %swap3A_2119 = vector.shape_cast %swap3A_2118 : vector<16xf32> to vector<16xf32>
        %swap3A_2120 = vector.shape_cast %mul3A_2112 : vector<16xf32> to vector<16xf32>
        tpu.vector_store %arg15[%swap3A_2117], %swap3A_2120 {strides = array<i32>} : memref<32768xf32, #tpu.memory_space<vmem>>, vector<16xf32>,
        %add3A_2121 = vector.broadcast %squeeze3A_2082 : i32 to vector<16xi32>
        %add3A_2122 = arith.addi %add3A_29, %add3A_2121 : vector<16xi32>
        %broadcast_in_dim3A_2123 = vector.shape_cast %add3A_2122 : vector<16xi32> to vector<16x1xi32>
        %gather3A_2124 = vector.shape_cast %broadcast_in_dim3A_2123 : vector<16x1xi32> to vector<16xi32>
        %gather3A_2125 = tpu.dynamic_gather %xor3A_2070[%gather3A_2124] in [0] : vector<16xi32>, vector<16xi32> -> vector<16xi32>
        %shift_left3A_2126 = arith.shli %gather3A_2125, %sub3A_17 : vector<16xi32>
        %shift_right_arithmetic3A_2127 = arith.constant 28 : i32
        %shift_right_arithmetic3A_2128 = vector.broadcast %shift_right_arithmetic3A_2127 : i32 to vector<16xi32>
        %shift_right_arithmetic3A_2129 = arith.shrsi %shift_left3A_2126, %shift_right_arithmetic3A_2128 : vector<16xi32>
        %convert_element_type3A_2130 = arith.sitofp %shift_right_arithmetic3A_2129 : vector<16xi32> to vector<16xf32>
        %mul3A_2131 = arith.mulf %convert_element_type3A_2130, %gather3A_2080 : vector<16xf32>
        %mul3A_2132 = arith.constant 64 : i32
        %mul3A_2133 = arith.muli %add3A_2063, %mul3A_2132 : i32
        %add3A_2134 = arith.constant 32 : i32
        %add3A_2135 = arith.addi %mul3A_2133, %add3A_2134 : i32
        %swap3A_2136 = arith.index_cast %add3A_2135 : i32 to index
        %swap3A_2137 = tpu.vector_load %arg15[%swap3A_2136] {strides = array<i32>} : memref<32768xf32, #tpu.memory_space<vmem>>, vector<16xf32>,
        %swap3A_2138 = vector.shape_cast %swap3A_2137 : vector<16xf32> to vector<16xf32>
        %swap3A_2139 = vector.shape_cast %mul3A_2131 : vector<16xf32> to vector<16xf32>
        tpu.vector_store %arg15[%swap3A_2136], %swap3A_2139 {strides = array<i32>} : memref<32768xf32, #tpu.memory_space<vmem>>, vector<16xf32>,
        %add3A_2140 = vector.broadcast %squeeze3A_2082 : i32 to vector<16xi32>
        %add3A_2141 = arith.addi %add3A_32, %add3A_2140 : vector<16xi32>
        %broadcast_in_dim3A_2142 = vector.shape_cast %add3A_2141 : vector<16xi32> to vector<16x1xi32>
        %gather3A_2143 = vector.shape_cast %broadcast_in_dim3A_2142 : vector<16x1xi32> to vector<16xi32>
        %gather3A_2144 = tpu.dynamic_gather %xor3A_2070[%gather3A_2143] in [0] : vector<16xi32>, vector<16xi32> -> vector<16xi32>
        %shift_left3A_2145 = arith.shli %gather3A_2144, %sub3A_17 : vector<16xi32>
        %shift_right_arithmetic3A_2146 = arith.constant 28 : i32
        %shift_right_arithmetic3A_2147 = vector.broadcast %shift_right_arithmetic3A_2146 : i32 to vector<16xi32>
        %shift_right_arithmetic3A_2148 = arith.shrsi %shift_left3A_2145, %shift_right_arithmetic3A_2147 : vector<16xi32>
        %convert_element_type3A_2149 = arith.sitofp %shift_right_arithmetic3A_2148 : vector<16xi32> to vector<16xf32>
        %mul3A_2150 = arith.mulf %convert_element_type3A_2149, %gather3A_2080 : vector<16xf32>
        %mul3A_2151 = arith.constant 64 : i32
        %mul3A_2152 = arith.muli %add3A_2063, %mul3A_2151 : i32
        %add3A_2153 = arith.constant 48 : i32
        %add3A_2154 = arith.addi %mul3A_2152, %add3A_2153 : i32
        %swap3A_2155 = arith.index_cast %add3A_2154 : i32 to index
        %swap3A_2156 = tpu.vector_load %arg15[%swap3A_2155] {strides = array<i32>} : memref<32768xf32, #tpu.memory_space<vmem>>, vector<16xf32>,
        %swap3A_2157 = vector.shape_cast %swap3A_2156 : vector<16xf32> to vector<16xf32>
        %swap3A_2158 = vector.shape_cast %mul3A_2150 : vector<16xf32> to vector<16xf32>
        tpu.vector_store %arg15[%swap3A_2155], %swap3A_2158 {strides = array<i32>} : memref<32768xf32, #tpu.memory_space<vmem>>, vector<16xf32>,
        %mul3A_2159 = arith.constant 16 : i32
        %mul3A_2160 = arith.muli %scan3A_664, %mul3A_2159 : i32
        %add3A_2161 = arith.constant 15 : i32
        %add3A_2162 = arith.addi %mul3A_2160, %add3A_2161 : i32
        %get3A_2163 = arith.index_cast %add3A_2162 : i32 to index
        %get3A_2164 = arith.constant 0 : index
        %get3A_2165 = tpu.vector_load %arg11[%get3A_2163, %get3A_2164] {strides = array<i32>} : memref<512x16xi32, #tpu.memory_space<vmem>>, vector<1x16xi32>,
        %get3A_2166 = vector.shape_cast %get3A_2165 : vector<1x16xi32> to vector<16xi32>
        %xor3A_2167 = arith.constant -2004318072 : i32
        %xor3A_2168 = vector.broadcast %xor3A_2167 : i32 to vector<16xi32>
        %xor3A_2169 = arith.xori %get3A_2166, %xor3A_2168 : vector<16xi32>
        %get3A_2170 = arith.index_cast %add3A_2162 : i32 to index
        %get3A_2171 = arith.constant 0 : index
        %get3A_2172 = tpu.vector_load %arg13[%get3A_2170, %get3A_2171] {strides = array<i32>} : memref<512x16xf32, #tpu.memory_space<vmem>>, vector<1x16xf32>,
        %get3A_2173 = vector.shape_cast %get3A_2172 : vector<1x16xf32> to vector<16xf32>
        %slice3A_2174 = vector.extract_strided_slice %and3A_674 {offsets = [15], sizes = [1], strides = [1]} : vector<16xi32> to vector<1xi32>
        %squeeze3A_2175 = vector.extract %slice3A_2174[0] : i32 from vector<1xi32>
        %broadcast_in_dim3A_2176 = vector.broadcast %squeeze3A_2175 : i32 to vector<16xi32>
        %broadcast_in_dim3A_2177 = vector.shape_cast %broadcast_in_dim3A_2176 : vector<16xi32> to vector<16x1xi32>
        %gather3A_2178 = vector.shape_cast %broadcast_in_dim3A_2177 : vector<16x1xi32> to vector<16xi32>
        %gather3A_2179 = tpu.dynamic_gather %get3A_2173[%gather3A_2178] in [0] : vector<16xf32>, vector<16xi32> -> vector<16xf32>
        %slice3A_2180 = vector.extract_strided_slice %shift_left3A_680 {offsets = [15], sizes = [1], strides = [1]} : vector<16xi32> to vector<1xi32>
        %squeeze3A_2181 = vector.extract %slice3A_2180[0] : i32 from vector<1xi32>
        %add3A_2182 = vector.broadcast %squeeze3A_2181 : i32 to vector<16xi32>
        %add3A_2183 = arith.addi %add3A_23, %add3A_2182 : vector<16xi32>
        %broadcast_in_dim3A_2184 = vector.shape_cast %add3A_2183 : vector<16xi32> to vector<16x1xi32>
        %gather3A_2185 = vector.shape_cast %broadcast_in_dim3A_2184 : vector<16x1xi32> to vector<16xi32>
        %gather3A_2186 = tpu.dynamic_gather %xor3A_2169[%gather3A_2185] in [0] : vector<16xi32>, vector<16xi32> -> vector<16xi32>
        %shift_left3A_2187 = arith.shli %gather3A_2186, %sub3A_17 : vector<16xi32>
        %shift_right_arithmetic3A_2188 = arith.constant 28 : i32
        %shift_right_arithmetic3A_2189 = vector.broadcast %shift_right_arithmetic3A_2188 : i32 to vector<16xi32>
        %shift_right_arithmetic3A_2190 = arith.shrsi %shift_left3A_2187, %shift_right_arithmetic3A_2189 : vector<16xi32>
        %convert_element_type3A_2191 = arith.sitofp %shift_right_arithmetic3A_2190 : vector<16xi32> to vector<16xf32>
        %mul3A_2192 = arith.mulf %convert_element_type3A_2191, %gather3A_2179 : vector<16xf32>
        %mul3A_2193 = arith.constant 64 : i32
        %mul3A_2194 = arith.muli %add3A_2162, %mul3A_2193 : i32
        %add3A_2195 = arith.constant 0 : i32
        %add3A_2196 = arith.addi %mul3A_2194, %add3A_2195 : i32
        %swap3A_2197 = arith.index_cast %add3A_2196 : i32 to index
        %swap3A_2198 = tpu.vector_load %arg15[%swap3A_2197] {strides = array<i32>} : memref<32768xf32, #tpu.memory_space<vmem>>, vector<16xf32>,
        %swap3A_2199 = vector.shape_cast %swap3A_2198 : vector<16xf32> to vector<16xf32>
        %swap3A_2200 = vector.shape_cast %mul3A_2192 : vector<16xf32> to vector<16xf32>
        tpu.vector_store %arg15[%swap3A_2197], %swap3A_2200 {strides = array<i32>} : memref<32768xf32, #tpu.memory_space<vmem>>, vector<16xf32>,
        %add3A_2201 = vector.broadcast %squeeze3A_2181 : i32 to vector<16xi32>
        %add3A_2202 = arith.addi %add3A_26, %add3A_2201 : vector<16xi32>
        %broadcast_in_dim3A_2203 = vector.shape_cast %add3A_2202 : vector<16xi32> to vector<16x1xi32>
        %gather3A_2204 = vector.shape_cast %broadcast_in_dim3A_2203 : vector<16x1xi32> to vector<16xi32>
        %gather3A_2205 = tpu.dynamic_gather %xor3A_2169[%gather3A_2204] in [0] : vector<16xi32>, vector<16xi32> -> vector<16xi32>
        %shift_left3A_2206 = arith.shli %gather3A_2205, %sub3A_17 : vector<16xi32>
        %shift_right_arithmetic3A_2207 = arith.constant 28 : i32
        %shift_right_arithmetic3A_2208 = vector.broadcast %shift_right_arithmetic3A_2207 : i32 to vector<16xi32>
        %shift_right_arithmetic3A_2209 = arith.shrsi %shift_left3A_2206, %shift_right_arithmetic3A_2208 : vector<16xi32>
        %convert_element_type3A_2210 = arith.sitofp %shift_right_arithmetic3A_2209 : vector<16xi32> to vector<16xf32>
        %mul3A_2211 = arith.mulf %convert_element_type3A_2210, %gather3A_2179 : vector<16xf32>
        %mul3A_2212 = arith.constant 64 : i32
        %mul3A_2213 = arith.muli %add3A_2162, %mul3A_2212 : i32
        %add3A_2214 = arith.constant 16 : i32
        %add3A_2215 = arith.addi %mul3A_2213, %add3A_2214 : i32
        %swap3A_2216 = arith.index_cast %add3A_2215 : i32 to index
        %swap3A_2217 = tpu.vector_load %arg15[%swap3A_2216] {strides = array<i32>} : memref<32768xf32, #tpu.memory_space<vmem>>, vector<16xf32>,
        %swap3A_2218 = vector.shape_cast %swap3A_2217 : vector<16xf32> to vector<16xf32>
        %swap3A_2219 = vector.shape_cast %mul3A_2211 : vector<16xf32> to vector<16xf32>
        tpu.vector_store %arg15[%swap3A_2216], %swap3A_2219 {strides = array<i32>} : memref<32768xf32, #tpu.memory_space<vmem>>, vector<16xf32>,
        %add3A_2220 = vector.broadcast %squeeze3A_2181 : i32 to vector<16xi32>
        %add3A_2221 = arith.addi %add3A_29, %add3A_2220 : vector<16xi32>
        %broadcast_in_dim3A_2222 = vector.shape_cast %add3A_2221 : vector<16xi32> to vector<16x1xi32>
        %gather3A_2223 = vector.shape_cast %broadcast_in_dim3A_2222 : vector<16x1xi32> to vector<16xi32>
        %gather3A_2224 = tpu.dynamic_gather %xor3A_2169[%gather3A_2223] in [0] : vector<16xi32>, vector<16xi32> -> vector<16xi32>
        %shift_left3A_2225 = arith.shli %gather3A_2224, %sub3A_17 : vector<16xi32>
        %shift_right_arithmetic3A_2226 = arith.constant 28 : i32
        %shift_right_arithmetic3A_2227 = vector.broadcast %shift_right_arithmetic3A_2226 : i32 to vector<16xi32>
        %shift_right_arithmetic3A_2228 = arith.shrsi %shift_left3A_2225, %shift_right_arithmetic3A_2227 : vector<16xi32>
        %convert_element_type3A_2229 = arith.sitofp %shift_right_arithmetic3A_2228 : vector<16xi32> to vector<16xf32>
        %mul3A_2230 = arith.mulf %convert_element_type3A_2229, %gather3A_2179 : vector<16xf32>
        %mul3A_2231 = arith.constant 64 : i32
        %mul3A_2232 = arith.muli %add3A_2162, %mul3A_2231 : i32
        %add3A_2233 = arith.constant 32 : i32
        %add3A_2234 = arith.addi %mul3A_2232, %add3A_2233 : i32
        %swap3A_2235 = arith.index_cast %add3A_2234 : i32 to index
        %swap3A_2236 = tpu.vector_load %arg15[%swap3A_2235] {strides = array<i32>} : memref<32768xf32, #tpu.memory_space<vmem>>, vector<16xf32>,
        %swap3A_2237 = vector.shape_cast %swap3A_2236 : vector<16xf32> to vector<16xf32>
        %swap3A_2238 = vector.shape_cast %mul3A_2230 : vector<16xf32> to vector<16xf32>
        tpu.vector_store %arg15[%swap3A_2235], %swap3A_2238 {strides = array<i32>} : memref<32768xf32, #tpu.memory_space<vmem>>, vector<16xf32>,
        %add3A_2239 = vector.broadcast %squeeze3A_2181 : i32 to vector<16xi32>
        %add3A_2240 = arith.addi %add3A_32, %add3A_2239 : vector<16xi32>
        %broadcast_in_dim3A_2241 = vector.shape_cast %add3A_2240 : vector<16xi32> to vector<16x1xi32>
        %gather3A_2242 = vector.shape_cast %broadcast_in_dim3A_2241 : vector<16x1xi32> to vector<16xi32>
        %gather3A_2243 = tpu.dynamic_gather %xor3A_2169[%gather3A_2242] in [0] : vector<16xi32>, vector<16xi32> -> vector<16xi32>
        %shift_left3A_2244 = arith.shli %gather3A_2243, %sub3A_17 : vector<16xi32>
        %shift_right_arithmetic3A_2245 = arith.constant 28 : i32
        %shift_right_arithmetic3A_2246 = vector.broadcast %shift_right_arithmetic3A_2245 : i32 to vector<16xi32>
        %shift_right_arithmetic3A_2247 = arith.shrsi %shift_left3A_2244, %shift_right_arithmetic3A_2246 : vector<16xi32>
        %convert_element_type3A_2248 = arith.sitofp %shift_right_arithmetic3A_2247 : vector<16xi32> to vector<16xf32>
        %mul3A_2249 = arith.mulf %convert_element_type3A_2248, %gather3A_2179 : vector<16xf32>
        %mul3A_2250 = arith.constant 64 : i32
        %mul3A_2251 = arith.muli %add3A_2162, %mul3A_2250 : i32
        %add3A_2252 = arith.constant 48 : i32
        %add3A_2253 = arith.addi %mul3A_2251, %add3A_2252 : i32
        %swap3A_2254 = arith.index_cast %add3A_2253 : i32 to index
        %swap3A_2255 = tpu.vector_load %arg15[%swap3A_2254] {strides = array<i32>} : memref<32768xf32, #tpu.memory_space<vmem>>, vector<16xf32>,
        %swap3A_2256 = vector.shape_cast %swap3A_2255 : vector<16xf32> to vector<16xf32>
        %swap3A_2257 = vector.shape_cast %mul3A_2249 : vector<16xf32> to vector<16xf32>
        tpu.vector_store %arg15[%swap3A_2254], %swap3A_2257 {strides = array<i32>} : memref<32768xf32, #tpu.memory_space<vmem>>, vector<16xf32>,
        %scan3A_2258 = arith.constant 0 : i32
        scf.yield %scan3A_2258 : i32
      }
      %scan3A_588 = arith.constant 32 : i32
      %add3A_589 = arith.constant 1 : i32
      %add3A_590 = arith.addi %mul3A_334, %add3A_589 : i32
      %mul3A_591 = arith.constant 512 : i32
      %mul3A_592 = arith.muli %add3A_590, %mul3A_591 : i32
      %add3A_593 = arith.addi %mul3A_2, %mul3A_592 : i32
      %mul3A_594 = arith.constant 64 : i32
      %mul3A_595 = arith.muli %add3A_593, %mul3A_594 : i32
      %multiple_of3A_596 = tpu.assume_multiple %mul3A_595, 8 : i32
      %dma_start3A_597 = tpu.memref_slice %arg5[%multiple_of3A_596] : memref<52428800xf32, #tpu.memory_space<hbm>> -> memref<32768xf32, #tpu.memory_space<hbm>>
      %dma_start3A_598 = tpu.memref_slice %arg5[%multiple_of3A_596] : memref<52428800xf32, #tpu.memory_space<hbm>> -> memref<32768xf32, #tpu.memory_space<hbm>>
      tpu.enqueue_dma source(%arg15 : memref<32768xf32, #tpu.memory_space<vmem>>) target(%dma_start3A_598 : memref<32768xf32, #tpu.memory_space<hbm>>) target_semaphore(%arg19 : memref<!tpu.dma_semaphore, #tpu.memory_space<semaphore_mem>>)
      %dma_start3A_599 = arith.constant 0 : i32
      %dma_start3A_600 = arith.constant 0 : i32
      %dma_start3A_601 = tpu.memref_slice %arg11[%dma_start3A_599, %dma_start3A_600] : memref<512x16xi32, #tpu.memory_space<vmem>> -> memref<128x16xi32, #tpu.memory_space<vmem>>
      %dma_start3A_602 = arith.constant 512 : i32
      %dma_start3A_603 = tpu.memref_slice %arg9[%dma_start3A_602] : memref<1024xi32, #tpu.memory_space<vmem>> -> memref<128xi32, #tpu.memory_space<vmem>>
      %dma_start3A_604 = arith.constant 0 : i32
      %dma_start3A_605 = arith.constant 0 : i32
      %dma_start3A_606 = tpu.memref_slice %arg3[%dma_start3A_604, %dma_start3A_605] : memref<500000x16xi32, #tpu.memory_space<hbm>> -> memref<500000x16xi32, #tpu.memory_space<hbm>>
      tpu.enqueue_indirect_dma source(%dma_start3A_606 : memref<500000x16xi32, #tpu.memory_space<hbm>>) target(%dma_start3A_601 : memref<128x16xi32, #tpu.memory_space<vmem>>) offsets(%dma_start3A_603 : memref<128xi32, #tpu.memory_space<vmem>>) semaphore(%arg17 : memref<!tpu.dma_semaphore, #tpu.memory_space<semaphore_mem>>)
      %dma_start3A_607 = arith.constant 128 : i32
      %dma_start3A_608 = arith.constant 0 : i32
      %dma_start3A_609 = tpu.memref_slice %arg11[%dma_start3A_607, %dma_start3A_608] : memref<512x16xi32, #tpu.memory_space<vmem>> -> memref<128x16xi32, #tpu.memory_space<vmem>>
      %dma_start3A_610 = arith.constant 640 : i32
      %dma_start3A_611 = tpu.memref_slice %arg9[%dma_start3A_610] : memref<1024xi32, #tpu.memory_space<vmem>> -> memref<128xi32, #tpu.memory_space<vmem>>
      %dma_start3A_612 = arith.constant 0 : i32
      %dma_start3A_613 = arith.constant 0 : i32
      %dma_start3A_614 = tpu.memref_slice %arg3[%dma_start3A_612, %dma_start3A_613] : memref<500000x16xi32, #tpu.memory_space<hbm>> -> memref<500000x16xi32, #tpu.memory_space<hbm>>
      tpu.enqueue_indirect_dma source(%dma_start3A_614 : memref<500000x16xi32, #tpu.memory_space<hbm>>) target(%dma_start3A_609 : memref<128x16xi32, #tpu.memory_space<vmem>>) offsets(%dma_start3A_611 : memref<128xi32, #tpu.memory_space<vmem>>) semaphore(%arg17 : memref<!tpu.dma_semaphore, #tpu.memory_space<semaphore_mem>>)
      %dma_start3A_615 = arith.constant 256 : i32
      %dma_start3A_616 = arith.constant 0 : i32
      %dma_start3A_617 = tpu.memref_slice %arg11[%dma_start3A_615, %dma_start3A_616] : memref<512x16xi32, #tpu.memory_space<vmem>> -> memref<128x16xi32, #tpu.memory_space<vmem>>
      %dma_start3A_618 = arith.constant 768 : i32
      %dma_start3A_619 = tpu.memref_slice %arg9[%dma_start3A_618] : memref<1024xi32, #tpu.memory_space<vmem>> -> memref<128xi32, #tpu.memory_space<vmem>>
      %dma_start3A_620 = arith.constant 0 : i32
      %dma_start3A_621 = arith.constant 0 : i32
      %dma_start3A_622 = tpu.memref_slice %arg3[%dma_start3A_620, %dma_start3A_621] : memref<500000x16xi32, #tpu.memory_space<hbm>> -> memref<500000x16xi32, #tpu.memory_space<hbm>>
      tpu.enqueue_indirect_dma source(%dma_start3A_622 : memref<500000x16xi32, #tpu.memory_space<hbm>>) target(%dma_start3A_617 : memref<128x16xi32, #tpu.memory_space<vmem>>) offsets(%dma_start3A_619 : memref<128xi32, #tpu.memory_space<vmem>>) semaphore(%arg17 : memref<!tpu.dma_semaphore, #tpu.memory_space<semaphore_mem>>)
      %dma_start3A_623 = arith.constant 384 : i32
      %dma_start3A_624 = arith.constant 0 : i32
      %dma_start3A_625 = tpu.memref_slice %arg11[%dma_start3A_623, %dma_start3A_624] : memref<512x16xi32, #tpu.memory_space<vmem>> -> memref<128x16xi32, #tpu.memory_space<vmem>>
      %dma_start3A_626 = arith.constant 896 : i32
      %dma_start3A_627 = tpu.memref_slice %arg9[%dma_start3A_626] : memref<1024xi32, #tpu.memory_space<vmem>> -> memref<128xi32, #tpu.memory_space<vmem>>
      %dma_start3A_628 = arith.constant 0 : i32
      %dma_start3A_629 = arith.constant 0 : i32
      %dma_start3A_630 = tpu.memref_slice %arg3[%dma_start3A_628, %dma_start3A_629] : memref<500000x16xi32, #tpu.memory_space<hbm>> -> memref<500000x16xi32, #tpu.memory_space<hbm>>
      tpu.enqueue_indirect_dma source(%dma_start3A_630 : memref<500000x16xi32, #tpu.memory_space<hbm>>) target(%dma_start3A_625 : memref<128x16xi32, #tpu.memory_space<vmem>>) offsets(%dma_start3A_627 : memref<128xi32, #tpu.memory_space<vmem>>) semaphore(%arg17 : memref<!tpu.dma_semaphore, #tpu.memory_space<semaphore_mem>>)
      %dma_start3A_631 = arith.constant 0 : i32
      %dma_start3A_632 = arith.constant 0 : i32
      %dma_start3A_633 = tpu.memref_slice %arg13[%dma_start3A_631, %dma_start3A_632] : memref<512x16xf32, #tpu.memory_space<vmem>> -> memref<128x16xf32, #tpu.memory_space<vmem>>
      %dma_start3A_634 = arith.constant 512 : i32
      %dma_start3A_635 = tpu.memref_slice %arg8[%dma_start3A_634] : memref<1024xi32, #tpu.memory_space<vmem>> -> memref<128xi32, #tpu.memory_space<vmem>>
      %dma_start3A_636 = arith.constant 0 : i32
      %dma_start3A_637 = arith.constant 0 : i32
      %dma_start3A_638 = tpu.memref_slice %arg4[%dma_start3A_636, %dma_start3A_637] : memref<62500x16xf32, #tpu.memory_space<hbm>> -> memref<62500x16xf32, #tpu.memory_space<hbm>>
      tpu.enqueue_indirect_dma source(%dma_start3A_638 : memref<62500x16xf32, #tpu.memory_space<hbm>>) target(%dma_start3A_633 : memref<128x16xf32, #tpu.memory_space<vmem>>) offsets(%dma_start3A_635 : memref<128xi32, #tpu.memory_space<vmem>>) semaphore(%arg17 : memref<!tpu.dma_semaphore, #tpu.memory_space<semaphore_mem>>)
      %dma_start3A_639 = arith.constant 128 : i32
      %dma_start3A_640 = arith.constant 0 : i32
      %dma_start3A_641 = tpu.memref_slice %arg13[%dma_start3A_639, %dma_start3A_640] : memref<512x16xf32, #tpu.memory_space<vmem>> -> memref<128x16xf32, #tpu.memory_space<vmem>>
      %dma_start3A_642 = arith.constant 640 : i32
      %dma_start3A_643 = tpu.memref_slice %arg8[%dma_start3A_642] : memref<1024xi32, #tpu.memory_space<vmem>> -> memref<128xi32, #tpu.memory_space<vmem>>
      %dma_start3A_644 = arith.constant 0 : i32
      %dma_start3A_645 = arith.constant 0 : i32
      %dma_start3A_646 = tpu.memref_slice %arg4[%dma_start3A_644, %dma_start3A_645] : memref<62500x16xf32, #tpu.memory_space<hbm>> -> memref<62500x16xf32, #tpu.memory_space<hbm>>
      tpu.enqueue_indirect_dma source(%dma_start3A_646 : memref<62500x16xf32, #tpu.memory_space<hbm>>) target(%dma_start3A_641 : memref<128x16xf32, #tpu.memory_space<vmem>>) offsets(%dma_start3A_643 : memref<128xi32, #tpu.memory_space<vmem>>) semaphore(%arg17 : memref<!tpu.dma_semaphore, #tpu.memory_space<semaphore_mem>>)
      %dma_start3A_647 = arith.constant 256 : i32
      %dma_start3A_648 = arith.constant 0 : i32
      %dma_start3A_649 = tpu.memref_slice %arg13[%dma_start3A_647, %dma_start3A_648] : memref<512x16xf32, #tpu.memory_space<vmem>> -> memref<128x16xf32, #tpu.memory_space<vmem>>
      %dma_start3A_650 = arith.constant 768 : i32
      %dma_start3A_651 = tpu.memref_slice %arg8[%dma_start3A_650] : memref<1024xi32, #tpu.memory_space<vmem>> -> memref<128xi32, #tpu.memory_space<vmem>>
      %dma_start3A_652 = arith.constant 0 : i32
      %dma_start3A_653 = arith.constant 0 : i32
      %dma_start3A_654 = tpu.memref_slice %arg4[%dma_start3A_652, %dma_start3A_653] : memref<62500x16xf32, #tpu.memory_space<hbm>> -> memref<62500x16xf32, #tpu.memory_space<hbm>>
      tpu.enqueue_indirect_dma source(%dma_start3A_654 : memref<62500x16xf32, #tpu.memory_space<hbm>>) target(%dma_start3A_649 : memref<128x16xf32, #tpu.memory_space<vmem>>) offsets(%dma_start3A_651 : memref<128xi32, #tpu.memory_space<vmem>>) semaphore(%arg17 : memref<!tpu.dma_semaphore, #tpu.memory_space<semaphore_mem>>)
      %dma_start3A_655 = arith.constant 384 : i32
      %dma_start3A_656 = arith.constant 0 : i32
      %dma_start3A_657 = tpu.memref_slice %arg13[%dma_start3A_655, %dma_start3A_656] : memref<512x16xf32, #tpu.memory_space<vmem>> -> memref<128x16xf32, #tpu.memory_space<vmem>>
      %dma_start3A_658 = arith.constant 896 : i32
      %dma_start3A_659 = tpu.memref_slice %arg8[%dma_start3A_658] : memref<1024xi32, #tpu.memory_space<vmem>> -> memref<128xi32, #tpu.memory_space<vmem>>
      %dma_start3A_660 = arith.constant 0 : i32
      %dma_start3A_661 = arith.constant 0 : i32
      %dma_start3A_662 = tpu.memref_slice %arg4[%dma_start3A_660, %dma_start3A_661] : memref<62500x16xf32, #tpu.memory_space<hbm>> -> memref<62500x16xf32, #tpu.memory_space<hbm>>
      tpu.enqueue_indirect_dma source(%dma_start3A_662 : memref<62500x16xf32, #tpu.memory_space<hbm>>) target(%dma_start3A_657 : memref<128x16xf32, #tpu.memory_space<vmem>>) offsets(%dma_start3A_659 : memref<128xi32, #tpu.memory_space<vmem>>) semaphore(%arg17 : memref<!tpu.dma_semaphore, #tpu.memory_space<semaphore_mem>>)
      %scan3A_663 = arith.constant 0 : i32
      scf.yield %scan3A_663 : i32
    }
    %scan3A_189 = arith.constant 25 : i32
    %dma_wait3A = arith.constant 0 : i32
    %dma_wait3A_190 = arith.constant 0 : i32
    %dma_wait3A_191 = tpu.memref_slice %arg10[%dma_wait3A, %dma_wait3A_190] : memref<512x16xi32, #tpu.memory_space<vmem>> -> memref<128x16xi32, #tpu.memory_space<vmem>>
    %dma_wait3A_192 = arith.constant 0 : i32
    %dma_wait3A_193 = tpu.memref_slice %arg9[%dma_wait3A_192] : memref<1024xi32, #tpu.memory_space<vmem>> -> memref<128xi32, #tpu.memory_space<vmem>>
    %dma_wait3A_194 = arith.constant 0 : i32
    %dma_wait3A_195 = arith.constant 0 : i32
    %dma_wait3A_196 = tpu.memref_slice %arg3[%dma_wait3A_194, %dma_wait3A_195] : memref<500000x16xi32, #tpu.memory_space<hbm>> -> memref<500000x16xi32, #tpu.memory_space<hbm>>
    tpu.wait_indirect_dma semaphore(%arg16 : memref<!tpu.dma_semaphore, #tpu.memory_space<semaphore_mem>>) src(%dma_wait3A_196 : memref<500000x16xi32, #tpu.memory_space<hbm>>) dst(%dma_wait3A_191 : memref<128x16xi32, #tpu.memory_space<vmem>>)
    %dma_wait3A_197 = arith.constant 128 : i32
    %dma_wait3A_198 = arith.constant 0 : i32
    %dma_wait3A_199 = tpu.memref_slice %arg10[%dma_wait3A_197, %dma_wait3A_198] : memref<512x16xi32, #tpu.memory_space<vmem>> -> memref<128x16xi32, #tpu.memory_space<vmem>>
    %dma_wait3A_200 = arith.constant 128 : i32
    %dma_wait3A_201 = tpu.memref_slice %arg9[%dma_wait3A_200] : memref<1024xi32, #tpu.memory_space<vmem>> -> memref<128xi32, #tpu.memory_space<vmem>>
    %dma_wait3A_202 = arith.constant 0 : i32
    %dma_wait3A_203 = arith.constant 0 : i32
    %dma_wait3A_204 = tpu.memref_slice %arg3[%dma_wait3A_202, %dma_wait3A_203] : memref<500000x16xi32, #tpu.memory_space<hbm>> -> memref<500000x16xi32, #tpu.memory_space<hbm>>
    tpu.wait_indirect_dma semaphore(%arg16 : memref<!tpu.dma_semaphore, #tpu.memory_space<semaphore_mem>>) src(%dma_wait3A_204 : memref<500000x16xi32, #tpu.memory_space<hbm>>) dst(%dma_wait3A_199 : memref<128x16xi32, #tpu.memory_space<vmem>>)
    %dma_wait3A_205 = arith.constant 256 : i32
    %dma_wait3A_206 = arith.constant 0 : i32
    %dma_wait3A_207 = tpu.memref_slice %arg10[%dma_wait3A_205, %dma_wait3A_206] : memref<512x16xi32, #tpu.memory_space<vmem>> -> memref<128x16xi32, #tpu.memory_space<vmem>>
    %dma_wait3A_208 = arith.constant 256 : i32
    %dma_wait3A_209 = tpu.memref_slice %arg9[%dma_wait3A_208] : memref<1024xi32, #tpu.memory_space<vmem>> -> memref<128xi32, #tpu.memory_space<vmem>>
    %dma_wait3A_210 = arith.constant 0 : i32
    %dma_wait3A_211 = arith.constant 0 : i32
    %dma_wait3A_212 = tpu.memref_slice %arg3[%dma_wait3A_210, %dma_wait3A_211] : memref<500000x16xi32, #tpu.memory_space<hbm>> -> memref<500000x16xi32, #tpu.memory_space<hbm>>
    tpu.wait_indirect_dma semaphore(%arg16 : memref<!tpu.dma_semaphore, #tpu.memory_space<semaphore_mem>>) src(%dma_wait3A_212 : memref<500000x16xi32, #tpu.memory_space<hbm>>) dst(%dma_wait3A_207 : memref<128x16xi32, #tpu.memory_space<vmem>>)
    %dma_wait3A_213 = arith.constant 384 : i32
    %dma_wait3A_214 = arith.constant 0 : i32
    %dma_wait3A_215 = tpu.memref_slice %arg10[%dma_wait3A_213, %dma_wait3A_214] : memref<512x16xi32, #tpu.memory_space<vmem>> -> memref<128x16xi32, #tpu.memory_space<vmem>>
    %dma_wait3A_216 = arith.constant 384 : i32
    %dma_wait3A_217 = tpu.memref_slice %arg9[%dma_wait3A_216] : memref<1024xi32, #tpu.memory_space<vmem>> -> memref<128xi32, #tpu.memory_space<vmem>>
    %dma_wait3A_218 = arith.constant 0 : i32
    %dma_wait3A_219 = arith.constant 0 : i32
    %dma_wait3A_220 = tpu.memref_slice %arg3[%dma_wait3A_218, %dma_wait3A_219] : memref<500000x16xi32, #tpu.memory_space<hbm>> -> memref<500000x16xi32, #tpu.memory_space<hbm>>
    tpu.wait_indirect_dma semaphore(%arg16 : memref<!tpu.dma_semaphore, #tpu.memory_space<semaphore_mem>>) src(%dma_wait3A_220 : memref<500000x16xi32, #tpu.memory_space<hbm>>) dst(%dma_wait3A_215 : memref<128x16xi32, #tpu.memory_space<vmem>>)
    %dma_wait3A_221 = arith.constant 0 : i32
    %dma_wait3A_222 = arith.constant 0 : i32
    %dma_wait3A_223 = tpu.memref_slice %arg12[%dma_wait3A_221, %dma_wait3A_222] : memref<512x16xf32, #tpu.memory_space<vmem>> -> memref<128x16xf32, #tpu.memory_space<vmem>>
    %dma_wait3A_224 = arith.constant 0 : i32
    %dma_wait3A_225 = tpu.memref_slice %arg8[%dma_wait3A_224] : memref<1024xi32, #tpu.memory_space<vmem>> -> memref<128xi32, #tpu.memory_space<vmem>>
    %dma_wait3A_226 = arith.constant 0 : i32
    %dma_wait3A_227 = arith.constant 0 : i32
    %dma_wait3A_228 = tpu.memref_slice %arg4[%dma_wait3A_226, %dma_wait3A_227] : memref<62500x16xf32, #tpu.memory_space<hbm>> -> memref<62500x16xf32, #tpu.memory_space<hbm>>
    tpu.wait_indirect_dma semaphore(%arg16 : memref<!tpu.dma_semaphore, #tpu.memory_space<semaphore_mem>>) src(%dma_wait3A_228 : memref<62500x16xf32, #tpu.memory_space<hbm>>) dst(%dma_wait3A_223 : memref<128x16xf32, #tpu.memory_space<vmem>>)
    %dma_wait3A_229 = arith.constant 128 : i32
    %dma_wait3A_230 = arith.constant 0 : i32
    %dma_wait3A_231 = tpu.memref_slice %arg12[%dma_wait3A_229, %dma_wait3A_230] : memref<512x16xf32, #tpu.memory_space<vmem>> -> memref<128x16xf32, #tpu.memory_space<vmem>>
    %dma_wait3A_232 = arith.constant 128 : i32
    %dma_wait3A_233 = tpu.memref_slice %arg8[%dma_wait3A_232] : memref<1024xi32, #tpu.memory_space<vmem>> -> memref<128xi32, #tpu.memory_space<vmem>>
    %dma_wait3A_234 = arith.constant 0 : i32
    %dma_wait3A_235 = arith.constant 0 : i32
    %dma_wait3A_236 = tpu.memref_slice %arg4[%dma_wait3A_234, %dma_wait3A_235] : memref<62500x16xf32, #tpu.memory_space<hbm>> -> memref<62500x16xf32, #tpu.memory_space<hbm>>
    tpu.wait_indirect_dma semaphore(%arg16 : memref<!tpu.dma_semaphore, #tpu.memory_space<semaphore_mem>>) src(%dma_wait3A_236 : memref<62500x16xf32, #tpu.memory_space<hbm>>) dst(%dma_wait3A_231 : memref<128x16xf32, #tpu.memory_space<vmem>>)
    %dma_wait3A_237 = arith.constant 256 : i32
    %dma_wait3A_238 = arith.constant 0 : i32
    %dma_wait3A_239 = tpu.memref_slice %arg12[%dma_wait3A_237, %dma_wait3A_238] : memref<512x16xf32, #tpu.memory_space<vmem>> -> memref<128x16xf32, #tpu.memory_space<vmem>>
    %dma_wait3A_240 = arith.constant 256 : i32
    %dma_wait3A_241 = tpu.memref_slice %arg8[%dma_wait3A_240] : memref<1024xi32, #tpu.memory_space<vmem>> -> memref<128xi32, #tpu.memory_space<vmem>>
    %dma_wait3A_242 = arith.constant 0 : i32
    %dma_wait3A_243 = arith.constant 0 : i32
    %dma_wait3A_244 = tpu.memref_slice %arg4[%dma_wait3A_242, %dma_wait3A_243] : memref<62500x16xf32, #tpu.memory_space<hbm>> -> memref<62500x16xf32, #tpu.memory_space<hbm>>
    tpu.wait_indirect_dma semaphore(%arg16 : memref<!tpu.dma_semaphore, #tpu.memory_space<semaphore_mem>>) src(%dma_wait3A_244 : memref<62500x16xf32, #tpu.memory_space<hbm>>) dst(%dma_wait3A_239 : memref<128x16xf32, #tpu.memory_space<vmem>>)
    %dma_wait3A_245 = arith.constant 384 : i32
    %dma_wait3A_246 = arith.constant 0 : i32
    %dma_wait3A_247 = tpu.memref_slice %arg12[%dma_wait3A_245, %dma_wait3A_246] : memref<512x16xf32, #tpu.memory_space<vmem>> -> memref<128x16xf32, #tpu.memory_space<vmem>>
    %dma_wait3A_248 = arith.constant 384 : i32
    %dma_wait3A_249 = tpu.memref_slice %arg8[%dma_wait3A_248] : memref<1024xi32, #tpu.memory_space<vmem>> -> memref<128xi32, #tpu.memory_space<vmem>>
    %dma_wait3A_250 = arith.constant 0 : i32
    %dma_wait3A_251 = arith.constant 0 : i32
    %dma_wait3A_252 = tpu.memref_slice %arg4[%dma_wait3A_250, %dma_wait3A_251] : memref<62500x16xf32, #tpu.memory_space<hbm>> -> memref<62500x16xf32, #tpu.memory_space<hbm>>
    tpu.wait_indirect_dma semaphore(%arg16 : memref<!tpu.dma_semaphore, #tpu.memory_space<semaphore_mem>>) src(%dma_wait3A_252 : memref<62500x16xf32, #tpu.memory_space<hbm>>) dst(%dma_wait3A_247 : memref<128x16xf32, #tpu.memory_space<vmem>>)
    %dma_wait3A_253 = arith.constant 0 : i32
    %dma_wait3A_254 = arith.constant 0 : i32
    %dma_wait3A_255 = tpu.memref_slice %arg11[%dma_wait3A_253, %dma_wait3A_254] : memref<512x16xi32, #tpu.memory_space<vmem>> -> memref<128x16xi32, #tpu.memory_space<vmem>>
    %dma_wait3A_256 = arith.constant 512 : i32
    %dma_wait3A_257 = tpu.memref_slice %arg9[%dma_wait3A_256] : memref<1024xi32, #tpu.memory_space<vmem>> -> memref<128xi32, #tpu.memory_space<vmem>>
    %dma_wait3A_258 = arith.constant 0 : i32
    %dma_wait3A_259 = arith.constant 0 : i32
    %dma_wait3A_260 = tpu.memref_slice %arg3[%dma_wait3A_258, %dma_wait3A_259] : memref<500000x16xi32, #tpu.memory_space<hbm>> -> memref<500000x16xi32, #tpu.memory_space<hbm>>
    tpu.wait_indirect_dma semaphore(%arg17 : memref<!tpu.dma_semaphore, #tpu.memory_space<semaphore_mem>>) src(%dma_wait3A_260 : memref<500000x16xi32, #tpu.memory_space<hbm>>) dst(%dma_wait3A_255 : memref<128x16xi32, #tpu.memory_space<vmem>>)
    %dma_wait3A_261 = arith.constant 128 : i32
    %dma_wait3A_262 = arith.constant 0 : i32
    %dma_wait3A_263 = tpu.memref_slice %arg11[%dma_wait3A_261, %dma_wait3A_262] : memref<512x16xi32, #tpu.memory_space<vmem>> -> memref<128x16xi32, #tpu.memory_space<vmem>>
    %dma_wait3A_264 = arith.constant 640 : i32
    %dma_wait3A_265 = tpu.memref_slice %arg9[%dma_wait3A_264] : memref<1024xi32, #tpu.memory_space<vmem>> -> memref<128xi32, #tpu.memory_space<vmem>>
    %dma_wait3A_266 = arith.constant 0 : i32
    %dma_wait3A_267 = arith.constant 0 : i32
    %dma_wait3A_268 = tpu.memref_slice %arg3[%dma_wait3A_266, %dma_wait3A_267] : memref<500000x16xi32, #tpu.memory_space<hbm>> -> memref<500000x16xi32, #tpu.memory_space<hbm>>
    tpu.wait_indirect_dma semaphore(%arg17 : memref<!tpu.dma_semaphore, #tpu.memory_space<semaphore_mem>>) src(%dma_wait3A_268 : memref<500000x16xi32, #tpu.memory_space<hbm>>) dst(%dma_wait3A_263 : memref<128x16xi32, #tpu.memory_space<vmem>>)
    %dma_wait3A_269 = arith.constant 256 : i32
    %dma_wait3A_270 = arith.constant 0 : i32
    %dma_wait3A_271 = tpu.memref_slice %arg11[%dma_wait3A_269, %dma_wait3A_270] : memref<512x16xi32, #tpu.memory_space<vmem>> -> memref<128x16xi32, #tpu.memory_space<vmem>>
    %dma_wait3A_272 = arith.constant 768 : i32
    %dma_wait3A_273 = tpu.memref_slice %arg9[%dma_wait3A_272] : memref<1024xi32, #tpu.memory_space<vmem>> -> memref<128xi32, #tpu.memory_space<vmem>>
    %dma_wait3A_274 = arith.constant 0 : i32
    %dma_wait3A_275 = arith.constant 0 : i32
    %dma_wait3A_276 = tpu.memref_slice %arg3[%dma_wait3A_274, %dma_wait3A_275] : memref<500000x16xi32, #tpu.memory_space<hbm>> -> memref<500000x16xi32, #tpu.memory_space<hbm>>
    tpu.wait_indirect_dma semaphore(%arg17 : memref<!tpu.dma_semaphore, #tpu.memory_space<semaphore_mem>>) src(%dma_wait3A_276 : memref<500000x16xi32, #tpu.memory_space<hbm>>) dst(%dma_wait3A_271 : memref<128x16xi32, #tpu.memory_space<vmem>>)
    %dma_wait3A_277 = arith.constant 384 : i32
    %dma_wait3A_278 = arith.constant 0 : i32
    %dma_wait3A_279 = tpu.memref_slice %arg11[%dma_wait3A_277, %dma_wait3A_278] : memref<512x16xi32, #tpu.memory_space<vmem>> -> memref<128x16xi32, #tpu.memory_space<vmem>>
    %dma_wait3A_280 = arith.constant 896 : i32
    %dma_wait3A_281 = tpu.memref_slice %arg9[%dma_wait3A_280] : memref<1024xi32, #tpu.memory_space<vmem>> -> memref<128xi32, #tpu.memory_space<vmem>>
    %dma_wait3A_282 = arith.constant 0 : i32
    %dma_wait3A_283 = arith.constant 0 : i32
    %dma_wait3A_284 = tpu.memref_slice %arg3[%dma_wait3A_282, %dma_wait3A_283] : memref<500000x16xi32, #tpu.memory_space<hbm>> -> memref<500000x16xi32, #tpu.memory_space<hbm>>
    tpu.wait_indirect_dma semaphore(%arg17 : memref<!tpu.dma_semaphore, #tpu.memory_space<semaphore_mem>>) src(%dma_wait3A_284 : memref<500000x16xi32, #tpu.memory_space<hbm>>) dst(%dma_wait3A_279 : memref<128x16xi32, #tpu.memory_space<vmem>>)
    %dma_wait3A_285 = arith.constant 0 : i32
    %dma_wait3A_286 = arith.constant 0 : i32
    %dma_wait3A_287 = tpu.memref_slice %arg13[%dma_wait3A_285, %dma_wait3A_286] : memref<512x16xf32, #tpu.memory_space<vmem>> -> memref<128x16xf32, #tpu.memory_space<vmem>>
    %dma_wait3A_288 = arith.constant 512 : i32
    %dma_wait3A_289 = tpu.memref_slice %arg8[%dma_wait3A_288] : memref<1024xi32, #tpu.memory_space<vmem>> -> memref<128xi32, #tpu.memory_space<vmem>>
    %dma_wait3A_290 = arith.constant 0 : i32
    %dma_wait3A_291 = arith.constant 0 : i32
    %dma_wait3A_292 = tpu.memref_slice %arg4[%dma_wait3A_290, %dma_wait3A_291] : memref<62500x16xf32, #tpu.memory_space<hbm>> -> memref<62500x16xf32, #tpu.memory_space<hbm>>
    tpu.wait_indirect_dma semaphore(%arg17 : memref<!tpu.dma_semaphore, #tpu.memory_space<semaphore_mem>>) src(%dma_wait3A_292 : memref<62500x16xf32, #tpu.memory_space<hbm>>) dst(%dma_wait3A_287 : memref<128x16xf32, #tpu.memory_space<vmem>>)
    %dma_wait3A_293 = arith.constant 128 : i32
    %dma_wait3A_294 = arith.constant 0 : i32
    %dma_wait3A_295 = tpu.memref_slice %arg13[%dma_wait3A_293, %dma_wait3A_294] : memref<512x16xf32, #tpu.memory_space<vmem>> -> memref<128x16xf32, #tpu.memory_space<vmem>>
    %dma_wait3A_296 = arith.constant 640 : i32
    %dma_wait3A_297 = tpu.memref_slice %arg8[%dma_wait3A_296] : memref<1024xi32, #tpu.memory_space<vmem>> -> memref<128xi32, #tpu.memory_space<vmem>>
    %dma_wait3A_298 = arith.constant 0 : i32
    %dma_wait3A_299 = arith.constant 0 : i32
    %dma_wait3A_300 = tpu.memref_slice %arg4[%dma_wait3A_298, %dma_wait3A_299] : memref<62500x16xf32, #tpu.memory_space<hbm>> -> memref<62500x16xf32, #tpu.memory_space<hbm>>
    tpu.wait_indirect_dma semaphore(%arg17 : memref<!tpu.dma_semaphore, #tpu.memory_space<semaphore_mem>>) src(%dma_wait3A_300 : memref<62500x16xf32, #tpu.memory_space<hbm>>) dst(%dma_wait3A_295 : memref<128x16xf32, #tpu.memory_space<vmem>>)
    %dma_wait3A_301 = arith.constant 256 : i32
    %dma_wait3A_302 = arith.constant 0 : i32
    %dma_wait3A_303 = tpu.memref_slice %arg13[%dma_wait3A_301, %dma_wait3A_302] : memref<512x16xf32, #tpu.memory_space<vmem>> -> memref<128x16xf32, #tpu.memory_space<vmem>>
    %dma_wait3A_304 = arith.constant 768 : i32
    %dma_wait3A_305 = tpu.memref_slice %arg8[%dma_wait3A_304] : memref<1024xi32, #tpu.memory_space<vmem>> -> memref<128xi32, #tpu.memory_space<vmem>>
    %dma_wait3A_306 = arith.constant 0 : i32
    %dma_wait3A_307 = arith.constant 0 : i32
    %dma_wait3A_308 = tpu.memref_slice %arg4[%dma_wait3A_306, %dma_wait3A_307] : memref<62500x16xf32, #tpu.memory_space<hbm>> -> memref<62500x16xf32, #tpu.memory_space<hbm>>
    tpu.wait_indirect_dma semaphore(%arg17 : memref<!tpu.dma_semaphore, #tpu.memory_space<semaphore_mem>>) src(%dma_wait3A_308 : memref<62500x16xf32, #tpu.memory_space<hbm>>) dst(%dma_wait3A_303 : memref<128x16xf32, #tpu.memory_space<vmem>>)
    %dma_wait3A_309 = arith.constant 384 : i32
    %dma_wait3A_310 = arith.constant 0 : i32
    %dma_wait3A_311 = tpu.memref_slice %arg13[%dma_wait3A_309, %dma_wait3A_310] : memref<512x16xf32, #tpu.memory_space<vmem>> -> memref<128x16xf32, #tpu.memory_space<vmem>>
    %dma_wait3A_312 = arith.constant 896 : i32
    %dma_wait3A_313 = tpu.memref_slice %arg8[%dma_wait3A_312] : memref<1024xi32, #tpu.memory_space<vmem>> -> memref<128xi32, #tpu.memory_space<vmem>>
    %dma_wait3A_314 = arith.constant 0 : i32
    %dma_wait3A_315 = arith.constant 0 : i32
    %dma_wait3A_316 = tpu.memref_slice %arg4[%dma_wait3A_314, %dma_wait3A_315] : memref<62500x16xf32, #tpu.memory_space<hbm>> -> memref<62500x16xf32, #tpu.memory_space<hbm>>
    tpu.wait_indirect_dma semaphore(%arg17 : memref<!tpu.dma_semaphore, #tpu.memory_space<semaphore_mem>>) src(%dma_wait3A_316 : memref<62500x16xf32, #tpu.memory_space<hbm>>) dst(%dma_wait3A_311 : memref<128x16xf32, #tpu.memory_space<vmem>>)
    %add3A_317 = arith.constant 0 : i32
    %add3A_318 = arith.addi %mul3A_2, %add3A_317 : i32
    %mul3A_319 = arith.constant 64 : i32
    %mul3A_320 = arith.muli %add3A_318, %mul3A_319 : i32
    %multiple_of3A_321 = tpu.assume_multiple %mul3A_320, 8 : i32
    %dma_wait3A_322 = tpu.memref_slice %arg5[%multiple_of3A_321] : memref<52428800xf32, #tpu.memory_space<hbm>> -> memref<32768xf32, #tpu.memory_space<hbm>>
    %dma_wait3A_323 = tpu.memref_slice %arg5[%multiple_of3A_321] : memref<52428800xf32, #tpu.memory_space<hbm>> -> memref<32768xf32, #tpu.memory_space<hbm>>
    tpu.wait_dma2 semaphore(%arg18 : memref<!tpu.dma_semaphore, #tpu.memory_space<semaphore_mem>>) src(%arg14 : memref<32768xf32, #tpu.memory_space<vmem>>) dst(%dma_wait3A_323 : memref<32768xf32, #tpu.memory_space<hbm>>)
    %add3A_324 = arith.constant 0 : i32
    %add3A_325 = arith.addi %mul3A_2, %add3A_324 : i32
    %mul3A_326 = arith.constant 64 : i32
    %mul3A_327 = arith.muli %add3A_325, %mul3A_326 : i32
    %multiple_of3A_328 = tpu.assume_multiple %mul3A_327, 8 : i32
    %dma_wait3A_329 = tpu.memref_slice %arg5[%multiple_of3A_328] : memref<52428800xf32, #tpu.memory_space<hbm>> -> memref<32768xf32, #tpu.memory_space<hbm>>
    %dma_wait3A_330 = tpu.memref_slice %arg5[%multiple_of3A_328] : memref<52428800xf32, #tpu.memory_space<hbm>> -> memref<32768xf32, #tpu.memory_space<hbm>>
    tpu.wait_dma2 semaphore(%arg19 : memref<!tpu.dma_semaphore, #tpu.memory_space<semaphore_mem>>) src(%arg15 : memref<32768xf32, #tpu.memory_space<vmem>>) dst(%dma_wait3A_330 : memref<32768xf32, #tpu.memory_space<hbm>>)
    return
  }
}

</mosaic_0001>

<sc_bundles>
// kernel: _lookup.3.cloned.1.call-start
scs
__scs_entry_jumppad:
0x0: {  	(pc) =	sbr.rel $0x88, $3  }
0x1: {  	(tag) =	ssettag $0x0;
	lr =	simm.s32 $0x1  }
0x2: {  	[smem:$0x3F9E] =	sst lr;
	_ =	strace $0xD0000000  }
0x3: {  	_ = 	snop  }
0x4: {  	_ = 	snop  }
0x5: {  	_ = 	snop  }
0x6: {  	_ = 	snop  }
0x7: {  	_ = 	snop  }
__scs_overlays_trampoline_lowered:
0x8: {  	[smem:$0x3FAD] =	sst s0  }
0x9: {  	[smem:$0x3FAE] =	sst s1  }
0xa: {  	[smem:$0x3FAF] =	sst s2  }
0xb: {  	[smem:$0x3FB0] =	sst s3  }
0xc: {  	[smem:$0x3FB1] =	sst s4  }
0xd: {  	[smem:$0x3FB2] =	sst s5  }
0xe: {  	[smem:$0x3FB3] =	sst s6  }
0xf: {  	[smem:$0x3FB4] =	sst s7  }
0x10: {  	[smem:$0x3FB5] =	sst s8  }
0x11: {  	[smem:$0x3FB6] =	sst s9;
	s0 =	simm.s32 @!p0 $0x0  }
0x12: {  	s1 =	sld [smem:$0x3F9C];
	s0 =	simm.s32 @p0 $0x1  }
0x13: {  	[smem:$0x3FB7] =	sst s0;
	s0 =	simm.s32 @!p1 $0x0  }
0x14: {  	s2 =	sld [smem:$0x3F9B];
	s0 =	simm.s32 @p1 $0x1  }
0x15: {  	[smem:$0x3FB8] =	sst s0;
	s0 =	simm.s32 @!p2 $0x0  }
0x16: {  	s3 =	sld [smem:$0x3FDB];
	s0 =	simm.s32 @p2 $0x1  }
0x17: {  	s4 =	simm.s32 $0x1BF5;
	[smem:$0x3FBA] =	sst s0  }
0x18: {  	s0 =	sld [smem:$0x3F9D];
	_ =	swait.ge [sflag:s4], $0x0  }
0x19: {  	s7 =	sld [smem:$0x3F9E]  }
0x1a: {  	s8 =	sadd.s32 $0xFFFFE003, lr  }
0x1b: {  	s9 =	sadd.s32 $0xFFFFFEF7, lr;
	s5 =	simm.s32 $0xFFFFFFFF;
	p2 =	slt.u32 s8, $0xFFFFF086  }
0x1c: {  	p1 =	slt.u32 s9, $0xF7A;
	s5 =	simm.s32 @!p2 $0x0  }
0x1d: {  	s5 =	simm.s32 @p1 $0x1;
	p0 =	seq.s32 s7, s2  }
0x1e: {  	s7 =	smul.u32 @!p0 $0xF7A, s2;
	p2 =	seq.s32 @!p0 s5, $0x0  }
0x1f: {  	s9 =	smul.u32 $0xF7A, s1;
	s8 =	simm.s32 @!p0 $0x1BF5;
	p2 =	por !p2, p0  }
0x20: {  	[sflag:s8] =	ssyncset.s32 @!p0 $0xFFFFF086;
	s6 =	sadd.s32 @!p0 s3, s7;
	s7 =	simm.s32 @!p0 $0x108  }
0x21: {  	s3 =	sadd.s32 s3, s9;
	s6 =	sadd.s32 @!p0 $0x88, s6;
	s7 =	simm.s32 @p2 $0x1082  }
0x22: {  	[simem:s7], [sflag:s8] =	dma.local @!p0 [hbm:s6], $0xF7A  }
0x23: {  	s9 =	sor.u32 $0xD0000000, s2;
	s6 =	simm.s32 $0x108;
	_ =	swait.ge @!p0 [sflag:s8], $0x0  }
0x24: {  	s3 =	sadd.s32 $0x88, s3;
	s6 =	simm.s32 @!p1 $0x1082;
	[sflag:s4] =	ssyncset.s32 $0xFFFFF086  }
0x25: {  	[simem:s6], [sflag:s4] =	dma.local [hbm:s3], $0xF7A  }
0x26: {  	[smem:$0x3F9E] =	sst s1;
	(tag) =	ssettag s2;
	_ =	strace s9  }
0x27: {  	s1 =	sld [smem:$0x3FAE]  }
0x28: {  	s2 =	sld [smem:$0x3FAF]  }
0x29: {  	s4 =	sld [smem:$0x3FB1]  }
0x2a: {  	p0 =	seq.s32 s5, $0x0;
	s5 =	sld [smem:$0x3FB2]  }
0x2b: {  	s6 =	sld [smem:$0x3FB3]  }
0x2c: {  	s7 =	sld [smem:$0x3FB4]  }
0x2d: {  	s3 =	simm.s32 $0x108;
	s8 =	sld [smem:$0x3FB5]  }
0x2e: {  	s3 =	simm.s32 @!p0 $0x1082;
	s9 =	sld [smem:$0x3FB6]  }
0x2f: {  	lr =	sadd.s32 s0, s3;
	s0 =	sld [smem:$0x3FAD]  }
0x30: {  	s3 =	sld [smem:$0x3FB0]  }
0x31: {  	[smem:$0x3FB9] =	sst s10  }
0x32: {  	s10 =	sld [smem:$0x3FB7];
	_ =	sdelay $0x3  }
0x33: {  	p0 =	seq.s32 s10, $0x1;
	s10 =	sld [smem:$0x3FB9];
	_ =	sdelay $0x3  }
0x34: {  	[smem:$0x3FB9] =	sst s10  }
0x35: {  	s10 =	sld [smem:$0x3FB8];
	_ =	sdelay $0x3  }
0x36: {  	p1 =	seq.s32 s10, $0x1;
	s10 =	sld [smem:$0x3FB9];
	_ =	sdelay $0x3  }
0x37: {  	[smem:$0x3FB9] =	sst s10  }
0x38: {  	s10 =	sld [smem:$0x3FBA]  }
0x39: {  	_ = 	snop;
	(pc) =	sbr.ind lr, $3  }
0x3a: {  	_ = 	snop  }
0x3b: {  	_ = 	snop  }
0x3c: {  	p2 =	seq.s32 s10, $0x1;
	s10 =	sld [smem:$0x3FB9]  }
0x3d: {  	_ =	shalt  }
0x3e: {  	_ =	shalt  }
0x3f: {  	_ =	shalt  }
0x40: {  	_ =	shalt  }
0x41: {  	_ =	shalt  }
0x42: {  	_ =	shalt  }
0x43: {  	_ =	shalt  }
0x44: {  	_ =	shalt  }
0x45: {  	_ =	shalt  }
0x46: {  	_ =	shalt  }
0x47: {  	_ =	shalt  }
0x48: {  	_ =	shalt  }
0x49: {  	_ =	shalt  }
0x4a: {  	_ =	shalt  }
0x4b: {  	_ =	shalt  }
0x4c: {  	_ =	shalt  }
0x4d: {  	_ =	shalt  }
0x4e: {  	_ =	shalt  }
0x4f: {  	_ =	shalt  }
0x50: {  	_ =	shalt  }
0x51: {  	_ =	shalt  }
0x52: {  	_ =	shalt  }
0x53: {  	_ =	shalt  }
0x54: {  	_ =	shalt  }
0x55: {  	_ =	shalt  }
0x56: {  	_ =	shalt  }
0x57: {  	_ =	shalt  }
0x58: {  	_ =	shalt  }
0x59: {  	_ =	shalt  }
0x5a: {  	_ =	shalt  }
0x5b: {  	_ =	shalt  }
0x5c: {  	_ =	shalt  }
0x5d: {  	_ =	shalt  }
0x5e: {  	_ =	shalt  }
0x5f: {  	_ =	shalt  }
0x60: {  	_ =	shalt  }
0x61: {  	_ =	shalt  }
0x62: {  	_ =	shalt  }
0x63: {  	_ =	shalt  }
0x64: {  	_ =	shalt  }
0x65: {  	_ =	shalt  }
0x66: {  	_ =	shalt  }
0x67: {  	_ =	shalt  }
0x68: {  	_ =	shalt  }
0x69: {  	_ =	shalt  }
0x6a: {  	_ =	shalt  }
0x6b: {  	_ =	shalt  }
0x6c: {  	_ =	shalt  }
0x6d: {  	_ =	shalt  }
0x6e: {  	_ =	shalt  }
0x6f: {  	_ =	shalt  }
0x70: {  	_ =	shalt  }
0x71: {  	_ =	shalt  }
0x72: {  	_ =	shalt  }
0x73: {  	_ =	shalt  }
0x74: {  	_ =	shalt  }
0x75: {  	_ =	shalt  }
0x76: {  	_ =	shalt  }
0x77: {  	_ =	shalt  }
0x78: {  	_ =	shalt  }
0x79: {  	_ =	shalt  }
0x7a: {  	_ =	shalt  }
0x7b: {  	_ =	shalt  }
0x7c: {  	_ =	shalt  }
0x7d: {  	_ =	shalt  }
0x7e: {  	_ =	shalt  }
0x7f: {  	_ =	shalt  }
0x80: {  	_ =	shalt  }
0x81: {  	_ =	shalt  }
0x82: {  	_ =	shalt  }
0x83: {  	_ =	shalt  }
0x84: {  	_ =	shalt  }
0x85: {  	_ =	shalt  }
0x86: {  	_ =	shalt  }
0x87: {  	_ =	shalt  }
.Lfunc_end0:
.L_simem_size_0:
called_computation_lowered:
.L_overlay_start_0:
0x88: {  	s2 =	sld [smem:$0x3FD9]  }
0x89: {  	s3 =	sld [smem:$0x3FFE];
	_ =	sdelay $0x1  }
0x8a: {  	s1 =	srdreg.scid  }
0x8b: {  	s0 =	sand.u32 $0x1, s1  }
0x8c: {  	s17 =	sshll.u32 s0, $0xA;
	s2 =	sadd.s32 s3, s2  }
0x8d: {  	s2 =	sadd.s32 s2, s17  }
0x8e: {  	[smem:$0x3FC5] =	sst s2  }
0x8f: {  	_ = 	snop  }
0x90: {  	s2 =	sld [smem:$0x3FC9]  }
0x91: {  	s18 =	sld [smem:$0x3FD0];
	(tm) =	ssettm $0x1  }
0x92: {  	s4 =	sld [smem:$0x3FFB];
	_ =	sdelay $0x3  }
0x93: {  	_ =	strace s4  }
0x94: {  	s4 =	sld [smem:$0x3FFC];
	_ =	sdelay $0x3  }
0x95: {  	_ =	strace s4  }
0x96: {  	s4 =	sld [smem:$0x3FFD];
	_ =	sdelay $0x3  }
0x97: {  	_ =	strace s4  }
0x98: {  	_ =	strace $0x8FFFFFFF  }
0x99: {  	s19 =	sld [smem:$0x3FDB];
	_ =	sdelay $0x1  }
0x9a: {  	s5 =	simm.s32 $_scs_section_size  }
0x9b: {  	s6 =	simm.s32 $_size__tile_overlayer_lowered;
	s7 =	simm.s32 $_tile_overlayer_lowered  }
0x9c: {  	s22 =	simm.s32 $0x1BFF;
	s21 =	sshll.u32 s7, $0x1;
	s4 =	sadd.s32 s5, s19  }
0x9d: {  	s8 =	simm.s32 $0x0;
	s20 =	sshll.u32 s6, $0x1;
	s6 =	sadd.s32 s21, s4  }
0x9e: {  	[timem:s8], [sflag:s22] =	dma.local [hbm:s6], s20  }
0x9f: {  	_ =	swait.ge [sflag:s22], s20  }
0xa0: {  	s5 =	ssub.s32 $0x0, s20;
	[sflag:s22] =	ssyncset.done $0x0  }
0xa1: {  	[sflag:s22] =	ssyncadd.s32 s5;
	_ =	sdelay $0x1  }
0xa2: {  	s23 =	simm.s32 $0x1B8B  }
0xa3: {  	_ =	swait.ge [sflag:s23], $0x1  }
0xa4: {  	[sflag:s23] =	ssyncset.done $0x0  }
0xa5: {  	s25 =	simm.s32 $0x1B8E;
	s24 =	sld [smem:$0x3FFE];
	[sflag:s23] =	ssyncadd.s32 $0xFFFFFFFF  }
0xa6: {  	s26 =	simm.s32 $execute0_lowered;
	[smem:$0x3FD2] =	sst s25  }
0xa7: {  	s6 =	sshll.u32 s26, $0x1;
	_ =	strace $0x80000046;
	[dreg:$0x1] =	wrdreg $0xFFFFFFFF  }
0xa8: {  	s28 =	simm.s32 $_size_execute0_lowered;
	s4 =	sadd.s32 s4, s6;
	[dreg:$0x0] =	wrdreg $0x0  }
0xa9: {  	s6 =	sshll.u32 s28, $0x1;
	[dreg:$0x2] =	wrdreg s4  }
0xaa: {  	[dreg:$0x3] =	wrdreg s6  }
0xab: {  	[dreg:$0x4] =	wrdreg $0xC0  }
0xac: {  	_ =	task [dreg:s8], $0x5FFFF  }
0xad: {  	[dreg:$0x1] =	wrdreg $0xFFFFFFFF  }
0xae: {  	[dreg:$0x0] =	wrdreg $0x60  }
0xaf: {  	[dreg:$0x2] =	wrdreg s2  }
0xb0: {  	[dreg:$0x3] =	wrdreg s24  }
0xb1: {  	[dreg:$0x4] =	wrdreg s18  }
0xb2: {  	[dreg:$0x5] =	wrdreg $0x9  }
0xb3: {  	_ =	task.clear_ibuf [dreg:s8], $0x6FFFF;
	_ =	strace $0x90000046  }
0xb4: {  	s29 =	simm.s32 $0x9;
	_ =	strace $0x80000048  }
0xb5: {  	_ =	swait.ge [sflag:s29], $0x1  }
0xb6: {  	[sflag:s29] =	ssyncadd.s32 $0xFFFFFFFF  }
0xb7: {  	_ =	strace $0x90000048  }
0xb8: {  	_ =	sfence  }
0xb9: {  	s30 =	sld [smem:$0x0];
	_ =	sdelay $0x2  }
0xba: {  	s31 =	sshll.u32 s1, $0xD;
	s1 =	sshrl.u32 s1, $0x2  }
0xbb: {  	s3 =	sand.u32 $0x4000, s31;
	s1 =	sadd.s32 s1, s30  }
0xbc: {  	s0 =	sor.u32 s3, s0;
	s1 =	sshll.u32 s1, $0x11  }
0xbd: {  	s0 =	sor.u32 s1, s0  }
0xbe: {  	s0 =	sadd.s32 $0x8F2B, s0  }
0xbf: {  	[sflag:s0] =	ssyncadd.remote.s32 $0x1  }
0xc0: {  	_ =	sfence.sel $0xFFFF  }
0xc1: {  	[dreg:$0x0] =	wrdreg $0xFFFFFFFF;
	(pc) =	sbr.abs _section_cstart, $3  }
0xc2: {  	[dreg:$0x1] =	wrdreg $0xFFFFFFFF  }
0xc3: {  	_ =	task.clear_ibuf [dreg:s8], $0x2FFFF;
	_ =	strace $0x9FFFFFFF  }
0xc4: {  	(tm) =	ssettm $0x7FFFFFFF  }
0xc5: {  	_ =	shalt  }
tec
execute0_lowered:
.L_overlay_start_1:
0x0: {  	(tag) =	ssettag $0x1  }
0x1: {  	s8 =	rddreg [dreg:$0x0]  }
0x2: {  	s0 =	rddreg [dreg:$0x1]  }
0x3: {  	s9 =	rddreg [dreg:$0x2]  }
0x4: {  	s1 =	srdreg.scid;
	s2 =	stileid.u32  }
0x5: {  	s3 =	simm.s32 $0x0;
	s14 =	simm.s32 $0x5;
	s15 =	simm.s32 $0x80  }
0x6: {  	s13 =	simm.s32 $0x4800;
	s16 =	simm.s32 $0xA00;
	s17 =	simm.s32 $0x7000  }
0x7: {  	s18 =	simm.s32 $0xA80;
	s19 =	simm.s32 $0x7800;
	s20 =	simm.s32 $0xB00  }
0x8: {  	s21 =	simm.s32 $0x8000;
	s22 =	simm.s32 $0xB80;
	s23 =	simm.s32 $0x8800  }
0x9: {  	s28 =	simm.s32 $0x2;
	s29 =	simm.s32 $0x3;
	s30 =	simm.s32 $0x4  }
0xa: {  	s1 =	sand.u32 $0x1, s1;
	s2 =	sshll.u32 s2, $0x1;
	[smem:$0x7FF] =	sst s3  }
0xb: {  	s6 =	sadd.s32 $0x7A1600, s0;
	s7 =	sadd.s32 $0x400, s0;
	s2 =	sor.u32 s1, s2  }
0xc: {  	v0 =	vimm.s32 $0x8180C1C;
	s3 =	simm.s32 $0x4000;
	s1 =	ssub.s32 $0x2, s1;
	s5 =	smul.u32 $0x6400, s2  }
0xd: {  	v1 =	vimm.s32 $0x100414;
	_ =	strace $0x80000047;
	s24 =	smul.u32 $0x32000, s2;
	s25 =	sshrl.u32 s1, $0x1  }
0xe: {  	v0 =	vunpack.c.0.s8.s32 v0;
	v1 =	vunpack.c.0.s8.s32 v1;
	s11 =	smul.u32 $0x190000, s2;
	s0 =	ssub.s32 s1, s25;
	s25 =	simm.s32 $0x11000  }
0xf: {  	vm0 =	vcmask $0x1F10;
	s1 =	simm.s32 $0x0;
	s4 =	sshrl.u32 s5, $0x3;
	s31 =	sadd.s32 s9, s24  }
0x10: {  	v2 =	vlaneseq.u32;
	v1 =	vsel vm0, v1, v0;
	s0 =	smax.u32 s0, $0x1;
	s24 =	simm.s32 $0x9000;
	[dreg:$0x5] =	wrdreg s31  }
0x11: {  	v0 =	vshrl.u32 v2, $0x3;
	v1 =	vcombine.low v1, v1;
	s26 =	sadd.s32 s8, s4;
	s10 =	sadd.s32 $0x1000, s31;
	[dreg:$0x6] =	wrdreg s0  }
0x12: {  	v2 =	vor.u32 $0x2, v0;
	v3 =	vor.u32 $0x4, v0;
	v4 =	vor.u32 $0x6, v0;
	s4 =	simm.s32 $0xF80;
	[dreg:$0x4] =	wrdreg s26;
	s26 =	simm.s32 $0x1  }
.LBB2_1:
0x13: {  	[dreg:$0x7] =	wrdreg s1  }
0x14: {  	s0 =	simm.s32 $0x0;
	s31 =	rddreg [dreg:$0x4];
	s2 =	simm.s32 $0x400  }
0x15: {  	[tilespmem:s2], [sflag:$0x5] =	stream.linear.gather [hbm4b:s31+s0], $0x400, $0x38;
	[tilespmem:$0x19000] =	vst v63  }
0x16: {  	_ =	swait.ge [sflag:s14], $0x400  }
0x17: {  	[sflag:s14] =	ssyncset.done $0x0  }
0x18: {  	s0 =	simm.s32 $0x0;
	[sflag:s14] =	ssyncadd.s32 $0xFFFFFC00  }
0x19: {  	v5 =	vld [tilespmem:s0+$0x400]  }
0x1a: {  	s1 =	simm.s32 $0x40  }
.LBB2_2:
0x1b: {  	p0 =	sne.s32 s1, $0xFC0  }
.Ltmp0:
0x1c: {  	_ = 	snop;
	(pc) =	sbr.rel @p0 .LBB2_2-.Ltmp0, $4  }
0x1d: {  	_ = 	snop  }
0x1e: {  	s2 =	sshra.s32 s1, $0x2;
	s1 =	sadd.s32 $0x40, s1;
	v6 =	vshra.s32 v5, $0x1;
	v7 =	vshra.s32 v5, $0x4  }
0x1f: {  	v5 =	vld [tilespmem:s2+$0x400];
	[tilespmem:s0+$0x800] =	vst v7  }
0x20: {  	[tilespmem:s0+$0xC00] =	vst v6;
	s0 =	smov.u32 s2  }
0x21: {  	_ =	sdelay $0x2  }
0x22: {  	v6 =	vshra.s32 v5, $0x4  }
0x23: {  	v5 =	vshra.s32 v5, $0x1;
	[tilespmem:s0+$0x800] =	vst v6  }
0x24: {  	s12 =	simm.s32 $0xC00;
	s1 =	simm.s32 $0x1000;
	[tilespmem:s0+$0xC00] =	vst v5  }
0x25: {  	[tilespmem:s1], [sflag:$0x1] =	stream.indirect.gather [hbm4b:s6+s15], $0x10, s12, s15, $0xb8;
	[tilespmem:$0x19000] =	vst v63  }
0x26: {  	s2 =	simm.s32 $0xC80;
	s8 =	simm.s32 $0x1800  }
0x27: {  	[tilespmem:s8], [sflag:$0x1] =	stream.indirect.gather [hbm4b:s6+s15], $0x10, s2, s15, $0xb8;
	[tilespmem:$0x19000] =	vst v63  }
0x28: {  	s9 =	simm.s32 $0xD00;
	s12 =	simm.s32 $0x2000  }
0x29: {  	[tilespmem:s12], [sflag:$0x1] =	stream.indirect.gather [hbm4b:s6+s15], $0x10, s9, s15, $0xb8;
	[tilespmem:$0x19000] =	vst v63  }
0x2a: {  	s2 =	simm.s32 $0xD80;
	s8 =	simm.s32 $0x2800  }
0x2b: {  	[tilespmem:s8], [sflag:$0x1] =	stream.indirect.gather [hbm4b:s6+s15], $0x10, s2, s15, $0xb8;
	[tilespmem:$0x19000] =	vst v63  }
0x2c: {  	s9 =	simm.s32 $0x800;
	s12 =	simm.s32 $0x5000  }
0x2d: {  	[tilespmem:s12], [sflag:$0x1] =	stream.indirect.gather [hbm4b:s7+s15], $0x10, s9, s15, $0xb8;
	[tilespmem:$0x19000] =	vst v63  }
0x2e: {  	s2 =	simm.s32 $0x880;
	s8 =	simm.s32 $0x5800  }
0x2f: {  	[tilespmem:s8], [sflag:$0x1] =	stream.indirect.gather [hbm4b:s7+s15], $0x10, s2, s15, $0xb8;
	[tilespmem:$0x19000] =	vst v63  }
0x30: {  	s9 =	simm.s32 $0x900;
	s12 =	simm.s32 $0x6000  }
0x31: {  	[tilespmem:s12], [sflag:$0x1] =	stream.indirect.gather [hbm4b:s7+s15], $0x10, s9, s15, $0xb8;
	[tilespmem:$0x19000] =	vst v63  }
0x32: {  	s2 =	simm.s32 $0x980;
	s8 =	simm.s32 $0x6800  }
0x33: {  	[tilespmem:s8], [sflag:$0x1] =	stream.indirect.gather [hbm4b:s7+s15], $0x10, s2, s15, $0xb8;
	[tilespmem:$0x19000] =	vst v63  }
0x34: {  	s9 =	simm.s32 $0xE00;
	s12 =	simm.s32 $0x3000  }
0x35: {  	[tilespmem:s12], [sflag:$0x2] =	stream.indirect.gather [hbm4b:s6+s15], $0x10, s9, s15, $0xb8;
	[tilespmem:$0x19000] =	vst v63  }
0x36: {  	s2 =	simm.s32 $0xE80;
	s8 =	simm.s32 $0x3800  }
0x37: {  	[tilespmem:s8], [sflag:$0x2] =	stream.indirect.gather [hbm4b:s6+s15], $0x10, s2, s15, $0xb8;
	[tilespmem:$0x19000] =	vst v63  }
0x38: {  	s9 =	simm.s32 $0xF00  }
0x39: {  	[tilespmem:s3], [sflag:$0x2] =	stream.indirect.gather [hbm4b:s6+s15], $0x10, s9, s15, $0xb8;
	[tilespmem:$0x19000] =	vst v63  }
0x3a: {  	_ = 	snop  }
0x3b: {  	[tilespmem:s13], [sflag:$0x2] =	stream.indirect.gather [hbm4b:s6+s15], $0x10, s4, s15, $0xb8;
	[tilespmem:$0x19000] =	vst v63  }
0x3c: {  	_ = 	snop  }
0x3d: {  	[tilespmem:s17], [sflag:$0x2] =	stream.indirect.gather [hbm4b:s7+s15], $0x10, s16, s15, $0xb8;
	[tilespmem:$0x19000] =	vst v63  }
0x3e: {  	_ = 	snop  }
0x3f: {  	[tilespmem:s19], [sflag:$0x2] =	stream.indirect.gather [hbm4b:s7+s15], $0x10, s18, s15, $0xb8;
	[tilespmem:$0x19000] =	vst v63  }
0x40: {  	_ = 	snop  }
0x41: {  	[tilespmem:s21], [sflag:$0x2] =	stream.indirect.gather [hbm4b:s7+s15], $0x10, s20, s15, $0xb8;
	[tilespmem:$0x19000] =	vst v63  }
0x42: {  	_ = 	snop  }
0x43: {  	[tilespmem:s23], [sflag:$0x2] =	stream.indirect.gather [hbm4b:s7+s15], $0x10, s22, s15, $0xb8;
	[tilespmem:$0x19000] =	vst v63  }
0x44: {  	s31 =	simm.s32 $0x0;
	s12 =	rddreg [dreg:$0x5]  }
0x45: {  	[hbm4b:s12+s31] =	stream.linear.scatter [tilespmem:s24], [sflag:$0x3], $0x8000, $0x38;
	[tilespmem:$0x19000] =	vst v63  }
0x46: {  	_ = 	snop  }
0x47: {  	[hbm4b:s10+s31] =	stream.linear.scatter [tilespmem:s25], [sflag:$0x4], $0x8000, $0x38;
	[tilespmem:$0x19000] =	vst v63  }
.LBB2_4:
0x48: {  	_ =	swait.ge [sflag:s26], $0x800  }
0x49: {  	[sflag:s26] =	ssyncset.done $0x0  }
0x4a: {  	[sflag:s26] =	ssyncadd.s32 $0xFFFFF800  }
0x4b: {  	_ =	swait.ge [sflag:s26], $0x800  }
0x4c: {  	[sflag:s26] =	ssyncset.done $0x0  }
0x4d: {  	[sflag:s26] =	ssyncadd.s32 $0xFFFFF800  }
0x4e: {  	_ =	swait.ge [sflag:s26], $0x800  }
0x4f: {  	[sflag:s26] =	ssyncset.done $0x0  }
0x50: {  	[sflag:s26] =	ssyncadd.s32 $0xFFFFF800  }
0x51: {  	_ =	swait.ge [sflag:s26], $0x800  }
0x52: {  	[sflag:s26] =	ssyncset.done $0x0  }
0x53: {  	[sflag:s26] =	ssyncadd.s32 $0xFFFFF800  }
0x54: {  	_ =	swait.ge [sflag:s26], $0x800  }
0x55: {  	[sflag:s26] =	ssyncset.done $0x0  }
0x56: {  	[sflag:s26] =	ssyncadd.s32 $0xFFFFF800  }
0x57: {  	_ =	swait.ge [sflag:s26], $0x800  }
0x58: {  	[sflag:s26] =	ssyncset.done $0x0  }
0x59: {  	[sflag:s26] =	ssyncadd.s32 $0xFFFFF800  }
0x5a: {  	_ =	swait.ge [sflag:s26], $0x800  }
0x5b: {  	[sflag:s26] =	ssyncset.done $0x0  }
0x5c: {  	[sflag:s26] =	ssyncadd.s32 $0xFFFFF800  }
0x5d: {  	_ =	swait.ge [sflag:s26], $0x800  }
0x5e: {  	[sflag:s26] =	ssyncset.done $0x0  }
0x5f: {  	[sflag:s26] =	ssyncadd.s32 $0xFFFFF800  }
0x60: {  	_ =	swait.ge [sflag:s28], $0x800  }
0x61: {  	[sflag:s28] =	ssyncset.done $0x0  }
0x62: {  	[sflag:s28] =	ssyncadd.s32 $0xFFFFF800  }
0x63: {  	_ =	swait.ge [sflag:s28], $0x800  }
0x64: {  	[sflag:s28] =	ssyncset.done $0x0  }
0x65: {  	[sflag:s28] =	ssyncadd.s32 $0xFFFFF800  }
0x66: {  	_ =	swait.ge [sflag:s28], $0x800  }
0x67: {  	[sflag:s28] =	ssyncset.done $0x0  }
0x68: {  	[sflag:s28] =	ssyncadd.s32 $0xFFFFF800  }
0x69: {  	_ =	swait.ge [sflag:s28], $0x800  }
0x6a: {  	[sflag:s28] =	ssyncset.done $0x0  }
0x6b: {  	[sflag:s28] =	ssyncadd.s32 $0xFFFFF800  }
0x6c: {  	_ =	swait.ge [sflag:s28], $0x800  }
0x6d: {  	[sflag:s28] =	ssyncset.done $0x0  }
0x6e: {  	[sflag:s28] =	ssyncadd.s32 $0xFFFFF800  }
0x6f: {  	_ =	swait.ge [sflag:s28], $0x800  }
0x70: {  	[sflag:s28] =	ssyncset.done $0x0  }
0x71: {  	[sflag:s28] =	ssyncadd.s32 $0xFFFFF800  }
0x72: {  	_ =	swait.ge [sflag:s28], $0x800  }
0x73: {  	[sflag:s28] =	ssyncset.done $0x0  }
0x74: {  	[sflag:s28] =	ssyncadd.s32 $0xFFFFF800  }
0x75: {  	_ =	swait.ge [sflag:s28], $0x800  }
0x76: {  	[sflag:s28] =	ssyncset.done $0x0  }
0x77: {  	s1 =	simm.s32 $0x0;
	[sflag:s28] =	ssyncadd.s32 $0xFFFFF800  }
0x78: {  	s0 =	simm.s32 $0x40;
	v5 =	vld [tilespmem:s1+$0x400]  }
.LBB2_5:
0x79: {  	p0 =	sne.s32 s0, $0xFC0  }
.Ltmp1:
0x7a: {  	_ = 	snop;
	(pc) =	sbr.rel @p0 .LBB2_5-.Ltmp1, $3  }
0x7b: {  	_ =	sdelay $0x1  }
0x7c: {  	[tilespmem:s1+$0x0] =	vst v5;
	s1 =	sshra.s32 s0, $0x2;
	s0 =	sadd.s32 $0x40, s0  }
0x7d: {  	v5 =	vld [tilespmem:s1+$0x400]  }
0x7e: {  	s0 =	sadd.s32 $0x1, s31  }
0x7f: {  	s2 =	sshll.u32 s0, $0xA  }
0x80: {  	s2 =	sadd.s32 s5, s2  }
0x81: {  	s2 =	smin.u32 s2, $0xC7C00  }
0x82: {  	s9 =	rddreg [dreg:$0x0];
	s2 =	sshrl.u32 s2, $0x3  }
0x83: {  	s12 =	simm.s32 $0x0;
	s8 =	simm.s32 $0x400;
	[tilespmem:s1+$0x0] =	vst v5;
	s1 =	sadd.s32 s9, s2  }
0x84: {  	[tilespmem:s8], [sflag:$0x5] =	stream.linear.gather [hbm4b:s1+s12], $0x400, $0x38;
	[tilespmem:$0x19000] =	vst v63  }
0x85: {  	_ =	swait.ge [sflag:s14], $0x400  }
0x86: {  	[sflag:s14] =	ssyncset.done $0x0  }
0x87: {  	s1 =	simm.s32 $0x0;
	[sflag:s14] =	ssyncadd.s32 $0xFFFFFC00  }
0x88: {  	v5 =	vld [tilespmem:s1+$0x400]  }
0x89: {  	s2 =	simm.s32 $0x40  }
.LBB2_7:
0x8a: {  	p0 =	sne.s32 s2, $0xFC0  }
.Ltmp2:
0x8b: {  	_ = 	snop;
	(pc) =	sbr.rel @p0 .LBB2_7-.Ltmp2, $4  }
0x8c: {  	_ = 	snop  }
0x8d: {  	s8 =	sshra.s32 s2, $0x2;
	s2 =	sadd.s32 $0x40, s2;
	v6 =	vshra.s32 v5, $0x1;
	v7 =	vshra.s32 v5, $0x4  }
0x8e: {  	v5 =	vld [tilespmem:s8+$0x400];
	[tilespmem:s1+$0x800] =	vst v7  }
0x8f: {  	[tilespmem:s1+$0xC00] =	vst v6;
	s1 =	smov.u32 s8  }
0x90: {  	_ =	sdelay $0x2  }
0x91: {  	v6 =	vshra.s32 v5, $0x4  }
0x92: {  	v5 =	vshra.s32 v5, $0x1;
	[tilespmem:s1+$0x800] =	vst v6  }
0x93: {  	[tilespmem:s1+$0xC00] =	vst v5  }
0x94: {  	s12 =	sshll.u32 s31, $0x10;
	_ =	swait.ge [sflag:s29], $0x8000  }
0x95: {  	s9 =	simm.s32 $0x0;
	s1 =	sadd.s32 s11, s12;
	[sflag:s29] =	ssyncset.done $0x0  }
0x96: {  	s12 =	simm.s32 $0x9200;
	s1 =	sshrl.u32 s1, $0x3;
	s2 =	rddreg [dreg:$0x2]  }
0x97: {  	[sflag:s29] =	ssyncadd.s32 $0xFFFF8000;
	s8 =	sadd.s32 s2, s1;
	s2 =	simm.s32 $0x0  }
.LBB2_9:
0x98: {  	v5 =	vld [tilespmem:s2+$0x0];
	_ =	sdelay $0x2  }
0x99: {  	s1 =	sshra.s32 s9, $0x2  }
0x9a: {  	v7 =	vld [tilespmem:s1+$0x1000]  }
0x9b: {  	v6 =	vshll.u32 v5, $0x3  }
0x9c: {  	v6 =	vand.u32 $0x8, v6  }
0x9d: {  	v9 =	vbroadcast v6, $0x0  }
0x9e: {  	v8 =	vld [tilespmem:s1+$0x5000]  }
0x9f: {  	v7 =	vxor.u32 $0x88888888, v7;
	v11 =	vor.u32 v0, v9  }
0xa0: {  	v10 =	vbroadcast v5, $0x0;
	v12 =	vor.u32 v2, v9;
	v11 =	vperm.xlane v7, v11  }
0xa1: {  	v63 =	vor.u32 v3, v9;
	v9 =	vor.u32 v4, v9;
	v62 =	vperm.xlane v7, v12  }
0xa2: {  	v12 =	vperm.xlane v7, v63;
	v7 =	vperm.xlane v7, v9;
	v11 =	vshll.u32 v11, v1  }
0xa3: {  	v8 =	vperm.xlane v8, v10;
	v10 =	vshll.u32 v62, v1;
	v11 =	vshra.s32 v11, $0x1C  }
0xa4: {  	v7 =	vshll.u32 v7, v1;
	v10 =	vshra.s32 v10, $0x1C;
	v14 =	vcvt.s32.f32 v11  }
0xa5: {  	v15 =	vshll.u32 v12, v1;
	v7 =	vshra.s32 v7, $0x1C;
	v10 =	vcvt.s32.f32 v10  }
0xa6: {  	v11 =	vshra.s32 v15, $0x1C;
	v7 =	vcvt.s32.f32 v7;
	v9 =	vmul.f32 v14, v8  }
0xa7: {  	v11 =	vcvt.s32.f32 v11;
	v10 =	vmul.f32 v10, v8  }
0xa8: {  	v7 =	vmul.f32 v7, v8;
	[tilespmem:s12+$0xFFFFFE00] =	vst v9  }
0xa9: {  	v16 =	vmul.f32 v11, v8;
	[tilespmem:s12+$0xFFFFFE10] =	vst v10  }
0xaa: {  	[tilespmem:s12+$0xFFFFFE30] =	vst v7  }
0xab: {  	[tilespmem:s12+$0xFFFFFE20] =	vst v16  }
0xac: {  	v7 =	vld [tilespmem:s1+$0x1010];
	_ =	sdelay $0x2  }
0xad: {  	v18 =	vbroadcast v6, $0x1  }
0xae: {  	v17 =	vld [tilespmem:s1+$0x5010]  }
0xaf: {  	v20 =	vor.u32 v0, v18;
	v7 =	vxor.u32 $0x88888888, v7  }
0xb0: {  	v19 =	vbroadcast v5, $0x1;
	v21 =	vor.u32 v2, v18;
	v11 =	vperm.xlane v7, v20  }
0xb1: {  	v23 =	vor.u32 v3, v18;
	v9 =	vor.u32 v4, v18;
	v22 =	vperm.xlane v7, v21  }
0xb2: {  	v12 =	vperm.xlane v7, v23;
	v7 =	vperm.xlane v7, v9;
	v11 =	vshll.u32 v11, v1  }
0xb3: {  	v8 =	vperm.xlane v17, v19;
	v10 =	vshll.u32 v22, v1;
	v11 =	vshra.s32 v11, $0x1C  }
0xb4: {  	v7 =	vshll.u32 v7, v1;
	v10 =	vshra.s32 v10, $0x1C;
	v24 =	vcvt.s32.f32 v11  }
0xb5: {  	v25 =	vshll.u32 v12, v1;
	v7 =	vshra.s32 v7, $0x1C;
	v10 =	vcvt.s32.f32 v10  }
0xb6: {  	v11 =	vshra.s32 v25, $0x1C;
	v7 =	vcvt.s32.f32 v7;
	v9 =	vmul.f32 v24, v8  }
0xb7: {  	v11 =	vcvt.s32.f32 v11;
	v10 =	vmul.f32 v10, v8  }
0xb8: {  	v7 =	vmul.f32 v7, v8;
	[tilespmem:s12+$0xFFFFFE40] =	vst v9  }
0xb9: {  	v26 =	vmul.f32 v11, v8;
	[tilespmem:s12+$0xFFFFFE50] =	vst v10  }
0xba: {  	[tilespmem:s12+$0xFFFFFE70] =	vst v7  }
0xbb: {  	[tilespmem:s12+$0xFFFFFE60] =	vst v26  }
0xbc: {  	v7 =	vld [tilespmem:s1+$0x1020];
	_ =	sdelay $0x2  }
0xbd: {  	v28 =	vbroadcast v6, $0x2  }
0xbe: {  	v27 =	vld [tilespmem:s1+$0x5020]  }
0xbf: {  	v30 =	vor.u32 v0, v28;
	v7 =	vxor.u32 $0x88888888, v7  }
0xc0: {  	v29 =	vbroadcast v5, $0x2;
	v31 =	vor.u32 v2, v28;
	v11 =	vperm.xlane v7, v30  }
0xc1: {  	v33 =	vor.u32 v3, v28;
	v9 =	vor.u32 v4, v28;
	v32 =	vperm.xlane v7, v31  }
0xc2: {  	v12 =	vperm.xlane v7, v33;
	v7 =	vperm.xlane v7, v9;
	v11 =	vshll.u32 v11, v1  }
0xc3: {  	v8 =	vperm.xlane v27, v29;
	v10 =	vshll.u32 v32, v1;
	v11 =	vshra.s32 v11, $0x1C  }
0xc4: {  	v7 =	vshll.u32 v7, v1;
	v10 =	vshra.s32 v10, $0x1C;
	v34 =	vcvt.s32.f32 v11  }
0xc5: {  	v35 =	vshll.u32 v12, v1;
	v7 =	vshra.s32 v7, $0x1C;
	v10 =	vcvt.s32.f32 v10  }
0xc6: {  	v11 =	vshra.s32 v35, $0x1C;
	v7 =	vcvt.s32.f32 v7;
	v9 =	vmul.f32 v34, v8  }
0xc7: {  	v11 =	vcvt.s32.f32 v11;
	v10 =	vmul.f32 v10, v8  }
0xc8: {  	v7 =	vmul.f32 v7, v8;
	[tilespmem:s12+$0xFFFFFE80] =	vst v9  }
0xc9: {  	v36 =	vmul.f32 v11, v8;
	[tilespmem:s12+$0xFFFFFE90] =	vst v10  }
0xca: {  	[tilespmem:s12+$0xFFFFFEB0] =	vst v7  }
0xcb: {  	[tilespmem:s12+$0xFFFFFEA0] =	vst v36  }
0xcc: {  	v7 =	vld [tilespmem:s1+$0x1030];
	_ =	sdelay $0x2  }
0xcd: {  	v38 =	vbroadcast v6, $0x3  }
0xce: {  	v37 =	vld [tilespmem:s1+$0x5030]  }
0xcf: {  	v40 =	vor.u32 v0, v38;
	v7 =	vxor.u32 $0x88888888, v7  }
0xd0: {  	v39 =	vbroadcast v5, $0x3;
	v41 =	vor.u32 v2, v38;
	v11 =	vperm.xlane v7, v40  }
0xd1: {  	v43 =	vor.u32 v3, v38;
	v9 =	vor.u32 v4, v38;
	v42 =	vperm.xlane v7, v41  }
0xd2: {  	v12 =	vperm.xlane v7, v43;
	v7 =	vperm.xlane v7, v9;
	v11 =	vshll.u32 v11, v1  }
0xd3: {  	v8 =	vperm.xlane v37, v39;
	v10 =	vshll.u32 v42, v1;
	v11 =	vshra.s32 v11, $0x1C  }
0xd4: {  	v7 =	vshll.u32 v7, v1;
	v10 =	vshra.s32 v10, $0x1C;
	v44 =	vcvt.s32.f32 v11  }
0xd5: {  	v45 =	vshll.u32 v12, v1;
	v7 =	vshra.s32 v7, $0x1C;
	v10 =	vcvt.s32.f32 v10  }
0xd6: {  	v11 =	vshra.s32 v45, $0x1C;
	v7 =	vcvt.s32.f32 v7;
	v9 =	vmul.f32 v44, v8  }
0xd7: {  	v11 =	vcvt.s32.f32 v11;
	v10 =	vmul.f32 v10, v8  }
0xd8: {  	v7 =	vmul.f32 v7, v8;
	[tilespmem:s12+$0xFFFFFEC0] =	vst v9  }
0xd9: {  	v46 =	vmul.f32 v11, v8;
	[tilespmem:s12+$0xFFFFFED0] =	vst v10  }
0xda: {  	[tilespmem:s12+$0xFFFFFEF0] =	vst v7  }
0xdb: {  	[tilespmem:s12+$0xFFFFFEE0] =	vst v46  }
0xdc: {  	v7 =	vld [tilespmem:s1+$0x1040];
	_ =	sdelay $0x2  }
0xdd: {  	v48 =	vbroadcast v6, $0x4  }
0xde: {  	v47 =	vld [tilespmem:s1+$0x5040]  }
0xdf: {  	v50 =	vor.u32 v0, v48;
	v7 =	vxor.u32 $0x88888888, v7  }
0xe0: {  	v49 =	vbroadcast v5, $0x4;
	v51 =	vor.u32 v2, v48;
	v11 =	vperm.xlane v7, v50  }
0xe1: {  	v53 =	vor.u32 v3, v48;
	v9 =	vor.u32 v4, v48;
	v52 =	vperm.xlane v7, v51  }
0xe2: {  	v12 =	vperm.xlane v7, v53;
	v7 =	vperm.xlane v7, v9;
	v11 =	vshll.u32 v11, v1  }
0xe3: {  	v8 =	vperm.xlane v47, v49;
	v10 =	vshll.u32 v52, v1;
	v11 =	vshra.s32 v11, $0x1C  }
0xe4: {  	v7 =	vshll.u32 v7, v1;
	v10 =	vshra.s32 v10, $0x1C;
	v54 =	vcvt.s32.f32 v11  }
0xe5: {  	v55 =	vshll.u32 v12, v1;
	v7 =	vshra.s32 v7, $0x1C;
	v10 =	vcvt.s32.f32 v10  }
0xe6: {  	v11 =	vshra.s32 v55, $0x1C;
	v7 =	vcvt.s32.f32 v7;
	v9 =	vmul.f32 v54, v8  }
0xe7: {  	v11 =	vcvt.s32.f32 v11;
	v10 =	vmul.f32 v10, v8  }
0xe8: {  	v7 =	vmul.f32 v7, v8;
	[tilespmem:s12+$0xFFFFFF00] =	vst v9  }
0xe9: {  	v56 =	vmul.f32 v11, v8;
	[tilespmem:s12+$0xFFFFFF10] =	vst v10  }
0xea: {  	[tilespmem:s12+$0xFFFFFF30] =	vst v7  }
0xeb: {  	[tilespmem:s12+$0xFFFFFF20] =	vst v56  }
0xec: {  	v7 =	vld [tilespmem:s1+$0x1050];
	_ =	sdelay $0x2  }
0xed: {  	v58 =	vbroadcast v6, $0x5  }
0xee: {  	v57 =	vld [tilespmem:s1+$0x5050]  }
0xef: {  	v60 =	vor.u32 v0, v58;
	v7 =	vxor.u32 $0x88888888, v7  }
0xf0: {  	v59 =	vbroadcast v5, $0x5;
	v61 =	vor.u32 v2, v58;
	v11 =	vperm.xlane v7, v60  }
0xf1: {  	v63 =	vor.u32 v3, v58;
	v9 =	vor.u32 v4, v58;
	v62 =	vperm.xlane v7, v61  }
0xf2: {  	v12 =	vperm.xlane v7, v63;
	v7 =	vperm.xlane v7, v9;
	v11 =	vshll.u32 v11, v1  }
0xf3: {  	v8 =	vperm.xlane v57, v59;
	v10 =	vshll.u32 v62, v1;
	v11 =	vshra.s32 v11, $0x1C  }
0xf4: {  	v7 =	vshll.u32 v7, v1;
	v10 =	vshra.s32 v10, $0x1C;
	v14 =	vcvt.s32.f32 v11  }
0xf5: {  	v15 =	vshll.u32 v12, v1;
	v7 =	vshra.s32 v7, $0x1C;
	v10 =	vcvt.s32.f32 v10  }
0xf6: {  	v11 =	vshra.s32 v15, $0x1C;
	v7 =	vcvt.s32.f32 v7;
	v9 =	vmul.f32 v14, v8  }
0xf7: {  	v11 =	vcvt.s32.f32 v11;
	v10 =	vmul.f32 v10, v8  }
0xf8: {  	v7 =	vmul.f32 v7, v8;
	[tilespmem:s12+$0xFFFFFF40] =	vst v9  }
0xf9: {  	v16 =	vmul.f32 v11, v8;
	[tilespmem:s12+$0xFFFFFF50] =	vst v10  }
0xfa: {  	[tilespmem:s12+$0xFFFFFF70] =	vst v7  }
0xfb: {  	[tilespmem:s12+$0xFFFFFF60] =	vst v16  }
0xfc: {  	v7 =	vld [tilespmem:s1+$0x1060];
	_ =	sdelay $0x2  }
0xfd: {  	v18 =	vbroadcast v6, $0x6  }
0xfe: {  	v17 =	vld [tilespmem:s1+$0x5060]  }
0xff: {  	v20 =	vor.u32 v0, v18;
	v7 =	vxor.u32 $0x88888888, v7  }
0x100: {  	v19 =	vbroadcast v5, $0x6;
	v21 =	vor.u32 v2, v18;
	v11 =	vperm.xlane v7, v20  }
0x101: {  	v23 =	vor.u32 v3, v18;
	v9 =	vor.u32 v4, v18;
	v22 =	vperm.xlane v7, v21  }
0x102: {  	v12 =	vperm.xlane v7, v23;
	v7 =	vperm.xlane v7, v9;
	v11 =	vshll.u32 v11, v1  }
0x103: {  	v8 =	vperm.xlane v17, v19;
	v10 =	vshll.u32 v22, v1;
	v11 =	vshra.s32 v11, $0x1C  }
0x104: {  	v7 =	vshll.u32 v7, v1;
	v10 =	vshra.s32 v10, $0x1C;
	v24 =	vcvt.s32.f32 v11  }
0x105: {  	v25 =	vshll.u32 v12, v1;
	v7 =	vshra.s32 v7, $0x1C;
	v10 =	vcvt.s32.f32 v10  }
0x106: {  	v11 =	vshra.s32 v25, $0x1C;
	v7 =	vcvt.s32.f32 v7;
	v9 =	vmul.f32 v24, v8  }
0x107: {  	v11 =	vcvt.s32.f32 v11;
	v10 =	vmul.f32 v10, v8  }
0x108: {  	v7 =	vmul.f32 v7, v8;
	[tilespmem:s12+$0xFFFFFF80] =	vst v9  }
0x109: {  	v26 =	vmul.f32 v11, v8;
	[tilespmem:s12+$0xFFFFFF90] =	vst v10  }
0x10a: {  	[tilespmem:s12+$0xFFFFFFB0] =	vst v7  }
0x10b: {  	[tilespmem:s12+$0xFFFFFFA0] =	vst v26  }
0x10c: {  	v7 =	vld [tilespmem:s1+$0x1070];
	_ =	sdelay $0x2  }
0x10d: {  	v28 =	vbroadcast v6, $0x7  }
0x10e: {  	v27 =	vld [tilespmem:s1+$0x5070]  }
0x10f: {  	v30 =	vor.u32 v0, v28;
	v7 =	vxor.u32 $0x88888888, v7  }
0x110: {  	v29 =	vbroadcast v5, $0x7;
	v31 =	vor.u32 v2, v28;
	v11 =	vperm.xlane v7, v30  }
0x111: {  	v33 =	vor.u32 v3, v28;
	v9 =	vor.u32 v4, v28;
	v32 =	vperm.xlane v7, v31  }
0x112: {  	v12 =	vperm.xlane v7, v33;
	v7 =	vperm.xlane v7, v9;
	v11 =	vshll.u32 v11, v1  }
0x113: {  	v8 =	vperm.xlane v27, v29;
	v10 =	vshll.u32 v32, v1;
	v11 =	vshra.s32 v11, $0x1C  }
0x114: {  	v7 =	vshll.u32 v7, v1;
	v10 =	vshra.s32 v10, $0x1C;
	v34 =	vcvt.s32.f32 v11  }
0x115: {  	v35 =	vshll.u32 v12, v1;
	v7 =	vshra.s32 v7, $0x1C;
	v10 =	vcvt.s32.f32 v10  }
0x116: {  	v11 =	vshra.s32 v35, $0x1C;
	v7 =	vcvt.s32.f32 v7;
	v9 =	vmul.f32 v34, v8  }
0x117: {  	v11 =	vcvt.s32.f32 v11;
	v10 =	vmul.f32 v10, v8  }
0x118: {  	v7 =	vmul.f32 v7, v8;
	[tilespmem:s12+$0xFFFFFFC0] =	vst v9  }
0x119: {  	v36 =	vmul.f32 v11, v8;
	[tilespmem:s12+$0xFFFFFFD0] =	vst v10  }
0x11a: {  	[tilespmem:s12+$0xFFFFFFF0] =	vst v7  }
0x11b: {  	[tilespmem:s12+$0xFFFFFFE0] =	vst v36  }
0x11c: {  	v7 =	vld [tilespmem:s1+$0x1080];
	_ =	sdelay $0x2  }
0x11d: {  	v38 =	vbroadcast v6, $0x8  }
0x11e: {  	v37 =	vld [tilespmem:s1+$0x5080]  }
0x11f: {  	v40 =	vor.u32 v0, v38;
	v7 =	vxor.u32 $0x88888888, v7  }
0x120: {  	v39 =	vbroadcast v5, $0x8;
	v41 =	vor.u32 v2, v38;
	v11 =	vperm.xlane v7, v40  }
0x121: {  	v43 =	vor.u32 v3, v38;
	v9 =	vor.u32 v4, v38;
	v42 =	vperm.xlane v7, v41  }
0x122: {  	v12 =	vperm.xlane v7, v43;
	v7 =	vperm.xlane v7, v9;
	v11 =	vshll.u32 v11, v1  }
0x123: {  	v8 =	vperm.xlane v37, v39;
	v10 =	vshll.u32 v42, v1;
	v11 =	vshra.s32 v11, $0x1C  }
0x124: {  	v7 =	vshll.u32 v7, v1;
	v10 =	vshra.s32 v10, $0x1C;
	v44 =	vcvt.s32.f32 v11  }
0x125: {  	v45 =	vshll.u32 v12, v1;
	v7 =	vshra.s32 v7, $0x1C;
	v10 =	vcvt.s32.f32 v10  }
0x126: {  	v11 =	vshra.s32 v45, $0x1C;
	v7 =	vcvt.s32.f32 v7;
	v9 =	vmul.f32 v44, v8  }
0x127: {  	v11 =	vcvt.s32.f32 v11;
	v10 =	vmul.f32 v10, v8  }
0x128: {  	v7 =	vmul.f32 v7, v8;
	[tilespmem:s12+$0x0] =	vst v9  }
0x129: {  	v46 =	vmul.f32 v11, v8;
	[tilespmem:s12+$0x10] =	vst v10  }
0x12a: {  	[tilespmem:s12+$0x30] =	vst v7  }
0x12b: {  	[tilespmem:s12+$0x20] =	vst v46  }
0x12c: {  	v7 =	vld [tilespmem:s1+$0x1090];
	_ =	sdelay $0x2  }
0x12d: {  	v48 =	vbroadcast v6, $0x9  }
0x12e: {  	v47 =	vld [tilespmem:s1+$0x5090]  }
0x12f: {  	v50 =	vor.u32 v0, v48;
	v7 =	vxor.u32 $0x88888888, v7  }
0x130: {  	v49 =	vbroadcast v5, $0x9;
	v51 =	vor.u32 v2, v48;
	v11 =	vperm.xlane v7, v50  }
0x131: {  	v53 =	vor.u32 v3, v48;
	v9 =	vor.u32 v4, v48;
	v52 =	vperm.xlane v7, v51  }
0x132: {  	v12 =	vperm.xlane v7, v53;
	v7 =	vperm.xlane v7, v9;
	v11 =	vshll.u32 v11, v1  }
0x133: {  	v8 =	vperm.xlane v47, v49;
	v10 =	vshll.u32 v52, v1;
	v11 =	vshra.s32 v11, $0x1C  }
0x134: {  	v7 =	vshll.u32 v7, v1;
	v10 =	vshra.s32 v10, $0x1C;
	v54 =	vcvt.s32.f32 v11  }
0x135: {  	v55 =	vshll.u32 v12, v1;
	v7 =	vshra.s32 v7, $0x1C;
	v10 =	vcvt.s32.f32 v10  }
0x136: {  	v11 =	vshra.s32 v55, $0x1C;
	v7 =	vcvt.s32.f32 v7;
	v9 =	vmul.f32 v54, v8  }
0x137: {  	v11 =	vcvt.s32.f32 v11;
	v10 =	vmul.f32 v10, v8  }
0x138: {  	v7 =	vmul.f32 v7, v8;
	[tilespmem:s12+$0x40] =	vst v9  }
0x139: {  	v56 =	vmul.f32 v11, v8;
	[tilespmem:s12+$0x50] =	vst v10  }
0x13a: {  	[tilespmem:s12+$0x70] =	vst v7  }
0x13b: {  	[tilespmem:s12+$0x60] =	vst v56  }
0x13c: {  	v7 =	vld [tilespmem:s1+$0x10A0];
	_ =	sdelay $0x2  }
0x13d: {  	v58 =	vbroadcast v6, $0xA  }
0x13e: {  	v57 =	vld [tilespmem:s1+$0x50A0]  }
0x13f: {  	v60 =	vor.u32 v0, v58;
	v7 =	vxor.u32 $0x88888888, v7  }
0x140: {  	v59 =	vbroadcast v5, $0xA;
	v61 =	vor.u32 v2, v58;
	v11 =	vperm.xlane v7, v60  }
0x141: {  	v63 =	vor.u32 v3, v58;
	v9 =	vor.u32 v4, v58;
	v62 =	vperm.xlane v7, v61  }
0x142: {  	v12 =	vperm.xlane v7, v63;
	v7 =	vperm.xlane v7, v9;
	v11 =	vshll.u32 v11, v1  }
0x143: {  	v8 =	vperm.xlane v57, v59;
	v10 =	vshll.u32 v62, v1;
	v11 =	vshra.s32 v11, $0x1C  }
0x144: {  	v7 =	vshll.u32 v7, v1;
	v10 =	vshra.s32 v10, $0x1C;
	v15 =	vcvt.s32.f32 v11  }
0x145: {  	v16 =	vshll.u32 v12, v1;
	v7 =	vshra.s32 v7, $0x1C;
	v10 =	vcvt.s32.f32 v10  }
0x146: {  	v11 =	vshra.s32 v16, $0x1C;
	v7 =	vcvt.s32.f32 v7;
	v9 =	vmul.f32 v15, v8  }
0x147: {  	v11 =	vcvt.s32.f32 v11;
	v10 =	vmul.f32 v10, v8  }
0x148: {  	v7 =	vmul.f32 v7, v8;
	[tilespmem:s12+$0x80] =	vst v9  }
0x149: {  	v17 =	vmul.f32 v11, v8;
	[tilespmem:s12+$0x90] =	vst v10  }
0x14a: {  	[tilespmem:s12+$0xB0] =	vst v7  }
0x14b: {  	[tilespmem:s12+$0xA0] =	vst v17  }
0x14c: {  	v7 =	vld [tilespmem:s1+$0x10B0];
	_ =	sdelay $0x2  }
0x14d: {  	v19 =	vbroadcast v6, $0xB  }
0x14e: {  	v18 =	vld [tilespmem:s1+$0x50B0]  }
0x14f: {  	v21 =	vor.u32 v0, v19;
	v7 =	vxor.u32 $0x88888888, v7  }
0x150: {  	v20 =	vbroadcast v5, $0xB;
	v22 =	vor.u32 v2, v19;
	v11 =	vperm.xlane v7, v21  }
0x151: {  	v24 =	vor.u32 v3, v19;
	v9 =	vor.u32 v4, v19;
	v23 =	vperm.xlane v7, v22  }
0x152: {  	v12 =	vperm.xlane v7, v24;
	v7 =	vperm.xlane v7, v9;
	v11 =	vshll.u32 v11, v1  }
0x153: {  	v8 =	vperm.xlane v18, v20;
	v10 =	vshll.u32 v23, v1;
	v11 =	vshra.s32 v11, $0x1C  }
0x154: {  	v7 =	vshll.u32 v7, v1;
	v10 =	vshra.s32 v10, $0x1C;
	v25 =	vcvt.s32.f32 v11  }
0x155: {  	v26 =	vshll.u32 v12, v1;
	v7 =	vshra.s32 v7, $0x1C;
	v10 =	vcvt.s32.f32 v10  }
0x156: {  	v11 =	vshra.s32 v26, $0x1C;
	v7 =	vcvt.s32.f32 v7;
	v9 =	vmul.f32 v25, v8  }
0x157: {  	v11 =	vcvt.s32.f32 v11;
	v10 =	vmul.f32 v10, v8  }
0x158: {  	v7 =	vmul.f32 v7, v8;
	[tilespmem:s12+$0xC0] =	vst v9  }
0x159: {  	v27 =	vmul.f32 v11, v8;
	[tilespmem:s12+$0xD0] =	vst v10  }
0x15a: {  	[tilespmem:s12+$0xF0] =	vst v7  }
0x15b: {  	[tilespmem:s12+$0xE0] =	vst v27  }
0x15c: {  	v7 =	vld [tilespmem:s1+$0x10C0];
	_ =	sdelay $0x2  }
0x15d: {  	v29 =	vbroadcast v6, $0xC  }
0x15e: {  	v28 =	vld [tilespmem:s1+$0x50C0]  }
0x15f: {  	v31 =	vor.u32 v0, v29;
	v7 =	vxor.u32 $0x88888888, v7  }
0x160: {  	v30 =	vbroadcast v5, $0xC;
	v32 =	vor.u32 v2, v29;
	v11 =	vperm.xlane v7, v31  }
0x161: {  	v34 =	vor.u32 v3, v29;
	v9 =	vor.u32 v4, v29;
	v33 =	vperm.xlane v7, v32  }
0x162: {  	v12 =	vperm.xlane v7, v34;
	v7 =	vperm.xlane v7, v9;
	v11 =	vshll.u32 v11, v1  }
0x163: {  	v8 =	vperm.xlane v28, v30;
	v10 =	vshll.u32 v33, v1;
	v11 =	vshra.s32 v11, $0x1C  }
0x164: {  	v7 =	vshll.u32 v7, v1;
	v10 =	vshra.s32 v10, $0x1C;
	v35 =	vcvt.s32.f32 v11  }
0x165: {  	v36 =	vshll.u32 v12, v1;
	v7 =	vshra.s32 v7, $0x1C;
	v10 =	vcvt.s32.f32 v10  }
0x166: {  	v11 =	vshra.s32 v36, $0x1C;
	v7 =	vcvt.s32.f32 v7;
	v9 =	vmul.f32 v35, v8  }
0x167: {  	v11 =	vcvt.s32.f32 v11;
	v10 =	vmul.f32 v10, v8  }
0x168: {  	v7 =	vmul.f32 v7, v8;
	[tilespmem:s12+$0x100] =	vst v9  }
0x169: {  	v37 =	vmul.f32 v11, v8;
	[tilespmem:s12+$0x110] =	vst v10  }
0x16a: {  	[tilespmem:s12+$0x130] =	vst v7  }
0x16b: {  	[tilespmem:s12+$0x120] =	vst v37  }
0x16c: {  	v7 =	vld [tilespmem:s1+$0x10D0];
	_ =	sdelay $0x2  }
0x16d: {  	v39 =	vbroadcast v6, $0xD  }
0x16e: {  	v38 =	vld [tilespmem:s1+$0x50D0]  }
0x16f: {  	v41 =	vor.u32 v0, v39;
	v7 =	vxor.u32 $0x88888888, v7  }
0x170: {  	v40 =	vbroadcast v5, $0xD;
	v42 =	vor.u32 v2, v39;
	v11 =	vperm.xlane v7, v41  }
0x171: {  	v44 =	vor.u32 v3, v39;
	v9 =	vor.u32 v4, v39;
	v43 =	vperm.xlane v7, v42  }
0x172: {  	v12 =	vperm.xlane v7, v44;
	v7 =	vperm.xlane v7, v9;
	v11 =	vshll.u32 v11, v1  }
0x173: {  	v8 =	vperm.xlane v38, v40;
	v10 =	vshll.u32 v43, v1;
	v11 =	vshra.s32 v11, $0x1C  }
0x174: {  	v7 =	vshll.u32 v7, v1;
	v10 =	vshra.s32 v10, $0x1C;
	v45 =	vcvt.s32.f32 v11  }
0x175: {  	v46 =	vshll.u32 v12, v1;
	v7 =	vshra.s32 v7, $0x1C;
	v10 =	vcvt.s32.f32 v10  }
0x176: {  	v11 =	vshra.s32 v46, $0x1C;
	v7 =	vcvt.s32.f32 v7;
	v9 =	vmul.f32 v45, v8  }
0x177: {  	v11 =	vcvt.s32.f32 v11;
	v10 =	vmul.f32 v10, v8  }
0x178: {  	v7 =	vmul.f32 v7, v8;
	[tilespmem:s12+$0x140] =	vst v9  }
0x179: {  	v47 =	vmul.f32 v11, v8;
	[tilespmem:s12+$0x150] =	vst v10  }
0x17a: {  	[tilespmem:s12+$0x170] =	vst v7  }
0x17b: {  	[tilespmem:s12+$0x160] =	vst v47  }
0x17c: {  	v7 =	vld [tilespmem:s1+$0x10E0];
	_ =	sdelay $0x2  }
0x17d: {  	v49 =	vbroadcast v6, $0xE;
	v48 =	vld [tilespmem:s1+$0x50E0];
	_ =	sdelay $0x1  }
0x17e: {  	v51 =	vor.u32 v0, v49;
	v7 =	vxor.u32 $0x88888888, v7  }
0x17f: {  	v50 =	vbroadcast v5, $0xE;
	v52 =	vor.u32 v2, v49;
	v11 =	vperm.xlane v7, v51  }
0x180: {  	v54 =	vor.u32 v3, v49;
	v9 =	vor.u32 v4, v49;
	v53 =	vperm.xlane v7, v52  }
0x181: {  	v8 =	vperm.xlane v48, v50;
	v12 =	vperm.xlane v7, v54;
	v11 =	vshll.u32 v11, v1  }
0x182: {  	v7 =	vperm.xlane v7, v9;
	v10 =	vshll.u32 v53, v1;
	v55 =	vshra.s32 v11, $0x1C  }
0x183: {  	v56 =	vshll.u32 v12, v1;
	v10 =	vshra.s32 v10, $0x1C;
	v9 =	vcvt.s32.f32 v55  }
0x184: {  	v7 =	vshll.u32 v7, v1;
	v11 =	vshra.s32 v56, $0x1C;
	v10 =	vcvt.s32.f32 v10  }
0x185: {  	v7 =	vshra.s32 v7, $0x1C;
	v11 =	vcvt.s32.f32 v11;
	v9 =	vmul.f32 v9, v8  }
0x186: {  	v7 =	vcvt.s32.f32 v7;
	v10 =	vmul.f32 v10, v8  }
0x187: {  	v57 =	vmul.f32 v11, v8;
	[tilespmem:s12+$0x180] =	vst v9  }
0x188: {  	v7 =	vmul.f32 v7, v8;
	[tilespmem:s12+$0x190] =	vst v10  }
0x189: {  	[tilespmem:s12+$0x1A0] =	vst v57  }
0x18a: {  	[tilespmem:s12+$0x1B0] =	vst v7  }
0x18b: {  	v7 =	vld [tilespmem:s1+$0x10F0];
	_ =	sdelay $0x2  }
0x18c: {  	v6 =	vbroadcast v6, $0xF;
	v58 =	vld [tilespmem:s1+$0x50F0];
	_ =	sdelay $0x1  }
0x18d: {  	v59 =	vor.u32 v0, v6;
	v7 =	vxor.u32 $0x88888888, v7  }
0x18e: {  	v5 =	vbroadcast v5, $0xF;
	v60 =	vor.u32 v2, v6;
	v9 =	vperm.xlane v7, v59  }
0x18f: {  	v62 =	vor.u32 v3, v6;
	v6 =	vor.u32 v4, v6;
	v61 =	vperm.xlane v7, v60  }
0x190: {  	v5 =	vperm.xlane v58, v5;
	v10 =	vperm.xlane v7, v62;
	v9 =	vshll.u32 v9, v1  }
0x191: {  	v6 =	vperm.xlane v7, v6;
	v8 =	vshll.u32 v61, v1;
	v9 =	vshra.s32 v9, $0x1C  }
0x192: {  	v63 =	vshll.u32 v10, v1;
	v8 =	vshra.s32 v8, $0x1C;
	v7 =	vcvt.s32.f32 v9  }
0x193: {  	v6 =	vshll.u32 v6, v1;
	v8 =	vcvt.s32.f32 v8;
	v9 =	vshra.s32 v63, $0x1C  }
0x194: {  	p0 =	sne.s32 s9, $0x7C00;
	v6 =	vshra.s32 v6, $0x1C;
	v9 =	vcvt.s32.f32 v9;
	v7 =	vmul.f32 v7, v5  }
.Ltmp3:
0x195: {  	v6 =	vcvt.s32.f32 v6;
	v8 =	vmul.f32 v8, v5;
	(pc) =	sbr.rel @p0 .LBB2_9-.Ltmp3, $4  }
0x196: {  	[tilespmem:s12+$0x1C0] =	vst v7;
	v7 =	vmul.f32 v9, v5  }
0x197: {  	[tilespmem:s12+$0x1D0] =	vst v8;
	v5 =	vmul.f32 v6, v5  }
0x198: {  	[tilespmem:s12+$0x1E0] =	vst v7  }
0x199: {  	s2 =	sadd.s32 $0x10, s2;
	s9 =	sadd.s32 $0x400, s9;
	[tilespmem:s12+$0x1F0] =	vst v5;
	s12 =	sadd.s32 $0x400, s12  }
0x19a: {  	s2 =	simm.s32 $0x0  }
0x19b: {  	[hbm4b:s8+s2] =	stream.linear.scatter [tilespmem:s24], [sflag:$0x3], $0x8000, $0x38;
	[tilespmem:$0x19000] =	vst v63  }
0x19c: {  	s1 =	simm.s32 $0xC00;
	s12 =	simm.s32 $0x1000  }
0x19d: {  	[tilespmem:s12], [sflag:$0x1] =	stream.indirect.gather [hbm4b:s6+s15], $0x10, s1, s15, $0xb8;
	[tilespmem:$0x19000] =	vst v63  }
0x19e: {  	s9 =	simm.s32 $0xC80;
	s12 =	simm.s32 $0x1800  }
0x19f: {  	[tilespmem:s12], [sflag:$0x1] =	stream.indirect.gather [hbm4b:s6+s15], $0x10, s9, s15, $0xb8;
	[tilespmem:$0x19000] =	vst v63  }
0x1a0: {  	s9 =	simm.s32 $0xD00;
	s12 =	simm.s32 $0x2000  }
0x1a1: {  	[tilespmem:s12], [sflag:$0x1] =	stream.indirect.gather [hbm4b:s6+s15], $0x10, s9, s15, $0xb8;
	[tilespmem:$0x19000] =	vst v63  }
0x1a2: {  	s9 =	simm.s32 $0xD80;
	s12 =	simm.s32 $0x2800  }
0x1a3: {  	[tilespmem:s12], [sflag:$0x1] =	stream.indirect.gather [hbm4b:s6+s15], $0x10, s9, s15, $0xb8;
	[tilespmem:$0x19000] =	vst v63  }
0x1a4: {  	s9 =	simm.s32 $0x800;
	s12 =	simm.s32 $0x5000  }
0x1a5: {  	[tilespmem:s12], [sflag:$0x1] =	stream.indirect.gather [hbm4b:s7+s15], $0x10, s9, s15, $0xb8;
	[tilespmem:$0x19000] =	vst v63  }
0x1a6: {  	s9 =	simm.s32 $0x880;
	s12 =	simm.s32 $0x5800  }
0x1a7: {  	[tilespmem:s12], [sflag:$0x1] =	stream.indirect.gather [hbm4b:s7+s15], $0x10, s9, s15, $0xb8;
	[tilespmem:$0x19000] =	vst v63  }
0x1a8: {  	s9 =	simm.s32 $0x900;
	s12 =	simm.s32 $0x6000  }
0x1a9: {  	[tilespmem:s12], [sflag:$0x1] =	stream.indirect.gather [hbm4b:s7+s15], $0x10, s9, s15, $0xb8;
	[tilespmem:$0x19000] =	vst v63  }
0x1aa: {  	s9 =	simm.s32 $0x980;
	s12 =	simm.s32 $0x6800  }
0x1ab: {  	[tilespmem:s12], [sflag:$0x1] =	stream.indirect.gather [hbm4b:s7+s15], $0x10, s9, s15, $0xb8;
	[tilespmem:$0x19000] =	vst v63  }
0x1ac: {  	_ =	swait.ge [sflag:s30], $0x8000  }
0x1ad: {  	[sflag:s30] =	ssyncset.done $0x0  }
0x1ae: {  	s8 =	simm.s32 $0x200;
	s9 =	simm.s32 $0x11200;
	[sflag:s30] =	ssyncadd.s32 $0xFFFF8000  }
.LBB2_11:
0x1af: {  	v5 =	vld [tilespmem:s8+$0x0];
	_ =	sdelay $0x2  }
0x1b0: {  	s1 =	sshra.s32 s2, $0x2  }
0x1b1: {  	v7 =	vld [tilespmem:s1+$0x3000]  }
0x1b2: {  	v6 =	vshll.u32 v5, $0x3  }
0x1b3: {  	v6 =	vand.u32 $0x8, v6  }
0x1b4: {  	v9 =	vbroadcast v6, $0x0  }
0x1b5: {  	v8 =	vld [tilespmem:s1+$0x7000]  }
0x1b6: {  	v7 =	vxor.u32 $0x88888888, v7;
	v11 =	vor.u32 v0, v9  }
0x1b7: {  	v10 =	vbroadcast v5, $0x0;
	v12 =	vor.u32 v2, v9;
	v11 =	vperm.xlane v7, v11  }
0x1b8: {  	v63 =	vor.u32 v3, v9;
	v9 =	vor.u32 v4, v9;
	v62 =	vperm.xlane v7, v12  }
0x1b9: {  	v12 =	vperm.xlane v7, v63;
	v7 =	vperm.xlane v7, v9;
	v11 =	vshll.u32 v11, v1  }
0x1ba: {  	v8 =	vperm.xlane v8, v10;
	v10 =	vshll.u32 v62, v1;
	v11 =	vshra.s32 v11, $0x1C  }
0x1bb: {  	v7 =	vshll.u32 v7, v1;
	v10 =	vshra.s32 v10, $0x1C;
	v14 =	vcvt.s32.f32 v11  }
0x1bc: {  	v15 =	vshll.u32 v12, v1;
	v7 =	vshra.s32 v7, $0x1C;
	v10 =	vcvt.s32.f32 v10  }
0x1bd: {  	v11 =	vshra.s32 v15, $0x1C;
	v7 =	vcvt.s32.f32 v7;
	v9 =	vmul.f32 v14, v8  }
0x1be: {  	v11 =	vcvt.s32.f32 v11;
	v10 =	vmul.f32 v10, v8  }
0x1bf: {  	v7 =	vmul.f32 v7, v8;
	[tilespmem:s9+$0xFFFFFE00] =	vst v9  }
0x1c0: {  	v16 =	vmul.f32 v11, v8;
	[tilespmem:s9+$0xFFFFFE10] =	vst v10  }
0x1c1: {  	[tilespmem:s9+$0xFFFFFE30] =	vst v7  }
0x1c2: {  	[tilespmem:s9+$0xFFFFFE20] =	vst v16  }
0x1c3: {  	v7 =	vld [tilespmem:s1+$0x3010];
	_ =	sdelay $0x2  }
0x1c4: {  	v18 =	vbroadcast v6, $0x1  }
0x1c5: {  	v17 =	vld [tilespmem:s1+$0x7010]  }
0x1c6: {  	v20 =	vor.u32 v0, v18;
	v7 =	vxor.u32 $0x88888888, v7  }
0x1c7: {  	v19 =	vbroadcast v5, $0x1;
	v21 =	vor.u32 v2, v18;
	v11 =	vperm.xlane v7, v20  }
0x1c8: {  	v23 =	vor.u32 v3, v18;
	v9 =	vor.u32 v4, v18;
	v22 =	vperm.xlane v7, v21  }
0x1c9: {  	v12 =	vperm.xlane v7, v23;
	v7 =	vperm.xlane v7, v9;
	v11 =	vshll.u32 v11, v1  }
0x1ca: {  	v8 =	vperm.xlane v17, v19;
	v10 =	vshll.u32 v22, v1;
	v11 =	vshra.s32 v11, $0x1C  }
0x1cb: {  	v7 =	vshll.u32 v7, v1;
	v10 =	vshra.s32 v10, $0x1C;
	v24 =	vcvt.s32.f32 v11  }
0x1cc: {  	v25 =	vshll.u32 v12, v1;
	v7 =	vshra.s32 v7, $0x1C;
	v10 =	vcvt.s32.f32 v10  }
0x1cd: {  	v11 =	vshra.s32 v25, $0x1C;
	v7 =	vcvt.s32.f32 v7;
	v9 =	vmul.f32 v24, v8  }
0x1ce: {  	v11 =	vcvt.s32.f32 v11;
	v10 =	vmul.f32 v10, v8  }
0x1cf: {  	v7 =	vmul.f32 v7, v8;
	[tilespmem:s9+$0xFFFFFE40] =	vst v9  }
0x1d0: {  	v26 =	vmul.f32 v11, v8;
	[tilespmem:s9+$0xFFFFFE50] =	vst v10  }
0x1d1: {  	[tilespmem:s9+$0xFFFFFE70] =	vst v7  }
0x1d2: {  	[tilespmem:s9+$0xFFFFFE60] =	vst v26  }
0x1d3: {  	v7 =	vld [tilespmem:s1+$0x3020];
	_ =	sdelay $0x2  }
0x1d4: {  	v28 =	vbroadcast v6, $0x2  }
0x1d5: {  	v27 =	vld [tilespmem:s1+$0x7020]  }
0x1d6: {  	v30 =	vor.u32 v0, v28;
	v7 =	vxor.u32 $0x88888888, v7  }
0x1d7: {  	v29 =	vbroadcast v5, $0x2;
	v31 =	vor.u32 v2, v28;
	v11 =	vperm.xlane v7, v30  }
0x1d8: {  	v33 =	vor.u32 v3, v28;
	v9 =	vor.u32 v4, v28;
	v32 =	vperm.xlane v7, v31  }
0x1d9: {  	v12 =	vperm.xlane v7, v33;
	v7 =	vperm.xlane v7, v9;
	v11 =	vshll.u32 v11, v1  }
0x1da: {  	v8 =	vperm.xlane v27, v29;
	v10 =	vshll.u32 v32, v1;
	v11 =	vshra.s32 v11, $0x1C  }
0x1db: {  	v7 =	vshll.u32 v7, v1;
	v10 =	vshra.s32 v10, $0x1C;
	v34 =	vcvt.s32.f32 v11  }
0x1dc: {  	v35 =	vshll.u32 v12, v1;
	v7 =	vshra.s32 v7, $0x1C;
	v10 =	vcvt.s32.f32 v10  }
0x1dd: {  	v11 =	vshra.s32 v35, $0x1C;
	v7 =	vcvt.s32.f32 v7;
	v9 =	vmul.f32 v34, v8  }
0x1de: {  	v11 =	vcvt.s32.f32 v11;
	v10 =	vmul.f32 v10, v8  }
0x1df: {  	v7 =	vmul.f32 v7, v8;
	[tilespmem:s9+$0xFFFFFE80] =	vst v9  }
0x1e0: {  	v36 =	vmul.f32 v11, v8;
	[tilespmem:s9+$0xFFFFFE90] =	vst v10  }
0x1e1: {  	[tilespmem:s9+$0xFFFFFEB0] =	vst v7  }
0x1e2: {  	[tilespmem:s9+$0xFFFFFEA0] =	vst v36  }
0x1e3: {  	v7 =	vld [tilespmem:s1+$0x3030];
	_ =	sdelay $0x2  }
0x1e4: {  	v38 =	vbroadcast v6, $0x3  }
0x1e5: {  	v37 =	vld [tilespmem:s1+$0x7030]  }
0x1e6: {  	v40 =	vor.u32 v0, v38;
	v7 =	vxor.u32 $0x88888888, v7  }
0x1e7: {  	v39 =	vbroadcast v5, $0x3;
	v41 =	vor.u32 v2, v38;
	v11 =	vperm.xlane v7, v40  }
0x1e8: {  	v43 =	vor.u32 v3, v38;
	v9 =	vor.u32 v4, v38;
	v42 =	vperm.xlane v7, v41  }
0x1e9: {  	v12 =	vperm.xlane v7, v43;
	v7 =	vperm.xlane v7, v9;
	v11 =	vshll.u32 v11, v1  }
0x1ea: {  	v8 =	vperm.xlane v37, v39;
	v10 =	vshll.u32 v42, v1;
	v11 =	vshra.s32 v11, $0x1C  }
0x1eb: {  	v7 =	vshll.u32 v7, v1;
	v10 =	vshra.s32 v10, $0x1C;
	v44 =	vcvt.s32.f32 v11  }
0x1ec: {  	v45 =	vshll.u32 v12, v1;
	v7 =	vshra.s32 v7, $0x1C;
	v10 =	vcvt.s32.f32 v10  }
0x1ed: {  	v11 =	vshra.s32 v45, $0x1C;
	v7 =	vcvt.s32.f32 v7;
	v9 =	vmul.f32 v44, v8  }
0x1ee: {  	v11 =	vcvt.s32.f32 v11;
	v10 =	vmul.f32 v10, v8  }
0x1ef: {  	v7 =	vmul.f32 v7, v8;
	[tilespmem:s9+$0xFFFFFEC0] =	vst v9  }
0x1f0: {  	v46 =	vmul.f32 v11, v8;
	[tilespmem:s9+$0xFFFFFED0] =	vst v10  }
0x1f1: {  	[tilespmem:s9+$0xFFFFFEF0] =	vst v7  }
0x1f2: {  	[tilespmem:s9+$0xFFFFFEE0] =	vst v46  }
0x1f3: {  	v7 =	vld [tilespmem:s1+$0x3040];
	_ =	sdelay $0x2  }
0x1f4: {  	v48 =	vbroadcast v6, $0x4  }
0x1f5: {  	v47 =	vld [tilespmem:s1+$0x7040]  }
0x1f6: {  	v50 =	vor.u32 v0, v48;
	v7 =	vxor.u32 $0x88888888, v7  }
0x1f7: {  	v49 =	vbroadcast v5, $0x4;
	v51 =	vor.u32 v2, v48;
	v11 =	vperm.xlane v7, v50  }
0x1f8: {  	v53 =	vor.u32 v3, v48;
	v9 =	vor.u32 v4, v48;
	v52 =	vperm.xlane v7, v51  }
0x1f9: {  	v12 =	vperm.xlane v7, v53;
	v7 =	vperm.xlane v7, v9;
	v11 =	vshll.u32 v11, v1  }
0x1fa: {  	v8 =	vperm.xlane v47, v49;
	v10 =	vshll.u32 v52, v1;
	v11 =	vshra.s32 v11, $0x1C  }
0x1fb: {  	v7 =	vshll.u32 v7, v1;
	v10 =	vshra.s32 v10, $0x1C;
	v54 =	vcvt.s32.f32 v11  }
0x1fc: {  	v55 =	vshll.u32 v12, v1;
	v7 =	vshra.s32 v7, $0x1C;
	v10 =	vcvt.s32.f32 v10  }
0x1fd: {  	v11 =	vshra.s32 v55, $0x1C;
	v7 =	vcvt.s32.f32 v7;
	v9 =	vmul.f32 v54, v8  }
0x1fe: {  	v11 =	vcvt.s32.f32 v11;
	v10 =	vmul.f32 v10, v8  }
0x1ff: {  	v7 =	vmul.f32 v7, v8;
	[tilespmem:s9+$0xFFFFFF00] =	vst v9  }
0x200: {  	v56 =	vmul.f32 v11, v8;
	[tilespmem:s9+$0xFFFFFF10] =	vst v10  }
0x201: {  	[tilespmem:s9+$0xFFFFFF30] =	vst v7  }
0x202: {  	[tilespmem:s9+$0xFFFFFF20] =	vst v56  }
0x203: {  	v7 =	vld [tilespmem:s1+$0x3050];
	_ =	sdelay $0x2  }
0x204: {  	v58 =	vbroadcast v6, $0x5  }
0x205: {  	v57 =	vld [tilespmem:s1+$0x7050]  }
0x206: {  	v60 =	vor.u32 v0, v58;
	v7 =	vxor.u32 $0x88888888, v7  }
0x207: {  	v59 =	vbroadcast v5, $0x5;
	v61 =	vor.u32 v2, v58;
	v11 =	vperm.xlane v7, v60  }
0x208: {  	v63 =	vor.u32 v3, v58;
	v9 =	vor.u32 v4, v58;
	v62 =	vperm.xlane v7, v61  }
0x209: {  	v12 =	vperm.xlane v7, v63;
	v7 =	vperm.xlane v7, v9;
	v11 =	vshll.u32 v11, v1  }
0x20a: {  	v8 =	vperm.xlane v57, v59;
	v10 =	vshll.u32 v62, v1;
	v11 =	vshra.s32 v11, $0x1C  }
0x20b: {  	v7 =	vshll.u32 v7, v1;
	v10 =	vshra.s32 v10, $0x1C;
	v14 =	vcvt.s32.f32 v11  }
0x20c: {  	v15 =	vshll.u32 v12, v1;
	v7 =	vshra.s32 v7, $0x1C;
	v10 =	vcvt.s32.f32 v10  }
0x20d: {  	v11 =	vshra.s32 v15, $0x1C;
	v7 =	vcvt.s32.f32 v7;
	v9 =	vmul.f32 v14, v8  }
0x20e: {  	v11 =	vcvt.s32.f32 v11;
	v10 =	vmul.f32 v10, v8  }
0x20f: {  	v7 =	vmul.f32 v7, v8;
	[tilespmem:s9+$0xFFFFFF40] =	vst v9  }
0x210: {  	v16 =	vmul.f32 v11, v8;
	[tilespmem:s9+$0xFFFFFF50] =	vst v10  }
0x211: {  	[tilespmem:s9+$0xFFFFFF70] =	vst v7  }
0x212: {  	[tilespmem:s9+$0xFFFFFF60] =	vst v16  }
0x213: {  	v7 =	vld [tilespmem:s1+$0x3060];
	_ =	sdelay $0x2  }
0x214: {  	v18 =	vbroadcast v6, $0x6  }
0x215: {  	v17 =	vld [tilespmem:s1+$0x7060]  }
0x216: {  	v20 =	vor.u32 v0, v18;
	v7 =	vxor.u32 $0x88888888, v7  }
0x217: {  	v19 =	vbroadcast v5, $0x6;
	v21 =	vor.u32 v2, v18;
	v11 =	vperm.xlane v7, v20  }
0x218: {  	v23 =	vor.u32 v3, v18;
	v9 =	vor.u32 v4, v18;
	v22 =	vperm.xlane v7, v21  }
0x219: {  	v12 =	vperm.xlane v7, v23;
	v7 =	vperm.xlane v7, v9;
	v11 =	vshll.u32 v11, v1  }
0x21a: {  	v8 =	vperm.xlane v17, v19;
	v10 =	vshll.u32 v22, v1;
	v11 =	vshra.s32 v11, $0x1C  }
0x21b: {  	v7 =	vshll.u32 v7, v1;
	v10 =	vshra.s32 v10, $0x1C;
	v24 =	vcvt.s32.f32 v11  }
0x21c: {  	v25 =	vshll.u32 v12, v1;
	v7 =	vshra.s32 v7, $0x1C;
	v10 =	vcvt.s32.f32 v10  }
0x21d: {  	v11 =	vshra.s32 v25, $0x1C;
	v7 =	vcvt.s32.f32 v7;
	v9 =	vmul.f32 v24, v8  }
0x21e: {  	v11 =	vcvt.s32.f32 v11;
	v10 =	vmul.f32 v10, v8  }
0x21f: {  	v7 =	vmul.f32 v7, v8;
	[tilespmem:s9+$0xFFFFFF80] =	vst v9  }
0x220: {  	v26 =	vmul.f32 v11, v8;
	[tilespmem:s9+$0xFFFFFF90] =	vst v10  }
0x221: {  	[tilespmem:s9+$0xFFFFFFB0] =	vst v7  }
0x222: {  	[tilespmem:s9+$0xFFFFFFA0] =	vst v26  }
0x223: {  	v7 =	vld [tilespmem:s1+$0x3070];
	_ =	sdelay $0x2  }
0x224: {  	v28 =	vbroadcast v6, $0x7  }
0x225: {  	v27 =	vld [tilespmem:s1+$0x7070]  }
0x226: {  	v30 =	vor.u32 v0, v28;
	v7 =	vxor.u32 $0x88888888, v7  }
0x227: {  	v29 =	vbroadcast v5, $0x7;
	v31 =	vor.u32 v2, v28;
	v11 =	vperm.xlane v7, v30  }
0x228: {  	v33 =	vor.u32 v3, v28;
	v9 =	vor.u32 v4, v28;
	v32 =	vperm.xlane v7, v31  }
0x229: {  	v12 =	vperm.xlane v7, v33;
	v7 =	vperm.xlane v7, v9;
	v11 =	vshll.u32 v11, v1  }
0x22a: {  	v8 =	vperm.xlane v27, v29;
	v10 =	vshll.u32 v32, v1;
	v11 =	vshra.s32 v11, $0x1C  }
0x22b: {  	v7 =	vshll.u32 v7, v1;
	v10 =	vshra.s32 v10, $0x1C;
	v34 =	vcvt.s32.f32 v11  }
0x22c: {  	v35 =	vshll.u32 v12, v1;
	v7 =	vshra.s32 v7, $0x1C;
	v10 =	vcvt.s32.f32 v10  }
0x22d: {  	v11 =	vshra.s32 v35, $0x1C;
	v7 =	vcvt.s32.f32 v7;
	v9 =	vmul.f32 v34, v8  }
0x22e: {  	v11 =	vcvt.s32.f32 v11;
	v10 =	vmul.f32 v10, v8  }
0x22f: {  	v7 =	vmul.f32 v7, v8;
	[tilespmem:s9+$0xFFFFFFC0] =	vst v9  }
0x230: {  	v36 =	vmul.f32 v11, v8;
	[tilespmem:s9+$0xFFFFFFD0] =	vst v10  }
0x231: {  	[tilespmem:s9+$0xFFFFFFF0] =	vst v7  }
0x232: {  	[tilespmem:s9+$0xFFFFFFE0] =	vst v36  }
0x233: {  	v7 =	vld [tilespmem:s1+$0x3080];
	_ =	sdelay $0x2  }
0x234: {  	v38 =	vbroadcast v6, $0x8  }
0x235: {  	v37 =	vld [tilespmem:s1+$0x7080]  }
0x236: {  	v40 =	vor.u32 v0, v38;
	v7 =	vxor.u32 $0x88888888, v7  }
0x237: {  	v39 =	vbroadcast v5, $0x8;
	v41 =	vor.u32 v2, v38;
	v11 =	vperm.xlane v7, v40  }
0x238: {  	v43 =	vor.u32 v3, v38;
	v9 =	vor.u32 v4, v38;
	v42 =	vperm.xlane v7, v41  }
0x239: {  	v12 =	vperm.xlane v7, v43;
	v7 =	vperm.xlane v7, v9;
	v11 =	vshll.u32 v11, v1  }
0x23a: {  	v8 =	vperm.xlane v37, v39;
	v10 =	vshll.u32 v42, v1;
	v11 =	vshra.s32 v11, $0x1C  }
0x23b: {  	v7 =	vshll.u32 v7, v1;
	v10 =	vshra.s32 v10, $0x1C;
	v44 =	vcvt.s32.f32 v11  }
0x23c: {  	v45 =	vshll.u32 v12, v1;
	v7 =	vshra.s32 v7, $0x1C;
	v10 =	vcvt.s32.f32 v10  }
0x23d: {  	v11 =	vshra.s32 v45, $0x1C;
	v7 =	vcvt.s32.f32 v7;
	v9 =	vmul.f32 v44, v8  }
0x23e: {  	v11 =	vcvt.s32.f32 v11;
	v10 =	vmul.f32 v10, v8  }
0x23f: {  	v7 =	vmul.f32 v7, v8;
	[tilespmem:s9+$0x0] =	vst v9  }
0x240: {  	v46 =	vmul.f32 v11, v8;
	[tilespmem:s9+$0x10] =	vst v10  }
0x241: {  	[tilespmem:s9+$0x30] =	vst v7  }
0x242: {  	[tilespmem:s9+$0x20] =	vst v46  }
0x243: {  	v7 =	vld [tilespmem:s1+$0x3090];
	_ =	sdelay $0x2  }
0x244: {  	v48 =	vbroadcast v6, $0x9  }
0x245: {  	v47 =	vld [tilespmem:s1+$0x7090]  }
0x246: {  	v50 =	vor.u32 v0, v48;
	v7 =	vxor.u32 $0x88888888, v7  }
0x247: {  	v49 =	vbroadcast v5, $0x9;
	v51 =	vor.u32 v2, v48;
	v11 =	vperm.xlane v7, v50  }
0x248: {  	v53 =	vor.u32 v3, v48;
	v9 =	vor.u32 v4, v48;
	v52 =	vperm.xlane v7, v51  }
0x249: {  	v12 =	vperm.xlane v7, v53;
	v7 =	vperm.xlane v7, v9;
	v11 =	vshll.u32 v11, v1  }
0x24a: {  	v8 =	vperm.xlane v47, v49;
	v10 =	vshll.u32 v52, v1;
	v11 =	vshra.s32 v11, $0x1C  }
0x24b: {  	v7 =	vshll.u32 v7, v1;
	v10 =	vshra.s32 v10, $0x1C;
	v54 =	vcvt.s32.f32 v11  }
0x24c: {  	v55 =	vshll.u32 v12, v1;
	v7 =	vshra.s32 v7, $0x1C;
	v10 =	vcvt.s32.f32 v10  }
0x24d: {  	v11 =	vshra.s32 v55, $0x1C;
	v7 =	vcvt.s32.f32 v7;
	v9 =	vmul.f32 v54, v8  }
0x24e: {  	v11 =	vcvt.s32.f32 v11;
	v10 =	vmul.f32 v10, v8  }
0x24f: {  	v7 =	vmul.f32 v7, v8;
	[tilespmem:s9+$0x40] =	vst v9  }
0x250: {  	v56 =	vmul.f32 v11, v8;
	[tilespmem:s9+$0x50] =	vst v10  }
0x251: {  	[tilespmem:s9+$0x70] =	vst v7  }
0x252: {  	[tilespmem:s9+$0x60] =	vst v56  }
0x253: {  	v7 =	vld [tilespmem:s1+$0x30A0];
	_ =	sdelay $0x2  }
0x254: {  	v58 =	vbroadcast v6, $0xA  }
0x255: {  	v57 =	vld [tilespmem:s1+$0x70A0]  }
0x256: {  	v60 =	vor.u32 v0, v58;
	v7 =	vxor.u32 $0x88888888, v7  }
0x257: {  	v59 =	vbroadcast v5, $0xA;
	v61 =	vor.u32 v2, v58;
	v11 =	vperm.xlane v7, v60  }
0x258: {  	v63 =	vor.u32 v3, v58;
	v9 =	vor.u32 v4, v58;
	v62 =	vperm.xlane v7, v61  }
0x259: {  	v12 =	vperm.xlane v7, v63;
	v7 =	vperm.xlane v7, v9;
	v11 =	vshll.u32 v11, v1  }
0x25a: {  	v8 =	vperm.xlane v57, v59;
	v10 =	vshll.u32 v62, v1;
	v11 =	vshra.s32 v11, $0x1C  }
0x25b: {  	v7 =	vshll.u32 v7, v1;
	v10 =	vshra.s32 v10, $0x1C;
	v15 =	vcvt.s32.f32 v11  }
0x25c: {  	v16 =	vshll.u32 v12, v1;
	v7 =	vshra.s32 v7, $0x1C;
	v10 =	vcvt.s32.f32 v10  }
0x25d: {  	v11 =	vshra.s32 v16, $0x1C;
	v7 =	vcvt.s32.f32 v7;
	v9 =	vmul.f32 v15, v8  }
0x25e: {  	v11 =	vcvt.s32.f32 v11;
	v10 =	vmul.f32 v10, v8  }
0x25f: {  	v7 =	vmul.f32 v7, v8;
	[tilespmem:s9+$0x80] =	vst v9  }
0x260: {  	v17 =	vmul.f32 v11, v8;
	[tilespmem:s9+$0x90] =	vst v10  }
0x261: {  	[tilespmem:s9+$0xB0] =	vst v7  }
0x262: {  	[tilespmem:s9+$0xA0] =	vst v17  }
0x263: {  	v7 =	vld [tilespmem:s1+$0x30B0];
	_ =	sdelay $0x2  }
0x264: {  	v19 =	vbroadcast v6, $0xB  }
0x265: {  	v18 =	vld [tilespmem:s1+$0x70B0]  }
0x266: {  	v21 =	vor.u32 v0, v19;
	v7 =	vxor.u32 $0x88888888, v7  }
0x267: {  	v20 =	vbroadcast v5, $0xB;
	v22 =	vor.u32 v2, v19;
	v11 =	vperm.xlane v7, v21  }
0x268: {  	v24 =	vor.u32 v3, v19;
	v9 =	vor.u32 v4, v19;
	v23 =	vperm.xlane v7, v22  }
0x269: {  	v12 =	vperm.xlane v7, v24;
	v7 =	vperm.xlane v7, v9;
	v11 =	vshll.u32 v11, v1  }
0x26a: {  	v8 =	vperm.xlane v18, v20;
	v10 =	vshll.u32 v23, v1;
	v11 =	vshra.s32 v11, $0x1C  }
0x26b: {  	v7 =	vshll.u32 v7, v1;
	v10 =	vshra.s32 v10, $0x1C;
	v25 =	vcvt.s32.f32 v11  }
0x26c: {  	v26 =	vshll.u32 v12, v1;
	v7 =	vshra.s32 v7, $0x1C;
	v10 =	vcvt.s32.f32 v10  }
0x26d: {  	v11 =	vshra.s32 v26, $0x1C;
	v7 =	vcvt.s32.f32 v7;
	v9 =	vmul.f32 v25, v8  }
0x26e: {  	v11 =	vcvt.s32.f32 v11;
	v10 =	vmul.f32 v10, v8  }
0x26f: {  	v7 =	vmul.f32 v7, v8;
	[tilespmem:s9+$0xC0] =	vst v9  }
0x270: {  	v27 =	vmul.f32 v11, v8;
	[tilespmem:s9+$0xD0] =	vst v10  }
0x271: {  	[tilespmem:s9+$0xF0] =	vst v7  }
0x272: {  	[tilespmem:s9+$0xE0] =	vst v27  }
0x273: {  	v7 =	vld [tilespmem:s1+$0x30C0];
	_ =	sdelay $0x2  }
0x274: {  	v29 =	vbroadcast v6, $0xC  }
0x275: {  	v28 =	vld [tilespmem:s1+$0x70C0]  }
0x276: {  	v31 =	vor.u32 v0, v29;
	v7 =	vxor.u32 $0x88888888, v7  }
0x277: {  	v30 =	vbroadcast v5, $0xC;
	v32 =	vor.u32 v2, v29;
	v11 =	vperm.xlane v7, v31  }
0x278: {  	v34 =	vor.u32 v3, v29;
	v9 =	vor.u32 v4, v29;
	v33 =	vperm.xlane v7, v32  }
0x279: {  	v12 =	vperm.xlane v7, v34;
	v7 =	vperm.xlane v7, v9;
	v11 =	vshll.u32 v11, v1  }
0x27a: {  	v8 =	vperm.xlane v28, v30;
	v10 =	vshll.u32 v33, v1;
	v11 =	vshra.s32 v11, $0x1C  }
0x27b: {  	v7 =	vshll.u32 v7, v1;
	v10 =	vshra.s32 v10, $0x1C;
	v35 =	vcvt.s32.f32 v11  }
0x27c: {  	v36 =	vshll.u32 v12, v1;
	v7 =	vshra.s32 v7, $0x1C;
	v10 =	vcvt.s32.f32 v10  }
0x27d: {  	v11 =	vshra.s32 v36, $0x1C;
	v7 =	vcvt.s32.f32 v7;
	v9 =	vmul.f32 v35, v8  }
0x27e: {  	v11 =	vcvt.s32.f32 v11;
	v10 =	vmul.f32 v10, v8  }
0x27f: {  	v7 =	vmul.f32 v7, v8;
	[tilespmem:s9+$0x100] =	vst v9  }
0x280: {  	v37 =	vmul.f32 v11, v8;
	[tilespmem:s9+$0x110] =	vst v10  }
0x281: {  	[tilespmem:s9+$0x130] =	vst v7  }
0x282: {  	[tilespmem:s9+$0x120] =	vst v37  }
0x283: {  	v7 =	vld [tilespmem:s1+$0x30D0];
	_ =	sdelay $0x2  }
0x284: {  	v39 =	vbroadcast v6, $0xD  }
0x285: {  	v38 =	vld [tilespmem:s1+$0x70D0]  }
0x286: {  	v41 =	vor.u32 v0, v39;
	v7 =	vxor.u32 $0x88888888, v7  }
0x287: {  	v40 =	vbroadcast v5, $0xD;
	v42 =	vor.u32 v2, v39;
	v11 =	vperm.xlane v7, v41  }
0x288: {  	v44 =	vor.u32 v3, v39;
	v9 =	vor.u32 v4, v39;
	v43 =	vperm.xlane v7, v42  }
0x289: {  	v12 =	vperm.xlane v7, v44;
	v7 =	vperm.xlane v7, v9;
	v11 =	vshll.u32 v11, v1  }
0x28a: {  	v8 =	vperm.xlane v38, v40;
	v10 =	vshll.u32 v43, v1;
	v11 =	vshra.s32 v11, $0x1C  }
0x28b: {  	v7 =	vshll.u32 v7, v1;
	v10 =	vshra.s32 v10, $0x1C;
	v45 =	vcvt.s32.f32 v11  }
0x28c: {  	v46 =	vshll.u32 v12, v1;
	v7 =	vshra.s32 v7, $0x1C;
	v10 =	vcvt.s32.f32 v10  }
0x28d: {  	v11 =	vshra.s32 v46, $0x1C;
	v7 =	vcvt.s32.f32 v7;
	v9 =	vmul.f32 v45, v8  }
0x28e: {  	v11 =	vcvt.s32.f32 v11;
	v10 =	vmul.f32 v10, v8  }
0x28f: {  	v7 =	vmul.f32 v7, v8;
	[tilespmem:s9+$0x140] =	vst v9  }
0x290: {  	v47 =	vmul.f32 v11, v8;
	[tilespmem:s9+$0x150] =	vst v10  }
0x291: {  	[tilespmem:s9+$0x170] =	vst v7  }
0x292: {  	[tilespmem:s9+$0x160] =	vst v47  }
0x293: {  	v7 =	vld [tilespmem:s1+$0x30E0];
	_ =	sdelay $0x2  }
0x294: {  	v49 =	vbroadcast v6, $0xE;
	v48 =	vld [tilespmem:s1+$0x70E0];
	_ =	sdelay $0x1  }
0x295: {  	v51 =	vor.u32 v0, v49;
	v7 =	vxor.u32 $0x88888888, v7  }
0x296: {  	v50 =	vbroadcast v5, $0xE;
	v52 =	vor.u32 v2, v49;
	v11 =	vperm.xlane v7, v51  }
0x297: {  	v54 =	vor.u32 v3, v49;
	v9 =	vor.u32 v4, v49;
	v53 =	vperm.xlane v7, v52  }
0x298: {  	v8 =	vperm.xlane v48, v50;
	v12 =	vperm.xlane v7, v54;
	v11 =	vshll.u32 v11, v1  }
0x299: {  	v7 =	vperm.xlane v7, v9;
	v10 =	vshll.u32 v53, v1;
	v55 =	vshra.s32 v11, $0x1C  }
0x29a: {  	v56 =	vshll.u32 v12, v1;
	v10 =	vshra.s32 v10, $0x1C;
	v9 =	vcvt.s32.f32 v55  }
0x29b: {  	v7 =	vshll.u32 v7, v1;
	v11 =	vshra.s32 v56, $0x1C;
	v10 =	vcvt.s32.f32 v10  }
0x29c: {  	v7 =	vshra.s32 v7, $0x1C;
	v11 =	vcvt.s32.f32 v11;
	v9 =	vmul.f32 v9, v8  }
0x29d: {  	v7 =	vcvt.s32.f32 v7;
	v10 =	vmul.f32 v10, v8  }
0x29e: {  	v57 =	vmul.f32 v11, v8;
	[tilespmem:s9+$0x180] =	vst v9  }
0x29f: {  	v7 =	vmul.f32 v7, v8;
	[tilespmem:s9+$0x190] =	vst v10  }
0x2a0: {  	[tilespmem:s9+$0x1A0] =	vst v57  }
0x2a1: {  	[tilespmem:s9+$0x1B0] =	vst v7  }
0x2a2: {  	v7 =	vld [tilespmem:s1+$0x30F0];
	_ =	sdelay $0x2  }
0x2a3: {  	v6 =	vbroadcast v6, $0xF;
	v58 =	vld [tilespmem:s1+$0x70F0];
	_ =	sdelay $0x1  }
0x2a4: {  	v59 =	vor.u32 v0, v6;
	v7 =	vxor.u32 $0x88888888, v7  }
0x2a5: {  	v5 =	vbroadcast v5, $0xF;
	v60 =	vor.u32 v2, v6;
	v9 =	vperm.xlane v7, v59  }
0x2a6: {  	v62 =	vor.u32 v3, v6;
	v6 =	vor.u32 v4, v6;
	v61 =	vperm.xlane v7, v60  }
0x2a7: {  	v5 =	vperm.xlane v58, v5;
	v10 =	vperm.xlane v7, v62;
	v9 =	vshll.u32 v9, v1  }
0x2a8: {  	v6 =	vperm.xlane v7, v6;
	v8 =	vshll.u32 v61, v1;
	v9 =	vshra.s32 v9, $0x1C  }
0x2a9: {  	v63 =	vshll.u32 v10, v1;
	v8 =	vshra.s32 v8, $0x1C;
	v7 =	vcvt.s32.f32 v9  }
0x2aa: {  	v6 =	vshll.u32 v6, v1;
	v8 =	vcvt.s32.f32 v8;
	v9 =	vshra.s32 v63, $0x1C  }
0x2ab: {  	p0 =	sne.s32 s2, $0x7C00;
	v6 =	vshra.s32 v6, $0x1C;
	v9 =	vcvt.s32.f32 v9;
	v7 =	vmul.f32 v7, v5  }
.Ltmp4:
0x2ac: {  	v6 =	vcvt.s32.f32 v6;
	v8 =	vmul.f32 v8, v5;
	(pc) =	sbr.rel @p0 .LBB2_11-.Ltmp4, $4  }
0x2ad: {  	[tilespmem:s9+$0x1C0] =	vst v7;
	v7 =	vmul.f32 v9, v5  }
0x2ae: {  	[tilespmem:s9+$0x1D0] =	vst v8;
	v5 =	vmul.f32 v6, v5  }
0x2af: {  	[tilespmem:s9+$0x1E0] =	vst v7  }
0x2b0: {  	s8 =	sadd.s32 $0x10, s8;
	s2 =	sadd.s32 $0x400, s2;
	[tilespmem:s9+$0x1F0] =	vst v5;
	s9 =	sadd.s32 $0x400, s9  }
0x2b1: {  	s1 =	sshll.u32 s31, $0xD  }
0x2b2: {  	s2 =	simm.s32 $0x0;
	s1 =	sadd.s32 s10, s1  }
0x2b3: {  	[hbm4b:s1+s2] =	stream.linear.scatter [tilespmem:s25], [sflag:$0x4], $0x8000, $0x38;
	[tilespmem:$0x19000] =	vst v63  }
0x2b4: {  	s9 =	simm.s32 $0xE00;
	s12 =	simm.s32 $0x3000  }
0x2b5: {  	[tilespmem:s12], [sflag:$0x2] =	stream.indirect.gather [hbm4b:s6+s15], $0x10, s9, s15, $0xb8;
	[tilespmem:$0x19000] =	vst v63  }
0x2b6: {  	s8 =	simm.s32 $0xE80;
	s9 =	simm.s32 $0x3800  }
0x2b7: {  	[tilespmem:s9], [sflag:$0x2] =	stream.indirect.gather [hbm4b:s6+s15], $0x10, s8, s15, $0xb8;
	[tilespmem:$0x19000] =	vst v63  }
0x2b8: {  	s12 =	simm.s32 $0xF00  }
0x2b9: {  	[tilespmem:s3], [sflag:$0x2] =	stream.indirect.gather [hbm4b:s6+s15], $0x10, s12, s15, $0xb8;
	[tilespmem:$0x19000] =	vst v63  }
0x2ba: {  	_ = 	snop  }
0x2bb: {  	[tilespmem:s13], [sflag:$0x2] =	stream.indirect.gather [hbm4b:s6+s15], $0x10, s4, s15, $0xb8;
	[tilespmem:$0x19000] =	vst v63  }
0x2bc: {  	_ = 	snop  }
0x2bd: {  	[tilespmem:s17], [sflag:$0x2] =	stream.indirect.gather [hbm4b:s7+s15], $0x10, s16, s15, $0xb8;
	[tilespmem:$0x19000] =	vst v63  }
0x2be: {  	p0 =	sne.s32 s0, $0x19  }
0x2bf: {  	[tilespmem:s19], [sflag:$0x2] =	stream.indirect.gather [hbm4b:s7+s15], $0x10, s18, s15, $0xb8;
	[tilespmem:$0x19000] =	vst v63  }
.Ltmp5:
0x2c0: {  	_ = 	snop;
	(pc) =	sbr.rel @p0 .LBB2_4-.Ltmp5, $4  }
0x2c1: {  	_ = 	snop  }
0x2c2: {  	[tilespmem:s21], [sflag:$0x2] =	stream.indirect.gather [hbm4b:s7+s15], $0x10, s20, s15, $0xb8;
	[tilespmem:$0x19000] =	vst v63  }
0x2c3: {  	s31 =	smov.u32 s0  }
0x2c4: {  	[tilespmem:s23], [sflag:$0x2] =	stream.indirect.gather [hbm4b:s7+s15], $0x10, s22, s15, $0xb8;
	[tilespmem:$0x19000] =	vst v63  }
0x2c5: {  	_ =	swait.ge [sflag:s26], $0x800  }
0x2c6: {  	[sflag:s26] =	ssyncset.done $0x0  }
0x2c7: {  	[sflag:s26] =	ssyncadd.s32 $0xFFFFF800  }
0x2c8: {  	_ =	swait.ge [sflag:s26], $0x800  }
0x2c9: {  	[sflag:s26] =	ssyncset.done $0x0  }
0x2ca: {  	[sflag:s26] =	ssyncadd.s32 $0xFFFFF800  }
0x2cb: {  	_ =	swait.ge [sflag:s26], $0x800  }
0x2cc: {  	[sflag:s26] =	ssyncset.done $0x0  }
0x2cd: {  	[sflag:s26] =	ssyncadd.s32 $0xFFFFF800  }
0x2ce: {  	_ =	swait.ge [sflag:s26], $0x800  }
0x2cf: {  	[sflag:s26] =	ssyncset.done $0x0  }
0x2d0: {  	[sflag:s26] =	ssyncadd.s32 $0xFFFFF800  }
0x2d1: {  	_ =	swait.ge [sflag:s26], $0x800  }
0x2d2: {  	[sflag:s26] =	ssyncset.done $0x0  }
0x2d3: {  	[sflag:s26] =	ssyncadd.s32 $0xFFFFF800  }
0x2d4: {  	_ =	swait.ge [sflag:s26], $0x800  }
0x2d5: {  	[sflag:s26] =	ssyncset.done $0x0  }
0x2d6: {  	[sflag:s26] =	ssyncadd.s32 $0xFFFFF800  }
0x2d7: {  	_ =	swait.ge [sflag:s26], $0x800  }
0x2d8: {  	[sflag:s26] =	ssyncset.done $0x0  }
0x2d9: {  	[sflag:s26] =	ssyncadd.s32 $0xFFFFF800  }
0x2da: {  	_ =	swait.ge [sflag:s26], $0x800  }
0x2db: {  	[sflag:s26] =	ssyncset.done $0x0  }
0x2dc: {  	[sflag:s26] =	ssyncadd.s32 $0xFFFFF800  }
0x2dd: {  	_ =	swait.ge [sflag:s28], $0x800  }
0x2de: {  	[sflag:s28] =	ssyncset.done $0x0  }
0x2df: {  	[sflag:s28] =	ssyncadd.s32 $0xFFFFF800  }
0x2e0: {  	_ =	swait.ge [sflag:s28], $0x800  }
0x2e1: {  	[sflag:s28] =	ssyncset.done $0x0  }
0x2e2: {  	[sflag:s28] =	ssyncadd.s32 $0xFFFFF800  }
0x2e3: {  	_ =	swait.ge [sflag:s28], $0x800  }
0x2e4: {  	[sflag:s28] =	ssyncset.done $0x0  }
0x2e5: {  	[sflag:s28] =	ssyncadd.s32 $0xFFFFF800  }
0x2e6: {  	_ =	swait.ge [sflag:s28], $0x800  }
0x2e7: {  	[sflag:s28] =	ssyncset.done $0x0  }
0x2e8: {  	[sflag:s28] =	ssyncadd.s32 $0xFFFFF800  }
0x2e9: {  	_ =	swait.ge [sflag:s28], $0x800  }
0x2ea: {  	[sflag:s28] =	ssyncset.done $0x0  }
0x2eb: {  	[sflag:s28] =	ssyncadd.s32 $0xFFFFF800  }
0x2ec: {  	_ =	swait.ge [sflag:s28], $0x800  }
0x2ed: {  	[sflag:s28] =	ssyncset.done $0x0  }
0x2ee: {  	[sflag:s28] =	ssyncadd.s32 $0xFFFFF800  }
0x2ef: {  	_ =	swait.ge [sflag:s28], $0x800  }
0x2f0: {  	[sflag:s28] =	ssyncset.done $0x0  }
0x2f1: {  	[sflag:s28] =	ssyncadd.s32 $0xFFFFF800  }
0x2f2: {  	_ =	swait.ge [sflag:s28], $0x800  }
0x2f3: {  	[sflag:s28] =	ssyncset.done $0x0  }
0x2f4: {  	[sflag:s28] =	ssyncadd.s32 $0xFFFFF800  }
0x2f5: {  	_ =	swait.ge [sflag:s29], $0x8000  }
0x2f6: {  	[sflag:s29] =	ssyncset.done $0x0  }
0x2f7: {  	[sflag:s29] =	ssyncadd.s32 $0xFFFF8000  }
0x2f8: {  	_ =	swait.ge [sflag:s30], $0x8000  }
0x2f9: {  	s1 =	rddreg [dreg:$0x7]  }
0x2fa: {  	s0 =	rddreg [dreg:$0x6];
	s1 =	sadd.s32 $0x1, s1  }
0x2fb: {  	p0 =	sne.s32 s1, s0  }
.Ltmp6:
0x2fc: {  	_ = 	snop;
	(pc) =	sbr.rel @p0 .LBB2_1-.Ltmp6, $3  }
0x2fd: {  	_ =	sdelay $0x1  }
0x2fe: {  	[sflag:s30] =	ssyncset.done $0x0  }
0x2ff: {  	[sflag:s30] =	ssyncadd.s32 $0xFFFF8000  }
0x300: {  	_ =	sfence.sel $0x180000  }
0x301: {  	[bflag:$0x0] =	sbarrier.arrive $0xFFFF  }
0x302: {  	_ =	strace $0x90000047  }
0x303: {  	s0 =	stileid.u32;
	[bflag:$0x2] =	sbarrier.arrive $0xFFFF  }
0x304: {  	p0 =	sne.s32 s0, $0x0;
	s0 =	rddreg [dreg:$0x3]  }
0x305: {  	s0 =	sadd.s32 @!p0 $0x100000, s0  }
0x306: {  	[sflag:s0] =	ssyncadd.tile.s32 @!p0 $0x1;
	_ =	shalt  }
.Lfunc_end2:
_tile_overlayer_lowered:
.L_overlay_start_2:
0x307: {  	(tag) =	ssettag $0x2  }
0x308: {  	s0 =	rddreg [dreg:$0x0];
	s2 =	stileid.u32  }
0x309: {  	s1 =	rddreg [dreg:$0x1];
	p0 =	sne.s32 s2, $0x0  }
0x30a: {  	s3 =	rddreg [dreg:$0x2];
	[bflag:$0x3] =	sbarrier.arrive $0xFFFF;
	s2 =	simm.s32 @!p0 $0x1C05  }
0x30b: {  	[timem:s3], [sflag:s2] =	dma.local @!p0 [hbm:s0], s1  }
0x30c: {  	s0 =	simm.s32 @!p0 $0x5  }
0x30d: {  	_ =	swait.ge @!p0 [sflag:s0], s1  }
0x30e: {  	s1 =	ssub.s32 @!p0 $0x0, s1;
	[sflag:s0] =	ssyncset.done @!p0 $0x0  }
0x30f: {  	[sflag:s0] =	ssyncadd.s32 @!p0 s1  }
0x310: {  	[bflag:$0x3] =	sbarrier.arrive $0xFFFF  }
0x311: {  	_ =	shalt  }

</sc_bundles>
